<compile_context>
chip_gen: v7x
topology: tpu7x:2x2x1
jax: 0.10.2.dev20260603
libtpu: 0.0.44.dev20260713+nightly
codegen_flags: <defaults>
</compile_context>

<pallas_src>
import functools
import jax
import jax.numpy as jnp
from jax import lax
from jax.experimental import pallas as pl
from jax.experimental.pallas import tpu as pltpu
from jax.experimental.pallas import tpu_sc as plsc

N_ENTITIES = 1000000
N_DIMS = 64
BATCH = 16384
_TCOL = 128
_NTC = 7813

_info = plsc.get_sparse_core_info()
_NC, _NS, _L = _info.num_cores, _info.num_subcores, _info.num_lanes
_NW = _NC * _NS
_BASE_COLS = _NTC // _NW
_EXTRA = _NTC - _BASE_COLS * _NW
_CH_COLS = 6
_CH_ENT = _CH_COLS * _TCOL
_NCHUNK = (_BASE_COLS + 1 + _CH_COLS - 1) // _CH_COLS
_NSEG = 4
_SEG = 192
_WCAP = _NSEG * _SEG
_SGRP = _SEG // _L
_SLOTS = 48
_RING = 4
_RBYTES = _SLOTS * N_DIMS
_SENT = 0x7FFFFFF0
_FLAT = BATCH * N_DIMS + _NW * _SLOTS * N_DIMS

_mesh = plsc.VectorSubcoreMesh(core_axis_name="c", subcore_axis_name="s")


@functools.partial(
    pl.kernel,
    mesh=_mesh,
    compiler_params=pltpu.CompilerParams(needs_layout_passes=False),
    out_type=jax.ShapeDtypeStruct((_FLAT,), jnp.float32),
    scratch_types=[
        pltpu.VMEM((BATCH,), jnp.int32),
        pltpu.VMEM((_WCAP,), jnp.int32),
        pltpu.VMEM((_WCAP,), jnp.int32),
        pltpu.VMEM((_SLOTS,), jnp.int32),
        pltpu.VMEM((_SLOTS,), jnp.int32),
        pltpu.VMEM((2, N_DIMS, _CH_ENT), jnp.float32),
        pltpu.VMEM((_RING * _RBYTES,), jnp.float32),
        pltpu.SemaphoreType.DMA,
        pltpu.SemaphoreType.DMA,
    ],
)
def _gather_kernel(idx_hbm, tt_hbm, out_hbm, idx_v, wl_e, wl_p, sl_e, sl_p,
                   chunk, ring, sem, osem):
    wid = lax.axis_index("c") * _NS + lax.axis_index("s")
    start = wid * _BASE_COLS + jnp.minimum(wid, _EXTRA)
    ncol = _BASE_COLS + (wid < _EXTRA).astype(jnp.int32)
    wlo = start * _TCOL
    whi = (start + ncol) * _TCOL
    scrap = BATCH + wid * _SLOTS

    def fire(h):
        colf = pl.multiple_of(
            (jnp.minimum(start + h * _CH_COLS, start + ncol - _CH_COLS))
            * _TCOL, _TCOL)
        pltpu.async_copy(
            tt_hbm.at[:, pl.ds(colf, _CH_ENT)],
            chunk.at[lax.rem(h, 2)],
            sem,
        )

    fire(0)
    fire(1)
    pltpu.sync_copy(idx_hbm, idx_v)
    lanes = lax.iota(jnp.int32, _L)

    _QG = BATCH // _L // _NSEG

    def scan_group(g, carry):
        new = []
        for q in range(_NSEG):
            cnt = carry[q]
            gg = g + q * _QG
            v = idx_v[pl.ds(gg * _L, _L)]
            m = (v >= wlo) & (v < whi)
            cum = plsc.cumsum(m.astype(jnp.int32))
            dest = jnp.minimum(cnt + cum - 1, _SEG - 1) + q * _SEG
            plsc.store_scatter(wl_e, [dest], v, mask=m)
            plsc.store_scatter(wl_p, [dest], gg * _L + lanes, mask=m)
            new.append(cnt + cum[_L - 1])
        return tuple(new)

    zero = jnp.int32(0)
    segn = pl.loop(0, _QG, init_carry=(zero,) * _NSEG)(scan_group)

    def chunk_body(h):
        par = lax.rem(h, 2)
        rpar = lax.rem(h, _RING)
        a_lo = (start + h * _CH_COLS) * _TCOL
        a_hi = jnp.minimum(a_lo + _CH_ENT, whi)
        colf = jnp.minimum(start + h * _CH_COLS, start + ncol - _CH_COLS) \
            * _TCOL

        for half in range(_SLOTS // _L):
            sl_e[pl.ds(half * _L, _L)] = jnp.full((_L,), _SENT, jnp.int32)

        def mk_bucket(q):
            def bucket_group(g, scnt):
                base = q * _SEG + g * _L
                e = wl_e[pl.ds(base, _L)]
                p = wl_p[pl.ds(base, _L)]
                m = ((g * _L + lanes) < segn[q]) & (e >= a_lo) & (e < a_hi)
                cum = plsc.cumsum(m.astype(jnp.int32))
                dest = jnp.minimum(scnt + cum - 1, _SLOTS - 1)
                plsc.store_scatter(sl_e, [dest], e, mask=m)
                plsc.store_scatter(sl_p, [dest], p, mask=m)
                return scnt + cum[_L - 1]
            return bucket_group

        scnt = zero
        for q in range(_NSEG):
            ub = lax.shift_right_logical(segn[q] + (_L - 1), 4)
            scnt = pl.loop(0, ub, init_carry=scnt)(mk_bucket(q))

        pltpu.make_async_copy(
            tt_hbm.at[:, pl.ds(0, _CH_ENT)], chunk.at[par], sem
        ).wait()

        @pl.when(h >= _RING)
        def _():
            pltpu.make_async_copy(
                out_hbm.at[pl.ds(0, _RBYTES)],
                ring.at[pl.ds(rpar * _RBYTES, _RBYTES)],
                osem,
            ).wait()

        rbase = rpar * _RBYTES
        for half in range(_SLOTS // _L):
            ve = sl_e[pl.ds(half * _L, _L)]
            vp = sl_p[pl.ds(half * _L, _L)]
            cc = jnp.clip(ve - colf, 0, _CH_ENT - 1)
            sbase = (half * _L + lanes) * N_DIMS
            vps = jnp.where(vp >= BATCH // 2, 2 * vp - (BATCH - 1), 2 * vp)
            offv = jnp.where(ve < a_hi, vps, scrap + half * _L + lanes)

            def live_half(cc=cc, sbase=sbase, offv=offv, half=half):
                for d in range(N_DIMS):
                    vals = plsc.load_gather(
                        chunk.at[par], [jnp.full((_L,), d, jnp.int32), cc])
                    plsc.store_scatter(ring, [rbase + sbase + d], vals)
                for s in range(_L):
                    slot = half * _L + s
                    pltpu.async_copy(
                        ring.at[pl.ds(rbase + slot * N_DIMS, N_DIMS)],
                        out_hbm.at[pl.ds(offv[s] * N_DIMS, N_DIMS)],
                        osem,
                    )

            def scrap_half(half=half):
                pltpu.async_copy(
                    ring.at[pl.ds(rbase + half * _L * N_DIMS, _L * N_DIMS)],
                    out_hbm.at[pl.ds((scrap + half * _L) * N_DIMS,
                                     _L * N_DIMS)],
                    osem,
                )

            if half == 0:
                live_half()
            else:
                pl.when(scnt > half * _L)(live_half)
                pl.when(scnt <= half * _L)(scrap_half)

        @pl.when(h + 2 < _NCHUNK)
        def _():
            fire(h + 2)

    pl.loop(0, _NCHUNK)(chunk_body)
    for _ in range(_RING):
        pltpu.make_async_copy(
            out_hbm.at[pl.ds(0, _RBYTES)],
            ring.at[pl.ds(0, _RBYTES)],
            osem,
        ).wait()


def _tc_transpose_body(x_ref, o_ref):
    half_rows = BATCH // 2
    o_ref[:, 0:half_rows] = x_ref[0:half_rows, 0:N_DIMS].T
    o_ref[:, half_rows:BATCH] = x_ref[0:half_rows, N_DIMS:2 * N_DIMS].T


_tc_transpose = pl.pallas_call(
    _tc_transpose_body,
    out_shape=jax.ShapeDtypeStruct((N_DIMS, BATCH), jnp.float32),
)


def kernel(inputs, entity_table, relation_table):
    del relation_table
    flat = _gather_kernel(inputs.astype(jnp.int32), entity_table.T)
    return _tc_transpose(flat.reshape(_FLAT // 128, 128)).T

# --- scband reference (transcript-rebuilt; emitter-appended) ---
"""Pipeline reference for scband-shared-embedding-13915694039642 (READ-ONLY COPY).

The authoritative reference and input builder live on the scoring server;
editing this copy changes nothing except your own understanding.
"""

import jax, jax.numpy as jnp
import numpy as np

N_ENTITIES = 1000000
N_RELATIONS = 1000
N_DIMS = 64
BATCH = 16384

def setup_inputs(seed: int = 0) -> dict:
    key = jax.random.key(seed)
    k_idx, k_ent, k_rel = jax.random.split(key, 3)
    inputs = jax.random.randint(k_idx, (BATCH,), 0, N_ENTITIES, dtype=jnp.int64 if jax.config.jax_enable_x64 else jnp.int32)
    entity_table = jax.random.normal(k_ent, (N_ENTITIES, N_DIMS), dtype=jnp.float32) * 0.02
    relation_table = jax.random.normal(k_rel, (N_RELATIONS, N_DIMS), dtype=jnp.float32) * 0.02
    return {"inputs": inputs, "entity_table": entity_table, "relation_table": relation_table}

def reference(inputs, entity_table, relation_table):
    # SharedEmbedding.call(inputs, target='entity'):
    # keras.layers.Embedding lookup == row gather from the entity table.
    # (relation_table is a learned parameter of the module but unused on the
    #  target='entity' path; kept for parameter-faithfulness.)
    return jnp.take(entity_table, inputs, axis=0)

if __name__ == "__main__":
    import jax
    _d = setup_inputs()
    print(jax.jit(kernel)(*tuple(_d.values())))

</pallas_src>

<mosaic_0001>
#map = affine_map<(d0, d1) -> (0)>
#map1 = affine_map<(d0, d1) -> (0, 0)>
module attributes {stable_mosaic.version = 14 : i64} {
  func.func @_gather_kernel(%arg0: i32, %arg1: i32, %arg2: memref<16384xi32, #tpu.memory_space<hbm>>, %arg3: memref<64x1000000xf32, #tpu.memory_space<hbm>>, %arg4: memref<1146880xf32, #tpu.memory_space<hbm>>, %arg5: memref<16384xi32, #tpu.memory_space<vmem>>, %arg6: memref<768xi32, #tpu.memory_space<vmem>>, %arg7: memref<768xi32, #tpu.memory_space<vmem>>, %arg8: memref<48xi32, #tpu.memory_space<vmem>>, %arg9: memref<48xi32, #tpu.memory_space<vmem>>, %arg10: memref<2x64x768xf32, #tpu.memory_space<vmem>>, %arg11: memref<12288xf32, #tpu.memory_space<vmem>>, %arg12: memref<!tpu.dma_semaphore, #tpu.memory_space<semaphore_mem>>, %arg13: memref<!tpu.dma_semaphore, #tpu.memory_space<semaphore_mem>>) attributes {dimension_semantics = [#tpu.dimension_semantics<core_parallel>, #tpu.dimension_semantics<subcore_parallel>], iteration_bounds = array<i64: 2, 16>, scalar_prefetch = 0 : i64, scratch_operands = 9 : i64, tpu.core_type = #tpu.core_type<sc_vector_subcore>, window_params = [{transform_indices = #map}, {transform_indices = #map1}, {transform_indices = #map}]} {
    %mul3A = arith.constant 16 : i32
    %mul3A_0 = arith.muli %arg0, %mul3A : i32
    %add3A = arith.addi %mul3A_0, %arg1 : i32
    %mul3A_1 = arith.constant 244 : i32
    %mul3A_2 = arith.muli %add3A, %mul3A_1 : i32
    %min3A = arith.constant 5 : i32
    %min3A_3 = arith.minsi %add3A, %min3A : i32
    %add3A_4 = arith.addi %mul3A_2, %min3A_3 : i32
    %lt3A = arith.constant 5 : i32
    %lt3A_5 = arith.cmpi slt, %add3A, %lt3A : i32
    %convert_element_type3A = arith.extui %lt3A_5 : i1 to i32
    %add3A_6 = arith.constant 244 : i32
    %add3A_7 = arith.addi %add3A_6, %convert_element_type3A : i32
    %mul3A_8 = arith.constant 128 : i32
    %mul3A_9 = arith.muli %add3A_4, %mul3A_8 : i32
    %add3A_10 = arith.addi %add3A_4, %add3A_7 : i32
    %mul3A_11 = arith.constant 128 : i32
    %mul3A_12 = arith.muli %add3A_10, %mul3A_11 : i32
    %mul3A_13 = arith.constant 48 : i32
    %mul3A_14 = arith.muli %add3A, %mul3A_13 : i32
    %add3A_15 = arith.constant 16384 : i32
    %add3A_16 = arith.addi %add3A_15, %mul3A_14 : i32
    %add3A_17 = arith.constant 0 : i32
    %add3A_18 = arith.addi %add3A_4, %add3A_17 : i32
    %add3A_19 = arith.addi %add3A_4, %add3A_7 : i32
    %sub3A = arith.constant 6 : i32
    %sub3A_20 = arith.subi %add3A_19, %sub3A : i32
    %min3A_21 = arith.minsi %add3A_18, %sub3A_20 : i32
    %mul3A_22 = arith.constant 128 : i32
    %mul3A_23 = arith.muli %min3A_21, %mul3A_22 : i32
    %multiple_of3A = tpu.assume_multiple %mul3A_23, 128 : i32
    %rem3A = arith.constant 0 : i32
    %rem3A_24 = arith.constant 2 : i32
    %rem3A_25 = arith.remsi %rem3A, %rem3A_24 : i32
    %dma_start3A = arith.constant 0 : i32
    %dma_start3A_26 = arith.constant 0 : i32
    %dma_start3A_27 = tpu.memref_slice %arg10[%rem3A_25, %dma_start3A, %dma_start3A_26] : memref<2x64x768xf32, #tpu.memory_space<vmem>> -> memref<1x64x768xf32, #tpu.memory_space<vmem>>
    %dma_start3A_28 = tpu.memref_squeeze %dma_start3A_27 : memref<1x64x768xf32, #tpu.memory_space<vmem>> -> memref<64x768xf32, #tpu.memory_space<vmem>>
    %dma_start3A_29 = arith.constant 0 : i32
    %dma_start3A_30 = tpu.memref_slice %arg3[%dma_start3A_29, %multiple_of3A] : memref<64x1000000xf32, #tpu.memory_space<hbm>> -> memref<64x768xf32, #tpu.memory_space<hbm>>
    %dma_start3A_31 = arith.constant 0 : i32
    %dma_start3A_32 = arith.constant 0 : i32
    %dma_start3A_33 = tpu.memref_slice %arg10[%rem3A_25, %dma_start3A_31, %dma_start3A_32] : memref<2x64x768xf32, #tpu.memory_space<vmem>> -> memref<1x64x768xf32, #tpu.memory_space<vmem>>
    %dma_start3A_34 = tpu.memref_squeeze %dma_start3A_33 : memref<1x64x768xf32, #tpu.memory_space<vmem>> -> memref<64x768xf32, #tpu.memory_space<vmem>>
    %dma_start3A_35 = arith.constant 0 : i32
    %dma_start3A_36 = tpu.memref_slice %arg3[%dma_start3A_35, %multiple_of3A] : memref<64x1000000xf32, #tpu.memory_space<hbm>> -> memref<64x768xf32, #tpu.memory_space<hbm>>
    tpu.enqueue_dma source(%dma_start3A_36 : memref<64x768xf32, #tpu.memory_space<hbm>>) target(%dma_start3A_34 : memref<64x768xf32, #tpu.memory_space<vmem>>) target_semaphore(%arg12 : memref<!tpu.dma_semaphore, #tpu.memory_space<semaphore_mem>>)
    %add3A_37 = arith.constant 6 : i32
    %add3A_38 = arith.addi %add3A_4, %add3A_37 : i32
    %add3A_39 = arith.addi %add3A_4, %add3A_7 : i32
    %sub3A_40 = arith.constant 6 : i32
    %sub3A_41 = arith.subi %add3A_39, %sub3A_40 : i32
    %min3A_42 = arith.minsi %add3A_38, %sub3A_41 : i32
    %mul3A_43 = arith.constant 128 : i32
    %mul3A_44 = arith.muli %min3A_42, %mul3A_43 : i32
    %multiple_of3A_45 = tpu.assume_multiple %mul3A_44, 128 : i32
    %rem3A_46 = arith.constant 1 : i32
    %rem3A_47 = arith.constant 2 : i32
    %rem3A_48 = arith.remsi %rem3A_46, %rem3A_47 : i32
    %dma_start3A_49 = arith.constant 0 : i32
    %dma_start3A_50 = arith.constant 0 : i32
    %dma_start3A_51 = tpu.memref_slice %arg10[%rem3A_48, %dma_start3A_49, %dma_start3A_50] : memref<2x64x768xf32, #tpu.memory_space<vmem>> -> memref<1x64x768xf32, #tpu.memory_space<vmem>>
    %dma_start3A_52 = tpu.memref_squeeze %dma_start3A_51 : memref<1x64x768xf32, #tpu.memory_space<vmem>> -> memref<64x768xf32, #tpu.memory_space<vmem>>
    %dma_start3A_53 = arith.constant 0 : i32
    %dma_start3A_54 = tpu.memref_slice %arg3[%dma_start3A_53, %multiple_of3A_45] : memref<64x1000000xf32, #tpu.memory_space<hbm>> -> memref<64x768xf32, #tpu.memory_space<hbm>>
    %dma_start3A_55 = arith.constant 0 : i32
    %dma_start3A_56 = arith.constant 0 : i32
    %dma_start3A_57 = tpu.memref_slice %arg10[%rem3A_48, %dma_start3A_55, %dma_start3A_56] : memref<2x64x768xf32, #tpu.memory_space<vmem>> -> memref<1x64x768xf32, #tpu.memory_space<vmem>>
    %dma_start3A_58 = tpu.memref_squeeze %dma_start3A_57 : memref<1x64x768xf32, #tpu.memory_space<vmem>> -> memref<64x768xf32, #tpu.memory_space<vmem>>
    %dma_start3A_59 = arith.constant 0 : i32
    %dma_start3A_60 = tpu.memref_slice %arg3[%dma_start3A_59, %multiple_of3A_45] : memref<64x1000000xf32, #tpu.memory_space<hbm>> -> memref<64x768xf32, #tpu.memory_space<hbm>>
    tpu.enqueue_dma source(%dma_start3A_60 : memref<64x768xf32, #tpu.memory_space<hbm>>) target(%dma_start3A_58 : memref<64x768xf32, #tpu.memory_space<vmem>>) target_semaphore(%arg12 : memref<!tpu.dma_semaphore, #tpu.memory_space<semaphore_mem>>)
    "tpu.region"() ({
      %run_scoped3A = tpu.sem_alloc : memref<!tpu.dma_semaphore, #tpu.memory_space<semaphore_mem>>
      tpu.enqueue_dma source(%arg2 : memref<16384xi32, #tpu.memory_space<hbm>>) target(%arg5 : memref<16384xi32, #tpu.memory_space<vmem>>) target_semaphore(%run_scoped3A : memref<!tpu.dma_semaphore, #tpu.memory_space<semaphore_mem>>)
      tpu.wait_dma2 semaphore(%run_scoped3A : memref<!tpu.dma_semaphore, #tpu.memory_space<semaphore_mem>>) src(%arg2 : memref<16384xi32, #tpu.memory_space<hbm>>) dst(%arg5 : memref<16384xi32, #tpu.memory_space<vmem>>)
      tpu.yield
    }) : () -> ()
    %iota3A = tpu.iota {dimensions = array<i32: 0>} : vector<16xi32>
    %scan3A = arith.constant 0 : i32
    %scan3A_61 = arith.constant 0 : i32
    %scan3A_62 = arith.constant 0 : i32
    %scan3A_63 = arith.constant 0 : i32
    %scan3A_64 = arith.constant 0 : i32
    %scan3A_65 = arith.constant 256 : i32
    %scan3A_66 = arith.addi %scan3A_64, %scan3A_65 : i32
    %scan3A_67 = arith.constant 1 : i32
    %scan3A_68:4 = scf.for %scan3A_107 = %scan3A_64 to %scan3A_66 step %scan3A_67 iter_args(%scan3A_108 = %scan3A, %scan3A_109 = %scan3A_61, %scan3A_110 = %scan3A_62, %scan3A_111 = %scan3A_63) -> (i32, i32, i32, i32)  : i32 {
      %mul3A_112 = arith.constant 1 : i32
      %mul3A_113 = arith.muli %scan3A_107, %mul3A_112 : i32
      %add3A_114 = arith.constant 0 : i32
      %add3A_115 = arith.addi %add3A_114, %mul3A_113 : i32
      %add3A_116 = arith.constant 0 : i32
      %add3A_117 = arith.addi %add3A_115, %add3A_116 : i32
      %mul3A_118 = arith.constant 16 : i32
      %mul3A_119 = arith.muli %add3A_117, %mul3A_118 : i32
      %get3A = arith.index_cast %mul3A_119 : i32 to index
      %get3A_120 = tpu.vector_load %arg5[%get3A] {strides = array<i32>} : memref<16384xi32, #tpu.memory_space<vmem>>, vector<16xi32>,
      %ge3A = vector.broadcast %mul3A_9 : i32 to vector<16xi32>
      %ge3A_121 = arith.cmpi sge, %get3A_120, %ge3A : vector<16xi32>
      %lt3A_122 = vector.broadcast %mul3A_12 : i32 to vector<16xi32>
      %lt3A_123 = arith.cmpi slt, %get3A_120, %lt3A_122 : vector<16xi32>
      %and3A = arith.andi %ge3A_121, %lt3A_123 : vector<16xi1>
      %convert_element_type3A_124 = arith.extui %and3A : vector<16xi1> to vector<16xi32>
      %broadcast_in_dim3A = arith.constant true
      %broadcast_in_dim3A_125 = vector.broadcast %broadcast_in_dim3A : i1 to vector<16xi1>
      %masked_cumsum3A = tpu.scan <sum>, %convert_element_type3A_124 masked %broadcast_in_dim3A_125 : vector<16xi32>, vector<16xi1> -> vector<16xi32>
      %add3A_126 = vector.broadcast %scan3A_108 : i32 to vector<16xi32>
      %add3A_127 = arith.addi %add3A_126, %masked_cumsum3A : vector<16xi32>
      %sub3A_128 = arith.constant 1 : i32
      %sub3A_129 = vector.broadcast %sub3A_128 : i32 to vector<16xi32>
      %sub3A_130 = arith.subi %add3A_127, %sub3A_129 : vector<16xi32>
      %min3A_131 = arith.constant 191 : i32
      %min3A_132 = vector.broadcast %min3A_131 : i32 to vector<16xi32>
      %min3A_133 = arith.minsi %sub3A_130, %min3A_132 : vector<16xi32>
      %add3A_134 = arith.constant 0 : i32
      %add3A_135 = vector.broadcast %add3A_134 : i32 to vector<16xi32>
      %add3A_136 = arith.addi %min3A_133, %add3A_135 : vector<16xi32>
      tpu.vector_store_idx %arg6[%add3A_136], %get3A_120 masked %and3A : memref<768xi32, #tpu.memory_space<vmem>>[vector<16xi32>], vector<16xi32>, vector<16xi1>
      %mul3A_137 = arith.constant 16 : i32
      %mul3A_138 = arith.muli %add3A_117, %mul3A_137 : i32
      %add3A_139 = vector.broadcast %mul3A_138 : i32 to vector<16xi32>
      %add3A_140 = arith.addi %add3A_139, %iota3A : vector<16xi32>
      tpu.vector_store_idx %arg7[%add3A_136], %add3A_140 masked %and3A : memref<768xi32, #tpu.memory_space<vmem>>[vector<16xi32>], vector<16xi32>, vector<16xi1>
      %slice3A = vector.extract_strided_slice %masked_cumsum3A {offsets = [15], sizes = [1], strides = [1]} : vector<16xi32> to vector<1xi32>
      %squeeze3A = vector.extract %slice3A[0] : i32 from vector<1xi32>
      %add3A_141 = arith.addi %scan3A_108, %squeeze3A : i32
      %add3A_142 = arith.constant 256 : i32
      %add3A_143 = arith.addi %add3A_115, %add3A_142 : i32
      %mul3A_144 = arith.constant 16 : i32
      %mul3A_145 = arith.muli %add3A_143, %mul3A_144 : i32
      %get3A_146 = arith.index_cast %mul3A_145 : i32 to index
      %get3A_147 = tpu.vector_load %arg5[%get3A_146] {strides = array<i32>} : memref<16384xi32, #tpu.memory_space<vmem>>, vector<16xi32>,
      %ge3A_148 = vector.broadcast %mul3A_9 : i32 to vector<16xi32>
      %ge3A_149 = arith.cmpi sge, %get3A_147, %ge3A_148 : vector<16xi32>
      %lt3A_150 = vector.broadcast %mul3A_12 : i32 to vector<16xi32>
      %lt3A_151 = arith.cmpi slt, %get3A_147, %lt3A_150 : vector<16xi32>
      %and3A_152 = arith.andi %ge3A_149, %lt3A_151 : vector<16xi1>
      %convert_element_type3A_153 = arith.extui %and3A_152 : vector<16xi1> to vector<16xi32>
      %broadcast_in_dim3A_154 = arith.constant true
      %broadcast_in_dim3A_155 = vector.broadcast %broadcast_in_dim3A_154 : i1 to vector<16xi1>
      %masked_cumsum3A_156 = tpu.scan <sum>, %convert_element_type3A_153 masked %broadcast_in_dim3A_155 : vector<16xi32>, vector<16xi1> -> vector<16xi32>
      %add3A_157 = vector.broadcast %scan3A_109 : i32 to vector<16xi32>
      %add3A_158 = arith.addi %add3A_157, %masked_cumsum3A_156 : vector<16xi32>
      %sub3A_159 = arith.constant 1 : i32
      %sub3A_160 = vector.broadcast %sub3A_159 : i32 to vector<16xi32>
      %sub3A_161 = arith.subi %add3A_158, %sub3A_160 : vector<16xi32>
      %min3A_162 = arith.constant 191 : i32
      %min3A_163 = vector.broadcast %min3A_162 : i32 to vector<16xi32>
      %min3A_164 = arith.minsi %sub3A_161, %min3A_163 : vector<16xi32>
      %add3A_165 = arith.constant 192 : i32
      %add3A_166 = vector.broadcast %add3A_165 : i32 to vector<16xi32>
      %add3A_167 = arith.addi %min3A_164, %add3A_166 : vector<16xi32>
      tpu.vector_store_idx %arg6[%add3A_167], %get3A_147 masked %and3A_152 : memref<768xi32, #tpu.memory_space<vmem>>[vector<16xi32>], vector<16xi32>, vector<16xi1>
      %mul3A_168 = arith.constant 16 : i32
      %mul3A_169 = arith.muli %add3A_143, %mul3A_168 : i32
      %add3A_170 = vector.broadcast %mul3A_169 : i32 to vector<16xi32>
      %add3A_171 = arith.addi %add3A_170, %iota3A : vector<16xi32>
      tpu.vector_store_idx %arg7[%add3A_167], %add3A_171 masked %and3A_152 : memref<768xi32, #tpu.memory_space<vmem>>[vector<16xi32>], vector<16xi32>, vector<16xi1>
      %slice3A_172 = vector.extract_strided_slice %masked_cumsum3A_156 {offsets = [15], sizes = [1], strides = [1]} : vector<16xi32> to vector<1xi32>
      %squeeze3A_173 = vector.extract %slice3A_172[0] : i32 from vector<1xi32>
      %add3A_174 = arith.addi %scan3A_109, %squeeze3A_173 : i32
      %add3A_175 = arith.constant 512 : i32
      %add3A_176 = arith.addi %add3A_115, %add3A_175 : i32
      %mul3A_177 = arith.constant 16 : i32
      %mul3A_178 = arith.muli %add3A_176, %mul3A_177 : i32
      %get3A_179 = arith.index_cast %mul3A_178 : i32 to index
      %get3A_180 = tpu.vector_load %arg5[%get3A_179] {strides = array<i32>} : memref<16384xi32, #tpu.memory_space<vmem>>, vector<16xi32>,
      %ge3A_181 = vector.broadcast %mul3A_9 : i32 to vector<16xi32>
      %ge3A_182 = arith.cmpi sge, %get3A_180, %ge3A_181 : vector<16xi32>
      %lt3A_183 = vector.broadcast %mul3A_12 : i32 to vector<16xi32>
      %lt3A_184 = arith.cmpi slt, %get3A_180, %lt3A_183 : vector<16xi32>
      %and3A_185 = arith.andi %ge3A_182, %lt3A_184 : vector<16xi1>
      %convert_element_type3A_186 = arith.extui %and3A_185 : vector<16xi1> to vector<16xi32>
      %broadcast_in_dim3A_187 = arith.constant true
      %broadcast_in_dim3A_188 = vector.broadcast %broadcast_in_dim3A_187 : i1 to vector<16xi1>
      %masked_cumsum3A_189 = tpu.scan <sum>, %convert_element_type3A_186 masked %broadcast_in_dim3A_188 : vector<16xi32>, vector<16xi1> -> vector<16xi32>
      %add3A_190 = vector.broadcast %scan3A_110 : i32 to vector<16xi32>
      %add3A_191 = arith.addi %add3A_190, %masked_cumsum3A_189 : vector<16xi32>
      %sub3A_192 = arith.constant 1 : i32
      %sub3A_193 = vector.broadcast %sub3A_192 : i32 to vector<16xi32>
      %sub3A_194 = arith.subi %add3A_191, %sub3A_193 : vector<16xi32>
      %min3A_195 = arith.constant 191 : i32
      %min3A_196 = vector.broadcast %min3A_195 : i32 to vector<16xi32>
      %min3A_197 = arith.minsi %sub3A_194, %min3A_196 : vector<16xi32>
      %add3A_198 = arith.constant 384 : i32
      %add3A_199 = vector.broadcast %add3A_198 : i32 to vector<16xi32>
      %add3A_200 = arith.addi %min3A_197, %add3A_199 : vector<16xi32>
      tpu.vector_store_idx %arg6[%add3A_200], %get3A_180 masked %and3A_185 : memref<768xi32, #tpu.memory_space<vmem>>[vector<16xi32>], vector<16xi32>, vector<16xi1>
      %mul3A_201 = arith.constant 16 : i32
      %mul3A_202 = arith.muli %add3A_176, %mul3A_201 : i32
      %add3A_203 = vector.broadcast %mul3A_202 : i32 to vector<16xi32>
      %add3A_204 = arith.addi %add3A_203, %iota3A : vector<16xi32>
      tpu.vector_store_idx %arg7[%add3A_200], %add3A_204 masked %and3A_185 : memref<768xi32, #tpu.memory_space<vmem>>[vector<16xi32>], vector<16xi32>, vector<16xi1>
      %slice3A_205 = vector.extract_strided_slice %masked_cumsum3A_189 {offsets = [15], sizes = [1], strides = [1]} : vector<16xi32> to vector<1xi32>
      %squeeze3A_206 = vector.extract %slice3A_205[0] : i32 from vector<1xi32>
      %add3A_207 = arith.addi %scan3A_110, %squeeze3A_206 : i32
      %add3A_208 = arith.constant 768 : i32
      %add3A_209 = arith.addi %add3A_115, %add3A_208 : i32
      %mul3A_210 = arith.constant 16 : i32
      %mul3A_211 = arith.muli %add3A_209, %mul3A_210 : i32
      %get3A_212 = arith.index_cast %mul3A_211 : i32 to index
      %get3A_213 = tpu.vector_load %arg5[%get3A_212] {strides = array<i32>} : memref<16384xi32, #tpu.memory_space<vmem>>, vector<16xi32>,
      %ge3A_214 = vector.broadcast %mul3A_9 : i32 to vector<16xi32>
      %ge3A_215 = arith.cmpi sge, %get3A_213, %ge3A_214 : vector<16xi32>
      %lt3A_216 = vector.broadcast %mul3A_12 : i32 to vector<16xi32>
      %lt3A_217 = arith.cmpi slt, %get3A_213, %lt3A_216 : vector<16xi32>
      %and3A_218 = arith.andi %ge3A_215, %lt3A_217 : vector<16xi1>
      %convert_element_type3A_219 = arith.extui %and3A_218 : vector<16xi1> to vector<16xi32>
      %broadcast_in_dim3A_220 = arith.constant true
      %broadcast_in_dim3A_221 = vector.broadcast %broadcast_in_dim3A_220 : i1 to vector<16xi1>
      %masked_cumsum3A_222 = tpu.scan <sum>, %convert_element_type3A_219 masked %broadcast_in_dim3A_221 : vector<16xi32>, vector<16xi1> -> vector<16xi32>
      %add3A_223 = vector.broadcast %scan3A_111 : i32 to vector<16xi32>
      %add3A_224 = arith.addi %add3A_223, %masked_cumsum3A_222 : vector<16xi32>
      %sub3A_225 = arith.constant 1 : i32
      %sub3A_226 = vector.broadcast %sub3A_225 : i32 to vector<16xi32>
      %sub3A_227 = arith.subi %add3A_224, %sub3A_226 : vector<16xi32>
      %min3A_228 = arith.constant 191 : i32
      %min3A_229 = vector.broadcast %min3A_228 : i32 to vector<16xi32>
      %min3A_230 = arith.minsi %sub3A_227, %min3A_229 : vector<16xi32>
      %add3A_231 = arith.constant 576 : i32
      %add3A_232 = vector.broadcast %add3A_231 : i32 to vector<16xi32>
      %add3A_233 = arith.addi %min3A_230, %add3A_232 : vector<16xi32>
      tpu.vector_store_idx %arg6[%add3A_233], %get3A_213 masked %and3A_218 : memref<768xi32, #tpu.memory_space<vmem>>[vector<16xi32>], vector<16xi32>, vector<16xi1>
      %mul3A_234 = arith.constant 16 : i32
      %mul3A_235 = arith.muli %add3A_209, %mul3A_234 : i32
      %add3A_236 = vector.broadcast %mul3A_235 : i32 to vector<16xi32>
      %add3A_237 = arith.addi %add3A_236, %iota3A : vector<16xi32>
      tpu.vector_store_idx %arg7[%add3A_233], %add3A_237 masked %and3A_218 : memref<768xi32, #tpu.memory_space<vmem>>[vector<16xi32>], vector<16xi32>, vector<16xi1>
      %slice3A_238 = vector.extract_strided_slice %masked_cumsum3A_222 {offsets = [15], sizes = [1], strides = [1]} : vector<16xi32> to vector<1xi32>
      %squeeze3A_239 = vector.extract %slice3A_238[0] : i32 from vector<1xi32>
      %add3A_240 = arith.addi %scan3A_111, %squeeze3A_239 : i32
      scf.yield %add3A_141, %add3A_174, %add3A_207, %add3A_240 : i32, i32, i32, i32
    }
    %scan3A_69 = arith.constant 256 : i32
    %scan3A_70 = arith.constant 0 : i32
    %scan3A_71 = arith.constant 0 : i32
    %scan3A_72 = arith.constant 41 : i32
    %scan3A_73 = arith.addi %scan3A_71, %scan3A_72 : i32
    %scan3A_74 = arith.constant 1 : i32
    scf.for %scan3A_107 = %scan3A_71 to %scan3A_73 step %scan3A_74  : i32 {
      %mul3A_108 = arith.constant 1 : i32
      %mul3A_109 = arith.muli %scan3A_107, %mul3A_108 : i32
      %add3A_110 = arith.constant 0 : i32
      %add3A_111 = arith.addi %add3A_110, %mul3A_109 : i32
      %rem3A_112 = arith.constant 2 : i32
      %rem3A_113 = arith.remsi %add3A_111, %rem3A_112 : i32
      %rem3A_114 = arith.constant 4 : i32
      %rem3A_115 = arith.remsi %add3A_111, %rem3A_114 : i32
      %mul3A_116 = arith.constant 6 : i32
      %mul3A_117 = arith.muli %add3A_111, %mul3A_116 : i32
      %add3A_118 = arith.addi %add3A_4, %mul3A_117 : i32
      %mul3A_119 = arith.constant 128 : i32
      %mul3A_120 = arith.muli %add3A_118, %mul3A_119 : i32
      %add3A_121 = arith.constant 768 : i32
      %add3A_122 = arith.addi %mul3A_120, %add3A_121 : i32
      %min3A_123 = arith.minsi %add3A_122, %mul3A_12 : i32
      %mul3A_124 = arith.constant 6 : i32
      %mul3A_125 = arith.muli %add3A_111, %mul3A_124 : i32
      %add3A_126 = arith.addi %add3A_4, %mul3A_125 : i32
      %add3A_127 = arith.addi %add3A_4, %add3A_7 : i32
      %sub3A_128 = arith.constant 6 : i32
      %sub3A_129 = arith.subi %add3A_127, %sub3A_128 : i32
      %min3A_130 = arith.minsi %add3A_126, %sub3A_129 : i32
      %mul3A_131 = arith.constant 128 : i32
      %mul3A_132 = arith.muli %min3A_130, %mul3A_131 : i32
      %broadcast_in_dim3A = arith.constant 2147483632 : i32
      %broadcast_in_dim3A_133 = vector.broadcast %broadcast_in_dim3A : i32 to vector<16xi32>
      %swap3A = arith.constant 0 : index
      %swap3A_134 = tpu.vector_load %arg8[%swap3A] {strides = array<i32>} : memref<48xi32, #tpu.memory_space<vmem>>, vector<16xi32>,
      tpu.vector_store %arg8[%swap3A], %broadcast_in_dim3A_133 {strides = array<i32>} : memref<48xi32, #tpu.memory_space<vmem>>, vector<16xi32>,
      %broadcast_in_dim3A_135 = arith.constant 2147483632 : i32
      %broadcast_in_dim3A_136 = vector.broadcast %broadcast_in_dim3A_135 : i32 to vector<16xi32>
      %swap3A_137 = arith.constant 16 : index
      %swap3A_138 = tpu.vector_load %arg8[%swap3A_137] {strides = array<i32>} : memref<48xi32, #tpu.memory_space<vmem>>, vector<16xi32>,
      tpu.vector_store %arg8[%swap3A_137], %broadcast_in_dim3A_136 {strides = array<i32>} : memref<48xi32, #tpu.memory_space<vmem>>, vector<16xi32>,
      %broadcast_in_dim3A_139 = arith.constant 2147483632 : i32
      %broadcast_in_dim3A_140 = vector.broadcast %broadcast_in_dim3A_139 : i32 to vector<16xi32>
      %swap3A_141 = arith.constant 32 : index
      %swap3A_142 = tpu.vector_load %arg8[%swap3A_141] {strides = array<i32>} : memref<48xi32, #tpu.memory_space<vmem>>, vector<16xi32>,
      tpu.vector_store %arg8[%swap3A_141], %broadcast_in_dim3A_140 {strides = array<i32>} : memref<48xi32, #tpu.memory_space<vmem>>, vector<16xi32>,
      %add3A_143 = arith.constant 15 : i32
      %add3A_144 = arith.addi %scan3A_68#0, %add3A_143 : i32
      %shift_right_logical3A = arith.constant 4 : i32
      %shift_right_logical3A_145 = arith.shrui %add3A_144, %shift_right_logical3A : i32
      %sub3A_146 = arith.constant 0 : i32
      %sub3A_147 = arith.subi %shift_right_logical3A_145, %sub3A_146 : i32
      %sub3A_148 = arith.constant 1 : i32
      %sub3A_149 = arith.constant 1 : i32
      %sub3A_150 = arith.subi %sub3A_148, %sub3A_149 : i32
      %add3A_151 = arith.addi %sub3A_147, %sub3A_150 : i32
      %div3A = arith.constant 1 : i32
      %div3A_152 = arith.divsi %add3A_151, %div3A : i32
      %while3A = arith.constant 1 : i32
      %while3A_153 = arith.constant 0 : i32
      %while3A_154 = arith.constant 0 : i32
      %while3A_155 = arith.subi %div3A_152, %while3A_154 : i32
      %while3A_156 = arith.addi %while3A_154, %while3A_155 : i32
      %while3A_157 = arith.constant 1 : i32
      %while3A_158 = arith.divsi %while3A_155, %while3A_157 : i32
      %while3A_159 = arith.muli %while3A_158, %while3A_157 : i32
      %while3A_160 = arith.addi %while3A_154, %while3A_159 : i32
      %while3A_161 = arith.constant 1 : i32
      %while3A_162 = scf.for %while3A_1319 = %while3A_154 to %while3A_160 step %while3A_161 iter_args(%while3A_1320 = %scan3A_70) -> (i32)  : i32 {
        %mul3A_1321 = arith.muli %while3A_1319, %while3A : i32
        %add3A_1322 = arith.addi %while3A_153, %mul3A_1321 : i32
        %mul3A_1323 = arith.constant 16 : i32
        %mul3A_1324 = arith.muli %add3A_1322, %mul3A_1323 : i32
        %add3A_1325 = arith.constant 0 : i32
        %add3A_1326 = arith.addi %add3A_1325, %mul3A_1324 : i32
        %get3A_1327 = arith.index_cast %add3A_1326 : i32 to index
        %get3A_1328 = tpu.vector_load %arg6[%get3A_1327] {strides = array<i32>} : memref<768xi32, #tpu.memory_space<vmem>>, vector<16xi32>,
        %get3A_1329 = arith.index_cast %add3A_1326 : i32 to index
        %get3A_1330 = tpu.vector_load %arg7[%get3A_1329] {strides = array<i32>} : memref<768xi32, #tpu.memory_space<vmem>>, vector<16xi32>,
        %mul3A_1331 = arith.constant 16 : i32
        %mul3A_1332 = arith.muli %add3A_1322, %mul3A_1331 : i32
        %add3A_1333 = vector.broadcast %mul3A_1332 : i32 to vector<16xi32>
        %add3A_1334 = arith.addi %add3A_1333, %iota3A : vector<16xi32>
        %lt3A_1335 = vector.broadcast %scan3A_68#0 : i32 to vector<16xi32>
        %lt3A_1336 = arith.cmpi slt, %add3A_1334, %lt3A_1335 : vector<16xi32>
        %ge3A_1337 = vector.broadcast %mul3A_120 : i32 to vector<16xi32>
        %ge3A_1338 = arith.cmpi sge, %get3A_1328, %ge3A_1337 : vector<16xi32>
        %and3A = arith.andi %lt3A_1336, %ge3A_1338 : vector<16xi1>
        %lt3A_1339 = vector.broadcast %min3A_123 : i32 to vector<16xi32>
        %lt3A_1340 = arith.cmpi slt, %get3A_1328, %lt3A_1339 : vector<16xi32>
        %and3A_1341 = arith.andi %and3A, %lt3A_1340 : vector<16xi1>
        %convert_element_type3A_1342 = arith.extui %and3A_1341 : vector<16xi1> to vector<16xi32>
        %broadcast_in_dim3A_1343 = arith.constant true
        %broadcast_in_dim3A_1344 = vector.broadcast %broadcast_in_dim3A_1343 : i1 to vector<16xi1>
        %masked_cumsum3A = tpu.scan <sum>, %convert_element_type3A_1342 masked %broadcast_in_dim3A_1344 : vector<16xi32>, vector<16xi1> -> vector<16xi32>
        %add3A_1345 = vector.broadcast %while3A_1320 : i32 to vector<16xi32>
        %add3A_1346 = arith.addi %add3A_1345, %masked_cumsum3A : vector<16xi32>
        %sub3A_1347 = arith.constant 1 : i32
        %sub3A_1348 = vector.broadcast %sub3A_1347 : i32 to vector<16xi32>
        %sub3A_1349 = arith.subi %add3A_1346, %sub3A_1348 : vector<16xi32>
        %min3A_1350 = arith.constant 47 : i32
        %min3A_1351 = vector.broadcast %min3A_1350 : i32 to vector<16xi32>
        %min3A_1352 = arith.minsi %sub3A_1349, %min3A_1351 : vector<16xi32>
        tpu.vector_store_idx %arg8[%min3A_1352], %get3A_1328 masked %and3A_1341 : memref<48xi32, #tpu.memory_space<vmem>>[vector<16xi32>], vector<16xi32>, vector<16xi1>
        tpu.vector_store_idx %arg9[%min3A_1352], %get3A_1330 masked %and3A_1341 : memref<48xi32, #tpu.memory_space<vmem>>[vector<16xi32>], vector<16xi32>, vector<16xi1>
        %slice3A_1353 = vector.extract_strided_slice %masked_cumsum3A {offsets = [15], sizes = [1], strides = [1]} : vector<16xi32> to vector<1xi32>
        %squeeze3A_1354 = vector.extract %slice3A_1353[0] : i32 from vector<1xi32>
        %add3A_1355 = arith.addi %while3A_1320, %squeeze3A_1354 : i32
        scf.yield %add3A_1355 : i32
      }
      %while3A_163 = arith.constant 1 : i32
      %while3A_164 = scf.for %while3A_1319 = %while3A_160 to %while3A_156 step %while3A_163 iter_args(%while3A_1320 = %while3A_162) -> (i32)  : i32 {
        %mul3A_1321 = arith.muli %while3A_1319, %while3A : i32
        %add3A_1322 = arith.addi %while3A_153, %mul3A_1321 : i32
        %mul3A_1323 = arith.constant 16 : i32
        %mul3A_1324 = arith.muli %add3A_1322, %mul3A_1323 : i32
        %add3A_1325 = arith.constant 0 : i32
        %add3A_1326 = arith.addi %add3A_1325, %mul3A_1324 : i32
        %get3A_1327 = arith.index_cast %add3A_1326 : i32 to index
        %get3A_1328 = tpu.vector_load %arg6[%get3A_1327] {strides = array<i32>} : memref<768xi32, #tpu.memory_space<vmem>>, vector<16xi32>,
        %get3A_1329 = arith.index_cast %add3A_1326 : i32 to index
        %get3A_1330 = tpu.vector_load %arg7[%get3A_1329] {strides = array<i32>} : memref<768xi32, #tpu.memory_space<vmem>>, vector<16xi32>,
        %mul3A_1331 = arith.constant 16 : i32
        %mul3A_1332 = arith.muli %add3A_1322, %mul3A_1331 : i32
        %add3A_1333 = vector.broadcast %mul3A_1332 : i32 to vector<16xi32>
        %add3A_1334 = arith.addi %add3A_1333, %iota3A : vector<16xi32>
        %lt3A_1335 = vector.broadcast %scan3A_68#0 : i32 to vector<16xi32>
        %lt3A_1336 = arith.cmpi slt, %add3A_1334, %lt3A_1335 : vector<16xi32>
        %ge3A_1337 = vector.broadcast %mul3A_120 : i32 to vector<16xi32>
        %ge3A_1338 = arith.cmpi sge, %get3A_1328, %ge3A_1337 : vector<16xi32>
        %and3A = arith.andi %lt3A_1336, %ge3A_1338 : vector<16xi1>
        %lt3A_1339 = vector.broadcast %min3A_123 : i32 to vector<16xi32>
        %lt3A_1340 = arith.cmpi slt, %get3A_1328, %lt3A_1339 : vector<16xi32>
        %and3A_1341 = arith.andi %and3A, %lt3A_1340 : vector<16xi1>
        %convert_element_type3A_1342 = arith.extui %and3A_1341 : vector<16xi1> to vector<16xi32>
        %broadcast_in_dim3A_1343 = arith.constant true
        %broadcast_in_dim3A_1344 = vector.broadcast %broadcast_in_dim3A_1343 : i1 to vector<16xi1>
        %masked_cumsum3A = tpu.scan <sum>, %convert_element_type3A_1342 masked %broadcast_in_dim3A_1344 : vector<16xi32>, vector<16xi1> -> vector<16xi32>
        %add3A_1345 = vector.broadcast %while3A_1320 : i32 to vector<16xi32>
        %add3A_1346 = arith.addi %add3A_1345, %masked_cumsum3A : vector<16xi32>
        %sub3A_1347 = arith.constant 1 : i32
        %sub3A_1348 = vector.broadcast %sub3A_1347 : i32 to vector<16xi32>
        %sub3A_1349 = arith.subi %add3A_1346, %sub3A_1348 : vector<16xi32>
        %min3A_1350 = arith.constant 47 : i32
        %min3A_1351 = vector.broadcast %min3A_1350 : i32 to vector<16xi32>
        %min3A_1352 = arith.minsi %sub3A_1349, %min3A_1351 : vector<16xi32>
        tpu.vector_store_idx %arg8[%min3A_1352], %get3A_1328 masked %and3A_1341 : memref<48xi32, #tpu.memory_space<vmem>>[vector<16xi32>], vector<16xi32>, vector<16xi1>
        tpu.vector_store_idx %arg9[%min3A_1352], %get3A_1330 masked %and3A_1341 : memref<48xi32, #tpu.memory_space<vmem>>[vector<16xi32>], vector<16xi32>, vector<16xi1>
        %slice3A_1353 = vector.extract_strided_slice %masked_cumsum3A {offsets = [15], sizes = [1], strides = [1]} : vector<16xi32> to vector<1xi32>
        %squeeze3A_1354 = vector.extract %slice3A_1353[0] : i32 from vector<1xi32>
        %add3A_1355 = arith.addi %while3A_1320, %squeeze3A_1354 : i32
        scf.yield %add3A_1355 : i32
      }
      %add3A_165 = arith.constant 15 : i32
      %add3A_166 = arith.addi %scan3A_68#1, %add3A_165 : i32
      %shift_right_logical3A_167 = arith.constant 4 : i32
      %shift_right_logical3A_168 = arith.shrui %add3A_166, %shift_right_logical3A_167 : i32
      %sub3A_169 = arith.constant 0 : i32
      %sub3A_170 = arith.subi %shift_right_logical3A_168, %sub3A_169 : i32
      %sub3A_171 = arith.constant 1 : i32
      %sub3A_172 = arith.constant 1 : i32
      %sub3A_173 = arith.subi %sub3A_171, %sub3A_172 : i32
      %add3A_174 = arith.addi %sub3A_170, %sub3A_173 : i32
      %div3A_175 = arith.constant 1 : i32
      %div3A_176 = arith.divsi %add3A_174, %div3A_175 : i32
      %while3A_177 = arith.constant 1 : i32
      %while3A_178 = arith.constant 0 : i32
      %while3A_179 = arith.constant 0 : i32
      %while3A_180 = arith.subi %div3A_176, %while3A_179 : i32
      %while3A_181 = arith.addi %while3A_179, %while3A_180 : i32
      %while3A_182 = arith.constant 1 : i32
      %while3A_183 = arith.divsi %while3A_180, %while3A_182 : i32
      %while3A_184 = arith.muli %while3A_183, %while3A_182 : i32
      %while3A_185 = arith.addi %while3A_179, %while3A_184 : i32
      %while3A_186 = arith.constant 1 : i32
      %while3A_187 = scf.for %while3A_1319 = %while3A_179 to %while3A_185 step %while3A_186 iter_args(%while3A_1320 = %while3A_164) -> (i32)  : i32 {
        %mul3A_1321 = arith.muli %while3A_1319, %while3A_177 : i32
        %add3A_1322 = arith.addi %while3A_178, %mul3A_1321 : i32
        %mul3A_1323 = arith.constant 16 : i32
        %mul3A_1324 = arith.muli %add3A_1322, %mul3A_1323 : i32
        %add3A_1325 = arith.constant 192 : i32
        %add3A_1326 = arith.addi %add3A_1325, %mul3A_1324 : i32
        %get3A_1327 = arith.index_cast %add3A_1326 : i32 to index
        %get3A_1328 = tpu.vector_load %arg6[%get3A_1327] {strides = array<i32>} : memref<768xi32, #tpu.memory_space<vmem>>, vector<16xi32>,
        %get3A_1329 = arith.index_cast %add3A_1326 : i32 to index
        %get3A_1330 = tpu.vector_load %arg7[%get3A_1329] {strides = array<i32>} : memref<768xi32, #tpu.memory_space<vmem>>, vector<16xi32>,
        %mul3A_1331 = arith.constant 16 : i32
        %mul3A_1332 = arith.muli %add3A_1322, %mul3A_1331 : i32
        %add3A_1333 = vector.broadcast %mul3A_1332 : i32 to vector<16xi32>
        %add3A_1334 = arith.addi %add3A_1333, %iota3A : vector<16xi32>
        %lt3A_1335 = vector.broadcast %scan3A_68#1 : i32 to vector<16xi32>
        %lt3A_1336 = arith.cmpi slt, %add3A_1334, %lt3A_1335 : vector<16xi32>
        %ge3A_1337 = vector.broadcast %mul3A_120 : i32 to vector<16xi32>
        %ge3A_1338 = arith.cmpi sge, %get3A_1328, %ge3A_1337 : vector<16xi32>
        %and3A = arith.andi %lt3A_1336, %ge3A_1338 : vector<16xi1>
        %lt3A_1339 = vector.broadcast %min3A_123 : i32 to vector<16xi32>
        %lt3A_1340 = arith.cmpi slt, %get3A_1328, %lt3A_1339 : vector<16xi32>
        %and3A_1341 = arith.andi %and3A, %lt3A_1340 : vector<16xi1>
        %convert_element_type3A_1342 = arith.extui %and3A_1341 : vector<16xi1> to vector<16xi32>
        %broadcast_in_dim3A_1343 = arith.constant true
        %broadcast_in_dim3A_1344 = vector.broadcast %broadcast_in_dim3A_1343 : i1 to vector<16xi1>
        %masked_cumsum3A = tpu.scan <sum>, %convert_element_type3A_1342 masked %broadcast_in_dim3A_1344 : vector<16xi32>, vector<16xi1> -> vector<16xi32>
        %add3A_1345 = vector.broadcast %while3A_1320 : i32 to vector<16xi32>
        %add3A_1346 = arith.addi %add3A_1345, %masked_cumsum3A : vector<16xi32>
        %sub3A_1347 = arith.constant 1 : i32
        %sub3A_1348 = vector.broadcast %sub3A_1347 : i32 to vector<16xi32>
        %sub3A_1349 = arith.subi %add3A_1346, %sub3A_1348 : vector<16xi32>
        %min3A_1350 = arith.constant 47 : i32
        %min3A_1351 = vector.broadcast %min3A_1350 : i32 to vector<16xi32>
        %min3A_1352 = arith.minsi %sub3A_1349, %min3A_1351 : vector<16xi32>
        tpu.vector_store_idx %arg8[%min3A_1352], %get3A_1328 masked %and3A_1341 : memref<48xi32, #tpu.memory_space<vmem>>[vector<16xi32>], vector<16xi32>, vector<16xi1>
        tpu.vector_store_idx %arg9[%min3A_1352], %get3A_1330 masked %and3A_1341 : memref<48xi32, #tpu.memory_space<vmem>>[vector<16xi32>], vector<16xi32>, vector<16xi1>
        %slice3A_1353 = vector.extract_strided_slice %masked_cumsum3A {offsets = [15], sizes = [1], strides = [1]} : vector<16xi32> to vector<1xi32>
        %squeeze3A_1354 = vector.extract %slice3A_1353[0] : i32 from vector<1xi32>
        %add3A_1355 = arith.addi %while3A_1320, %squeeze3A_1354 : i32
        scf.yield %add3A_1355 : i32
      }
      %while3A_188 = arith.constant 1 : i32
      %while3A_189 = scf.for %while3A_1319 = %while3A_185 to %while3A_181 step %while3A_188 iter_args(%while3A_1320 = %while3A_187) -> (i32)  : i32 {
        %mul3A_1321 = arith.muli %while3A_1319, %while3A_177 : i32
        %add3A_1322 = arith.addi %while3A_178, %mul3A_1321 : i32
        %mul3A_1323 = arith.constant 16 : i32
        %mul3A_1324 = arith.muli %add3A_1322, %mul3A_1323 : i32
        %add3A_1325 = arith.constant 192 : i32
        %add3A_1326 = arith.addi %add3A_1325, %mul3A_1324 : i32
        %get3A_1327 = arith.index_cast %add3A_1326 : i32 to index
        %get3A_1328 = tpu.vector_load %arg6[%get3A_1327] {strides = array<i32>} : memref<768xi32, #tpu.memory_space<vmem>>, vector<16xi32>,
        %get3A_1329 = arith.index_cast %add3A_1326 : i32 to index
        %get3A_1330 = tpu.vector_load %arg7[%get3A_1329] {strides = array<i32>} : memref<768xi32, #tpu.memory_space<vmem>>, vector<16xi32>,
        %mul3A_1331 = arith.constant 16 : i32
        %mul3A_1332 = arith.muli %add3A_1322, %mul3A_1331 : i32
        %add3A_1333 = vector.broadcast %mul3A_1332 : i32 to vector<16xi32>
        %add3A_1334 = arith.addi %add3A_1333, %iota3A : vector<16xi32>
        %lt3A_1335 = vector.broadcast %scan3A_68#1 : i32 to vector<16xi32>
        %lt3A_1336 = arith.cmpi slt, %add3A_1334, %lt3A_1335 : vector<16xi32>
        %ge3A_1337 = vector.broadcast %mul3A_120 : i32 to vector<16xi32>
        %ge3A_1338 = arith.cmpi sge, %get3A_1328, %ge3A_1337 : vector<16xi32>
        %and3A = arith.andi %lt3A_1336, %ge3A_1338 : vector<16xi1>
        %lt3A_1339 = vector.broadcast %min3A_123 : i32 to vector<16xi32>
        %lt3A_1340 = arith.cmpi slt, %get3A_1328, %lt3A_1339 : vector<16xi32>
        %and3A_1341 = arith.andi %and3A, %lt3A_1340 : vector<16xi1>
        %convert_element_type3A_1342 = arith.extui %and3A_1341 : vector<16xi1> to vector<16xi32>
        %broadcast_in_dim3A_1343 = arith.constant true
        %broadcast_in_dim3A_1344 = vector.broadcast %broadcast_in_dim3A_1343 : i1 to vector<16xi1>
        %masked_cumsum3A = tpu.scan <sum>, %convert_element_type3A_1342 masked %broadcast_in_dim3A_1344 : vector<16xi32>, vector<16xi1> -> vector<16xi32>
        %add3A_1345 = vector.broadcast %while3A_1320 : i32 to vector<16xi32>
        %add3A_1346 = arith.addi %add3A_1345, %masked_cumsum3A : vector<16xi32>
        %sub3A_1347 = arith.constant 1 : i32
        %sub3A_1348 = vector.broadcast %sub3A_1347 : i32 to vector<16xi32>
        %sub3A_1349 = arith.subi %add3A_1346, %sub3A_1348 : vector<16xi32>
        %min3A_1350 = arith.constant 47 : i32
        %min3A_1351 = vector.broadcast %min3A_1350 : i32 to vector<16xi32>
        %min3A_1352 = arith.minsi %sub3A_1349, %min3A_1351 : vector<16xi32>
        tpu.vector_store_idx %arg8[%min3A_1352], %get3A_1328 masked %and3A_1341 : memref<48xi32, #tpu.memory_space<vmem>>[vector<16xi32>], vector<16xi32>, vector<16xi1>
        tpu.vector_store_idx %arg9[%min3A_1352], %get3A_1330 masked %and3A_1341 : memref<48xi32, #tpu.memory_space<vmem>>[vector<16xi32>], vector<16xi32>, vector<16xi1>
        %slice3A_1353 = vector.extract_strided_slice %masked_cumsum3A {offsets = [15], sizes = [1], strides = [1]} : vector<16xi32> to vector<1xi32>
        %squeeze3A_1354 = vector.extract %slice3A_1353[0] : i32 from vector<1xi32>
        %add3A_1355 = arith.addi %while3A_1320, %squeeze3A_1354 : i32
        scf.yield %add3A_1355 : i32
      }
      %add3A_190 = arith.constant 15 : i32
      %add3A_191 = arith.addi %scan3A_68#2, %add3A_190 : i32
      %shift_right_logical3A_192 = arith.constant 4 : i32
      %shift_right_logical3A_193 = arith.shrui %add3A_191, %shift_right_logical3A_192 : i32
      %sub3A_194 = arith.constant 0 : i32
      %sub3A_195 = arith.subi %shift_right_logical3A_193, %sub3A_194 : i32
      %sub3A_196 = arith.constant 1 : i32
      %sub3A_197 = arith.constant 1 : i32
      %sub3A_198 = arith.subi %sub3A_196, %sub3A_197 : i32
      %add3A_199 = arith.addi %sub3A_195, %sub3A_198 : i32
      %div3A_200 = arith.constant 1 : i32
      %div3A_201 = arith.divsi %add3A_199, %div3A_200 : i32
      %while3A_202 = arith.constant 1 : i32
      %while3A_203 = arith.constant 0 : i32
      %while3A_204 = arith.constant 0 : i32
      %while3A_205 = arith.subi %div3A_201, %while3A_204 : i32
      %while3A_206 = arith.addi %while3A_204, %while3A_205 : i32
      %while3A_207 = arith.constant 1 : i32
      %while3A_208 = arith.divsi %while3A_205, %while3A_207 : i32
      %while3A_209 = arith.muli %while3A_208, %while3A_207 : i32
      %while3A_210 = arith.addi %while3A_204, %while3A_209 : i32
      %while3A_211 = arith.constant 1 : i32
      %while3A_212 = scf.for %while3A_1319 = %while3A_204 to %while3A_210 step %while3A_211 iter_args(%while3A_1320 = %while3A_189) -> (i32)  : i32 {
        %mul3A_1321 = arith.muli %while3A_1319, %while3A_202 : i32
        %add3A_1322 = arith.addi %while3A_203, %mul3A_1321 : i32
        %mul3A_1323 = arith.constant 16 : i32
        %mul3A_1324 = arith.muli %add3A_1322, %mul3A_1323 : i32
        %add3A_1325 = arith.constant 384 : i32
        %add3A_1326 = arith.addi %add3A_1325, %mul3A_1324 : i32
        %get3A_1327 = arith.index_cast %add3A_1326 : i32 to index
        %get3A_1328 = tpu.vector_load %arg6[%get3A_1327] {strides = array<i32>} : memref<768xi32, #tpu.memory_space<vmem>>, vector<16xi32>,
        %get3A_1329 = arith.index_cast %add3A_1326 : i32 to index
        %get3A_1330 = tpu.vector_load %arg7[%get3A_1329] {strides = array<i32>} : memref<768xi32, #tpu.memory_space<vmem>>, vector<16xi32>,
        %mul3A_1331 = arith.constant 16 : i32
        %mul3A_1332 = arith.muli %add3A_1322, %mul3A_1331 : i32
        %add3A_1333 = vector.broadcast %mul3A_1332 : i32 to vector<16xi32>
        %add3A_1334 = arith.addi %add3A_1333, %iota3A : vector<16xi32>
        %lt3A_1335 = vector.broadcast %scan3A_68#2 : i32 to vector<16xi32>
        %lt3A_1336 = arith.cmpi slt, %add3A_1334, %lt3A_1335 : vector<16xi32>
        %ge3A_1337 = vector.broadcast %mul3A_120 : i32 to vector<16xi32>
        %ge3A_1338 = arith.cmpi sge, %get3A_1328, %ge3A_1337 : vector<16xi32>
        %and3A = arith.andi %lt3A_1336, %ge3A_1338 : vector<16xi1>
        %lt3A_1339 = vector.broadcast %min3A_123 : i32 to vector<16xi32>
        %lt3A_1340 = arith.cmpi slt, %get3A_1328, %lt3A_1339 : vector<16xi32>
        %and3A_1341 = arith.andi %and3A, %lt3A_1340 : vector<16xi1>
        %convert_element_type3A_1342 = arith.extui %and3A_1341 : vector<16xi1> to vector<16xi32>
        %broadcast_in_dim3A_1343 = arith.constant true
        %broadcast_in_dim3A_1344 = vector.broadcast %broadcast_in_dim3A_1343 : i1 to vector<16xi1>
        %masked_cumsum3A = tpu.scan <sum>, %convert_element_type3A_1342 masked %broadcast_in_dim3A_1344 : vector<16xi32>, vector<16xi1> -> vector<16xi32>
        %add3A_1345 = vector.broadcast %while3A_1320 : i32 to vector<16xi32>
        %add3A_1346 = arith.addi %add3A_1345, %masked_cumsum3A : vector<16xi32>
        %sub3A_1347 = arith.constant 1 : i32
        %sub3A_1348 = vector.broadcast %sub3A_1347 : i32 to vector<16xi32>
        %sub3A_1349 = arith.subi %add3A_1346, %sub3A_1348 : vector<16xi32>
        %min3A_1350 = arith.constant 47 : i32
        %min3A_1351 = vector.broadcast %min3A_1350 : i32 to vector<16xi32>
        %min3A_1352 = arith.minsi %sub3A_1349, %min3A_1351 : vector<16xi32>
        tpu.vector_store_idx %arg8[%min3A_1352], %get3A_1328 masked %and3A_1341 : memref<48xi32, #tpu.memory_space<vmem>>[vector<16xi32>], vector<16xi32>, vector<16xi1>
        tpu.vector_store_idx %arg9[%min3A_1352], %get3A_1330 masked %and3A_1341 : memref<48xi32, #tpu.memory_space<vmem>>[vector<16xi32>], vector<16xi32>, vector<16xi1>
        %slice3A_1353 = vector.extract_strided_slice %masked_cumsum3A {offsets = [15], sizes = [1], strides = [1]} : vector<16xi32> to vector<1xi32>
        %squeeze3A_1354 = vector.extract %slice3A_1353[0] : i32 from vector<1xi32>
        %add3A_1355 = arith.addi %while3A_1320, %squeeze3A_1354 : i32
        scf.yield %add3A_1355 : i32
      }
      %while3A_213 = arith.constant 1 : i32
      %while3A_214 = scf.for %while3A_1319 = %while3A_210 to %while3A_206 step %while3A_213 iter_args(%while3A_1320 = %while3A_212) -> (i32)  : i32 {
        %mul3A_1321 = arith.muli %while3A_1319, %while3A_202 : i32
        %add3A_1322 = arith.addi %while3A_203, %mul3A_1321 : i32
        %mul3A_1323 = arith.constant 16 : i32
        %mul3A_1324 = arith.muli %add3A_1322, %mul3A_1323 : i32
        %add3A_1325 = arith.constant 384 : i32
        %add3A_1326 = arith.addi %add3A_1325, %mul3A_1324 : i32
        %get3A_1327 = arith.index_cast %add3A_1326 : i32 to index
        %get3A_1328 = tpu.vector_load %arg6[%get3A_1327] {strides = array<i32>} : memref<768xi32, #tpu.memory_space<vmem>>, vector<16xi32>,
        %get3A_1329 = arith.index_cast %add3A_1326 : i32 to index
        %get3A_1330 = tpu.vector_load %arg7[%get3A_1329] {strides = array<i32>} : memref<768xi32, #tpu.memory_space<vmem>>, vector<16xi32>,
        %mul3A_1331 = arith.constant 16 : i32
        %mul3A_1332 = arith.muli %add3A_1322, %mul3A_1331 : i32
        %add3A_1333 = vector.broadcast %mul3A_1332 : i32 to vector<16xi32>
        %add3A_1334 = arith.addi %add3A_1333, %iota3A : vector<16xi32>
        %lt3A_1335 = vector.broadcast %scan3A_68#2 : i32 to vector<16xi32>
        %lt3A_1336 = arith.cmpi slt, %add3A_1334, %lt3A_1335 : vector<16xi32>
        %ge3A_1337 = vector.broadcast %mul3A_120 : i32 to vector<16xi32>
        %ge3A_1338 = arith.cmpi sge, %get3A_1328, %ge3A_1337 : vector<16xi32>
        %and3A = arith.andi %lt3A_1336, %ge3A_1338 : vector<16xi1>
        %lt3A_1339 = vector.broadcast %min3A_123 : i32 to vector<16xi32>
        %lt3A_1340 = arith.cmpi slt, %get3A_1328, %lt3A_1339 : vector<16xi32>
        %and3A_1341 = arith.andi %and3A, %lt3A_1340 : vector<16xi1>
        %convert_element_type3A_1342 = arith.extui %and3A_1341 : vector<16xi1> to vector<16xi32>
        %broadcast_in_dim3A_1343 = arith.constant true
        %broadcast_in_dim3A_1344 = vector.broadcast %broadcast_in_dim3A_1343 : i1 to vector<16xi1>
        %masked_cumsum3A = tpu.scan <sum>, %convert_element_type3A_1342 masked %broadcast_in_dim3A_1344 : vector<16xi32>, vector<16xi1> -> vector<16xi32>
        %add3A_1345 = vector.broadcast %while3A_1320 : i32 to vector<16xi32>
        %add3A_1346 = arith.addi %add3A_1345, %masked_cumsum3A : vector<16xi32>
        %sub3A_1347 = arith.constant 1 : i32
        %sub3A_1348 = vector.broadcast %sub3A_1347 : i32 to vector<16xi32>
        %sub3A_1349 = arith.subi %add3A_1346, %sub3A_1348 : vector<16xi32>
        %min3A_1350 = arith.constant 47 : i32
        %min3A_1351 = vector.broadcast %min3A_1350 : i32 to vector<16xi32>
        %min3A_1352 = arith.minsi %sub3A_1349, %min3A_1351 : vector<16xi32>
        tpu.vector_store_idx %arg8[%min3A_1352], %get3A_1328 masked %and3A_1341 : memref<48xi32, #tpu.memory_space<vmem>>[vector<16xi32>], vector<16xi32>, vector<16xi1>
        tpu.vector_store_idx %arg9[%min3A_1352], %get3A_1330 masked %and3A_1341 : memref<48xi32, #tpu.memory_space<vmem>>[vector<16xi32>], vector<16xi32>, vector<16xi1>
        %slice3A_1353 = vector.extract_strided_slice %masked_cumsum3A {offsets = [15], sizes = [1], strides = [1]} : vector<16xi32> to vector<1xi32>
        %squeeze3A_1354 = vector.extract %slice3A_1353[0] : i32 from vector<1xi32>
        %add3A_1355 = arith.addi %while3A_1320, %squeeze3A_1354 : i32
        scf.yield %add3A_1355 : i32
      }
      %add3A_215 = arith.constant 15 : i32
      %add3A_216 = arith.addi %scan3A_68#3, %add3A_215 : i32
      %shift_right_logical3A_217 = arith.constant 4 : i32
      %shift_right_logical3A_218 = arith.shrui %add3A_216, %shift_right_logical3A_217 : i32
      %sub3A_219 = arith.constant 0 : i32
      %sub3A_220 = arith.subi %shift_right_logical3A_218, %sub3A_219 : i32
      %sub3A_221 = arith.constant 1 : i32
      %sub3A_222 = arith.constant 1 : i32
      %sub3A_223 = arith.subi %sub3A_221, %sub3A_222 : i32
      %add3A_224 = arith.addi %sub3A_220, %sub3A_223 : i32
      %div3A_225 = arith.constant 1 : i32
      %div3A_226 = arith.divsi %add3A_224, %div3A_225 : i32
      %while3A_227 = arith.constant 1 : i32
      %while3A_228 = arith.constant 0 : i32
      %while3A_229 = arith.constant 0 : i32
      %while3A_230 = arith.subi %div3A_226, %while3A_229 : i32
      %while3A_231 = arith.addi %while3A_229, %while3A_230 : i32
      %while3A_232 = arith.constant 1 : i32
      %while3A_233 = arith.divsi %while3A_230, %while3A_232 : i32
      %while3A_234 = arith.muli %while3A_233, %while3A_232 : i32
      %while3A_235 = arith.addi %while3A_229, %while3A_234 : i32
      %while3A_236 = arith.constant 1 : i32
      %while3A_237 = scf.for %while3A_1319 = %while3A_229 to %while3A_235 step %while3A_236 iter_args(%while3A_1320 = %while3A_214) -> (i32)  : i32 {
        %mul3A_1321 = arith.muli %while3A_1319, %while3A_227 : i32
        %add3A_1322 = arith.addi %while3A_228, %mul3A_1321 : i32
        %mul3A_1323 = arith.constant 16 : i32
        %mul3A_1324 = arith.muli %add3A_1322, %mul3A_1323 : i32
        %add3A_1325 = arith.constant 576 : i32
        %add3A_1326 = arith.addi %add3A_1325, %mul3A_1324 : i32
        %get3A_1327 = arith.index_cast %add3A_1326 : i32 to index
        %get3A_1328 = tpu.vector_load %arg6[%get3A_1327] {strides = array<i32>} : memref<768xi32, #tpu.memory_space<vmem>>, vector<16xi32>,
        %get3A_1329 = arith.index_cast %add3A_1326 : i32 to index
        %get3A_1330 = tpu.vector_load %arg7[%get3A_1329] {strides = array<i32>} : memref<768xi32, #tpu.memory_space<vmem>>, vector<16xi32>,
        %mul3A_1331 = arith.constant 16 : i32
        %mul3A_1332 = arith.muli %add3A_1322, %mul3A_1331 : i32
        %add3A_1333 = vector.broadcast %mul3A_1332 : i32 to vector<16xi32>
        %add3A_1334 = arith.addi %add3A_1333, %iota3A : vector<16xi32>
        %lt3A_1335 = vector.broadcast %scan3A_68#3 : i32 to vector<16xi32>
        %lt3A_1336 = arith.cmpi slt, %add3A_1334, %lt3A_1335 : vector<16xi32>
        %ge3A_1337 = vector.broadcast %mul3A_120 : i32 to vector<16xi32>
        %ge3A_1338 = arith.cmpi sge, %get3A_1328, %ge3A_1337 : vector<16xi32>
        %and3A = arith.andi %lt3A_1336, %ge3A_1338 : vector<16xi1>
        %lt3A_1339 = vector.broadcast %min3A_123 : i32 to vector<16xi32>
        %lt3A_1340 = arith.cmpi slt, %get3A_1328, %lt3A_1339 : vector<16xi32>
        %and3A_1341 = arith.andi %and3A, %lt3A_1340 : vector<16xi1>
        %convert_element_type3A_1342 = arith.extui %and3A_1341 : vector<16xi1> to vector<16xi32>
        %broadcast_in_dim3A_1343 = arith.constant true
        %broadcast_in_dim3A_1344 = vector.broadcast %broadcast_in_dim3A_1343 : i1 to vector<16xi1>
        %masked_cumsum3A = tpu.scan <sum>, %convert_element_type3A_1342 masked %broadcast_in_dim3A_1344 : vector<16xi32>, vector<16xi1> -> vector<16xi32>
        %add3A_1345 = vector.broadcast %while3A_1320 : i32 to vector<16xi32>
        %add3A_1346 = arith.addi %add3A_1345, %masked_cumsum3A : vector<16xi32>
        %sub3A_1347 = arith.constant 1 : i32
        %sub3A_1348 = vector.broadcast %sub3A_1347 : i32 to vector<16xi32>
        %sub3A_1349 = arith.subi %add3A_1346, %sub3A_1348 : vector<16xi32>
        %min3A_1350 = arith.constant 47 : i32
        %min3A_1351 = vector.broadcast %min3A_1350 : i32 to vector<16xi32>
        %min3A_1352 = arith.minsi %sub3A_1349, %min3A_1351 : vector<16xi32>
        tpu.vector_store_idx %arg8[%min3A_1352], %get3A_1328 masked %and3A_1341 : memref<48xi32, #tpu.memory_space<vmem>>[vector<16xi32>], vector<16xi32>, vector<16xi1>
        tpu.vector_store_idx %arg9[%min3A_1352], %get3A_1330 masked %and3A_1341 : memref<48xi32, #tpu.memory_space<vmem>>[vector<16xi32>], vector<16xi32>, vector<16xi1>
        %slice3A_1353 = vector.extract_strided_slice %masked_cumsum3A {offsets = [15], sizes = [1], strides = [1]} : vector<16xi32> to vector<1xi32>
        %squeeze3A_1354 = vector.extract %slice3A_1353[0] : i32 from vector<1xi32>
        %add3A_1355 = arith.addi %while3A_1320, %squeeze3A_1354 : i32
        scf.yield %add3A_1355 : i32
      }
      %while3A_238 = arith.constant 1 : i32
      %while3A_239 = scf.for %while3A_1319 = %while3A_235 to %while3A_231 step %while3A_238 iter_args(%while3A_1320 = %while3A_237) -> (i32)  : i32 {
        %mul3A_1321 = arith.muli %while3A_1319, %while3A_227 : i32
        %add3A_1322 = arith.addi %while3A_228, %mul3A_1321 : i32
        %mul3A_1323 = arith.constant 16 : i32
        %mul3A_1324 = arith.muli %add3A_1322, %mul3A_1323 : i32
        %add3A_1325 = arith.constant 576 : i32
        %add3A_1326 = arith.addi %add3A_1325, %mul3A_1324 : i32
        %get3A_1327 = arith.index_cast %add3A_1326 : i32 to index
        %get3A_1328 = tpu.vector_load %arg6[%get3A_1327] {strides = array<i32>} : memref<768xi32, #tpu.memory_space<vmem>>, vector<16xi32>,
        %get3A_1329 = arith.index_cast %add3A_1326 : i32 to index
        %get3A_1330 = tpu.vector_load %arg7[%get3A_1329] {strides = array<i32>} : memref<768xi32, #tpu.memory_space<vmem>>, vector<16xi32>,
        %mul3A_1331 = arith.constant 16 : i32
        %mul3A_1332 = arith.muli %add3A_1322, %mul3A_1331 : i32
        %add3A_1333 = vector.broadcast %mul3A_1332 : i32 to vector<16xi32>
        %add3A_1334 = arith.addi %add3A_1333, %iota3A : vector<16xi32>
        %lt3A_1335 = vector.broadcast %scan3A_68#3 : i32 to vector<16xi32>
        %lt3A_1336 = arith.cmpi slt, %add3A_1334, %lt3A_1335 : vector<16xi32>
        %ge3A_1337 = vector.broadcast %mul3A_120 : i32 to vector<16xi32>
        %ge3A_1338 = arith.cmpi sge, %get3A_1328, %ge3A_1337 : vector<16xi32>
        %and3A = arith.andi %lt3A_1336, %ge3A_1338 : vector<16xi1>
        %lt3A_1339 = vector.broadcast %min3A_123 : i32 to vector<16xi32>
        %lt3A_1340 = arith.cmpi slt, %get3A_1328, %lt3A_1339 : vector<16xi32>
        %and3A_1341 = arith.andi %and3A, %lt3A_1340 : vector<16xi1>
        %convert_element_type3A_1342 = arith.extui %and3A_1341 : vector<16xi1> to vector<16xi32>
        %broadcast_in_dim3A_1343 = arith.constant true
        %broadcast_in_dim3A_1344 = vector.broadcast %broadcast_in_dim3A_1343 : i1 to vector<16xi1>
        %masked_cumsum3A = tpu.scan <sum>, %convert_element_type3A_1342 masked %broadcast_in_dim3A_1344 : vector<16xi32>, vector<16xi1> -> vector<16xi32>
        %add3A_1345 = vector.broadcast %while3A_1320 : i32 to vector<16xi32>
        %add3A_1346 = arith.addi %add3A_1345, %masked_cumsum3A : vector<16xi32>
        %sub3A_1347 = arith.constant 1 : i32
        %sub3A_1348 = vector.broadcast %sub3A_1347 : i32 to vector<16xi32>
        %sub3A_1349 = arith.subi %add3A_1346, %sub3A_1348 : vector<16xi32>
        %min3A_1350 = arith.constant 47 : i32
        %min3A_1351 = vector.broadcast %min3A_1350 : i32 to vector<16xi32>
        %min3A_1352 = arith.minsi %sub3A_1349, %min3A_1351 : vector<16xi32>
        tpu.vector_store_idx %arg8[%min3A_1352], %get3A_1328 masked %and3A_1341 : memref<48xi32, #tpu.memory_space<vmem>>[vector<16xi32>], vector<16xi32>, vector<16xi1>
        tpu.vector_store_idx %arg9[%min3A_1352], %get3A_1330 masked %and3A_1341 : memref<48xi32, #tpu.memory_space<vmem>>[vector<16xi32>], vector<16xi32>, vector<16xi1>
        %slice3A_1353 = vector.extract_strided_slice %masked_cumsum3A {offsets = [15], sizes = [1], strides = [1]} : vector<16xi32> to vector<1xi32>
        %squeeze3A_1354 = vector.extract %slice3A_1353[0] : i32 from vector<1xi32>
        %add3A_1355 = arith.addi %while3A_1320, %squeeze3A_1354 : i32
        scf.yield %add3A_1355 : i32
      }
      %dma_wait3A_240 = arith.constant 0 : i32
      %dma_wait3A_241 = arith.constant 0 : i32
      %dma_wait3A_242 = tpu.memref_slice %arg10[%rem3A_113, %dma_wait3A_240, %dma_wait3A_241] : memref<2x64x768xf32, #tpu.memory_space<vmem>> -> memref<1x64x768xf32, #tpu.memory_space<vmem>>
      %dma_wait3A_243 = tpu.memref_squeeze %dma_wait3A_242 : memref<1x64x768xf32, #tpu.memory_space<vmem>> -> memref<64x768xf32, #tpu.memory_space<vmem>>
      %dma_wait3A_244 = arith.constant 0 : i32
      %dma_wait3A_245 = arith.constant 0 : i32
      %dma_wait3A_246 = tpu.memref_slice %arg3[%dma_wait3A_244, %dma_wait3A_245] : memref<64x1000000xf32, #tpu.memory_space<hbm>> -> memref<64x768xf32, #tpu.memory_space<hbm>>
      %dma_wait3A_247 = arith.constant 0 : i32
      %dma_wait3A_248 = arith.constant 0 : i32
      %dma_wait3A_249 = tpu.memref_slice %arg10[%rem3A_113, %dma_wait3A_247, %dma_wait3A_248] : memref<2x64x768xf32, #tpu.memory_space<vmem>> -> memref<1x64x768xf32, #tpu.memory_space<vmem>>
      %dma_wait3A_250 = tpu.memref_squeeze %dma_wait3A_249 : memref<1x64x768xf32, #tpu.memory_space<vmem>> -> memref<64x768xf32, #tpu.memory_space<vmem>>
      %dma_wait3A_251 = arith.constant 0 : i32
      %dma_wait3A_252 = arith.constant 0 : i32
      %dma_wait3A_253 = tpu.memref_slice %arg3[%dma_wait3A_251, %dma_wait3A_252] : memref<64x1000000xf32, #tpu.memory_space<hbm>> -> memref<64x768xf32, #tpu.memory_space<hbm>>
      tpu.wait_dma2 semaphore(%arg12 : memref<!tpu.dma_semaphore, #tpu.memory_space<semaphore_mem>>) src(%dma_wait3A_253 : memref<64x768xf32, #tpu.memory_space<hbm>>) dst(%dma_wait3A_250 : memref<64x768xf32, #tpu.memory_space<vmem>>)
      %ge3A = arith.constant 4 : i32
      %ge3A_254 = arith.cmpi sge, %add3A_111, %ge3A : i32
      %convert_element_type3A_255 = arith.extui %ge3A_254 : i1 to i32
      %cond3A = arith.constant 0 : i32
      %cond3A_256 = arith.cmpi ne, %convert_element_type3A_255, %cond3A : i32
      scf.if %cond3A_256 {
        %mul3A_1319 = arith.constant 3072 : i32
        %mul3A_1320 = arith.muli %rem3A_115, %mul3A_1319 : i32
        %dma_wait3A_1321 = tpu.memref_slice %arg11[%mul3A_1320] : memref<12288xf32, #tpu.memory_space<vmem>> -> memref<3072xf32, #tpu.memory_space<vmem>>
        %dma_wait3A_1322 = arith.constant 0 : i32
        %dma_wait3A_1323 = tpu.memref_slice %arg4[%dma_wait3A_1322] : memref<1146880xf32, #tpu.memory_space<hbm>> -> memref<3072xf32, #tpu.memory_space<hbm>>
        %dma_wait3A_1324 = tpu.memref_slice %arg11[%mul3A_1320] : memref<12288xf32, #tpu.memory_space<vmem>> -> memref<3072xf32, #tpu.memory_space<vmem>>
        %dma_wait3A_1325 = arith.constant 0 : i32
        %dma_wait3A_1326 = tpu.memref_slice %arg4[%dma_wait3A_1325] : memref<1146880xf32, #tpu.memory_space<hbm>> -> memref<3072xf32, #tpu.memory_space<hbm>>
        tpu.wait_dma2 semaphore(%arg13 : memref<!tpu.dma_semaphore, #tpu.memory_space<semaphore_mem>>) src(%dma_wait3A_1326 : memref<3072xf32, #tpu.memory_space<hbm>>) dst(%dma_wait3A_1324 : memref<3072xf32, #tpu.memory_space<vmem>>)
      } else {
      }
      %mul3A_257 = arith.constant 3072 : i32
      %mul3A_258 = arith.muli %rem3A_115, %mul3A_257 : i32
      %get3A = arith.constant 0 : index
      %get3A_259 = tpu.vector_load %arg8[%get3A] {strides = array<i32>} : memref<48xi32, #tpu.memory_space<vmem>>, vector<16xi32>,
      %get3A_260 = arith.constant 0 : index
      %get3A_261 = tpu.vector_load %arg9[%get3A_260] {strides = array<i32>} : memref<48xi32, #tpu.memory_space<vmem>>, vector<16xi32>,
      %sub3A_262 = vector.broadcast %mul3A_132 : i32 to vector<16xi32>
      %sub3A_263 = arith.subi %get3A_259, %sub3A_262 : vector<16xi32>
      %jit3A = arith.constant 0 : i32
      %jit3A_264 = arith.constant 767 : i32
      %max3A = vector.broadcast %jit3A : i32 to vector<16xi32>
      %max3A_265 = arith.maxsi %max3A, %sub3A_263 : vector<16xi32>
      %min3A_266 = vector.broadcast %jit3A_264 : i32 to vector<16xi32>
      %min3A_267 = arith.minsi %min3A_266, %max3A_265 : vector<16xi32>
      %add3A_268 = arith.constant 0 : i32
      %add3A_269 = vector.broadcast %add3A_268 : i32 to vector<16xi32>
      %add3A_270 = arith.addi %add3A_269, %iota3A : vector<16xi32>
      %mul3A_271 = arith.constant 64 : i32
      %mul3A_272 = vector.broadcast %mul3A_271 : i32 to vector<16xi32>
      %mul3A_273 = arith.muli %add3A_270, %mul3A_272 : vector<16xi32>
      %ge3A_274 = arith.constant 8192 : i32
      %ge3A_275 = vector.broadcast %ge3A_274 : i32 to vector<16xi32>
      %ge3A_276 = arith.cmpi sge, %get3A_261, %ge3A_275 : vector<16xi32>
      %mul3A_277 = arith.constant 2 : i32
      %mul3A_278 = vector.broadcast %mul3A_277 : i32 to vector<16xi32>
      %mul3A_279 = arith.muli %mul3A_278, %get3A_261 : vector<16xi32>
      %sub3A_280 = arith.constant 16383 : i32
      %sub3A_281 = vector.broadcast %sub3A_280 : i32 to vector<16xi32>
      %sub3A_282 = arith.subi %mul3A_279, %sub3A_281 : vector<16xi32>
      %mul3A_283 = arith.constant 2 : i32
      %mul3A_284 = vector.broadcast %mul3A_283 : i32 to vector<16xi32>
      %mul3A_285 = arith.muli %mul3A_284, %get3A_261 : vector<16xi32>
      %select_n3A = arith.select %ge3A_276, %sub3A_282, %mul3A_285 : vector<16xi1>, vector<16xi32>
      %lt3A_286 = vector.broadcast %min3A_123 : i32 to vector<16xi32>
      %lt3A_287 = arith.cmpi slt, %get3A_259, %lt3A_286 : vector<16xi32>
      %add3A_288 = arith.constant 0 : i32
      %add3A_289 = arith.addi %add3A_16, %add3A_288 : i32
      %add3A_290 = vector.broadcast %add3A_289 : i32 to vector<16xi32>
      %add3A_291 = arith.addi %add3A_290, %iota3A : vector<16xi32>
      %select_n3A_292 = arith.select %lt3A_287, %select_n3A, %add3A_291 : vector<16xi1>, vector<16xi32>
      %broadcast_in_dim3A_293 = arith.constant 0 : i32
      %broadcast_in_dim3A_294 = vector.broadcast %broadcast_in_dim3A_293 : i32 to vector<16xi32>
      %gather3A = arith.constant 0 : i32
      %gather3A_295 = arith.constant 0 : i32
      %gather3A_296 = tpu.memref_slice %arg10[%rem3A_113, %gather3A, %gather3A_295] : memref<2x64x768xf32, #tpu.memory_space<vmem>> -> memref<1x64x768xf32, #tpu.memory_space<vmem>>
      %gather3A_297 = tpu.memref_squeeze %gather3A_296 : memref<1x64x768xf32, #tpu.memory_space<vmem>> -> memref<64x768xf32, #tpu.memory_space<vmem>>
      %gather3A_298 = tpu.vector_load_idx %gather3A_297[%broadcast_in_dim3A_294, %min3A_267] : memref<64x768xf32, #tpu.memory_space<vmem>>[vector<16xi32>, vector<16xi32>], vector<16xf32>,
      %add3A_299 = vector.broadcast %mul3A_258 : i32 to vector<16xi32>
      %add3A_300 = arith.addi %add3A_299, %mul3A_273 : vector<16xi32>
      %add3A_301 = arith.constant 0 : i32
      %add3A_302 = vector.broadcast %add3A_301 : i32 to vector<16xi32>
      %add3A_303 = arith.addi %add3A_300, %add3A_302 : vector<16xi32>
      tpu.vector_store_idx %arg11[%add3A_303], %gather3A_298 : memref<12288xf32, #tpu.memory_space<vmem>>[vector<16xi32>], vector<16xf32>,
      %broadcast_in_dim3A_304 = arith.constant 1 : i32
      %broadcast_in_dim3A_305 = vector.broadcast %broadcast_in_dim3A_304 : i32 to vector<16xi32>
      %gather3A_306 = arith.constant 0 : i32
      %gather3A_307 = arith.constant 0 : i32
      %gather3A_308 = tpu.memref_slice %arg10[%rem3A_113, %gather3A_306, %gather3A_307] : memref<2x64x768xf32, #tpu.memory_space<vmem>> -> memref<1x64x768xf32, #tpu.memory_space<vmem>>
      %gather3A_309 = tpu.memref_squeeze %gather3A_308 : memref<1x64x768xf32, #tpu.memory_space<vmem>> -> memref<64x768xf32, #tpu.memory_space<vmem>>
      %gather3A_310 = tpu.vector_load_idx %gather3A_309[%broadcast_in_dim3A_305, %min3A_267] : memref<64x768xf32, #tpu.memory_space<vmem>>[vector<16xi32>, vector<16xi32>], vector<16xf32>,
      %add3A_311 = vector.broadcast %mul3A_258 : i32 to vector<16xi32>
      %add3A_312 = arith.addi %add3A_311, %mul3A_273 : vector<16xi32>
      %add3A_313 = arith.constant 1 : i32
      %add3A_314 = vector.broadcast %add3A_313 : i32 to vector<16xi32>
      %add3A_315 = arith.addi %add3A_312, %add3A_314 : vector<16xi32>
      tpu.vector_store_idx %arg11[%add3A_315], %gather3A_310 : memref<12288xf32, #tpu.memory_space<vmem>>[vector<16xi32>], vector<16xf32>,
      %broadcast_in_dim3A_316 = arith.constant 2 : i32
      %broadcast_in_dim3A_317 = vector.broadcast %broadcast_in_dim3A_316 : i32 to vector<16xi32>
      %gather3A_318 = arith.constant 0 : i32
      %gather3A_319 = arith.constant 0 : i32
      %gather3A_320 = tpu.memref_slice %arg10[%rem3A_113, %gather3A_318, %gather3A_319] : memref<2x64x768xf32, #tpu.memory_space<vmem>> -> memref<1x64x768xf32, #tpu.memory_space<vmem>>
      %gather3A_321 = tpu.memref_squeeze %gather3A_320 : memref<1x64x768xf32, #tpu.memory_space<vmem>> -> memref<64x768xf32, #tpu.memory_space<vmem>>
      %gather3A_322 = tpu.vector_load_idx %gather3A_321[%broadcast_in_dim3A_317, %min3A_267] : memref<64x768xf32, #tpu.memory_space<vmem>>[vector<16xi32>, vector<16xi32>], vector<16xf32>,
      %add3A_323 = vector.broadcast %mul3A_258 : i32 to vector<16xi32>
      %add3A_324 = arith.addi %add3A_323, %mul3A_273 : vector<16xi32>
      %add3A_325 = arith.constant 2 : i32
      %add3A_326 = vector.broadcast %add3A_325 : i32 to vector<16xi32>
      %add3A_327 = arith.addi %add3A_324, %add3A_326 : vector<16xi32>
      tpu.vector_store_idx %arg11[%add3A_327], %gather3A_322 : memref<12288xf32, #tpu.memory_space<vmem>>[vector<16xi32>], vector<16xf32>,
      %broadcast_in_dim3A_328 = arith.constant 3 : i32
      %broadcast_in_dim3A_329 = vector.broadcast %broadcast_in_dim3A_328 : i32 to vector<16xi32>
      %gather3A_330 = arith.constant 0 : i32
      %gather3A_331 = arith.constant 0 : i32
      %gather3A_332 = tpu.memref_slice %arg10[%rem3A_113, %gather3A_330, %gather3A_331] : memref<2x64x768xf32, #tpu.memory_space<vmem>> -> memref<1x64x768xf32, #tpu.memory_space<vmem>>
      %gather3A_333 = tpu.memref_squeeze %gather3A_332 : memref<1x64x768xf32, #tpu.memory_space<vmem>> -> memref<64x768xf32, #tpu.memory_space<vmem>>
      %gather3A_334 = tpu.vector_load_idx %gather3A_333[%broadcast_in_dim3A_329, %min3A_267] : memref<64x768xf32, #tpu.memory_space<vmem>>[vector<16xi32>, vector<16xi32>], vector<16xf32>,
      %add3A_335 = vector.broadcast %mul3A_258 : i32 to vector<16xi32>
      %add3A_336 = arith.addi %add3A_335, %mul3A_273 : vector<16xi32>
      %add3A_337 = arith.constant 3 : i32
      %add3A_338 = vector.broadcast %add3A_337 : i32 to vector<16xi32>
      %add3A_339 = arith.addi %add3A_336, %add3A_338 : vector<16xi32>
      tpu.vector_store_idx %arg11[%add3A_339], %gather3A_334 : memref<12288xf32, #tpu.memory_space<vmem>>[vector<16xi32>], vector<16xf32>,
      %broadcast_in_dim3A_340 = arith.constant 4 : i32
      %broadcast_in_dim3A_341 = vector.broadcast %broadcast_in_dim3A_340 : i32 to vector<16xi32>
      %gather3A_342 = arith.constant 0 : i32
      %gather3A_343 = arith.constant 0 : i32
      %gather3A_344 = tpu.memref_slice %arg10[%rem3A_113, %gather3A_342, %gather3A_343] : memref<2x64x768xf32, #tpu.memory_space<vmem>> -> memref<1x64x768xf32, #tpu.memory_space<vmem>>
      %gather3A_345 = tpu.memref_squeeze %gather3A_344 : memref<1x64x768xf32, #tpu.memory_space<vmem>> -> memref<64x768xf32, #tpu.memory_space<vmem>>
      %gather3A_346 = tpu.vector_load_idx %gather3A_345[%broadcast_in_dim3A_341, %min3A_267] : memref<64x768xf32, #tpu.memory_space<vmem>>[vector<16xi32>, vector<16xi32>], vector<16xf32>,
      %add3A_347 = vector.broadcast %mul3A_258 : i32 to vector<16xi32>
      %add3A_348 = arith.addi %add3A_347, %mul3A_273 : vector<16xi32>
      %add3A_349 = arith.constant 4 : i32
      %add3A_350 = vector.broadcast %add3A_349 : i32 to vector<16xi32>
      %add3A_351 = arith.addi %add3A_348, %add3A_350 : vector<16xi32>
      tpu.vector_store_idx %arg11[%add3A_351], %gather3A_346 : memref<12288xf32, #tpu.memory_space<vmem>>[vector<16xi32>], vector<16xf32>,
      %broadcast_in_dim3A_352 = arith.constant 5 : i32
      %broadcast_in_dim3A_353 = vector.broadcast %broadcast_in_dim3A_352 : i32 to vector<16xi32>
      %gather3A_354 = arith.constant 0 : i32
      %gather3A_355 = arith.constant 0 : i32
      %gather3A_356 = tpu.memref_slice %arg10[%rem3A_113, %gather3A_354, %gather3A_355] : memref<2x64x768xf32, #tpu.memory_space<vmem>> -> memref<1x64x768xf32, #tpu.memory_space<vmem>>
      %gather3A_357 = tpu.memref_squeeze %gather3A_356 : memref<1x64x768xf32, #tpu.memory_space<vmem>> -> memref<64x768xf32, #tpu.memory_space<vmem>>
      %gather3A_358 = tpu.vector_load_idx %gather3A_357[%broadcast_in_dim3A_353, %min3A_267] : memref<64x768xf32, #tpu.memory_space<vmem>>[vector<16xi32>, vector<16xi32>], vector<16xf32>,
      %add3A_359 = vector.broadcast %mul3A_258 : i32 to vector<16xi32>
      %add3A_360 = arith.addi %add3A_359, %mul3A_273 : vector<16xi32>
      %add3A_361 = arith.constant 5 : i32
      %add3A_362 = vector.broadcast %add3A_361 : i32 to vector<16xi32>
      %add3A_363 = arith.addi %add3A_360, %add3A_362 : vector<16xi32>
      tpu.vector_store_idx %arg11[%add3A_363], %gather3A_358 : memref<12288xf32, #tpu.memory_space<vmem>>[vector<16xi32>], vector<16xf32>,
      %broadcast_in_dim3A_364 = arith.constant 6 : i32
      %broadcast_in_dim3A_365 = vector.broadcast %broadcast_in_dim3A_364 : i32 to vector<16xi32>
      %gather3A_366 = arith.constant 0 : i32
      %gather3A_367 = arith.constant 0 : i32
      %gather3A_368 = tpu.memref_slice %arg10[%rem3A_113, %gather3A_366, %gather3A_367] : memref<2x64x768xf32, #tpu.memory_space<vmem>> -> memref<1x64x768xf32, #tpu.memory_space<vmem>>
      %gather3A_369 = tpu.memref_squeeze %gather3A_368 : memref<1x64x768xf32, #tpu.memory_space<vmem>> -> memref<64x768xf32, #tpu.memory_space<vmem>>
      %gather3A_370 = tpu.vector_load_idx %gather3A_369[%broadcast_in_dim3A_365, %min3A_267] : memref<64x768xf32, #tpu.memory_space<vmem>>[vector<16xi32>, vector<16xi32>], vector<16xf32>,
      %add3A_371 = vector.broadcast %mul3A_258 : i32 to vector<16xi32>
      %add3A_372 = arith.addi %add3A_371, %mul3A_273 : vector<16xi32>
      %add3A_373 = arith.constant 6 : i32
      %add3A_374 = vector.broadcast %add3A_373 : i32 to vector<16xi32>
      %add3A_375 = arith.addi %add3A_372, %add3A_374 : vector<16xi32>
      tpu.vector_store_idx %arg11[%add3A_375], %gather3A_370 : memref<12288xf32, #tpu.memory_space<vmem>>[vector<16xi32>], vector<16xf32>,
      %broadcast_in_dim3A_376 = arith.constant 7 : i32
      %broadcast_in_dim3A_377 = vector.broadcast %broadcast_in_dim3A_376 : i32 to vector<16xi32>
      %gather3A_378 = arith.constant 0 : i32
      %gather3A_379 = arith.constant 0 : i32
      %gather3A_380 = tpu.memref_slice %arg10[%rem3A_113, %gather3A_378, %gather3A_379] : memref<2x64x768xf32, #tpu.memory_space<vmem>> -> memref<1x64x768xf32, #tpu.memory_space<vmem>>
      %gather3A_381 = tpu.memref_squeeze %gather3A_380 : memref<1x64x768xf32, #tpu.memory_space<vmem>> -> memref<64x768xf32, #tpu.memory_space<vmem>>
      %gather3A_382 = tpu.vector_load_idx %gather3A_381[%broadcast_in_dim3A_377, %min3A_267] : memref<64x768xf32, #tpu.memory_space<vmem>>[vector<16xi32>, vector<16xi32>], vector<16xf32>,
      %add3A_383 = vector.broadcast %mul3A_258 : i32 to vector<16xi32>
      %add3A_384 = arith.addi %add3A_383, %mul3A_273 : vector<16xi32>
      %add3A_385 = arith.constant 7 : i32
      %add3A_386 = vector.broadcast %add3A_385 : i32 to vector<16xi32>
      %add3A_387 = arith.addi %add3A_384, %add3A_386 : vector<16xi32>
      tpu.vector_store_idx %arg11[%add3A_387], %gather3A_382 : memref<12288xf32, #tpu.memory_space<vmem>>[vector<16xi32>], vector<16xf32>,
      %broadcast_in_dim3A_388 = arith.constant 8 : i32
      %broadcast_in_dim3A_389 = vector.broadcast %broadcast_in_dim3A_388 : i32 to vector<16xi32>
      %gather3A_390 = arith.constant 0 : i32
      %gather3A_391 = arith.constant 0 : i32
      %gather3A_392 = tpu.memref_slice %arg10[%rem3A_113, %gather3A_390, %gather3A_391] : memref<2x64x768xf32, #tpu.memory_space<vmem>> -> memref<1x64x768xf32, #tpu.memory_space<vmem>>
      %gather3A_393 = tpu.memref_squeeze %gather3A_392 : memref<1x64x768xf32, #tpu.memory_space<vmem>> -> memref<64x768xf32, #tpu.memory_space<vmem>>
      %gather3A_394 = tpu.vector_load_idx %gather3A_393[%broadcast_in_dim3A_389, %min3A_267] : memref<64x768xf32, #tpu.memory_space<vmem>>[vector<16xi32>, vector<16xi32>], vector<16xf32>,
      %add3A_395 = vector.broadcast %mul3A_258 : i32 to vector<16xi32>
      %add3A_396 = arith.addi %add3A_395, %mul3A_273 : vector<16xi32>
      %add3A_397 = arith.constant 8 : i32
      %add3A_398 = vector.broadcast %add3A_397 : i32 to vector<16xi32>
      %add3A_399 = arith.addi %add3A_396, %add3A_398 : vector<16xi32>
      tpu.vector_store_idx %arg11[%add3A_399], %gather3A_394 : memref<12288xf32, #tpu.memory_space<vmem>>[vector<16xi32>], vector<16xf32>,
      %broadcast_in_dim3A_400 = arith.constant 9 : i32
      %broadcast_in_dim3A_401 = vector.broadcast %broadcast_in_dim3A_400 : i32 to vector<16xi32>
      %gather3A_402 = arith.constant 0 : i32
      %gather3A_403 = arith.constant 0 : i32
      %gather3A_404 = tpu.memref_slice %arg10[%rem3A_113, %gather3A_402, %gather3A_403] : memref<2x64x768xf32, #tpu.memory_space<vmem>> -> memref<1x64x768xf32, #tpu.memory_space<vmem>>
      %gather3A_405 = tpu.memref_squeeze %gather3A_404 : memref<1x64x768xf32, #tpu.memory_space<vmem>> -> memref<64x768xf32, #tpu.memory_space<vmem>>
      %gather3A_406 = tpu.vector_load_idx %gather3A_405[%broadcast_in_dim3A_401, %min3A_267] : memref<64x768xf32, #tpu.memory_space<vmem>>[vector<16xi32>, vector<16xi32>], vector<16xf32>,
      %add3A_407 = vector.broadcast %mul3A_258 : i32 to vector<16xi32>
      %add3A_408 = arith.addi %add3A_407, %mul3A_273 : vector<16xi32>
      %add3A_409 = arith.constant 9 : i32
      %add3A_410 = vector.broadcast %add3A_409 : i32 to vector<16xi32>
      %add3A_411 = arith.addi %add3A_408, %add3A_410 : vector<16xi32>
      tpu.vector_store_idx %arg11[%add3A_411], %gather3A_406 : memref<12288xf32, #tpu.memory_space<vmem>>[vector<16xi32>], vector<16xf32>,
      %broadcast_in_dim3A_412 = arith.constant 10 : i32
      %broadcast_in_dim3A_413 = vector.broadcast %broadcast_in_dim3A_412 : i32 to vector<16xi32>
      %gather3A_414 = arith.constant 0 : i32
      %gather3A_415 = arith.constant 0 : i32
      %gather3A_416 = tpu.memref_slice %arg10[%rem3A_113, %gather3A_414, %gather3A_415] : memref<2x64x768xf32, #tpu.memory_space<vmem>> -> memref<1x64x768xf32, #tpu.memory_space<vmem>>
      %gather3A_417 = tpu.memref_squeeze %gather3A_416 : memref<1x64x768xf32, #tpu.memory_space<vmem>> -> memref<64x768xf32, #tpu.memory_space<vmem>>
      %gather3A_418 = tpu.vector_load_idx %gather3A_417[%broadcast_in_dim3A_413, %min3A_267] : memref<64x768xf32, #tpu.memory_space<vmem>>[vector<16xi32>, vector<16xi32>], vector<16xf32>,
      %add3A_419 = vector.broadcast %mul3A_258 : i32 to vector<16xi32>
      %add3A_420 = arith.addi %add3A_419, %mul3A_273 : vector<16xi32>
      %add3A_421 = arith.constant 10 : i32
      %add3A_422 = vector.broadcast %add3A_421 : i32 to vector<16xi32>
      %add3A_423 = arith.addi %add3A_420, %add3A_422 : vector<16xi32>
      tpu.vector_store_idx %arg11[%add3A_423], %gather3A_418 : memref<12288xf32, #tpu.memory_space<vmem>>[vector<16xi32>], vector<16xf32>,
      %broadcast_in_dim3A_424 = arith.constant 11 : i32
      %broadcast_in_dim3A_425 = vector.broadcast %broadcast_in_dim3A_424 : i32 to vector<16xi32>
      %gather3A_426 = arith.constant 0 : i32
      %gather3A_427 = arith.constant 0 : i32
      %gather3A_428 = tpu.memref_slice %arg10[%rem3A_113, %gather3A_426, %gather3A_427] : memref<2x64x768xf32, #tpu.memory_space<vmem>> -> memref<1x64x768xf32, #tpu.memory_space<vmem>>
      %gather3A_429 = tpu.memref_squeeze %gather3A_428 : memref<1x64x768xf32, #tpu.memory_space<vmem>> -> memref<64x768xf32, #tpu.memory_space<vmem>>
      %gather3A_430 = tpu.vector_load_idx %gather3A_429[%broadcast_in_dim3A_425, %min3A_267] : memref<64x768xf32, #tpu.memory_space<vmem>>[vector<16xi32>, vector<16xi32>], vector<16xf32>,
      %add3A_431 = vector.broadcast %mul3A_258 : i32 to vector<16xi32>
      %add3A_432 = arith.addi %add3A_431, %mul3A_273 : vector<16xi32>
      %add3A_433 = arith.constant 11 : i32
      %add3A_434 = vector.broadcast %add3A_433 : i32 to vector<16xi32>
      %add3A_435 = arith.addi %add3A_432, %add3A_434 : vector<16xi32>
      tpu.vector_store_idx %arg11[%add3A_435], %gather3A_430 : memref<12288xf32, #tpu.memory_space<vmem>>[vector<16xi32>], vector<16xf32>,
      %broadcast_in_dim3A_436 = arith.constant 12 : i32
      %broadcast_in_dim3A_437 = vector.broadcast %broadcast_in_dim3A_436 : i32 to vector<16xi32>
      %gather3A_438 = arith.constant 0 : i32
      %gather3A_439 = arith.constant 0 : i32
      %gather3A_440 = tpu.memref_slice %arg10[%rem3A_113, %gather3A_438, %gather3A_439] : memref<2x64x768xf32, #tpu.memory_space<vmem>> -> memref<1x64x768xf32, #tpu.memory_space<vmem>>
      %gather3A_441 = tpu.memref_squeeze %gather3A_440 : memref<1x64x768xf32, #tpu.memory_space<vmem>> -> memref<64x768xf32, #tpu.memory_space<vmem>>
      %gather3A_442 = tpu.vector_load_idx %gather3A_441[%broadcast_in_dim3A_437, %min3A_267] : memref<64x768xf32, #tpu.memory_space<vmem>>[vector<16xi32>, vector<16xi32>], vector<16xf32>,
      %add3A_443 = vector.broadcast %mul3A_258 : i32 to vector<16xi32>
      %add3A_444 = arith.addi %add3A_443, %mul3A_273 : vector<16xi32>
      %add3A_445 = arith.constant 12 : i32
      %add3A_446 = vector.broadcast %add3A_445 : i32 to vector<16xi32>
      %add3A_447 = arith.addi %add3A_444, %add3A_446 : vector<16xi32>
      tpu.vector_store_idx %arg11[%add3A_447], %gather3A_442 : memref<12288xf32, #tpu.memory_space<vmem>>[vector<16xi32>], vector<16xf32>,
      %broadcast_in_dim3A_448 = arith.constant 13 : i32
      %broadcast_in_dim3A_449 = vector.broadcast %broadcast_in_dim3A_448 : i32 to vector<16xi32>
      %gather3A_450 = arith.constant 0 : i32
      %gather3A_451 = arith.constant 0 : i32
      %gather3A_452 = tpu.memref_slice %arg10[%rem3A_113, %gather3A_450, %gather3A_451] : memref<2x64x768xf32, #tpu.memory_space<vmem>> -> memref<1x64x768xf32, #tpu.memory_space<vmem>>
      %gather3A_453 = tpu.memref_squeeze %gather3A_452 : memref<1x64x768xf32, #tpu.memory_space<vmem>> -> memref<64x768xf32, #tpu.memory_space<vmem>>
      %gather3A_454 = tpu.vector_load_idx %gather3A_453[%broadcast_in_dim3A_449, %min3A_267] : memref<64x768xf32, #tpu.memory_space<vmem>>[vector<16xi32>, vector<16xi32>], vector<16xf32>,
      %add3A_455 = vector.broadcast %mul3A_258 : i32 to vector<16xi32>
      %add3A_456 = arith.addi %add3A_455, %mul3A_273 : vector<16xi32>
      %add3A_457 = arith.constant 13 : i32
      %add3A_458 = vector.broadcast %add3A_457 : i32 to vector<16xi32>
      %add3A_459 = arith.addi %add3A_456, %add3A_458 : vector<16xi32>
      tpu.vector_store_idx %arg11[%add3A_459], %gather3A_454 : memref<12288xf32, #tpu.memory_space<vmem>>[vector<16xi32>], vector<16xf32>,
      %broadcast_in_dim3A_460 = arith.constant 14 : i32
      %broadcast_in_dim3A_461 = vector.broadcast %broadcast_in_dim3A_460 : i32 to vector<16xi32>
      %gather3A_462 = arith.constant 0 : i32
      %gather3A_463 = arith.constant 0 : i32
      %gather3A_464 = tpu.memref_slice %arg10[%rem3A_113, %gather3A_462, %gather3A_463] : memref<2x64x768xf32, #tpu.memory_space<vmem>> -> memref<1x64x768xf32, #tpu.memory_space<vmem>>
      %gather3A_465 = tpu.memref_squeeze %gather3A_464 : memref<1x64x768xf32, #tpu.memory_space<vmem>> -> memref<64x768xf32, #tpu.memory_space<vmem>>
      %gather3A_466 = tpu.vector_load_idx %gather3A_465[%broadcast_in_dim3A_461, %min3A_267] : memref<64x768xf32, #tpu.memory_space<vmem>>[vector<16xi32>, vector<16xi32>], vector<16xf32>,
      %add3A_467 = vector.broadcast %mul3A_258 : i32 to vector<16xi32>
      %add3A_468 = arith.addi %add3A_467, %mul3A_273 : vector<16xi32>
      %add3A_469 = arith.constant 14 : i32
      %add3A_470 = vector.broadcast %add3A_469 : i32 to vector<16xi32>
      %add3A_471 = arith.addi %add3A_468, %add3A_470 : vector<16xi32>
      tpu.vector_store_idx %arg11[%add3A_471], %gather3A_466 : memref<12288xf32, #tpu.memory_space<vmem>>[vector<16xi32>], vector<16xf32>,
      %broadcast_in_dim3A_472 = arith.constant 15 : i32
      %broadcast_in_dim3A_473 = vector.broadcast %broadcast_in_dim3A_472 : i32 to vector<16xi32>
      %gather3A_474 = arith.constant 0 : i32
      %gather3A_475 = arith.constant 0 : i32
      %gather3A_476 = tpu.memref_slice %arg10[%rem3A_113, %gather3A_474, %gather3A_475] : memref<2x64x768xf32, #tpu.memory_space<vmem>> -> memref<1x64x768xf32, #tpu.memory_space<vmem>>
      %gather3A_477 = tpu.memref_squeeze %gather3A_476 : memref<1x64x768xf32, #tpu.memory_space<vmem>> -> memref<64x768xf32, #tpu.memory_space<vmem>>
      %gather3A_478 = tpu.vector_load_idx %gather3A_477[%broadcast_in_dim3A_473, %min3A_267] : memref<64x768xf32, #tpu.memory_space<vmem>>[vector<16xi32>, vector<16xi32>], vector<16xf32>,
      %add3A_479 = vector.broadcast %mul3A_258 : i32 to vector<16xi32>
      %add3A_480 = arith.addi %add3A_479, %mul3A_273 : vector<16xi32>
      %add3A_481 = arith.constant 15 : i32
      %add3A_482 = vector.broadcast %add3A_481 : i32 to vector<16xi32>
      %add3A_483 = arith.addi %add3A_480, %add3A_482 : vector<16xi32>
      tpu.vector_store_idx %arg11[%add3A_483], %gather3A_478 : memref<12288xf32, #tpu.memory_space<vmem>>[vector<16xi32>], vector<16xf32>,
      %broadcast_in_dim3A_484 = arith.constant 16 : i32
      %broadcast_in_dim3A_485 = vector.broadcast %broadcast_in_dim3A_484 : i32 to vector<16xi32>
      %gather3A_486 = arith.constant 0 : i32
      %gather3A_487 = arith.constant 0 : i32
      %gather3A_488 = tpu.memref_slice %arg10[%rem3A_113, %gather3A_486, %gather3A_487] : memref<2x64x768xf32, #tpu.memory_space<vmem>> -> memref<1x64x768xf32, #tpu.memory_space<vmem>>
      %gather3A_489 = tpu.memref_squeeze %gather3A_488 : memref<1x64x768xf32, #tpu.memory_space<vmem>> -> memref<64x768xf32, #tpu.memory_space<vmem>>
      %gather3A_490 = tpu.vector_load_idx %gather3A_489[%broadcast_in_dim3A_485, %min3A_267] : memref<64x768xf32, #tpu.memory_space<vmem>>[vector<16xi32>, vector<16xi32>], vector<16xf32>,
      %add3A_491 = vector.broadcast %mul3A_258 : i32 to vector<16xi32>
      %add3A_492 = arith.addi %add3A_491, %mul3A_273 : vector<16xi32>
      %add3A_493 = arith.constant 16 : i32
      %add3A_494 = vector.broadcast %add3A_493 : i32 to vector<16xi32>
      %add3A_495 = arith.addi %add3A_492, %add3A_494 : vector<16xi32>
      tpu.vector_store_idx %arg11[%add3A_495], %gather3A_490 : memref<12288xf32, #tpu.memory_space<vmem>>[vector<16xi32>], vector<16xf32>,
      %broadcast_in_dim3A_496 = arith.constant 17 : i32
      %broadcast_in_dim3A_497 = vector.broadcast %broadcast_in_dim3A_496 : i32 to vector<16xi32>
      %gather3A_498 = arith.constant 0 : i32
      %gather3A_499 = arith.constant 0 : i32
      %gather3A_500 = tpu.memref_slice %arg10[%rem3A_113, %gather3A_498, %gather3A_499] : memref<2x64x768xf32, #tpu.memory_space<vmem>> -> memref<1x64x768xf32, #tpu.memory_space<vmem>>
      %gather3A_501 = tpu.memref_squeeze %gather3A_500 : memref<1x64x768xf32, #tpu.memory_space<vmem>> -> memref<64x768xf32, #tpu.memory_space<vmem>>
      %gather3A_502 = tpu.vector_load_idx %gather3A_501[%broadcast_in_dim3A_497, %min3A_267] : memref<64x768xf32, #tpu.memory_space<vmem>>[vector<16xi32>, vector<16xi32>], vector<16xf32>,
      %add3A_503 = vector.broadcast %mul3A_258 : i32 to vector<16xi32>
      %add3A_504 = arith.addi %add3A_503, %mul3A_273 : vector<16xi32>
      %add3A_505 = arith.constant 17 : i32
      %add3A_506 = vector.broadcast %add3A_505 : i32 to vector<16xi32>
      %add3A_507 = arith.addi %add3A_504, %add3A_506 : vector<16xi32>
      tpu.vector_store_idx %arg11[%add3A_507], %gather3A_502 : memref<12288xf32, #tpu.memory_space<vmem>>[vector<16xi32>], vector<16xf32>,
      %broadcast_in_dim3A_508 = arith.constant 18 : i32
      %broadcast_in_dim3A_509 = vector.broadcast %broadcast_in_dim3A_508 : i32 to vector<16xi32>
      %gather3A_510 = arith.constant 0 : i32
      %gather3A_511 = arith.constant 0 : i32
      %gather3A_512 = tpu.memref_slice %arg10[%rem3A_113, %gather3A_510, %gather3A_511] : memref<2x64x768xf32, #tpu.memory_space<vmem>> -> memref<1x64x768xf32, #tpu.memory_space<vmem>>
      %gather3A_513 = tpu.memref_squeeze %gather3A_512 : memref<1x64x768xf32, #tpu.memory_space<vmem>> -> memref<64x768xf32, #tpu.memory_space<vmem>>
      %gather3A_514 = tpu.vector_load_idx %gather3A_513[%broadcast_in_dim3A_509, %min3A_267] : memref<64x768xf32, #tpu.memory_space<vmem>>[vector<16xi32>, vector<16xi32>], vector<16xf32>,
      %add3A_515 = vector.broadcast %mul3A_258 : i32 to vector<16xi32>
      %add3A_516 = arith.addi %add3A_515, %mul3A_273 : vector<16xi32>
      %add3A_517 = arith.constant 18 : i32
      %add3A_518 = vector.broadcast %add3A_517 : i32 to vector<16xi32>
      %add3A_519 = arith.addi %add3A_516, %add3A_518 : vector<16xi32>
      tpu.vector_store_idx %arg11[%add3A_519], %gather3A_514 : memref<12288xf32, #tpu.memory_space<vmem>>[vector<16xi32>], vector<16xf32>,
      %broadcast_in_dim3A_520 = arith.constant 19 : i32
      %broadcast_in_dim3A_521 = vector.broadcast %broadcast_in_dim3A_520 : i32 to vector<16xi32>
      %gather3A_522 = arith.constant 0 : i32
      %gather3A_523 = arith.constant 0 : i32
      %gather3A_524 = tpu.memref_slice %arg10[%rem3A_113, %gather3A_522, %gather3A_523] : memref<2x64x768xf32, #tpu.memory_space<vmem>> -> memref<1x64x768xf32, #tpu.memory_space<vmem>>
      %gather3A_525 = tpu.memref_squeeze %gather3A_524 : memref<1x64x768xf32, #tpu.memory_space<vmem>> -> memref<64x768xf32, #tpu.memory_space<vmem>>
      %gather3A_526 = tpu.vector_load_idx %gather3A_525[%broadcast_in_dim3A_521, %min3A_267] : memref<64x768xf32, #tpu.memory_space<vmem>>[vector<16xi32>, vector<16xi32>], vector<16xf32>,
      %add3A_527 = vector.broadcast %mul3A_258 : i32 to vector<16xi32>
      %add3A_528 = arith.addi %add3A_527, %mul3A_273 : vector<16xi32>
      %add3A_529 = arith.constant 19 : i32
      %add3A_530 = vector.broadcast %add3A_529 : i32 to vector<16xi32>
      %add3A_531 = arith.addi %add3A_528, %add3A_530 : vector<16xi32>
      tpu.vector_store_idx %arg11[%add3A_531], %gather3A_526 : memref<12288xf32, #tpu.memory_space<vmem>>[vector<16xi32>], vector<16xf32>,
      %broadcast_in_dim3A_532 = arith.constant 20 : i32
      %broadcast_in_dim3A_533 = vector.broadcast %broadcast_in_dim3A_532 : i32 to vector<16xi32>
      %gather3A_534 = arith.constant 0 : i32
      %gather3A_535 = arith.constant 0 : i32
      %gather3A_536 = tpu.memref_slice %arg10[%rem3A_113, %gather3A_534, %gather3A_535] : memref<2x64x768xf32, #tpu.memory_space<vmem>> -> memref<1x64x768xf32, #tpu.memory_space<vmem>>
      %gather3A_537 = tpu.memref_squeeze %gather3A_536 : memref<1x64x768xf32, #tpu.memory_space<vmem>> -> memref<64x768xf32, #tpu.memory_space<vmem>>
      %gather3A_538 = tpu.vector_load_idx %gather3A_537[%broadcast_in_dim3A_533, %min3A_267] : memref<64x768xf32, #tpu.memory_space<vmem>>[vector<16xi32>, vector<16xi32>], vector<16xf32>,
      %add3A_539 = vector.broadcast %mul3A_258 : i32 to vector<16xi32>
      %add3A_540 = arith.addi %add3A_539, %mul3A_273 : vector<16xi32>
      %add3A_541 = arith.constant 20 : i32
      %add3A_542 = vector.broadcast %add3A_541 : i32 to vector<16xi32>
      %add3A_543 = arith.addi %add3A_540, %add3A_542 : vector<16xi32>
      tpu.vector_store_idx %arg11[%add3A_543], %gather3A_538 : memref<12288xf32, #tpu.memory_space<vmem>>[vector<16xi32>], vector<16xf32>,
      %broadcast_in_dim3A_544 = arith.constant 21 : i32
      %broadcast_in_dim3A_545 = vector.broadcast %broadcast_in_dim3A_544 : i32 to vector<16xi32>
      %gather3A_546 = arith.constant 0 : i32
      %gather3A_547 = arith.constant 0 : i32
      %gather3A_548 = tpu.memref_slice %arg10[%rem3A_113, %gather3A_546, %gather3A_547] : memref<2x64x768xf32, #tpu.memory_space<vmem>> -> memref<1x64x768xf32, #tpu.memory_space<vmem>>
      %gather3A_549 = tpu.memref_squeeze %gather3A_548 : memref<1x64x768xf32, #tpu.memory_space<vmem>> -> memref<64x768xf32, #tpu.memory_space<vmem>>
      %gather3A_550 = tpu.vector_load_idx %gather3A_549[%broadcast_in_dim3A_545, %min3A_267] : memref<64x768xf32, #tpu.memory_space<vmem>>[vector<16xi32>, vector<16xi32>], vector<16xf32>,
      %add3A_551 = vector.broadcast %mul3A_258 : i32 to vector<16xi32>
      %add3A_552 = arith.addi %add3A_551, %mul3A_273 : vector<16xi32>
      %add3A_553 = arith.constant 21 : i32
      %add3A_554 = vector.broadcast %add3A_553 : i32 to vector<16xi32>
      %add3A_555 = arith.addi %add3A_552, %add3A_554 : vector<16xi32>
      tpu.vector_store_idx %arg11[%add3A_555], %gather3A_550 : memref<12288xf32, #tpu.memory_space<vmem>>[vector<16xi32>], vector<16xf32>,
      %broadcast_in_dim3A_556 = arith.constant 22 : i32
      %broadcast_in_dim3A_557 = vector.broadcast %broadcast_in_dim3A_556 : i32 to vector<16xi32>
      %gather3A_558 = arith.constant 0 : i32
      %gather3A_559 = arith.constant 0 : i32
      %gather3A_560 = tpu.memref_slice %arg10[%rem3A_113, %gather3A_558, %gather3A_559] : memref<2x64x768xf32, #tpu.memory_space<vmem>> -> memref<1x64x768xf32, #tpu.memory_space<vmem>>
      %gather3A_561 = tpu.memref_squeeze %gather3A_560 : memref<1x64x768xf32, #tpu.memory_space<vmem>> -> memref<64x768xf32, #tpu.memory_space<vmem>>
      %gather3A_562 = tpu.vector_load_idx %gather3A_561[%broadcast_in_dim3A_557, %min3A_267] : memref<64x768xf32, #tpu.memory_space<vmem>>[vector<16xi32>, vector<16xi32>], vector<16xf32>,
      %add3A_563 = vector.broadcast %mul3A_258 : i32 to vector<16xi32>
      %add3A_564 = arith.addi %add3A_563, %mul3A_273 : vector<16xi32>
      %add3A_565 = arith.constant 22 : i32
      %add3A_566 = vector.broadcast %add3A_565 : i32 to vector<16xi32>
      %add3A_567 = arith.addi %add3A_564, %add3A_566 : vector<16xi32>
      tpu.vector_store_idx %arg11[%add3A_567], %gather3A_562 : memref<12288xf32, #tpu.memory_space<vmem>>[vector<16xi32>], vector<16xf32>,
      %broadcast_in_dim3A_568 = arith.constant 23 : i32
      %broadcast_in_dim3A_569 = vector.broadcast %broadcast_in_dim3A_568 : i32 to vector<16xi32>
      %gather3A_570 = arith.constant 0 : i32
      %gather3A_571 = arith.constant 0 : i32
      %gather3A_572 = tpu.memref_slice %arg10[%rem3A_113, %gather3A_570, %gather3A_571] : memref<2x64x768xf32, #tpu.memory_space<vmem>> -> memref<1x64x768xf32, #tpu.memory_space<vmem>>
      %gather3A_573 = tpu.memref_squeeze %gather3A_572 : memref<1x64x768xf32, #tpu.memory_space<vmem>> -> memref<64x768xf32, #tpu.memory_space<vmem>>
      %gather3A_574 = tpu.vector_load_idx %gather3A_573[%broadcast_in_dim3A_569, %min3A_267] : memref<64x768xf32, #tpu.memory_space<vmem>>[vector<16xi32>, vector<16xi32>], vector<16xf32>,
      %add3A_575 = vector.broadcast %mul3A_258 : i32 to vector<16xi32>
      %add3A_576 = arith.addi %add3A_575, %mul3A_273 : vector<16xi32>
      %add3A_577 = arith.constant 23 : i32
      %add3A_578 = vector.broadcast %add3A_577 : i32 to vector<16xi32>
      %add3A_579 = arith.addi %add3A_576, %add3A_578 : vector<16xi32>
      tpu.vector_store_idx %arg11[%add3A_579], %gather3A_574 : memref<12288xf32, #tpu.memory_space<vmem>>[vector<16xi32>], vector<16xf32>,
      %broadcast_in_dim3A_580 = arith.constant 24 : i32
      %broadcast_in_dim3A_581 = vector.broadcast %broadcast_in_dim3A_580 : i32 to vector<16xi32>
      %gather3A_582 = arith.constant 0 : i32
      %gather3A_583 = arith.constant 0 : i32
      %gather3A_584 = tpu.memref_slice %arg10[%rem3A_113, %gather3A_582, %gather3A_583] : memref<2x64x768xf32, #tpu.memory_space<vmem>> -> memref<1x64x768xf32, #tpu.memory_space<vmem>>
      %gather3A_585 = tpu.memref_squeeze %gather3A_584 : memref<1x64x768xf32, #tpu.memory_space<vmem>> -> memref<64x768xf32, #tpu.memory_space<vmem>>
      %gather3A_586 = tpu.vector_load_idx %gather3A_585[%broadcast_in_dim3A_581, %min3A_267] : memref<64x768xf32, #tpu.memory_space<vmem>>[vector<16xi32>, vector<16xi32>], vector<16xf32>,
      %add3A_587 = vector.broadcast %mul3A_258 : i32 to vector<16xi32>
      %add3A_588 = arith.addi %add3A_587, %mul3A_273 : vector<16xi32>
      %add3A_589 = arith.constant 24 : i32
      %add3A_590 = vector.broadcast %add3A_589 : i32 to vector<16xi32>
      %add3A_591 = arith.addi %add3A_588, %add3A_590 : vector<16xi32>
      tpu.vector_store_idx %arg11[%add3A_591], %gather3A_586 : memref<12288xf32, #tpu.memory_space<vmem>>[vector<16xi32>], vector<16xf32>,
      %broadcast_in_dim3A_592 = arith.constant 25 : i32
      %broadcast_in_dim3A_593 = vector.broadcast %broadcast_in_dim3A_592 : i32 to vector<16xi32>
      %gather3A_594 = arith.constant 0 : i32
      %gather3A_595 = arith.constant 0 : i32
      %gather3A_596 = tpu.memref_slice %arg10[%rem3A_113, %gather3A_594, %gather3A_595] : memref<2x64x768xf32, #tpu.memory_space<vmem>> -> memref<1x64x768xf32, #tpu.memory_space<vmem>>
      %gather3A_597 = tpu.memref_squeeze %gather3A_596 : memref<1x64x768xf32, #tpu.memory_space<vmem>> -> memref<64x768xf32, #tpu.memory_space<vmem>>
      %gather3A_598 = tpu.vector_load_idx %gather3A_597[%broadcast_in_dim3A_593, %min3A_267] : memref<64x768xf32, #tpu.memory_space<vmem>>[vector<16xi32>, vector<16xi32>], vector<16xf32>,
      %add3A_599 = vector.broadcast %mul3A_258 : i32 to vector<16xi32>
      %add3A_600 = arith.addi %add3A_599, %mul3A_273 : vector<16xi32>
      %add3A_601 = arith.constant 25 : i32
      %add3A_602 = vector.broadcast %add3A_601 : i32 to vector<16xi32>
      %add3A_603 = arith.addi %add3A_600, %add3A_602 : vector<16xi32>
      tpu.vector_store_idx %arg11[%add3A_603], %gather3A_598 : memref<12288xf32, #tpu.memory_space<vmem>>[vector<16xi32>], vector<16xf32>,
      %broadcast_in_dim3A_604 = arith.constant 26 : i32
      %broadcast_in_dim3A_605 = vector.broadcast %broadcast_in_dim3A_604 : i32 to vector<16xi32>
      %gather3A_606 = arith.constant 0 : i32
      %gather3A_607 = arith.constant 0 : i32
      %gather3A_608 = tpu.memref_slice %arg10[%rem3A_113, %gather3A_606, %gather3A_607] : memref<2x64x768xf32, #tpu.memory_space<vmem>> -> memref<1x64x768xf32, #tpu.memory_space<vmem>>
      %gather3A_609 = tpu.memref_squeeze %gather3A_608 : memref<1x64x768xf32, #tpu.memory_space<vmem>> -> memref<64x768xf32, #tpu.memory_space<vmem>>
      %gather3A_610 = tpu.vector_load_idx %gather3A_609[%broadcast_in_dim3A_605, %min3A_267] : memref<64x768xf32, #tpu.memory_space<vmem>>[vector<16xi32>, vector<16xi32>], vector<16xf32>,
      %add3A_611 = vector.broadcast %mul3A_258 : i32 to vector<16xi32>
      %add3A_612 = arith.addi %add3A_611, %mul3A_273 : vector<16xi32>
      %add3A_613 = arith.constant 26 : i32
      %add3A_614 = vector.broadcast %add3A_613 : i32 to vector<16xi32>
      %add3A_615 = arith.addi %add3A_612, %add3A_614 : vector<16xi32>
      tpu.vector_store_idx %arg11[%add3A_615], %gather3A_610 : memref<12288xf32, #tpu.memory_space<vmem>>[vector<16xi32>], vector<16xf32>,
      %broadcast_in_dim3A_616 = arith.constant 27 : i32
      %broadcast_in_dim3A_617 = vector.broadcast %broadcast_in_dim3A_616 : i32 to vector<16xi32>
      %gather3A_618 = arith.constant 0 : i32
      %gather3A_619 = arith.constant 0 : i32
      %gather3A_620 = tpu.memref_slice %arg10[%rem3A_113, %gather3A_618, %gather3A_619] : memref<2x64x768xf32, #tpu.memory_space<vmem>> -> memref<1x64x768xf32, #tpu.memory_space<vmem>>
      %gather3A_621 = tpu.memref_squeeze %gather3A_620 : memref<1x64x768xf32, #tpu.memory_space<vmem>> -> memref<64x768xf32, #tpu.memory_space<vmem>>
      %gather3A_622 = tpu.vector_load_idx %gather3A_621[%broadcast_in_dim3A_617, %min3A_267] : memref<64x768xf32, #tpu.memory_space<vmem>>[vector<16xi32>, vector<16xi32>], vector<16xf32>,
      %add3A_623 = vector.broadcast %mul3A_258 : i32 to vector<16xi32>
      %add3A_624 = arith.addi %add3A_623, %mul3A_273 : vector<16xi32>
      %add3A_625 = arith.constant 27 : i32
      %add3A_626 = vector.broadcast %add3A_625 : i32 to vector<16xi32>
      %add3A_627 = arith.addi %add3A_624, %add3A_626 : vector<16xi32>
      tpu.vector_store_idx %arg11[%add3A_627], %gather3A_622 : memref<12288xf32, #tpu.memory_space<vmem>>[vector<16xi32>], vector<16xf32>,
      %broadcast_in_dim3A_628 = arith.constant 28 : i32
      %broadcast_in_dim3A_629 = vector.broadcast %broadcast_in_dim3A_628 : i32 to vector<16xi32>
      %gather3A_630 = arith.constant 0 : i32
      %gather3A_631 = arith.constant 0 : i32
      %gather3A_632 = tpu.memref_slice %arg10[%rem3A_113, %gather3A_630, %gather3A_631] : memref<2x64x768xf32, #tpu.memory_space<vmem>> -> memref<1x64x768xf32, #tpu.memory_space<vmem>>
      %gather3A_633 = tpu.memref_squeeze %gather3A_632 : memref<1x64x768xf32, #tpu.memory_space<vmem>> -> memref<64x768xf32, #tpu.memory_space<vmem>>
      %gather3A_634 = tpu.vector_load_idx %gather3A_633[%broadcast_in_dim3A_629, %min3A_267] : memref<64x768xf32, #tpu.memory_space<vmem>>[vector<16xi32>, vector<16xi32>], vector<16xf32>,
      %add3A_635 = vector.broadcast %mul3A_258 : i32 to vector<16xi32>
      %add3A_636 = arith.addi %add3A_635, %mul3A_273 : vector<16xi32>
      %add3A_637 = arith.constant 28 : i32
      %add3A_638 = vector.broadcast %add3A_637 : i32 to vector<16xi32>
      %add3A_639 = arith.addi %add3A_636, %add3A_638 : vector<16xi32>
      tpu.vector_store_idx %arg11[%add3A_639], %gather3A_634 : memref<12288xf32, #tpu.memory_space<vmem>>[vector<16xi32>], vector<16xf32>,
      %broadcast_in_dim3A_640 = arith.constant 29 : i32
      %broadcast_in_dim3A_641 = vector.broadcast %broadcast_in_dim3A_640 : i32 to vector<16xi32>
      %gather3A_642 = arith.constant 0 : i32
      %gather3A_643 = arith.constant 0 : i32
      %gather3A_644 = tpu.memref_slice %arg10[%rem3A_113, %gather3A_642, %gather3A_643] : memref<2x64x768xf32, #tpu.memory_space<vmem>> -> memref<1x64x768xf32, #tpu.memory_space<vmem>>
      %gather3A_645 = tpu.memref_squeeze %gather3A_644 : memref<1x64x768xf32, #tpu.memory_space<vmem>> -> memref<64x768xf32, #tpu.memory_space<vmem>>
      %gather3A_646 = tpu.vector_load_idx %gather3A_645[%broadcast_in_dim3A_641, %min3A_267] : memref<64x768xf32, #tpu.memory_space<vmem>>[vector<16xi32>, vector<16xi32>], vector<16xf32>,
      %add3A_647 = vector.broadcast %mul3A_258 : i32 to vector<16xi32>
      %add3A_648 = arith.addi %add3A_647, %mul3A_273 : vector<16xi32>
      %add3A_649 = arith.constant 29 : i32
      %add3A_650 = vector.broadcast %add3A_649 : i32 to vector<16xi32>
      %add3A_651 = arith.addi %add3A_648, %add3A_650 : vector<16xi32>
      tpu.vector_store_idx %arg11[%add3A_651], %gather3A_646 : memref<12288xf32, #tpu.memory_space<vmem>>[vector<16xi32>], vector<16xf32>,
      %broadcast_in_dim3A_652 = arith.constant 30 : i32
      %broadcast_in_dim3A_653 = vector.broadcast %broadcast_in_dim3A_652 : i32 to vector<16xi32>
      %gather3A_654 = arith.constant 0 : i32
      %gather3A_655 = arith.constant 0 : i32
      %gather3A_656 = tpu.memref_slice %arg10[%rem3A_113, %gather3A_654, %gather3A_655] : memref<2x64x768xf32, #tpu.memory_space<vmem>> -> memref<1x64x768xf32, #tpu.memory_space<vmem>>
      %gather3A_657 = tpu.memref_squeeze %gather3A_656 : memref<1x64x768xf32, #tpu.memory_space<vmem>> -> memref<64x768xf32, #tpu.memory_space<vmem>>
      %gather3A_658 = tpu.vector_load_idx %gather3A_657[%broadcast_in_dim3A_653, %min3A_267] : memref<64x768xf32, #tpu.memory_space<vmem>>[vector<16xi32>, vector<16xi32>], vector<16xf32>,
      %add3A_659 = vector.broadcast %mul3A_258 : i32 to vector<16xi32>
      %add3A_660 = arith.addi %add3A_659, %mul3A_273 : vector<16xi32>
      %add3A_661 = arith.constant 30 : i32
      %add3A_662 = vector.broadcast %add3A_661 : i32 to vector<16xi32>
      %add3A_663 = arith.addi %add3A_660, %add3A_662 : vector<16xi32>
      tpu.vector_store_idx %arg11[%add3A_663], %gather3A_658 : memref<12288xf32, #tpu.memory_space<vmem>>[vector<16xi32>], vector<16xf32>,
      %broadcast_in_dim3A_664 = arith.constant 31 : i32
      %broadcast_in_dim3A_665 = vector.broadcast %broadcast_in_dim3A_664 : i32 to vector<16xi32>
      %gather3A_666 = arith.constant 0 : i32
      %gather3A_667 = arith.constant 0 : i32
      %gather3A_668 = tpu.memref_slice %arg10[%rem3A_113, %gather3A_666, %gather3A_667] : memref<2x64x768xf32, #tpu.memory_space<vmem>> -> memref<1x64x768xf32, #tpu.memory_space<vmem>>
      %gather3A_669 = tpu.memref_squeeze %gather3A_668 : memref<1x64x768xf32, #tpu.memory_space<vmem>> -> memref<64x768xf32, #tpu.memory_space<vmem>>
      %gather3A_670 = tpu.vector_load_idx %gather3A_669[%broadcast_in_dim3A_665, %min3A_267] : memref<64x768xf32, #tpu.memory_space<vmem>>[vector<16xi32>, vector<16xi32>], vector<16xf32>,
      %add3A_671 = vector.broadcast %mul3A_258 : i32 to vector<16xi32>
      %add3A_672 = arith.addi %add3A_671, %mul3A_273 : vector<16xi32>
      %add3A_673 = arith.constant 31 : i32
      %add3A_674 = vector.broadcast %add3A_673 : i32 to vector<16xi32>
      %add3A_675 = arith.addi %add3A_672, %add3A_674 : vector<16xi32>
      tpu.vector_store_idx %arg11[%add3A_675], %gather3A_670 : memref<12288xf32, #tpu.memory_space<vmem>>[vector<16xi32>], vector<16xf32>,
      %broadcast_in_dim3A_676 = arith.constant 32 : i32
      %broadcast_in_dim3A_677 = vector.broadcast %broadcast_in_dim3A_676 : i32 to vector<16xi32>
      %gather3A_678 = arith.constant 0 : i32
      %gather3A_679 = arith.constant 0 : i32
      %gather3A_680 = tpu.memref_slice %arg10[%rem3A_113, %gather3A_678, %gather3A_679] : memref<2x64x768xf32, #tpu.memory_space<vmem>> -> memref<1x64x768xf32, #tpu.memory_space<vmem>>
      %gather3A_681 = tpu.memref_squeeze %gather3A_680 : memref<1x64x768xf32, #tpu.memory_space<vmem>> -> memref<64x768xf32, #tpu.memory_space<vmem>>
      %gather3A_682 = tpu.vector_load_idx %gather3A_681[%broadcast_in_dim3A_677, %min3A_267] : memref<64x768xf32, #tpu.memory_space<vmem>>[vector<16xi32>, vector<16xi32>], vector<16xf32>,
      %add3A_683 = vector.broadcast %mul3A_258 : i32 to vector<16xi32>
      %add3A_684 = arith.addi %add3A_683, %mul3A_273 : vector<16xi32>
      %add3A_685 = arith.constant 32 : i32
      %add3A_686 = vector.broadcast %add3A_685 : i32 to vector<16xi32>
      %add3A_687 = arith.addi %add3A_684, %add3A_686 : vector<16xi32>
      tpu.vector_store_idx %arg11[%add3A_687], %gather3A_682 : memref<12288xf32, #tpu.memory_space<vmem>>[vector<16xi32>], vector<16xf32>,
      %broadcast_in_dim3A_688 = arith.constant 33 : i32
      %broadcast_in_dim3A_689 = vector.broadcast %broadcast_in_dim3A_688 : i32 to vector<16xi32>
      %gather3A_690 = arith.constant 0 : i32
      %gather3A_691 = arith.constant 0 : i32
      %gather3A_692 = tpu.memref_slice %arg10[%rem3A_113, %gather3A_690, %gather3A_691] : memref<2x64x768xf32, #tpu.memory_space<vmem>> -> memref<1x64x768xf32, #tpu.memory_space<vmem>>
      %gather3A_693 = tpu.memref_squeeze %gather3A_692 : memref<1x64x768xf32, #tpu.memory_space<vmem>> -> memref<64x768xf32, #tpu.memory_space<vmem>>
      %gather3A_694 = tpu.vector_load_idx %gather3A_693[%broadcast_in_dim3A_689, %min3A_267] : memref<64x768xf32, #tpu.memory_space<vmem>>[vector<16xi32>, vector<16xi32>], vector<16xf32>,
      %add3A_695 = vector.broadcast %mul3A_258 : i32 to vector<16xi32>
      %add3A_696 = arith.addi %add3A_695, %mul3A_273 : vector<16xi32>
      %add3A_697 = arith.constant 33 : i32
      %add3A_698 = vector.broadcast %add3A_697 : i32 to vector<16xi32>
      %add3A_699 = arith.addi %add3A_696, %add3A_698 : vector<16xi32>
      tpu.vector_store_idx %arg11[%add3A_699], %gather3A_694 : memref<12288xf32, #tpu.memory_space<vmem>>[vector<16xi32>], vector<16xf32>,
      %broadcast_in_dim3A_700 = arith.constant 34 : i32
      %broadcast_in_dim3A_701 = vector.broadcast %broadcast_in_dim3A_700 : i32 to vector<16xi32>
      %gather3A_702 = arith.constant 0 : i32
      %gather3A_703 = arith.constant 0 : i32
      %gather3A_704 = tpu.memref_slice %arg10[%rem3A_113, %gather3A_702, %gather3A_703] : memref<2x64x768xf32, #tpu.memory_space<vmem>> -> memref<1x64x768xf32, #tpu.memory_space<vmem>>
      %gather3A_705 = tpu.memref_squeeze %gather3A_704 : memref<1x64x768xf32, #tpu.memory_space<vmem>> -> memref<64x768xf32, #tpu.memory_space<vmem>>
      %gather3A_706 = tpu.vector_load_idx %gather3A_705[%broadcast_in_dim3A_701, %min3A_267] : memref<64x768xf32, #tpu.memory_space<vmem>>[vector<16xi32>, vector<16xi32>], vector<16xf32>,
      %add3A_707 = vector.broadcast %mul3A_258 : i32 to vector<16xi32>
      %add3A_708 = arith.addi %add3A_707, %mul3A_273 : vector<16xi32>
      %add3A_709 = arith.constant 34 : i32
      %add3A_710 = vector.broadcast %add3A_709 : i32 to vector<16xi32>
      %add3A_711 = arith.addi %add3A_708, %add3A_710 : vector<16xi32>
      tpu.vector_store_idx %arg11[%add3A_711], %gather3A_706 : memref<12288xf32, #tpu.memory_space<vmem>>[vector<16xi32>], vector<16xf32>,
      %broadcast_in_dim3A_712 = arith.constant 35 : i32
      %broadcast_in_dim3A_713 = vector.broadcast %broadcast_in_dim3A_712 : i32 to vector<16xi32>
      %gather3A_714 = arith.constant 0 : i32
      %gather3A_715 = arith.constant 0 : i32
      %gather3A_716 = tpu.memref_slice %arg10[%rem3A_113, %gather3A_714, %gather3A_715] : memref<2x64x768xf32, #tpu.memory_space<vmem>> -> memref<1x64x768xf32, #tpu.memory_space<vmem>>
      %gather3A_717 = tpu.memref_squeeze %gather3A_716 : memref<1x64x768xf32, #tpu.memory_space<vmem>> -> memref<64x768xf32, #tpu.memory_space<vmem>>
      %gather3A_718 = tpu.vector_load_idx %gather3A_717[%broadcast_in_dim3A_713, %min3A_267] : memref<64x768xf32, #tpu.memory_space<vmem>>[vector<16xi32>, vector<16xi32>], vector<16xf32>,
      %add3A_719 = vector.broadcast %mul3A_258 : i32 to vector<16xi32>
      %add3A_720 = arith.addi %add3A_719, %mul3A_273 : vector<16xi32>
      %add3A_721 = arith.constant 35 : i32
      %add3A_722 = vector.broadcast %add3A_721 : i32 to vector<16xi32>
      %add3A_723 = arith.addi %add3A_720, %add3A_722 : vector<16xi32>
      tpu.vector_store_idx %arg11[%add3A_723], %gather3A_718 : memref<12288xf32, #tpu.memory_space<vmem>>[vector<16xi32>], vector<16xf32>,
      %broadcast_in_dim3A_724 = arith.constant 36 : i32
      %broadcast_in_dim3A_725 = vector.broadcast %broadcast_in_dim3A_724 : i32 to vector<16xi32>
      %gather3A_726 = arith.constant 0 : i32
      %gather3A_727 = arith.constant 0 : i32
      %gather3A_728 = tpu.memref_slice %arg10[%rem3A_113, %gather3A_726, %gather3A_727] : memref<2x64x768xf32, #tpu.memory_space<vmem>> -> memref<1x64x768xf32, #tpu.memory_space<vmem>>
      %gather3A_729 = tpu.memref_squeeze %gather3A_728 : memref<1x64x768xf32, #tpu.memory_space<vmem>> -> memref<64x768xf32, #tpu.memory_space<vmem>>
      %gather3A_730 = tpu.vector_load_idx %gather3A_729[%broadcast_in_dim3A_725, %min3A_267] : memref<64x768xf32, #tpu.memory_space<vmem>>[vector<16xi32>, vector<16xi32>], vector<16xf32>,
      %add3A_731 = vector.broadcast %mul3A_258 : i32 to vector<16xi32>
      %add3A_732 = arith.addi %add3A_731, %mul3A_273 : vector<16xi32>
      %add3A_733 = arith.constant 36 : i32
      %add3A_734 = vector.broadcast %add3A_733 : i32 to vector<16xi32>
      %add3A_735 = arith.addi %add3A_732, %add3A_734 : vector<16xi32>
      tpu.vector_store_idx %arg11[%add3A_735], %gather3A_730 : memref<12288xf32, #tpu.memory_space<vmem>>[vector<16xi32>], vector<16xf32>,
      %broadcast_in_dim3A_736 = arith.constant 37 : i32
      %broadcast_in_dim3A_737 = vector.broadcast %broadcast_in_dim3A_736 : i32 to vector<16xi32>
      %gather3A_738 = arith.constant 0 : i32
      %gather3A_739 = arith.constant 0 : i32
      %gather3A_740 = tpu.memref_slice %arg10[%rem3A_113, %gather3A_738, %gather3A_739] : memref<2x64x768xf32, #tpu.memory_space<vmem>> -> memref<1x64x768xf32, #tpu.memory_space<vmem>>
      %gather3A_741 = tpu.memref_squeeze %gather3A_740 : memref<1x64x768xf32, #tpu.memory_space<vmem>> -> memref<64x768xf32, #tpu.memory_space<vmem>>
      %gather3A_742 = tpu.vector_load_idx %gather3A_741[%broadcast_in_dim3A_737, %min3A_267] : memref<64x768xf32, #tpu.memory_space<vmem>>[vector<16xi32>, vector<16xi32>], vector<16xf32>,
      %add3A_743 = vector.broadcast %mul3A_258 : i32 to vector<16xi32>
      %add3A_744 = arith.addi %add3A_743, %mul3A_273 : vector<16xi32>
      %add3A_745 = arith.constant 37 : i32
      %add3A_746 = vector.broadcast %add3A_745 : i32 to vector<16xi32>
      %add3A_747 = arith.addi %add3A_744, %add3A_746 : vector<16xi32>
      tpu.vector_store_idx %arg11[%add3A_747], %gather3A_742 : memref<12288xf32, #tpu.memory_space<vmem>>[vector<16xi32>], vector<16xf32>,
      %broadcast_in_dim3A_748 = arith.constant 38 : i32
      %broadcast_in_dim3A_749 = vector.broadcast %broadcast_in_dim3A_748 : i32 to vector<16xi32>
      %gather3A_750 = arith.constant 0 : i32
      %gather3A_751 = arith.constant 0 : i32
      %gather3A_752 = tpu.memref_slice %arg10[%rem3A_113, %gather3A_750, %gather3A_751] : memref<2x64x768xf32, #tpu.memory_space<vmem>> -> memref<1x64x768xf32, #tpu.memory_space<vmem>>
      %gather3A_753 = tpu.memref_squeeze %gather3A_752 : memref<1x64x768xf32, #tpu.memory_space<vmem>> -> memref<64x768xf32, #tpu.memory_space<vmem>>
      %gather3A_754 = tpu.vector_load_idx %gather3A_753[%broadcast_in_dim3A_749, %min3A_267] : memref<64x768xf32, #tpu.memory_space<vmem>>[vector<16xi32>, vector<16xi32>], vector<16xf32>,
      %add3A_755 = vector.broadcast %mul3A_258 : i32 to vector<16xi32>
      %add3A_756 = arith.addi %add3A_755, %mul3A_273 : vector<16xi32>
      %add3A_757 = arith.constant 38 : i32
      %add3A_758 = vector.broadcast %add3A_757 : i32 to vector<16xi32>
      %add3A_759 = arith.addi %add3A_756, %add3A_758 : vector<16xi32>
      tpu.vector_store_idx %arg11[%add3A_759], %gather3A_754 : memref<12288xf32, #tpu.memory_space<vmem>>[vector<16xi32>], vector<16xf32>,
      %broadcast_in_dim3A_760 = arith.constant 39 : i32
      %broadcast_in_dim3A_761 = vector.broadcast %broadcast_in_dim3A_760 : i32 to vector<16xi32>
      %gather3A_762 = arith.constant 0 : i32
      %gather3A_763 = arith.constant 0 : i32
      %gather3A_764 = tpu.memref_slice %arg10[%rem3A_113, %gather3A_762, %gather3A_763] : memref<2x64x768xf32, #tpu.memory_space<vmem>> -> memref<1x64x768xf32, #tpu.memory_space<vmem>>
      %gather3A_765 = tpu.memref_squeeze %gather3A_764 : memref<1x64x768xf32, #tpu.memory_space<vmem>> -> memref<64x768xf32, #tpu.memory_space<vmem>>
      %gather3A_766 = tpu.vector_load_idx %gather3A_765[%broadcast_in_dim3A_761, %min3A_267] : memref<64x768xf32, #tpu.memory_space<vmem>>[vector<16xi32>, vector<16xi32>], vector<16xf32>,
      %add3A_767 = vector.broadcast %mul3A_258 : i32 to vector<16xi32>
      %add3A_768 = arith.addi %add3A_767, %mul3A_273 : vector<16xi32>
      %add3A_769 = arith.constant 39 : i32
      %add3A_770 = vector.broadcast %add3A_769 : i32 to vector<16xi32>
      %add3A_771 = arith.addi %add3A_768, %add3A_770 : vector<16xi32>
      tpu.vector_store_idx %arg11[%add3A_771], %gather3A_766 : memref<12288xf32, #tpu.memory_space<vmem>>[vector<16xi32>], vector<16xf32>,
      %broadcast_in_dim3A_772 = arith.constant 40 : i32
      %broadcast_in_dim3A_773 = vector.broadcast %broadcast_in_dim3A_772 : i32 to vector<16xi32>
      %gather3A_774 = arith.constant 0 : i32
      %gather3A_775 = arith.constant 0 : i32
      %gather3A_776 = tpu.memref_slice %arg10[%rem3A_113, %gather3A_774, %gather3A_775] : memref<2x64x768xf32, #tpu.memory_space<vmem>> -> memref<1x64x768xf32, #tpu.memory_space<vmem>>
      %gather3A_777 = tpu.memref_squeeze %gather3A_776 : memref<1x64x768xf32, #tpu.memory_space<vmem>> -> memref<64x768xf32, #tpu.memory_space<vmem>>
      %gather3A_778 = tpu.vector_load_idx %gather3A_777[%broadcast_in_dim3A_773, %min3A_267] : memref<64x768xf32, #tpu.memory_space<vmem>>[vector<16xi32>, vector<16xi32>], vector<16xf32>,
      %add3A_779 = vector.broadcast %mul3A_258 : i32 to vector<16xi32>
      %add3A_780 = arith.addi %add3A_779, %mul3A_273 : vector<16xi32>
      %add3A_781 = arith.constant 40 : i32
      %add3A_782 = vector.broadcast %add3A_781 : i32 to vector<16xi32>
      %add3A_783 = arith.addi %add3A_780, %add3A_782 : vector<16xi32>
      tpu.vector_store_idx %arg11[%add3A_783], %gather3A_778 : memref<12288xf32, #tpu.memory_space<vmem>>[vector<16xi32>], vector<16xf32>,
      %broadcast_in_dim3A_784 = arith.constant 41 : i32
      %broadcast_in_dim3A_785 = vector.broadcast %broadcast_in_dim3A_784 : i32 to vector<16xi32>
      %gather3A_786 = arith.constant 0 : i32
      %gather3A_787 = arith.constant 0 : i32
      %gather3A_788 = tpu.memref_slice %arg10[%rem3A_113, %gather3A_786, %gather3A_787] : memref<2x64x768xf32, #tpu.memory_space<vmem>> -> memref<1x64x768xf32, #tpu.memory_space<vmem>>
      %gather3A_789 = tpu.memref_squeeze %gather3A_788 : memref<1x64x768xf32, #tpu.memory_space<vmem>> -> memref<64x768xf32, #tpu.memory_space<vmem>>
      %gather3A_790 = tpu.vector_load_idx %gather3A_789[%broadcast_in_dim3A_785, %min3A_267] : memref<64x768xf32, #tpu.memory_space<vmem>>[vector<16xi32>, vector<16xi32>], vector<16xf32>,
      %add3A_791 = vector.broadcast %mul3A_258 : i32 to vector<16xi32>
      %add3A_792 = arith.addi %add3A_791, %mul3A_273 : vector<16xi32>
      %add3A_793 = arith.constant 41 : i32
      %add3A_794 = vector.broadcast %add3A_793 : i32 to vector<16xi32>
      %add3A_795 = arith.addi %add3A_792, %add3A_794 : vector<16xi32>
      tpu.vector_store_idx %arg11[%add3A_795], %gather3A_790 : memref<12288xf32, #tpu.memory_space<vmem>>[vector<16xi32>], vector<16xf32>,
      %broadcast_in_dim3A_796 = arith.constant 42 : i32
      %broadcast_in_dim3A_797 = vector.broadcast %broadcast_in_dim3A_796 : i32 to vector<16xi32>
      %gather3A_798 = arith.constant 0 : i32
      %gather3A_799 = arith.constant 0 : i32
      %gather3A_800 = tpu.memref_slice %arg10[%rem3A_113, %gather3A_798, %gather3A_799] : memref<2x64x768xf32, #tpu.memory_space<vmem>> -> memref<1x64x768xf32, #tpu.memory_space<vmem>>
      %gather3A_801 = tpu.memref_squeeze %gather3A_800 : memref<1x64x768xf32, #tpu.memory_space<vmem>> -> memref<64x768xf32, #tpu.memory_space<vmem>>
      %gather3A_802 = tpu.vector_load_idx %gather3A_801[%broadcast_in_dim3A_797, %min3A_267] : memref<64x768xf32, #tpu.memory_space<vmem>>[vector<16xi32>, vector<16xi32>], vector<16xf32>,
      %add3A_803 = vector.broadcast %mul3A_258 : i32 to vector<16xi32>
      %add3A_804 = arith.addi %add3A_803, %mul3A_273 : vector<16xi32>
      %add3A_805 = arith.constant 42 : i32
      %add3A_806 = vector.broadcast %add3A_805 : i32 to vector<16xi32>
      %add3A_807 = arith.addi %add3A_804, %add3A_806 : vector<16xi32>
      tpu.vector_store_idx %arg11[%add3A_807], %gather3A_802 : memref<12288xf32, #tpu.memory_space<vmem>>[vector<16xi32>], vector<16xf32>,
      %broadcast_in_dim3A_808 = arith.constant 43 : i32
      %broadcast_in_dim3A_809 = vector.broadcast %broadcast_in_dim3A_808 : i32 to vector<16xi32>
      %gather3A_810 = arith.constant 0 : i32
      %gather3A_811 = arith.constant 0 : i32
      %gather3A_812 = tpu.memref_slice %arg10[%rem3A_113, %gather3A_810, %gather3A_811] : memref<2x64x768xf32, #tpu.memory_space<vmem>> -> memref<1x64x768xf32, #tpu.memory_space<vmem>>
      %gather3A_813 = tpu.memref_squeeze %gather3A_812 : memref<1x64x768xf32, #tpu.memory_space<vmem>> -> memref<64x768xf32, #tpu.memory_space<vmem>>
      %gather3A_814 = tpu.vector_load_idx %gather3A_813[%broadcast_in_dim3A_809, %min3A_267] : memref<64x768xf32, #tpu.memory_space<vmem>>[vector<16xi32>, vector<16xi32>], vector<16xf32>,
      %add3A_815 = vector.broadcast %mul3A_258 : i32 to vector<16xi32>
      %add3A_816 = arith.addi %add3A_815, %mul3A_273 : vector<16xi32>
      %add3A_817 = arith.constant 43 : i32
      %add3A_818 = vector.broadcast %add3A_817 : i32 to vector<16xi32>
      %add3A_819 = arith.addi %add3A_816, %add3A_818 : vector<16xi32>
      tpu.vector_store_idx %arg11[%add3A_819], %gather3A_814 : memref<12288xf32, #tpu.memory_space<vmem>>[vector<16xi32>], vector<16xf32>,
      %broadcast_in_dim3A_820 = arith.constant 44 : i32
      %broadcast_in_dim3A_821 = vector.broadcast %broadcast_in_dim3A_820 : i32 to vector<16xi32>
      %gather3A_822 = arith.constant 0 : i32
      %gather3A_823 = arith.constant 0 : i32
      %gather3A_824 = tpu.memref_slice %arg10[%rem3A_113, %gather3A_822, %gather3A_823] : memref<2x64x768xf32, #tpu.memory_space<vmem>> -> memref<1x64x768xf32, #tpu.memory_space<vmem>>
      %gather3A_825 = tpu.memref_squeeze %gather3A_824 : memref<1x64x768xf32, #tpu.memory_space<vmem>> -> memref<64x768xf32, #tpu.memory_space<vmem>>
      %gather3A_826 = tpu.vector_load_idx %gather3A_825[%broadcast_in_dim3A_821, %min3A_267] : memref<64x768xf32, #tpu.memory_space<vmem>>[vector<16xi32>, vector<16xi32>], vector<16xf32>,
      %add3A_827 = vector.broadcast %mul3A_258 : i32 to vector<16xi32>
      %add3A_828 = arith.addi %add3A_827, %mul3A_273 : vector<16xi32>
      %add3A_829 = arith.constant 44 : i32
      %add3A_830 = vector.broadcast %add3A_829 : i32 to vector<16xi32>
      %add3A_831 = arith.addi %add3A_828, %add3A_830 : vector<16xi32>
      tpu.vector_store_idx %arg11[%add3A_831], %gather3A_826 : memref<12288xf32, #tpu.memory_space<vmem>>[vector<16xi32>], vector<16xf32>,
      %broadcast_in_dim3A_832 = arith.constant 45 : i32
      %broadcast_in_dim3A_833 = vector.broadcast %broadcast_in_dim3A_832 : i32 to vector<16xi32>
      %gather3A_834 = arith.constant 0 : i32
      %gather3A_835 = arith.constant 0 : i32
      %gather3A_836 = tpu.memref_slice %arg10[%rem3A_113, %gather3A_834, %gather3A_835] : memref<2x64x768xf32, #tpu.memory_space<vmem>> -> memref<1x64x768xf32, #tpu.memory_space<vmem>>
      %gather3A_837 = tpu.memref_squeeze %gather3A_836 : memref<1x64x768xf32, #tpu.memory_space<vmem>> -> memref<64x768xf32, #tpu.memory_space<vmem>>
      %gather3A_838 = tpu.vector_load_idx %gather3A_837[%broadcast_in_dim3A_833, %min3A_267] : memref<64x768xf32, #tpu.memory_space<vmem>>[vector<16xi32>, vector<16xi32>], vector<16xf32>,
      %add3A_839 = vector.broadcast %mul3A_258 : i32 to vector<16xi32>
      %add3A_840 = arith.addi %add3A_839, %mul3A_273 : vector<16xi32>
      %add3A_841 = arith.constant 45 : i32
      %add3A_842 = vector.broadcast %add3A_841 : i32 to vector<16xi32>
      %add3A_843 = arith.addi %add3A_840, %add3A_842 : vector<16xi32>
      tpu.vector_store_idx %arg11[%add3A_843], %gather3A_838 : memref<12288xf32, #tpu.memory_space<vmem>>[vector<16xi32>], vector<16xf32>,
      %broadcast_in_dim3A_844 = arith.constant 46 : i32
      %broadcast_in_dim3A_845 = vector.broadcast %broadcast_in_dim3A_844 : i32 to vector<16xi32>
      %gather3A_846 = arith.constant 0 : i32
      %gather3A_847 = arith.constant 0 : i32
      %gather3A_848 = tpu.memref_slice %arg10[%rem3A_113, %gather3A_846, %gather3A_847] : memref<2x64x768xf32, #tpu.memory_space<vmem>> -> memref<1x64x768xf32, #tpu.memory_space<vmem>>
      %gather3A_849 = tpu.memref_squeeze %gather3A_848 : memref<1x64x768xf32, #tpu.memory_space<vmem>> -> memref<64x768xf32, #tpu.memory_space<vmem>>
      %gather3A_850 = tpu.vector_load_idx %gather3A_849[%broadcast_in_dim3A_845, %min3A_267] : memref<64x768xf32, #tpu.memory_space<vmem>>[vector<16xi32>, vector<16xi32>], vector<16xf32>,
      %add3A_851 = vector.broadcast %mul3A_258 : i32 to vector<16xi32>
      %add3A_852 = arith.addi %add3A_851, %mul3A_273 : vector<16xi32>
      %add3A_853 = arith.constant 46 : i32
      %add3A_854 = vector.broadcast %add3A_853 : i32 to vector<16xi32>
      %add3A_855 = arith.addi %add3A_852, %add3A_854 : vector<16xi32>
      tpu.vector_store_idx %arg11[%add3A_855], %gather3A_850 : memref<12288xf32, #tpu.memory_space<vmem>>[vector<16xi32>], vector<16xf32>,
      %broadcast_in_dim3A_856 = arith.constant 47 : i32
      %broadcast_in_dim3A_857 = vector.broadcast %broadcast_in_dim3A_856 : i32 to vector<16xi32>
      %gather3A_858 = arith.constant 0 : i32
      %gather3A_859 = arith.constant 0 : i32
      %gather3A_860 = tpu.memref_slice %arg10[%rem3A_113, %gather3A_858, %gather3A_859] : memref<2x64x768xf32, #tpu.memory_space<vmem>> -> memref<1x64x768xf32, #tpu.memory_space<vmem>>
      %gather3A_861 = tpu.memref_squeeze %gather3A_860 : memref<1x64x768xf32, #tpu.memory_space<vmem>> -> memref<64x768xf32, #tpu.memory_space<vmem>>
      %gather3A_862 = tpu.vector_load_idx %gather3A_861[%broadcast_in_dim3A_857, %min3A_267] : memref<64x768xf32, #tpu.memory_space<vmem>>[vector<16xi32>, vector<16xi32>], vector<16xf32>,
      %add3A_863 = vector.broadcast %mul3A_258 : i32 to vector<16xi32>
      %add3A_864 = arith.addi %add3A_863, %mul3A_273 : vector<16xi32>
      %add3A_865 = arith.constant 47 : i32
      %add3A_866 = vector.broadcast %add3A_865 : i32 to vector<16xi32>
      %add3A_867 = arith.addi %add3A_864, %add3A_866 : vector<16xi32>
      tpu.vector_store_idx %arg11[%add3A_867], %gather3A_862 : memref<12288xf32, #tpu.memory_space<vmem>>[vector<16xi32>], vector<16xf32>,
      %broadcast_in_dim3A_868 = arith.constant 48 : i32
      %broadcast_in_dim3A_869 = vector.broadcast %broadcast_in_dim3A_868 : i32 to vector<16xi32>
      %gather3A_870 = arith.constant 0 : i32
      %gather3A_871 = arith.constant 0 : i32
      %gather3A_872 = tpu.memref_slice %arg10[%rem3A_113, %gather3A_870, %gather3A_871] : memref<2x64x768xf32, #tpu.memory_space<vmem>> -> memref<1x64x768xf32, #tpu.memory_space<vmem>>
      %gather3A_873 = tpu.memref_squeeze %gather3A_872 : memref<1x64x768xf32, #tpu.memory_space<vmem>> -> memref<64x768xf32, #tpu.memory_space<vmem>>
      %gather3A_874 = tpu.vector_load_idx %gather3A_873[%broadcast_in_dim3A_869, %min3A_267] : memref<64x768xf32, #tpu.memory_space<vmem>>[vector<16xi32>, vector<16xi32>], vector<16xf32>,
      %add3A_875 = vector.broadcast %mul3A_258 : i32 to vector<16xi32>
      %add3A_876 = arith.addi %add3A_875, %mul3A_273 : vector<16xi32>
      %add3A_877 = arith.constant 48 : i32
      %add3A_878 = vector.broadcast %add3A_877 : i32 to vector<16xi32>
      %add3A_879 = arith.addi %add3A_876, %add3A_878 : vector<16xi32>
      tpu.vector_store_idx %arg11[%add3A_879], %gather3A_874 : memref<12288xf32, #tpu.memory_space<vmem>>[vector<16xi32>], vector<16xf32>,
      %broadcast_in_dim3A_880 = arith.constant 49 : i32
      %broadcast_in_dim3A_881 = vector.broadcast %broadcast_in_dim3A_880 : i32 to vector<16xi32>
      %gather3A_882 = arith.constant 0 : i32
      %gather3A_883 = arith.constant 0 : i32
      %gather3A_884 = tpu.memref_slice %arg10[%rem3A_113, %gather3A_882, %gather3A_883] : memref<2x64x768xf32, #tpu.memory_space<vmem>> -> memref<1x64x768xf32, #tpu.memory_space<vmem>>
      %gather3A_885 = tpu.memref_squeeze %gather3A_884 : memref<1x64x768xf32, #tpu.memory_space<vmem>> -> memref<64x768xf32, #tpu.memory_space<vmem>>
      %gather3A_886 = tpu.vector_load_idx %gather3A_885[%broadcast_in_dim3A_881, %min3A_267] : memref<64x768xf32, #tpu.memory_space<vmem>>[vector<16xi32>, vector<16xi32>], vector<16xf32>,
      %add3A_887 = vector.broadcast %mul3A_258 : i32 to vector<16xi32>
      %add3A_888 = arith.addi %add3A_887, %mul3A_273 : vector<16xi32>
      %add3A_889 = arith.constant 49 : i32
      %add3A_890 = vector.broadcast %add3A_889 : i32 to vector<16xi32>
      %add3A_891 = arith.addi %add3A_888, %add3A_890 : vector<16xi32>
      tpu.vector_store_idx %arg11[%add3A_891], %gather3A_886 : memref<12288xf32, #tpu.memory_space<vmem>>[vector<16xi32>], vector<16xf32>,
      %broadcast_in_dim3A_892 = arith.constant 50 : i32
      %broadcast_in_dim3A_893 = vector.broadcast %broadcast_in_dim3A_892 : i32 to vector<16xi32>
      %gather3A_894 = arith.constant 0 : i32
      %gather3A_895 = arith.constant 0 : i32
      %gather3A_896 = tpu.memref_slice %arg10[%rem3A_113, %gather3A_894, %gather3A_895] : memref<2x64x768xf32, #tpu.memory_space<vmem>> -> memref<1x64x768xf32, #tpu.memory_space<vmem>>
      %gather3A_897 = tpu.memref_squeeze %gather3A_896 : memref<1x64x768xf32, #tpu.memory_space<vmem>> -> memref<64x768xf32, #tpu.memory_space<vmem>>
      %gather3A_898 = tpu.vector_load_idx %gather3A_897[%broadcast_in_dim3A_893, %min3A_267] : memref<64x768xf32, #tpu.memory_space<vmem>>[vector<16xi32>, vector<16xi32>], vector<16xf32>,
      %add3A_899 = vector.broadcast %mul3A_258 : i32 to vector<16xi32>
      %add3A_900 = arith.addi %add3A_899, %mul3A_273 : vector<16xi32>
      %add3A_901 = arith.constant 50 : i32
      %add3A_902 = vector.broadcast %add3A_901 : i32 to vector<16xi32>
      %add3A_903 = arith.addi %add3A_900, %add3A_902 : vector<16xi32>
      tpu.vector_store_idx %arg11[%add3A_903], %gather3A_898 : memref<12288xf32, #tpu.memory_space<vmem>>[vector<16xi32>], vector<16xf32>,
      %broadcast_in_dim3A_904 = arith.constant 51 : i32
      %broadcast_in_dim3A_905 = vector.broadcast %broadcast_in_dim3A_904 : i32 to vector<16xi32>
      %gather3A_906 = arith.constant 0 : i32
      %gather3A_907 = arith.constant 0 : i32
      %gather3A_908 = tpu.memref_slice %arg10[%rem3A_113, %gather3A_906, %gather3A_907] : memref<2x64x768xf32, #tpu.memory_space<vmem>> -> memref<1x64x768xf32, #tpu.memory_space<vmem>>
      %gather3A_909 = tpu.memref_squeeze %gather3A_908 : memref<1x64x768xf32, #tpu.memory_space<vmem>> -> memref<64x768xf32, #tpu.memory_space<vmem>>
      %gather3A_910 = tpu.vector_load_idx %gather3A_909[%broadcast_in_dim3A_905, %min3A_267] : memref<64x768xf32, #tpu.memory_space<vmem>>[vector<16xi32>, vector<16xi32>], vector<16xf32>,
      %add3A_911 = vector.broadcast %mul3A_258 : i32 to vector<16xi32>
      %add3A_912 = arith.addi %add3A_911, %mul3A_273 : vector<16xi32>
      %add3A_913 = arith.constant 51 : i32
      %add3A_914 = vector.broadcast %add3A_913 : i32 to vector<16xi32>
      %add3A_915 = arith.addi %add3A_912, %add3A_914 : vector<16xi32>
      tpu.vector_store_idx %arg11[%add3A_915], %gather3A_910 : memref<12288xf32, #tpu.memory_space<vmem>>[vector<16xi32>], vector<16xf32>,
      %broadcast_in_dim3A_916 = arith.constant 52 : i32
      %broadcast_in_dim3A_917 = vector.broadcast %broadcast_in_dim3A_916 : i32 to vector<16xi32>
      %gather3A_918 = arith.constant 0 : i32
      %gather3A_919 = arith.constant 0 : i32
      %gather3A_920 = tpu.memref_slice %arg10[%rem3A_113, %gather3A_918, %gather3A_919] : memref<2x64x768xf32, #tpu.memory_space<vmem>> -> memref<1x64x768xf32, #tpu.memory_space<vmem>>
      %gather3A_921 = tpu.memref_squeeze %gather3A_920 : memref<1x64x768xf32, #tpu.memory_space<vmem>> -> memref<64x768xf32, #tpu.memory_space<vmem>>
      %gather3A_922 = tpu.vector_load_idx %gather3A_921[%broadcast_in_dim3A_917, %min3A_267] : memref<64x768xf32, #tpu.memory_space<vmem>>[vector<16xi32>, vector<16xi32>], vector<16xf32>,
      %add3A_923 = vector.broadcast %mul3A_258 : i32 to vector<16xi32>
      %add3A_924 = arith.addi %add3A_923, %mul3A_273 : vector<16xi32>
      %add3A_925 = arith.constant 52 : i32
      %add3A_926 = vector.broadcast %add3A_925 : i32 to vector<16xi32>
      %add3A_927 = arith.addi %add3A_924, %add3A_926 : vector<16xi32>
      tpu.vector_store_idx %arg11[%add3A_927], %gather3A_922 : memref<12288xf32, #tpu.memory_space<vmem>>[vector<16xi32>], vector<16xf32>,
      %broadcast_in_dim3A_928 = arith.constant 53 : i32
      %broadcast_in_dim3A_929 = vector.broadcast %broadcast_in_dim3A_928 : i32 to vector<16xi32>
      %gather3A_930 = arith.constant 0 : i32
      %gather3A_931 = arith.constant 0 : i32
      %gather3A_932 = tpu.memref_slice %arg10[%rem3A_113, %gather3A_930, %gather3A_931] : memref<2x64x768xf32, #tpu.memory_space<vmem>> -> memref<1x64x768xf32, #tpu.memory_space<vmem>>
      %gather3A_933 = tpu.memref_squeeze %gather3A_932 : memref<1x64x768xf32, #tpu.memory_space<vmem>> -> memref<64x768xf32, #tpu.memory_space<vmem>>
      %gather3A_934 = tpu.vector_load_idx %gather3A_933[%broadcast_in_dim3A_929, %min3A_267] : memref<64x768xf32, #tpu.memory_space<vmem>>[vector<16xi32>, vector<16xi32>], vector<16xf32>,
      %add3A_935 = vector.broadcast %mul3A_258 : i32 to vector<16xi32>
      %add3A_936 = arith.addi %add3A_935, %mul3A_273 : vector<16xi32>
      %add3A_937 = arith.constant 53 : i32
      %add3A_938 = vector.broadcast %add3A_937 : i32 to vector<16xi32>
      %add3A_939 = arith.addi %add3A_936, %add3A_938 : vector<16xi32>
      tpu.vector_store_idx %arg11[%add3A_939], %gather3A_934 : memref<12288xf32, #tpu.memory_space<vmem>>[vector<16xi32>], vector<16xf32>,
      %broadcast_in_dim3A_940 = arith.constant 54 : i32
      %broadcast_in_dim3A_941 = vector.broadcast %broadcast_in_dim3A_940 : i32 to vector<16xi32>
      %gather3A_942 = arith.constant 0 : i32
      %gather3A_943 = arith.constant 0 : i32
      %gather3A_944 = tpu.memref_slice %arg10[%rem3A_113, %gather3A_942, %gather3A_943] : memref<2x64x768xf32, #tpu.memory_space<vmem>> -> memref<1x64x768xf32, #tpu.memory_space<vmem>>
      %gather3A_945 = tpu.memref_squeeze %gather3A_944 : memref<1x64x768xf32, #tpu.memory_space<vmem>> -> memref<64x768xf32, #tpu.memory_space<vmem>>
      %gather3A_946 = tpu.vector_load_idx %gather3A_945[%broadcast_in_dim3A_941, %min3A_267] : memref<64x768xf32, #tpu.memory_space<vmem>>[vector<16xi32>, vector<16xi32>], vector<16xf32>,
      %add3A_947 = vector.broadcast %mul3A_258 : i32 to vector<16xi32>
      %add3A_948 = arith.addi %add3A_947, %mul3A_273 : vector<16xi32>
      %add3A_949 = arith.constant 54 : i32
      %add3A_950 = vector.broadcast %add3A_949 : i32 to vector<16xi32>
      %add3A_951 = arith.addi %add3A_948, %add3A_950 : vector<16xi32>
      tpu.vector_store_idx %arg11[%add3A_951], %gather3A_946 : memref<12288xf32, #tpu.memory_space<vmem>>[vector<16xi32>], vector<16xf32>,
      %broadcast_in_dim3A_952 = arith.constant 55 : i32
      %broadcast_in_dim3A_953 = vector.broadcast %broadcast_in_dim3A_952 : i32 to vector<16xi32>
      %gather3A_954 = arith.constant 0 : i32
      %gather3A_955 = arith.constant 0 : i32
      %gather3A_956 = tpu.memref_slice %arg10[%rem3A_113, %gather3A_954, %gather3A_955] : memref<2x64x768xf32, #tpu.memory_space<vmem>> -> memref<1x64x768xf32, #tpu.memory_space<vmem>>
      %gather3A_957 = tpu.memref_squeeze %gather3A_956 : memref<1x64x768xf32, #tpu.memory_space<vmem>> -> memref<64x768xf32, #tpu.memory_space<vmem>>
      %gather3A_958 = tpu.vector_load_idx %gather3A_957[%broadcast_in_dim3A_953, %min3A_267] : memref<64x768xf32, #tpu.memory_space<vmem>>[vector<16xi32>, vector<16xi32>], vector<16xf32>,
      %add3A_959 = vector.broadcast %mul3A_258 : i32 to vector<16xi32>
      %add3A_960 = arith.addi %add3A_959, %mul3A_273 : vector<16xi32>
      %add3A_961 = arith.constant 55 : i32
      %add3A_962 = vector.broadcast %add3A_961 : i32 to vector<16xi32>
      %add3A_963 = arith.addi %add3A_960, %add3A_962 : vector<16xi32>
      tpu.vector_store_idx %arg11[%add3A_963], %gather3A_958 : memref<12288xf32, #tpu.memory_space<vmem>>[vector<16xi32>], vector<16xf32>,
      %broadcast_in_dim3A_964 = arith.constant 56 : i32
      %broadcast_in_dim3A_965 = vector.broadcast %broadcast_in_dim3A_964 : i32 to vector<16xi32>
      %gather3A_966 = arith.constant 0 : i32
      %gather3A_967 = arith.constant 0 : i32
      %gather3A_968 = tpu.memref_slice %arg10[%rem3A_113, %gather3A_966, %gather3A_967] : memref<2x64x768xf32, #tpu.memory_space<vmem>> -> memref<1x64x768xf32, #tpu.memory_space<vmem>>
      %gather3A_969 = tpu.memref_squeeze %gather3A_968 : memref<1x64x768xf32, #tpu.memory_space<vmem>> -> memref<64x768xf32, #tpu.memory_space<vmem>>
      %gather3A_970 = tpu.vector_load_idx %gather3A_969[%broadcast_in_dim3A_965, %min3A_267] : memref<64x768xf32, #tpu.memory_space<vmem>>[vector<16xi32>, vector<16xi32>], vector<16xf32>,
      %add3A_971 = vector.broadcast %mul3A_258 : i32 to vector<16xi32>
      %add3A_972 = arith.addi %add3A_971, %mul3A_273 : vector<16xi32>
      %add3A_973 = arith.constant 56 : i32
      %add3A_974 = vector.broadcast %add3A_973 : i32 to vector<16xi32>
      %add3A_975 = arith.addi %add3A_972, %add3A_974 : vector<16xi32>
      tpu.vector_store_idx %arg11[%add3A_975], %gather3A_970 : memref<12288xf32, #tpu.memory_space<vmem>>[vector<16xi32>], vector<16xf32>,
      %broadcast_in_dim3A_976 = arith.constant 57 : i32
      %broadcast_in_dim3A_977 = vector.broadcast %broadcast_in_dim3A_976 : i32 to vector<16xi32>
      %gather3A_978 = arith.constant 0 : i32
      %gather3A_979 = arith.constant 0 : i32
      %gather3A_980 = tpu.memref_slice %arg10[%rem3A_113, %gather3A_978, %gather3A_979] : memref<2x64x768xf32, #tpu.memory_space<vmem>> -> memref<1x64x768xf32, #tpu.memory_space<vmem>>
      %gather3A_981 = tpu.memref_squeeze %gather3A_980 : memref<1x64x768xf32, #tpu.memory_space<vmem>> -> memref<64x768xf32, #tpu.memory_space<vmem>>
      %gather3A_982 = tpu.vector_load_idx %gather3A_981[%broadcast_in_dim3A_977, %min3A_267] : memref<64x768xf32, #tpu.memory_space<vmem>>[vector<16xi32>, vector<16xi32>], vector<16xf32>,
      %add3A_983 = vector.broadcast %mul3A_258 : i32 to vector<16xi32>
      %add3A_984 = arith.addi %add3A_983, %mul3A_273 : vector<16xi32>
      %add3A_985 = arith.constant 57 : i32
      %add3A_986 = vector.broadcast %add3A_985 : i32 to vector<16xi32>
      %add3A_987 = arith.addi %add3A_984, %add3A_986 : vector<16xi32>
      tpu.vector_store_idx %arg11[%add3A_987], %gather3A_982 : memref<12288xf32, #tpu.memory_space<vmem>>[vector<16xi32>], vector<16xf32>,
      %broadcast_in_dim3A_988 = arith.constant 58 : i32
      %broadcast_in_dim3A_989 = vector.broadcast %broadcast_in_dim3A_988 : i32 to vector<16xi32>
      %gather3A_990 = arith.constant 0 : i32
      %gather3A_991 = arith.constant 0 : i32
      %gather3A_992 = tpu.memref_slice %arg10[%rem3A_113, %gather3A_990, %gather3A_991] : memref<2x64x768xf32, #tpu.memory_space<vmem>> -> memref<1x64x768xf32, #tpu.memory_space<vmem>>
      %gather3A_993 = tpu.memref_squeeze %gather3A_992 : memref<1x64x768xf32, #tpu.memory_space<vmem>> -> memref<64x768xf32, #tpu.memory_space<vmem>>
      %gather3A_994 = tpu.vector_load_idx %gather3A_993[%broadcast_in_dim3A_989, %min3A_267] : memref<64x768xf32, #tpu.memory_space<vmem>>[vector<16xi32>, vector<16xi32>], vector<16xf32>,
      %add3A_995 = vector.broadcast %mul3A_258 : i32 to vector<16xi32>
      %add3A_996 = arith.addi %add3A_995, %mul3A_273 : vector<16xi32>
      %add3A_997 = arith.constant 58 : i32
      %add3A_998 = vector.broadcast %add3A_997 : i32 to vector<16xi32>
      %add3A_999 = arith.addi %add3A_996, %add3A_998 : vector<16xi32>
      tpu.vector_store_idx %arg11[%add3A_999], %gather3A_994 : memref<12288xf32, #tpu.memory_space<vmem>>[vector<16xi32>], vector<16xf32>,
      %broadcast_in_dim3A_1000 = arith.constant 59 : i32
      %broadcast_in_dim3A_1001 = vector.broadcast %broadcast_in_dim3A_1000 : i32 to vector<16xi32>
      %gather3A_1002 = arith.constant 0 : i32
      %gather3A_1003 = arith.constant 0 : i32
      %gather3A_1004 = tpu.memref_slice %arg10[%rem3A_113, %gather3A_1002, %gather3A_1003] : memref<2x64x768xf32, #tpu.memory_space<vmem>> -> memref<1x64x768xf32, #tpu.memory_space<vmem>>
      %gather3A_1005 = tpu.memref_squeeze %gather3A_1004 : memref<1x64x768xf32, #tpu.memory_space<vmem>> -> memref<64x768xf32, #tpu.memory_space<vmem>>
      %gather3A_1006 = tpu.vector_load_idx %gather3A_1005[%broadcast_in_dim3A_1001, %min3A_267] : memref<64x768xf32, #tpu.memory_space<vmem>>[vector<16xi32>, vector<16xi32>], vector<16xf32>,
      %add3A_1007 = vector.broadcast %mul3A_258 : i32 to vector<16xi32>
      %add3A_1008 = arith.addi %add3A_1007, %mul3A_273 : vector<16xi32>
      %add3A_1009 = arith.constant 59 : i32
      %add3A_1010 = vector.broadcast %add3A_1009 : i32 to vector<16xi32>
      %add3A_1011 = arith.addi %add3A_1008, %add3A_1010 : vector<16xi32>
      tpu.vector_store_idx %arg11[%add3A_1011], %gather3A_1006 : memref<12288xf32, #tpu.memory_space<vmem>>[vector<16xi32>], vector<16xf32>,
      %broadcast_in_dim3A_1012 = arith.constant 60 : i32
      %broadcast_in_dim3A_1013 = vector.broadcast %broadcast_in_dim3A_1012 : i32 to vector<16xi32>
      %gather3A_1014 = arith.constant 0 : i32
      %gather3A_1015 = arith.constant 0 : i32
      %gather3A_1016 = tpu.memref_slice %arg10[%rem3A_113, %gather3A_1014, %gather3A_1015] : memref<2x64x768xf32, #tpu.memory_space<vmem>> -> memref<1x64x768xf32, #tpu.memory_space<vmem>>
      %gather3A_1017 = tpu.memref_squeeze %gather3A_1016 : memref<1x64x768xf32, #tpu.memory_space<vmem>> -> memref<64x768xf32, #tpu.memory_space<vmem>>
      %gather3A_1018 = tpu.vector_load_idx %gather3A_1017[%broadcast_in_dim3A_1013, %min3A_267] : memref<64x768xf32, #tpu.memory_space<vmem>>[vector<16xi32>, vector<16xi32>], vector<16xf32>,
      %add3A_1019 = vector.broadcast %mul3A_258 : i32 to vector<16xi32>
      %add3A_1020 = arith.addi %add3A_1019, %mul3A_273 : vector<16xi32>
      %add3A_1021 = arith.constant 60 : i32
      %add3A_1022 = vector.broadcast %add3A_1021 : i32 to vector<16xi32>
      %add3A_1023 = arith.addi %add3A_1020, %add3A_1022 : vector<16xi32>
      tpu.vector_store_idx %arg11[%add3A_1023], %gather3A_1018 : memref<12288xf32, #tpu.memory_space<vmem>>[vector<16xi32>], vector<16xf32>,
      %broadcast_in_dim3A_1024 = arith.constant 61 : i32
      %broadcast_in_dim3A_1025 = vector.broadcast %broadcast_in_dim3A_1024 : i32 to vector<16xi32>
      %gather3A_1026 = arith.constant 0 : i32
      %gather3A_1027 = arith.constant 0 : i32
      %gather3A_1028 = tpu.memref_slice %arg10[%rem3A_113, %gather3A_1026, %gather3A_1027] : memref<2x64x768xf32, #tpu.memory_space<vmem>> -> memref<1x64x768xf32, #tpu.memory_space<vmem>>
      %gather3A_1029 = tpu.memref_squeeze %gather3A_1028 : memref<1x64x768xf32, #tpu.memory_space<vmem>> -> memref<64x768xf32, #tpu.memory_space<vmem>>
      %gather3A_1030 = tpu.vector_load_idx %gather3A_1029[%broadcast_in_dim3A_1025, %min3A_267] : memref<64x768xf32, #tpu.memory_space<vmem>>[vector<16xi32>, vector<16xi32>], vector<16xf32>,
      %add3A_1031 = vector.broadcast %mul3A_258 : i32 to vector<16xi32>
      %add3A_1032 = arith.addi %add3A_1031, %mul3A_273 : vector<16xi32>
      %add3A_1033 = arith.constant 61 : i32
      %add3A_1034 = vector.broadcast %add3A_1033 : i32 to vector<16xi32>
      %add3A_1035 = arith.addi %add3A_1032, %add3A_1034 : vector<16xi32>
      tpu.vector_store_idx %arg11[%add3A_1035], %gather3A_1030 : memref<12288xf32, #tpu.memory_space<vmem>>[vector<16xi32>], vector<16xf32>,
      %broadcast_in_dim3A_1036 = arith.constant 62 : i32
      %broadcast_in_dim3A_1037 = vector.broadcast %broadcast_in_dim3A_1036 : i32 to vector<16xi32>
      %gather3A_1038 = arith.constant 0 : i32
      %gather3A_1039 = arith.constant 0 : i32
      %gather3A_1040 = tpu.memref_slice %arg10[%rem3A_113, %gather3A_1038, %gather3A_1039] : memref<2x64x768xf32, #tpu.memory_space<vmem>> -> memref<1x64x768xf32, #tpu.memory_space<vmem>>
      %gather3A_1041 = tpu.memref_squeeze %gather3A_1040 : memref<1x64x768xf32, #tpu.memory_space<vmem>> -> memref<64x768xf32, #tpu.memory_space<vmem>>
      %gather3A_1042 = tpu.vector_load_idx %gather3A_1041[%broadcast_in_dim3A_1037, %min3A_267] : memref<64x768xf32, #tpu.memory_space<vmem>>[vector<16xi32>, vector<16xi32>], vector<16xf32>,
      %add3A_1043 = vector.broadcast %mul3A_258 : i32 to vector<16xi32>
      %add3A_1044 = arith.addi %add3A_1043, %mul3A_273 : vector<16xi32>
      %add3A_1045 = arith.constant 62 : i32
      %add3A_1046 = vector.broadcast %add3A_1045 : i32 to vector<16xi32>
      %add3A_1047 = arith.addi %add3A_1044, %add3A_1046 : vector<16xi32>
      tpu.vector_store_idx %arg11[%add3A_1047], %gather3A_1042 : memref<12288xf32, #tpu.memory_space<vmem>>[vector<16xi32>], vector<16xf32>,
      %broadcast_in_dim3A_1048 = arith.constant 63 : i32
      %broadcast_in_dim3A_1049 = vector.broadcast %broadcast_in_dim3A_1048 : i32 to vector<16xi32>
      %gather3A_1050 = arith.constant 0 : i32
      %gather3A_1051 = arith.constant 0 : i32
      %gather3A_1052 = tpu.memref_slice %arg10[%rem3A_113, %gather3A_1050, %gather3A_1051] : memref<2x64x768xf32, #tpu.memory_space<vmem>> -> memref<1x64x768xf32, #tpu.memory_space<vmem>>
      %gather3A_1053 = tpu.memref_squeeze %gather3A_1052 : memref<1x64x768xf32, #tpu.memory_space<vmem>> -> memref<64x768xf32, #tpu.memory_space<vmem>>
      %gather3A_1054 = tpu.vector_load_idx %gather3A_1053[%broadcast_in_dim3A_1049, %min3A_267] : memref<64x768xf32, #tpu.memory_space<vmem>>[vector<16xi32>, vector<16xi32>], vector<16xf32>,
      %add3A_1055 = vector.broadcast %mul3A_258 : i32 to vector<16xi32>
      %add3A_1056 = arith.addi %add3A_1055, %mul3A_273 : vector<16xi32>
      %add3A_1057 = arith.constant 63 : i32
      %add3A_1058 = vector.broadcast %add3A_1057 : i32 to vector<16xi32>
      %add3A_1059 = arith.addi %add3A_1056, %add3A_1058 : vector<16xi32>
      tpu.vector_store_idx %arg11[%add3A_1059], %gather3A_1054 : memref<12288xf32, #tpu.memory_space<vmem>>[vector<16xi32>], vector<16xf32>,
      %add3A_1060 = arith.constant 0 : i32
      %add3A_1061 = arith.addi %mul3A_258, %add3A_1060 : i32
      %slice3A = vector.extract_strided_slice %select_n3A_292 {offsets = [0], sizes = [1], strides = [1]} : vector<16xi32> to vector<1xi32>
      %squeeze3A = vector.extract %slice3A[0] : i32 from vector<1xi32>
      %mul3A_1062 = arith.constant 64 : i32
      %mul3A_1063 = arith.muli %squeeze3A, %mul3A_1062 : i32
      %dma_start3A_1064 = tpu.memref_slice %arg11[%add3A_1061] : memref<12288xf32, #tpu.memory_space<vmem>> -> memref<64xf32, #tpu.memory_space<vmem>>
      %dma_start3A_1065 = tpu.memref_slice %arg4[%mul3A_1063] : memref<1146880xf32, #tpu.memory_space<hbm>> -> memref<64xf32, #tpu.memory_space<hbm>>
      %dma_start3A_1066 = tpu.memref_slice %arg4[%mul3A_1063] : memref<1146880xf32, #tpu.memory_space<hbm>> -> memref<64xf32, #tpu.memory_space<hbm>>
      %dma_start3A_1067 = tpu.memref_slice %arg11[%add3A_1061] : memref<12288xf32, #tpu.memory_space<vmem>> -> memref<64xf32, #tpu.memory_space<vmem>>
      tpu.enqueue_dma source(%dma_start3A_1067 : memref<64xf32, #tpu.memory_space<vmem>>) target(%dma_start3A_1066 : memref<64xf32, #tpu.memory_space<hbm>>) target_semaphore(%arg13 : memref<!tpu.dma_semaphore, #tpu.memory_space<semaphore_mem>>)
      %add3A_1068 = arith.constant 64 : i32
      %add3A_1069 = arith.addi %mul3A_258, %add3A_1068 : i32
      %slice3A_1070 = vector.extract_strided_slice %select_n3A_292 {offsets = [1], sizes = [1], strides = [1]} : vector<16xi32> to vector<1xi32>
      %squeeze3A_1071 = vector.extract %slice3A_1070[0] : i32 from vector<1xi32>
      %mul3A_1072 = arith.constant 64 : i32
      %mul3A_1073 = arith.muli %squeeze3A_1071, %mul3A_1072 : i32
      %dma_start3A_1074 = tpu.memref_slice %arg11[%add3A_1069] : memref<12288xf32, #tpu.memory_space<vmem>> -> memref<64xf32, #tpu.memory_space<vmem>>
      %dma_start3A_1075 = tpu.memref_slice %arg4[%mul3A_1073] : memref<1146880xf32, #tpu.memory_space<hbm>> -> memref<64xf32, #tpu.memory_space<hbm>>
      %dma_start3A_1076 = tpu.memref_slice %arg4[%mul3A_1073] : memref<1146880xf32, #tpu.memory_space<hbm>> -> memref<64xf32, #tpu.memory_space<hbm>>
      %dma_start3A_1077 = tpu.memref_slice %arg11[%add3A_1069] : memref<12288xf32, #tpu.memory_space<vmem>> -> memref<64xf32, #tpu.memory_space<vmem>>
      tpu.enqueue_dma source(%dma_start3A_1077 : memref<64xf32, #tpu.memory_space<vmem>>) target(%dma_start3A_1076 : memref<64xf32, #tpu.memory_space<hbm>>) target_semaphore(%arg13 : memref<!tpu.dma_semaphore, #tpu.memory_space<semaphore_mem>>)
      %add3A_1078 = arith.constant 128 : i32
      %add3A_1079 = arith.addi %mul3A_258, %add3A_1078 : i32
      %slice3A_1080 = vector.extract_strided_slice %select_n3A_292 {offsets = [2], sizes = [1], strides = [1]} : vector<16xi32> to vector<1xi32>
      %squeeze3A_1081 = vector.extract %slice3A_1080[0] : i32 from vector<1xi32>
      %mul3A_1082 = arith.constant 64 : i32
      %mul3A_1083 = arith.muli %squeeze3A_1081, %mul3A_1082 : i32
      %dma_start3A_1084 = tpu.memref_slice %arg11[%add3A_1079] : memref<12288xf32, #tpu.memory_space<vmem>> -> memref<64xf32, #tpu.memory_space<vmem>>
      %dma_start3A_1085 = tpu.memref_slice %arg4[%mul3A_1083] : memref<1146880xf32, #tpu.memory_space<hbm>> -> memref<64xf32, #tpu.memory_space<hbm>>
      %dma_start3A_1086 = tpu.memref_slice %arg4[%mul3A_1083] : memref<1146880xf32, #tpu.memory_space<hbm>> -> memref<64xf32, #tpu.memory_space<hbm>>
      %dma_start3A_1087 = tpu.memref_slice %arg11[%add3A_1079] : memref<12288xf32, #tpu.memory_space<vmem>> -> memref<64xf32, #tpu.memory_space<vmem>>
      tpu.enqueue_dma source(%dma_start3A_1087 : memref<64xf32, #tpu.memory_space<vmem>>) target(%dma_start3A_1086 : memref<64xf32, #tpu.memory_space<hbm>>) target_semaphore(%arg13 : memref<!tpu.dma_semaphore, #tpu.memory_space<semaphore_mem>>)
      %add3A_1088 = arith.constant 192 : i32
      %add3A_1089 = arith.addi %mul3A_258, %add3A_1088 : i32
      %slice3A_1090 = vector.extract_strided_slice %select_n3A_292 {offsets = [3], sizes = [1], strides = [1]} : vector<16xi32> to vector<1xi32>
      %squeeze3A_1091 = vector.extract %slice3A_1090[0] : i32 from vector<1xi32>
      %mul3A_1092 = arith.constant 64 : i32
      %mul3A_1093 = arith.muli %squeeze3A_1091, %mul3A_1092 : i32
      %dma_start3A_1094 = tpu.memref_slice %arg11[%add3A_1089] : memref<12288xf32, #tpu.memory_space<vmem>> -> memref<64xf32, #tpu.memory_space<vmem>>
      %dma_start3A_1095 = tpu.memref_slice %arg4[%mul3A_1093] : memref<1146880xf32, #tpu.memory_space<hbm>> -> memref<64xf32, #tpu.memory_space<hbm>>
      %dma_start3A_1096 = tpu.memref_slice %arg4[%mul3A_1093] : memref<1146880xf32, #tpu.memory_space<hbm>> -> memref<64xf32, #tpu.memory_space<hbm>>
      %dma_start3A_1097 = tpu.memref_slice %arg11[%add3A_1089] : memref<12288xf32, #tpu.memory_space<vmem>> -> memref<64xf32, #tpu.memory_space<vmem>>
      tpu.enqueue_dma source(%dma_start3A_1097 : memref<64xf32, #tpu.memory_space<vmem>>) target(%dma_start3A_1096 : memref<64xf32, #tpu.memory_space<hbm>>) target_semaphore(%arg13 : memref<!tpu.dma_semaphore, #tpu.memory_space<semaphore_mem>>)
      %add3A_1098 = arith.constant 256 : i32
      %add3A_1099 = arith.addi %mul3A_258, %add3A_1098 : i32
      %slice3A_1100 = vector.extract_strided_slice %select_n3A_292 {offsets = [4], sizes = [1], strides = [1]} : vector<16xi32> to vector<1xi32>
      %squeeze3A_1101 = vector.extract %slice3A_1100[0] : i32 from vector<1xi32>
      %mul3A_1102 = arith.constant 64 : i32
      %mul3A_1103 = arith.muli %squeeze3A_1101, %mul3A_1102 : i32
      %dma_start3A_1104 = tpu.memref_slice %arg11[%add3A_1099] : memref<12288xf32, #tpu.memory_space<vmem>> -> memref<64xf32, #tpu.memory_space<vmem>>
      %dma_start3A_1105 = tpu.memref_slice %arg4[%mul3A_1103] : memref<1146880xf32, #tpu.memory_space<hbm>> -> memref<64xf32, #tpu.memory_space<hbm>>
      %dma_start3A_1106 = tpu.memref_slice %arg4[%mul3A_1103] : memref<1146880xf32, #tpu.memory_space<hbm>> -> memref<64xf32, #tpu.memory_space<hbm>>
      %dma_start3A_1107 = tpu.memref_slice %arg11[%add3A_1099] : memref<12288xf32, #tpu.memory_space<vmem>> -> memref<64xf32, #tpu.memory_space<vmem>>
      tpu.enqueue_dma source(%dma_start3A_1107 : memref<64xf32, #tpu.memory_space<vmem>>) target(%dma_start3A_1106 : memref<64xf32, #tpu.memory_space<hbm>>) target_semaphore(%arg13 : memref<!tpu.dma_semaphore, #tpu.memory_space<semaphore_mem>>)
      %add3A_1108 = arith.constant 320 : i32
      %add3A_1109 = arith.addi %mul3A_258, %add3A_1108 : i32
      %slice3A_1110 = vector.extract_strided_slice %select_n3A_292 {offsets = [5], sizes = [1], strides = [1]} : vector<16xi32> to vector<1xi32>
      %squeeze3A_1111 = vector.extract %slice3A_1110[0] : i32 from vector<1xi32>
      %mul3A_1112 = arith.constant 64 : i32
      %mul3A_1113 = arith.muli %squeeze3A_1111, %mul3A_1112 : i32
      %dma_start3A_1114 = tpu.memref_slice %arg11[%add3A_1109] : memref<12288xf32, #tpu.memory_space<vmem>> -> memref<64xf32, #tpu.memory_space<vmem>>
      %dma_start3A_1115 = tpu.memref_slice %arg4[%mul3A_1113] : memref<1146880xf32, #tpu.memory_space<hbm>> -> memref<64xf32, #tpu.memory_space<hbm>>
      %dma_start3A_1116 = tpu.memref_slice %arg4[%mul3A_1113] : memref<1146880xf32, #tpu.memory_space<hbm>> -> memref<64xf32, #tpu.memory_space<hbm>>
      %dma_start3A_1117 = tpu.memref_slice %arg11[%add3A_1109] : memref<12288xf32, #tpu.memory_space<vmem>> -> memref<64xf32, #tpu.memory_space<vmem>>
      tpu.enqueue_dma source(%dma_start3A_1117 : memref<64xf32, #tpu.memory_space<vmem>>) target(%dma_start3A_1116 : memref<64xf32, #tpu.memory_space<hbm>>) target_semaphore(%arg13 : memref<!tpu.dma_semaphore, #tpu.memory_space<semaphore_mem>>)
      %add3A_1118 = arith.constant 384 : i32
      %add3A_1119 = arith.addi %mul3A_258, %add3A_1118 : i32
      %slice3A_1120 = vector.extract_strided_slice %select_n3A_292 {offsets = [6], sizes = [1], strides = [1]} : vector<16xi32> to vector<1xi32>
      %squeeze3A_1121 = vector.extract %slice3A_1120[0] : i32 from vector<1xi32>
      %mul3A_1122 = arith.constant 64 : i32
      %mul3A_1123 = arith.muli %squeeze3A_1121, %mul3A_1122 : i32
      %dma_start3A_1124 = tpu.memref_slice %arg11[%add3A_1119] : memref<12288xf32, #tpu.memory_space<vmem>> -> memref<64xf32, #tpu.memory_space<vmem>>
      %dma_start3A_1125 = tpu.memref_slice %arg4[%mul3A_1123] : memref<1146880xf32, #tpu.memory_space<hbm>> -> memref<64xf32, #tpu.memory_space<hbm>>
      %dma_start3A_1126 = tpu.memref_slice %arg4[%mul3A_1123] : memref<1146880xf32, #tpu.memory_space<hbm>> -> memref<64xf32, #tpu.memory_space<hbm>>
      %dma_start3A_1127 = tpu.memref_slice %arg11[%add3A_1119] : memref<12288xf32, #tpu.memory_space<vmem>> -> memref<64xf32, #tpu.memory_space<vmem>>
      tpu.enqueue_dma source(%dma_start3A_1127 : memref<64xf32, #tpu.memory_space<vmem>>) target(%dma_start3A_1126 : memref<64xf32, #tpu.memory_space<hbm>>) target_semaphore(%arg13 : memref<!tpu.dma_semaphore, #tpu.memory_space<semaphore_mem>>)
      %add3A_1128 = arith.constant 448 : i32
      %add3A_1129 = arith.addi %mul3A_258, %add3A_1128 : i32
      %slice3A_1130 = vector.extract_strided_slice %select_n3A_292 {offsets = [7], sizes = [1], strides = [1]} : vector<16xi32> to vector<1xi32>
      %squeeze3A_1131 = vector.extract %slice3A_1130[0] : i32 from vector<1xi32>
      %mul3A_1132 = arith.constant 64 : i32
      %mul3A_1133 = arith.muli %squeeze3A_1131, %mul3A_1132 : i32
      %dma_start3A_1134 = tpu.memref_slice %arg11[%add3A_1129] : memref<12288xf32, #tpu.memory_space<vmem>> -> memref<64xf32, #tpu.memory_space<vmem>>
      %dma_start3A_1135 = tpu.memref_slice %arg4[%mul3A_1133] : memref<1146880xf32, #tpu.memory_space<hbm>> -> memref<64xf32, #tpu.memory_space<hbm>>
      %dma_start3A_1136 = tpu.memref_slice %arg4[%mul3A_1133] : memref<1146880xf32, #tpu.memory_space<hbm>> -> memref<64xf32, #tpu.memory_space<hbm>>
      %dma_start3A_1137 = tpu.memref_slice %arg11[%add3A_1129] : memref<12288xf32, #tpu.memory_space<vmem>> -> memref<64xf32, #tpu.memory_space<vmem>>
      tpu.enqueue_dma source(%dma_start3A_1137 : memref<64xf32, #tpu.memory_space<vmem>>) target(%dma_start3A_1136 : memref<64xf32, #tpu.memory_space<hbm>>) target_semaphore(%arg13 : memref<!tpu.dma_semaphore, #tpu.memory_space<semaphore_mem>>)
      %add3A_1138 = arith.constant 512 : i32
      %add3A_1139 = arith.addi %mul3A_258, %add3A_1138 : i32
      %slice3A_1140 = vector.extract_strided_slice %select_n3A_292 {offsets = [8], sizes = [1], strides = [1]} : vector<16xi32> to vector<1xi32>
      %squeeze3A_1141 = vector.extract %slice3A_1140[0] : i32 from vector<1xi32>
      %mul3A_1142 = arith.constant 64 : i32
      %mul3A_1143 = arith.muli %squeeze3A_1141, %mul3A_1142 : i32
      %dma_start3A_1144 = tpu.memref_slice %arg11[%add3A_1139] : memref<12288xf32, #tpu.memory_space<vmem>> -> memref<64xf32, #tpu.memory_space<vmem>>
      %dma_start3A_1145 = tpu.memref_slice %arg4[%mul3A_1143] : memref<1146880xf32, #tpu.memory_space<hbm>> -> memref<64xf32, #tpu.memory_space<hbm>>
      %dma_start3A_1146 = tpu.memref_slice %arg4[%mul3A_1143] : memref<1146880xf32, #tpu.memory_space<hbm>> -> memref<64xf32, #tpu.memory_space<hbm>>
      %dma_start3A_1147 = tpu.memref_slice %arg11[%add3A_1139] : memref<12288xf32, #tpu.memory_space<vmem>> -> memref<64xf32, #tpu.memory_space<vmem>>
      tpu.enqueue_dma source(%dma_start3A_1147 : memref<64xf32, #tpu.memory_space<vmem>>) target(%dma_start3A_1146 : memref<64xf32, #tpu.memory_space<hbm>>) target_semaphore(%arg13 : memref<!tpu.dma_semaphore, #tpu.memory_space<semaphore_mem>>)
      %add3A_1148 = arith.constant 576 : i32
      %add3A_1149 = arith.addi %mul3A_258, %add3A_1148 : i32
      %slice3A_1150 = vector.extract_strided_slice %select_n3A_292 {offsets = [9], sizes = [1], strides = [1]} : vector<16xi32> to vector<1xi32>
      %squeeze3A_1151 = vector.extract %slice3A_1150[0] : i32 from vector<1xi32>
      %mul3A_1152 = arith.constant 64 : i32
      %mul3A_1153 = arith.muli %squeeze3A_1151, %mul3A_1152 : i32
      %dma_start3A_1154 = tpu.memref_slice %arg11[%add3A_1149] : memref<12288xf32, #tpu.memory_space<vmem>> -> memref<64xf32, #tpu.memory_space<vmem>>
      %dma_start3A_1155 = tpu.memref_slice %arg4[%mul3A_1153] : memref<1146880xf32, #tpu.memory_space<hbm>> -> memref<64xf32, #tpu.memory_space<hbm>>
      %dma_start3A_1156 = tpu.memref_slice %arg4[%mul3A_1153] : memref<1146880xf32, #tpu.memory_space<hbm>> -> memref<64xf32, #tpu.memory_space<hbm>>
      %dma_start3A_1157 = tpu.memref_slice %arg11[%add3A_1149] : memref<12288xf32, #tpu.memory_space<vmem>> -> memref<64xf32, #tpu.memory_space<vmem>>
      tpu.enqueue_dma source(%dma_start3A_1157 : memref<64xf32, #tpu.memory_space<vmem>>) target(%dma_start3A_1156 : memref<64xf32, #tpu.memory_space<hbm>>) target_semaphore(%arg13 : memref<!tpu.dma_semaphore, #tpu.memory_space<semaphore_mem>>)
      %add3A_1158 = arith.constant 640 : i32
      %add3A_1159 = arith.addi %mul3A_258, %add3A_1158 : i32
      %slice3A_1160 = vector.extract_strided_slice %select_n3A_292 {offsets = [10], sizes = [1], strides = [1]} : vector<16xi32> to vector<1xi32>
      %squeeze3A_1161 = vector.extract %slice3A_1160[0] : i32 from vector<1xi32>
      %mul3A_1162 = arith.constant 64 : i32
      %mul3A_1163 = arith.muli %squeeze3A_1161, %mul3A_1162 : i32
      %dma_start3A_1164 = tpu.memref_slice %arg11[%add3A_1159] : memref<12288xf32, #tpu.memory_space<vmem>> -> memref<64xf32, #tpu.memory_space<vmem>>
      %dma_start3A_1165 = tpu.memref_slice %arg4[%mul3A_1163] : memref<1146880xf32, #tpu.memory_space<hbm>> -> memref<64xf32, #tpu.memory_space<hbm>>
      %dma_start3A_1166 = tpu.memref_slice %arg4[%mul3A_1163] : memref<1146880xf32, #tpu.memory_space<hbm>> -> memref<64xf32, #tpu.memory_space<hbm>>
      %dma_start3A_1167 = tpu.memref_slice %arg11[%add3A_1159] : memref<12288xf32, #tpu.memory_space<vmem>> -> memref<64xf32, #tpu.memory_space<vmem>>
      tpu.enqueue_dma source(%dma_start3A_1167 : memref<64xf32, #tpu.memory_space<vmem>>) target(%dma_start3A_1166 : memref<64xf32, #tpu.memory_space<hbm>>) target_semaphore(%arg13 : memref<!tpu.dma_semaphore, #tpu.memory_space<semaphore_mem>>)
      %add3A_1168 = arith.constant 704 : i32
      %add3A_1169 = arith.addi %mul3A_258, %add3A_1168 : i32
      %slice3A_1170 = vector.extract_strided_slice %select_n3A_292 {offsets = [11], sizes = [1], strides = [1]} : vector<16xi32> to vector<1xi32>
      %squeeze3A_1171 = vector.extract %slice3A_1170[0] : i32 from vector<1xi32>
      %mul3A_1172 = arith.constant 64 : i32
      %mul3A_1173 = arith.muli %squeeze3A_1171, %mul3A_1172 : i32
      %dma_start3A_1174 = tpu.memref_slice %arg11[%add3A_1169] : memref<12288xf32, #tpu.memory_space<vmem>> -> memref<64xf32, #tpu.memory_space<vmem>>
      %dma_start3A_1175 = tpu.memref_slice %arg4[%mul3A_1173] : memref<1146880xf32, #tpu.memory_space<hbm>> -> memref<64xf32, #tpu.memory_space<hbm>>
      %dma_start3A_1176 = tpu.memref_slice %arg4[%mul3A_1173] : memref<1146880xf32, #tpu.memory_space<hbm>> -> memref<64xf32, #tpu.memory_space<hbm>>
      %dma_start3A_1177 = tpu.memref_slice %arg11[%add3A_1169] : memref<12288xf32, #tpu.memory_space<vmem>> -> memref<64xf32, #tpu.memory_space<vmem>>
      tpu.enqueue_dma source(%dma_start3A_1177 : memref<64xf32, #tpu.memory_space<vmem>>) target(%dma_start3A_1176 : memref<64xf32, #tpu.memory_space<hbm>>) target_semaphore(%arg13 : memref<!tpu.dma_semaphore, #tpu.memory_space<semaphore_mem>>)
      %add3A_1178 = arith.constant 768 : i32
      %add3A_1179 = arith.addi %mul3A_258, %add3A_1178 : i32
      %slice3A_1180 = vector.extract_strided_slice %select_n3A_292 {offsets = [12], sizes = [1], strides = [1]} : vector<16xi32> to vector<1xi32>
      %squeeze3A_1181 = vector.extract %slice3A_1180[0] : i32 from vector<1xi32>
      %mul3A_1182 = arith.constant 64 : i32
      %mul3A_1183 = arith.muli %squeeze3A_1181, %mul3A_1182 : i32
      %dma_start3A_1184 = tpu.memref_slice %arg11[%add3A_1179] : memref<12288xf32, #tpu.memory_space<vmem>> -> memref<64xf32, #tpu.memory_space<vmem>>
      %dma_start3A_1185 = tpu.memref_slice %arg4[%mul3A_1183] : memref<1146880xf32, #tpu.memory_space<hbm>> -> memref<64xf32, #tpu.memory_space<hbm>>
      %dma_start3A_1186 = tpu.memref_slice %arg4[%mul3A_1183] : memref<1146880xf32, #tpu.memory_space<hbm>> -> memref<64xf32, #tpu.memory_space<hbm>>
      %dma_start3A_1187 = tpu.memref_slice %arg11[%add3A_1179] : memref<12288xf32, #tpu.memory_space<vmem>> -> memref<64xf32, #tpu.memory_space<vmem>>
      tpu.enqueue_dma source(%dma_start3A_1187 : memref<64xf32, #tpu.memory_space<vmem>>) target(%dma_start3A_1186 : memref<64xf32, #tpu.memory_space<hbm>>) target_semaphore(%arg13 : memref<!tpu.dma_semaphore, #tpu.memory_space<semaphore_mem>>)
      %add3A_1188 = arith.constant 832 : i32
      %add3A_1189 = arith.addi %mul3A_258, %add3A_1188 : i32
      %slice3A_1190 = vector.extract_strided_slice %select_n3A_292 {offsets = [13], sizes = [1], strides = [1]} : vector<16xi32> to vector<1xi32>
      %squeeze3A_1191 = vector.extract %slice3A_1190[0] : i32 from vector<1xi32>
      %mul3A_1192 = arith.constant 64 : i32
      %mul3A_1193 = arith.muli %squeeze3A_1191, %mul3A_1192 : i32
      %dma_start3A_1194 = tpu.memref_slice %arg11[%add3A_1189] : memref<12288xf32, #tpu.memory_space<vmem>> -> memref<64xf32, #tpu.memory_space<vmem>>
      %dma_start3A_1195 = tpu.memref_slice %arg4[%mul3A_1193] : memref<1146880xf32, #tpu.memory_space<hbm>> -> memref<64xf32, #tpu.memory_space<hbm>>
      %dma_start3A_1196 = tpu.memref_slice %arg4[%mul3A_1193] : memref<1146880xf32, #tpu.memory_space<hbm>> -> memref<64xf32, #tpu.memory_space<hbm>>
      %dma_start3A_1197 = tpu.memref_slice %arg11[%add3A_1189] : memref<12288xf32, #tpu.memory_space<vmem>> -> memref<64xf32, #tpu.memory_space<vmem>>
      tpu.enqueue_dma source(%dma_start3A_1197 : memref<64xf32, #tpu.memory_space<vmem>>) target(%dma_start3A_1196 : memref<64xf32, #tpu.memory_space<hbm>>) target_semaphore(%arg13 : memref<!tpu.dma_semaphore, #tpu.memory_space<semaphore_mem>>)
      %add3A_1198 = arith.constant 896 : i32
      %add3A_1199 = arith.addi %mul3A_258, %add3A_1198 : i32
      %slice3A_1200 = vector.extract_strided_slice %select_n3A_292 {offsets = [14], sizes = [1], strides = [1]} : vector<16xi32> to vector<1xi32>
      %squeeze3A_1201 = vector.extract %slice3A_1200[0] : i32 from vector<1xi32>
      %mul3A_1202 = arith.constant 64 : i32
      %mul3A_1203 = arith.muli %squeeze3A_1201, %mul3A_1202 : i32
      %dma_start3A_1204 = tpu.memref_slice %arg11[%add3A_1199] : memref<12288xf32, #tpu.memory_space<vmem>> -> memref<64xf32, #tpu.memory_space<vmem>>
      %dma_start3A_1205 = tpu.memref_slice %arg4[%mul3A_1203] : memref<1146880xf32, #tpu.memory_space<hbm>> -> memref<64xf32, #tpu.memory_space<hbm>>
      %dma_start3A_1206 = tpu.memref_slice %arg4[%mul3A_1203] : memref<1146880xf32, #tpu.memory_space<hbm>> -> memref<64xf32, #tpu.memory_space<hbm>>
      %dma_start3A_1207 = tpu.memref_slice %arg11[%add3A_1199] : memref<12288xf32, #tpu.memory_space<vmem>> -> memref<64xf32, #tpu.memory_space<vmem>>
      tpu.enqueue_dma source(%dma_start3A_1207 : memref<64xf32, #tpu.memory_space<vmem>>) target(%dma_start3A_1206 : memref<64xf32, #tpu.memory_space<hbm>>) target_semaphore(%arg13 : memref<!tpu.dma_semaphore, #tpu.memory_space<semaphore_mem>>)
      %add3A_1208 = arith.constant 960 : i32
      %add3A_1209 = arith.addi %mul3A_258, %add3A_1208 : i32
      %slice3A_1210 = vector.extract_strided_slice %select_n3A_292 {offsets = [15], sizes = [1], strides = [1]} : vector<16xi32> to vector<1xi32>
      %squeeze3A_1211 = vector.extract %slice3A_1210[0] : i32 from vector<1xi32>
      %mul3A_1212 = arith.constant 64 : i32
      %mul3A_1213 = arith.muli %squeeze3A_1211, %mul3A_1212 : i32
      %dma_start3A_1214 = tpu.memref_slice %arg11[%add3A_1209] : memref<12288xf32, #tpu.memory_space<vmem>> -> memref<64xf32, #tpu.memory_space<vmem>>
      %dma_start3A_1215 = tpu.memref_slice %arg4[%mul3A_1213] : memref<1146880xf32, #tpu.memory_space<hbm>> -> memref<64xf32, #tpu.memory_space<hbm>>
      %dma_start3A_1216 = tpu.memref_slice %arg4[%mul3A_1213] : memref<1146880xf32, #tpu.memory_space<hbm>> -> memref<64xf32, #tpu.memory_space<hbm>>
      %dma_start3A_1217 = tpu.memref_slice %arg11[%add3A_1209] : memref<12288xf32, #tpu.memory_space<vmem>> -> memref<64xf32, #tpu.memory_space<vmem>>
      tpu.enqueue_dma source(%dma_start3A_1217 : memref<64xf32, #tpu.memory_space<vmem>>) target(%dma_start3A_1216 : memref<64xf32, #tpu.memory_space<hbm>>) target_semaphore(%arg13 : memref<!tpu.dma_semaphore, #tpu.memory_space<semaphore_mem>>)
      %get3A_1218 = arith.constant 16 : index
      %get3A_1219 = tpu.vector_load %arg8[%get3A_1218] {strides = array<i32>} : memref<48xi32, #tpu.memory_space<vmem>>, vector<16xi32>,
      %get3A_1220 = arith.constant 16 : index
      %get3A_1221 = tpu.vector_load %arg9[%get3A_1220] {strides = array<i32>} : memref<48xi32, #tpu.memory_space<vmem>>, vector<16xi32>,
      %sub3A_1222 = vector.broadcast %mul3A_132 : i32 to vector<16xi32>
      %sub3A_1223 = arith.subi %get3A_1219, %sub3A_1222 : vector<16xi32>
      %jit3A_1224 = arith.constant 0 : i32
      %jit3A_1225 = arith.constant 767 : i32
      %max3A_1226 = vector.broadcast %jit3A_1224 : i32 to vector<16xi32>
      %max3A_1227 = arith.maxsi %max3A_1226, %sub3A_1223 : vector<16xi32>
      %min3A_1228 = vector.broadcast %jit3A_1225 : i32 to vector<16xi32>
      %min3A_1229 = arith.minsi %min3A_1228, %max3A_1227 : vector<16xi32>
      %add3A_1230 = arith.constant 16 : i32
      %add3A_1231 = vector.broadcast %add3A_1230 : i32 to vector<16xi32>
      %add3A_1232 = arith.addi %add3A_1231, %iota3A : vector<16xi32>
      %mul3A_1233 = arith.constant 64 : i32
      %mul3A_1234 = vector.broadcast %mul3A_1233 : i32 to vector<16xi32>
      %mul3A_1235 = arith.muli %add3A_1232, %mul3A_1234 : vector<16xi32>
      %ge3A_1236 = arith.constant 8192 : i32
      %ge3A_1237 = vector.broadcast %ge3A_1236 : i32 to vector<16xi32>
      %ge3A_1238 = arith.cmpi sge, %get3A_1221, %ge3A_1237 : vector<16xi32>
      %mul3A_1239 = arith.constant 2 : i32
      %mul3A_1240 = vector.broadcast %mul3A_1239 : i32 to vector<16xi32>
      %mul3A_1241 = arith.muli %mul3A_1240, %get3A_1221 : vector<16xi32>
      %sub3A_1242 = arith.constant 16383 : i32
      %sub3A_1243 = vector.broadcast %sub3A_1242 : i32 to vector<16xi32>
      %sub3A_1244 = arith.subi %mul3A_1241, %sub3A_1243 : vector<16xi32>
      %mul3A_1245 = arith.constant 2 : i32
      %mul3A_1246 = vector.broadcast %mul3A_1245 : i32 to vector<16xi32>
      %mul3A_1247 = arith.muli %mul3A_1246, %get3A_1221 : vector<16xi32>
      %select_n3A_1248 = arith.select %ge3A_1238, %sub3A_1244, %mul3A_1247 : vector<16xi1>, vector<16xi32>
      %lt3A_1249 = vector.broadcast %min3A_123 : i32 to vector<16xi32>
      %lt3A_1250 = arith.cmpi slt, %get3A_1219, %lt3A_1249 : vector<16xi32>
      %add3A_1251 = arith.constant 16 : i32
      %add3A_1252 = arith.addi %add3A_16, %add3A_1251 : i32
      %add3A_1253 = vector.broadcast %add3A_1252 : i32 to vector<16xi32>
      %add3A_1254 = arith.addi %add3A_1253, %iota3A : vector<16xi32>
      %select_n3A_1255 = arith.select %lt3A_1250, %select_n3A_1248, %add3A_1254 : vector<16xi1>, vector<16xi32>
      %gt3A = arith.constant 16 : i32
      %gt3A_1256 = arith.cmpi sgt, %while3A_239, %gt3A : i32
      %convert_element_type3A_1257 = arith.extui %gt3A_1256 : i1 to i32
      %cond3A_1258 = arith.constant 0 : i32
      %cond3A_1259 = arith.cmpi ne, %convert_element_type3A_1257, %cond3A_1258 : i32
      scf.if %cond3A_1259 {
        %broadcast_in_dim3A_1319 = arith.constant 0 : i32
        %broadcast_in_dim3A_1320 = vector.broadcast %broadcast_in_dim3A_1319 : i32 to vector<16xi32>
        %gather3A_1321 = arith.constant 0 : i32
        %gather3A_1322 = arith.constant 0 : i32
        %gather3A_1323 = tpu.memref_slice %arg10[%rem3A_113, %gather3A_1321, %gather3A_1322] : memref<2x64x768xf32, #tpu.memory_space<vmem>> -> memref<1x64x768xf32, #tpu.memory_space<vmem>>
        %gather3A_1324 = tpu.memref_squeeze %gather3A_1323 : memref<1x64x768xf32, #tpu.memory_space<vmem>> -> memref<64x768xf32, #tpu.memory_space<vmem>>
        %gather3A_1325 = tpu.vector_load_idx %gather3A_1324[%broadcast_in_dim3A_1320, %min3A_1229] : memref<64x768xf32, #tpu.memory_space<vmem>>[vector<16xi32>, vector<16xi32>], vector<16xf32>,
        %add3A_1326 = vector.broadcast %mul3A_258 : i32 to vector<16xi32>
        %add3A_1327 = arith.addi %add3A_1326, %mul3A_1235 : vector<16xi32>
        %add3A_1328 = arith.constant 0 : i32
        %add3A_1329 = vector.broadcast %add3A_1328 : i32 to vector<16xi32>
        %add3A_1330 = arith.addi %add3A_1327, %add3A_1329 : vector<16xi32>
        tpu.vector_store_idx %arg11[%add3A_1330], %gather3A_1325 : memref<12288xf32, #tpu.memory_space<vmem>>[vector<16xi32>], vector<16xf32>,
        %broadcast_in_dim3A_1331 = arith.constant 1 : i32
        %broadcast_in_dim3A_1332 = vector.broadcast %broadcast_in_dim3A_1331 : i32 to vector<16xi32>
        %gather3A_1333 = arith.constant 0 : i32
        %gather3A_1334 = arith.constant 0 : i32
        %gather3A_1335 = tpu.memref_slice %arg10[%rem3A_113, %gather3A_1333, %gather3A_1334] : memref<2x64x768xf32, #tpu.memory_space<vmem>> -> memref<1x64x768xf32, #tpu.memory_space<vmem>>
        %gather3A_1336 = tpu.memref_squeeze %gather3A_1335 : memref<1x64x768xf32, #tpu.memory_space<vmem>> -> memref<64x768xf32, #tpu.memory_space<vmem>>
        %gather3A_1337 = tpu.vector_load_idx %gather3A_1336[%broadcast_in_dim3A_1332, %min3A_1229] : memref<64x768xf32, #tpu.memory_space<vmem>>[vector<16xi32>, vector<16xi32>], vector<16xf32>,
        %add3A_1338 = vector.broadcast %mul3A_258 : i32 to vector<16xi32>
        %add3A_1339 = arith.addi %add3A_1338, %mul3A_1235 : vector<16xi32>
        %add3A_1340 = arith.constant 1 : i32
        %add3A_1341 = vector.broadcast %add3A_1340 : i32 to vector<16xi32>
        %add3A_1342 = arith.addi %add3A_1339, %add3A_1341 : vector<16xi32>
        tpu.vector_store_idx %arg11[%add3A_1342], %gather3A_1337 : memref<12288xf32, #tpu.memory_space<vmem>>[vector<16xi32>], vector<16xf32>,
        %broadcast_in_dim3A_1343 = arith.constant 2 : i32
        %broadcast_in_dim3A_1344 = vector.broadcast %broadcast_in_dim3A_1343 : i32 to vector<16xi32>
        %gather3A_1345 = arith.constant 0 : i32
        %gather3A_1346 = arith.constant 0 : i32
        %gather3A_1347 = tpu.memref_slice %arg10[%rem3A_113, %gather3A_1345, %gather3A_1346] : memref<2x64x768xf32, #tpu.memory_space<vmem>> -> memref<1x64x768xf32, #tpu.memory_space<vmem>>
        %gather3A_1348 = tpu.memref_squeeze %gather3A_1347 : memref<1x64x768xf32, #tpu.memory_space<vmem>> -> memref<64x768xf32, #tpu.memory_space<vmem>>
        %gather3A_1349 = tpu.vector_load_idx %gather3A_1348[%broadcast_in_dim3A_1344, %min3A_1229] : memref<64x768xf32, #tpu.memory_space<vmem>>[vector<16xi32>, vector<16xi32>], vector<16xf32>,
        %add3A_1350 = vector.broadcast %mul3A_258 : i32 to vector<16xi32>
        %add3A_1351 = arith.addi %add3A_1350, %mul3A_1235 : vector<16xi32>
        %add3A_1352 = arith.constant 2 : i32
        %add3A_1353 = vector.broadcast %add3A_1352 : i32 to vector<16xi32>
        %add3A_1354 = arith.addi %add3A_1351, %add3A_1353 : vector<16xi32>
        tpu.vector_store_idx %arg11[%add3A_1354], %gather3A_1349 : memref<12288xf32, #tpu.memory_space<vmem>>[vector<16xi32>], vector<16xf32>,
        %broadcast_in_dim3A_1355 = arith.constant 3 : i32
        %broadcast_in_dim3A_1356 = vector.broadcast %broadcast_in_dim3A_1355 : i32 to vector<16xi32>
        %gather3A_1357 = arith.constant 0 : i32
        %gather3A_1358 = arith.constant 0 : i32
        %gather3A_1359 = tpu.memref_slice %arg10[%rem3A_113, %gather3A_1357, %gather3A_1358] : memref<2x64x768xf32, #tpu.memory_space<vmem>> -> memref<1x64x768xf32, #tpu.memory_space<vmem>>
        %gather3A_1360 = tpu.memref_squeeze %gather3A_1359 : memref<1x64x768xf32, #tpu.memory_space<vmem>> -> memref<64x768xf32, #tpu.memory_space<vmem>>
        %gather3A_1361 = tpu.vector_load_idx %gather3A_1360[%broadcast_in_dim3A_1356, %min3A_1229] : memref<64x768xf32, #tpu.memory_space<vmem>>[vector<16xi32>, vector<16xi32>], vector<16xf32>,
        %add3A_1362 = vector.broadcast %mul3A_258 : i32 to vector<16xi32>
        %add3A_1363 = arith.addi %add3A_1362, %mul3A_1235 : vector<16xi32>
        %add3A_1364 = arith.constant 3 : i32
        %add3A_1365 = vector.broadcast %add3A_1364 : i32 to vector<16xi32>
        %add3A_1366 = arith.addi %add3A_1363, %add3A_1365 : vector<16xi32>
        tpu.vector_store_idx %arg11[%add3A_1366], %gather3A_1361 : memref<12288xf32, #tpu.memory_space<vmem>>[vector<16xi32>], vector<16xf32>,
        %broadcast_in_dim3A_1367 = arith.constant 4 : i32
        %broadcast_in_dim3A_1368 = vector.broadcast %broadcast_in_dim3A_1367 : i32 to vector<16xi32>
        %gather3A_1369 = arith.constant 0 : i32
        %gather3A_1370 = arith.constant 0 : i32
        %gather3A_1371 = tpu.memref_slice %arg10[%rem3A_113, %gather3A_1369, %gather3A_1370] : memref<2x64x768xf32, #tpu.memory_space<vmem>> -> memref<1x64x768xf32, #tpu.memory_space<vmem>>
        %gather3A_1372 = tpu.memref_squeeze %gather3A_1371 : memref<1x64x768xf32, #tpu.memory_space<vmem>> -> memref<64x768xf32, #tpu.memory_space<vmem>>
        %gather3A_1373 = tpu.vector_load_idx %gather3A_1372[%broadcast_in_dim3A_1368, %min3A_1229] : memref<64x768xf32, #tpu.memory_space<vmem>>[vector<16xi32>, vector<16xi32>], vector<16xf32>,
        %add3A_1374 = vector.broadcast %mul3A_258 : i32 to vector<16xi32>
        %add3A_1375 = arith.addi %add3A_1374, %mul3A_1235 : vector<16xi32>
        %add3A_1376 = arith.constant 4 : i32
        %add3A_1377 = vector.broadcast %add3A_1376 : i32 to vector<16xi32>
        %add3A_1378 = arith.addi %add3A_1375, %add3A_1377 : vector<16xi32>
        tpu.vector_store_idx %arg11[%add3A_1378], %gather3A_1373 : memref<12288xf32, #tpu.memory_space<vmem>>[vector<16xi32>], vector<16xf32>,
        %broadcast_in_dim3A_1379 = arith.constant 5 : i32
        %broadcast_in_dim3A_1380 = vector.broadcast %broadcast_in_dim3A_1379 : i32 to vector<16xi32>
        %gather3A_1381 = arith.constant 0 : i32
        %gather3A_1382 = arith.constant 0 : i32
        %gather3A_1383 = tpu.memref_slice %arg10[%rem3A_113, %gather3A_1381, %gather3A_1382] : memref<2x64x768xf32, #tpu.memory_space<vmem>> -> memref<1x64x768xf32, #tpu.memory_space<vmem>>
        %gather3A_1384 = tpu.memref_squeeze %gather3A_1383 : memref<1x64x768xf32, #tpu.memory_space<vmem>> -> memref<64x768xf32, #tpu.memory_space<vmem>>
        %gather3A_1385 = tpu.vector_load_idx %gather3A_1384[%broadcast_in_dim3A_1380, %min3A_1229] : memref<64x768xf32, #tpu.memory_space<vmem>>[vector<16xi32>, vector<16xi32>], vector<16xf32>,
        %add3A_1386 = vector.broadcast %mul3A_258 : i32 to vector<16xi32>
        %add3A_1387 = arith.addi %add3A_1386, %mul3A_1235 : vector<16xi32>
        %add3A_1388 = arith.constant 5 : i32
        %add3A_1389 = vector.broadcast %add3A_1388 : i32 to vector<16xi32>
        %add3A_1390 = arith.addi %add3A_1387, %add3A_1389 : vector<16xi32>
        tpu.vector_store_idx %arg11[%add3A_1390], %gather3A_1385 : memref<12288xf32, #tpu.memory_space<vmem>>[vector<16xi32>], vector<16xf32>,
        %broadcast_in_dim3A_1391 = arith.constant 6 : i32
        %broadcast_in_dim3A_1392 = vector.broadcast %broadcast_in_dim3A_1391 : i32 to vector<16xi32>
        %gather3A_1393 = arith.constant 0 : i32
        %gather3A_1394 = arith.constant 0 : i32
        %gather3A_1395 = tpu.memref_slice %arg10[%rem3A_113, %gather3A_1393, %gather3A_1394] : memref<2x64x768xf32, #tpu.memory_space<vmem>> -> memref<1x64x768xf32, #tpu.memory_space<vmem>>
        %gather3A_1396 = tpu.memref_squeeze %gather3A_1395 : memref<1x64x768xf32, #tpu.memory_space<vmem>> -> memref<64x768xf32, #tpu.memory_space<vmem>>
        %gather3A_1397 = tpu.vector_load_idx %gather3A_1396[%broadcast_in_dim3A_1392, %min3A_1229] : memref<64x768xf32, #tpu.memory_space<vmem>>[vector<16xi32>, vector<16xi32>], vector<16xf32>,
        %add3A_1398 = vector.broadcast %mul3A_258 : i32 to vector<16xi32>
        %add3A_1399 = arith.addi %add3A_1398, %mul3A_1235 : vector<16xi32>
        %add3A_1400 = arith.constant 6 : i32
        %add3A_1401 = vector.broadcast %add3A_1400 : i32 to vector<16xi32>
        %add3A_1402 = arith.addi %add3A_1399, %add3A_1401 : vector<16xi32>
        tpu.vector_store_idx %arg11[%add3A_1402], %gather3A_1397 : memref<12288xf32, #tpu.memory_space<vmem>>[vector<16xi32>], vector<16xf32>,
        %broadcast_in_dim3A_1403 = arith.constant 7 : i32
        %broadcast_in_dim3A_1404 = vector.broadcast %broadcast_in_dim3A_1403 : i32 to vector<16xi32>
        %gather3A_1405 = arith.constant 0 : i32
        %gather3A_1406 = arith.constant 0 : i32
        %gather3A_1407 = tpu.memref_slice %arg10[%rem3A_113, %gather3A_1405, %gather3A_1406] : memref<2x64x768xf32, #tpu.memory_space<vmem>> -> memref<1x64x768xf32, #tpu.memory_space<vmem>>
        %gather3A_1408 = tpu.memref_squeeze %gather3A_1407 : memref<1x64x768xf32, #tpu.memory_space<vmem>> -> memref<64x768xf32, #tpu.memory_space<vmem>>
        %gather3A_1409 = tpu.vector_load_idx %gather3A_1408[%broadcast_in_dim3A_1404, %min3A_1229] : memref<64x768xf32, #tpu.memory_space<vmem>>[vector<16xi32>, vector<16xi32>], vector<16xf32>,
        %add3A_1410 = vector.broadcast %mul3A_258 : i32 to vector<16xi32>
        %add3A_1411 = arith.addi %add3A_1410, %mul3A_1235 : vector<16xi32>
        %add3A_1412 = arith.constant 7 : i32
        %add3A_1413 = vector.broadcast %add3A_1412 : i32 to vector<16xi32>
        %add3A_1414 = arith.addi %add3A_1411, %add3A_1413 : vector<16xi32>
        tpu.vector_store_idx %arg11[%add3A_1414], %gather3A_1409 : memref<12288xf32, #tpu.memory_space<vmem>>[vector<16xi32>], vector<16xf32>,
        %broadcast_in_dim3A_1415 = arith.constant 8 : i32
        %broadcast_in_dim3A_1416 = vector.broadcast %broadcast_in_dim3A_1415 : i32 to vector<16xi32>
        %gather3A_1417 = arith.constant 0 : i32
        %gather3A_1418 = arith.constant 0 : i32
        %gather3A_1419 = tpu.memref_slice %arg10[%rem3A_113, %gather3A_1417, %gather3A_1418] : memref<2x64x768xf32, #tpu.memory_space<vmem>> -> memref<1x64x768xf32, #tpu.memory_space<vmem>>
        %gather3A_1420 = tpu.memref_squeeze %gather3A_1419 : memref<1x64x768xf32, #tpu.memory_space<vmem>> -> memref<64x768xf32, #tpu.memory_space<vmem>>
        %gather3A_1421 = tpu.vector_load_idx %gather3A_1420[%broadcast_in_dim3A_1416, %min3A_1229] : memref<64x768xf32, #tpu.memory_space<vmem>>[vector<16xi32>, vector<16xi32>], vector<16xf32>,
        %add3A_1422 = vector.broadcast %mul3A_258 : i32 to vector<16xi32>
        %add3A_1423 = arith.addi %add3A_1422, %mul3A_1235 : vector<16xi32>
        %add3A_1424 = arith.constant 8 : i32
        %add3A_1425 = vector.broadcast %add3A_1424 : i32 to vector<16xi32>
        %add3A_1426 = arith.addi %add3A_1423, %add3A_1425 : vector<16xi32>
        tpu.vector_store_idx %arg11[%add3A_1426], %gather3A_1421 : memref<12288xf32, #tpu.memory_space<vmem>>[vector<16xi32>], vector<16xf32>,
        %broadcast_in_dim3A_1427 = arith.constant 9 : i32
        %broadcast_in_dim3A_1428 = vector.broadcast %broadcast_in_dim3A_1427 : i32 to vector<16xi32>
        %gather3A_1429 = arith.constant 0 : i32
        %gather3A_1430 = arith.constant 0 : i32
        %gather3A_1431 = tpu.memref_slice %arg10[%rem3A_113, %gather3A_1429, %gather3A_1430] : memref<2x64x768xf32, #tpu.memory_space<vmem>> -> memref<1x64x768xf32, #tpu.memory_space<vmem>>
        %gather3A_1432 = tpu.memref_squeeze %gather3A_1431 : memref<1x64x768xf32, #tpu.memory_space<vmem>> -> memref<64x768xf32, #tpu.memory_space<vmem>>
        %gather3A_1433 = tpu.vector_load_idx %gather3A_1432[%broadcast_in_dim3A_1428, %min3A_1229] : memref<64x768xf32, #tpu.memory_space<vmem>>[vector<16xi32>, vector<16xi32>], vector<16xf32>,
        %add3A_1434 = vector.broadcast %mul3A_258 : i32 to vector<16xi32>
        %add3A_1435 = arith.addi %add3A_1434, %mul3A_1235 : vector<16xi32>
        %add3A_1436 = arith.constant 9 : i32
        %add3A_1437 = vector.broadcast %add3A_1436 : i32 to vector<16xi32>
        %add3A_1438 = arith.addi %add3A_1435, %add3A_1437 : vector<16xi32>
        tpu.vector_store_idx %arg11[%add3A_1438], %gather3A_1433 : memref<12288xf32, #tpu.memory_space<vmem>>[vector<16xi32>], vector<16xf32>,
        %broadcast_in_dim3A_1439 = arith.constant 10 : i32
        %broadcast_in_dim3A_1440 = vector.broadcast %broadcast_in_dim3A_1439 : i32 to vector<16xi32>
        %gather3A_1441 = arith.constant 0 : i32
        %gather3A_1442 = arith.constant 0 : i32
        %gather3A_1443 = tpu.memref_slice %arg10[%rem3A_113, %gather3A_1441, %gather3A_1442] : memref<2x64x768xf32, #tpu.memory_space<vmem>> -> memref<1x64x768xf32, #tpu.memory_space<vmem>>
        %gather3A_1444 = tpu.memref_squeeze %gather3A_1443 : memref<1x64x768xf32, #tpu.memory_space<vmem>> -> memref<64x768xf32, #tpu.memory_space<vmem>>
        %gather3A_1445 = tpu.vector_load_idx %gather3A_1444[%broadcast_in_dim3A_1440, %min3A_1229] : memref<64x768xf32, #tpu.memory_space<vmem>>[vector<16xi32>, vector<16xi32>], vector<16xf32>,
        %add3A_1446 = vector.broadcast %mul3A_258 : i32 to vector<16xi32>
        %add3A_1447 = arith.addi %add3A_1446, %mul3A_1235 : vector<16xi32>
        %add3A_1448 = arith.constant 10 : i32
        %add3A_1449 = vector.broadcast %add3A_1448 : i32 to vector<16xi32>
        %add3A_1450 = arith.addi %add3A_1447, %add3A_1449 : vector<16xi32>
        tpu.vector_store_idx %arg11[%add3A_1450], %gather3A_1445 : memref<12288xf32, #tpu.memory_space<vmem>>[vector<16xi32>], vector<16xf32>,
        %broadcast_in_dim3A_1451 = arith.constant 11 : i32
        %broadcast_in_dim3A_1452 = vector.broadcast %broadcast_in_dim3A_1451 : i32 to vector<16xi32>
        %gather3A_1453 = arith.constant 0 : i32
        %gather3A_1454 = arith.constant 0 : i32
        %gather3A_1455 = tpu.memref_slice %arg10[%rem3A_113, %gather3A_1453, %gather3A_1454] : memref<2x64x768xf32, #tpu.memory_space<vmem>> -> memref<1x64x768xf32, #tpu.memory_space<vmem>>
        %gather3A_1456 = tpu.memref_squeeze %gather3A_1455 : memref<1x64x768xf32, #tpu.memory_space<vmem>> -> memref<64x768xf32, #tpu.memory_space<vmem>>
        %gather3A_1457 = tpu.vector_load_idx %gather3A_1456[%broadcast_in_dim3A_1452, %min3A_1229] : memref<64x768xf32, #tpu.memory_space<vmem>>[vector<16xi32>, vector<16xi32>], vector<16xf32>,
        %add3A_1458 = vector.broadcast %mul3A_258 : i32 to vector<16xi32>
        %add3A_1459 = arith.addi %add3A_1458, %mul3A_1235 : vector<16xi32>
        %add3A_1460 = arith.constant 11 : i32
        %add3A_1461 = vector.broadcast %add3A_1460 : i32 to vector<16xi32>
        %add3A_1462 = arith.addi %add3A_1459, %add3A_1461 : vector<16xi32>
        tpu.vector_store_idx %arg11[%add3A_1462], %gather3A_1457 : memref<12288xf32, #tpu.memory_space<vmem>>[vector<16xi32>], vector<16xf32>,
        %broadcast_in_dim3A_1463 = arith.constant 12 : i32
        %broadcast_in_dim3A_1464 = vector.broadcast %broadcast_in_dim3A_1463 : i32 to vector<16xi32>
        %gather3A_1465 = arith.constant 0 : i32
        %gather3A_1466 = arith.constant 0 : i32
        %gather3A_1467 = tpu.memref_slice %arg10[%rem3A_113, %gather3A_1465, %gather3A_1466] : memref<2x64x768xf32, #tpu.memory_space<vmem>> -> memref<1x64x768xf32, #tpu.memory_space<vmem>>
        %gather3A_1468 = tpu.memref_squeeze %gather3A_1467 : memref<1x64x768xf32, #tpu.memory_space<vmem>> -> memref<64x768xf32, #tpu.memory_space<vmem>>
        %gather3A_1469 = tpu.vector_load_idx %gather3A_1468[%broadcast_in_dim3A_1464, %min3A_1229] : memref<64x768xf32, #tpu.memory_space<vmem>>[vector<16xi32>, vector<16xi32>], vector<16xf32>,
        %add3A_1470 = vector.broadcast %mul3A_258 : i32 to vector<16xi32>
        %add3A_1471 = arith.addi %add3A_1470, %mul3A_1235 : vector<16xi32>
        %add3A_1472 = arith.constant 12 : i32
        %add3A_1473 = vector.broadcast %add3A_1472 : i32 to vector<16xi32>
        %add3A_1474 = arith.addi %add3A_1471, %add3A_1473 : vector<16xi32>
        tpu.vector_store_idx %arg11[%add3A_1474], %gather3A_1469 : memref<12288xf32, #tpu.memory_space<vmem>>[vector<16xi32>], vector<16xf32>,
        %broadcast_in_dim3A_1475 = arith.constant 13 : i32
        %broadcast_in_dim3A_1476 = vector.broadcast %broadcast_in_dim3A_1475 : i32 to vector<16xi32>
        %gather3A_1477 = arith.constant 0 : i32
        %gather3A_1478 = arith.constant 0 : i32
        %gather3A_1479 = tpu.memref_slice %arg10[%rem3A_113, %gather3A_1477, %gather3A_1478] : memref<2x64x768xf32, #tpu.memory_space<vmem>> -> memref<1x64x768xf32, #tpu.memory_space<vmem>>
        %gather3A_1480 = tpu.memref_squeeze %gather3A_1479 : memref<1x64x768xf32, #tpu.memory_space<vmem>> -> memref<64x768xf32, #tpu.memory_space<vmem>>
        %gather3A_1481 = tpu.vector_load_idx %gather3A_1480[%broadcast_in_dim3A_1476, %min3A_1229] : memref<64x768xf32, #tpu.memory_space<vmem>>[vector<16xi32>, vector<16xi32>], vector<16xf32>,
        %add3A_1482 = vector.broadcast %mul3A_258 : i32 to vector<16xi32>
        %add3A_1483 = arith.addi %add3A_1482, %mul3A_1235 : vector<16xi32>
        %add3A_1484 = arith.constant 13 : i32
        %add3A_1485 = vector.broadcast %add3A_1484 : i32 to vector<16xi32>
        %add3A_1486 = arith.addi %add3A_1483, %add3A_1485 : vector<16xi32>
        tpu.vector_store_idx %arg11[%add3A_1486], %gather3A_1481 : memref<12288xf32, #tpu.memory_space<vmem>>[vector<16xi32>], vector<16xf32>,
        %broadcast_in_dim3A_1487 = arith.constant 14 : i32
        %broadcast_in_dim3A_1488 = vector.broadcast %broadcast_in_dim3A_1487 : i32 to vector<16xi32>
        %gather3A_1489 = arith.constant 0 : i32
        %gather3A_1490 = arith.constant 0 : i32
        %gather3A_1491 = tpu.memref_slice %arg10[%rem3A_113, %gather3A_1489, %gather3A_1490] : memref<2x64x768xf32, #tpu.memory_space<vmem>> -> memref<1x64x768xf32, #tpu.memory_space<vmem>>
        %gather3A_1492 = tpu.memref_squeeze %gather3A_1491 : memref<1x64x768xf32, #tpu.memory_space<vmem>> -> memref<64x768xf32, #tpu.memory_space<vmem>>
        %gather3A_1493 = tpu.vector_load_idx %gather3A_1492[%broadcast_in_dim3A_1488, %min3A_1229] : memref<64x768xf32, #tpu.memory_space<vmem>>[vector<16xi32>, vector<16xi32>], vector<16xf32>,
        %add3A_1494 = vector.broadcast %mul3A_258 : i32 to vector<16xi32>
        %add3A_1495 = arith.addi %add3A_1494, %mul3A_1235 : vector<16xi32>
        %add3A_1496 = arith.constant 14 : i32
        %add3A_1497 = vector.broadcast %add3A_1496 : i32 to vector<16xi32>
        %add3A_1498 = arith.addi %add3A_1495, %add3A_1497 : vector<16xi32>
        tpu.vector_store_idx %arg11[%add3A_1498], %gather3A_1493 : memref<12288xf32, #tpu.memory_space<vmem>>[vector<16xi32>], vector<16xf32>,
        %broadcast_in_dim3A_1499 = arith.constant 15 : i32
        %broadcast_in_dim3A_1500 = vector.broadcast %broadcast_in_dim3A_1499 : i32 to vector<16xi32>
        %gather3A_1501 = arith.constant 0 : i32
        %gather3A_1502 = arith.constant 0 : i32
        %gather3A_1503 = tpu.memref_slice %arg10[%rem3A_113, %gather3A_1501, %gather3A_1502] : memref<2x64x768xf32, #tpu.memory_space<vmem>> -> memref<1x64x768xf32, #tpu.memory_space<vmem>>
        %gather3A_1504 = tpu.memref_squeeze %gather3A_1503 : memref<1x64x768xf32, #tpu.memory_space<vmem>> -> memref<64x768xf32, #tpu.memory_space<vmem>>
        %gather3A_1505 = tpu.vector_load_idx %gather3A_1504[%broadcast_in_dim3A_1500, %min3A_1229] : memref<64x768xf32, #tpu.memory_space<vmem>>[vector<16xi32>, vector<16xi32>], vector<16xf32>,
        %add3A_1506 = vector.broadcast %mul3A_258 : i32 to vector<16xi32>
        %add3A_1507 = arith.addi %add3A_1506, %mul3A_1235 : vector<16xi32>
        %add3A_1508 = arith.constant 15 : i32
        %add3A_1509 = vector.broadcast %add3A_1508 : i32 to vector<16xi32>
        %add3A_1510 = arith.addi %add3A_1507, %add3A_1509 : vector<16xi32>
        tpu.vector_store_idx %arg11[%add3A_1510], %gather3A_1505 : memref<12288xf32, #tpu.memory_space<vmem>>[vector<16xi32>], vector<16xf32>,
        %broadcast_in_dim3A_1511 = arith.constant 16 : i32
        %broadcast_in_dim3A_1512 = vector.broadcast %broadcast_in_dim3A_1511 : i32 to vector<16xi32>
        %gather3A_1513 = arith.constant 0 : i32
        %gather3A_1514 = arith.constant 0 : i32
        %gather3A_1515 = tpu.memref_slice %arg10[%rem3A_113, %gather3A_1513, %gather3A_1514] : memref<2x64x768xf32, #tpu.memory_space<vmem>> -> memref<1x64x768xf32, #tpu.memory_space<vmem>>
        %gather3A_1516 = tpu.memref_squeeze %gather3A_1515 : memref<1x64x768xf32, #tpu.memory_space<vmem>> -> memref<64x768xf32, #tpu.memory_space<vmem>>
        %gather3A_1517 = tpu.vector_load_idx %gather3A_1516[%broadcast_in_dim3A_1512, %min3A_1229] : memref<64x768xf32, #tpu.memory_space<vmem>>[vector<16xi32>, vector<16xi32>], vector<16xf32>,
        %add3A_1518 = vector.broadcast %mul3A_258 : i32 to vector<16xi32>
        %add3A_1519 = arith.addi %add3A_1518, %mul3A_1235 : vector<16xi32>
        %add3A_1520 = arith.constant 16 : i32
        %add3A_1521 = vector.broadcast %add3A_1520 : i32 to vector<16xi32>
        %add3A_1522 = arith.addi %add3A_1519, %add3A_1521 : vector<16xi32>
        tpu.vector_store_idx %arg11[%add3A_1522], %gather3A_1517 : memref<12288xf32, #tpu.memory_space<vmem>>[vector<16xi32>], vector<16xf32>,
        %broadcast_in_dim3A_1523 = arith.constant 17 : i32
        %broadcast_in_dim3A_1524 = vector.broadcast %broadcast_in_dim3A_1523 : i32 to vector<16xi32>
        %gather3A_1525 = arith.constant 0 : i32
        %gather3A_1526 = arith.constant 0 : i32
        %gather3A_1527 = tpu.memref_slice %arg10[%rem3A_113, %gather3A_1525, %gather3A_1526] : memref<2x64x768xf32, #tpu.memory_space<vmem>> -> memref<1x64x768xf32, #tpu.memory_space<vmem>>
        %gather3A_1528 = tpu.memref_squeeze %gather3A_1527 : memref<1x64x768xf32, #tpu.memory_space<vmem>> -> memref<64x768xf32, #tpu.memory_space<vmem>>
        %gather3A_1529 = tpu.vector_load_idx %gather3A_1528[%broadcast_in_dim3A_1524, %min3A_1229] : memref<64x768xf32, #tpu.memory_space<vmem>>[vector<16xi32>, vector<16xi32>], vector<16xf32>,
        %add3A_1530 = vector.broadcast %mul3A_258 : i32 to vector<16xi32>
        %add3A_1531 = arith.addi %add3A_1530, %mul3A_1235 : vector<16xi32>
        %add3A_1532 = arith.constant 17 : i32
        %add3A_1533 = vector.broadcast %add3A_1532 : i32 to vector<16xi32>
        %add3A_1534 = arith.addi %add3A_1531, %add3A_1533 : vector<16xi32>
        tpu.vector_store_idx %arg11[%add3A_1534], %gather3A_1529 : memref<12288xf32, #tpu.memory_space<vmem>>[vector<16xi32>], vector<16xf32>,
        %broadcast_in_dim3A_1535 = arith.constant 18 : i32
        %broadcast_in_dim3A_1536 = vector.broadcast %broadcast_in_dim3A_1535 : i32 to vector<16xi32>
        %gather3A_1537 = arith.constant 0 : i32
        %gather3A_1538 = arith.constant 0 : i32
        %gather3A_1539 = tpu.memref_slice %arg10[%rem3A_113, %gather3A_1537, %gather3A_1538] : memref<2x64x768xf32, #tpu.memory_space<vmem>> -> memref<1x64x768xf32, #tpu.memory_space<vmem>>
        %gather3A_1540 = tpu.memref_squeeze %gather3A_1539 : memref<1x64x768xf32, #tpu.memory_space<vmem>> -> memref<64x768xf32, #tpu.memory_space<vmem>>
        %gather3A_1541 = tpu.vector_load_idx %gather3A_1540[%broadcast_in_dim3A_1536, %min3A_1229] : memref<64x768xf32, #tpu.memory_space<vmem>>[vector<16xi32>, vector<16xi32>], vector<16xf32>,
        %add3A_1542 = vector.broadcast %mul3A_258 : i32 to vector<16xi32>
        %add3A_1543 = arith.addi %add3A_1542, %mul3A_1235 : vector<16xi32>
        %add3A_1544 = arith.constant 18 : i32
        %add3A_1545 = vector.broadcast %add3A_1544 : i32 to vector<16xi32>
        %add3A_1546 = arith.addi %add3A_1543, %add3A_1545 : vector<16xi32>
        tpu.vector_store_idx %arg11[%add3A_1546], %gather3A_1541 : memref<12288xf32, #tpu.memory_space<vmem>>[vector<16xi32>], vector<16xf32>,
        %broadcast_in_dim3A_1547 = arith.constant 19 : i32
        %broadcast_in_dim3A_1548 = vector.broadcast %broadcast_in_dim3A_1547 : i32 to vector<16xi32>
        %gather3A_1549 = arith.constant 0 : i32
        %gather3A_1550 = arith.constant 0 : i32
        %gather3A_1551 = tpu.memref_slice %arg10[%rem3A_113, %gather3A_1549, %gather3A_1550] : memref<2x64x768xf32, #tpu.memory_space<vmem>> -> memref<1x64x768xf32, #tpu.memory_space<vmem>>
        %gather3A_1552 = tpu.memref_squeeze %gather3A_1551 : memref<1x64x768xf32, #tpu.memory_space<vmem>> -> memref<64x768xf32, #tpu.memory_space<vmem>>
        %gather3A_1553 = tpu.vector_load_idx %gather3A_1552[%broadcast_in_dim3A_1548, %min3A_1229] : memref<64x768xf32, #tpu.memory_space<vmem>>[vector<16xi32>, vector<16xi32>], vector<16xf32>,
        %add3A_1554 = vector.broadcast %mul3A_258 : i32 to vector<16xi32>
        %add3A_1555 = arith.addi %add3A_1554, %mul3A_1235 : vector<16xi32>
        %add3A_1556 = arith.constant 19 : i32
        %add3A_1557 = vector.broadcast %add3A_1556 : i32 to vector<16xi32>
        %add3A_1558 = arith.addi %add3A_1555, %add3A_1557 : vector<16xi32>
        tpu.vector_store_idx %arg11[%add3A_1558], %gather3A_1553 : memref<12288xf32, #tpu.memory_space<vmem>>[vector<16xi32>], vector<16xf32>,
        %broadcast_in_dim3A_1559 = arith.constant 20 : i32
        %broadcast_in_dim3A_1560 = vector.broadcast %broadcast_in_dim3A_1559 : i32 to vector<16xi32>
        %gather3A_1561 = arith.constant 0 : i32
        %gather3A_1562 = arith.constant 0 : i32
        %gather3A_1563 = tpu.memref_slice %arg10[%rem3A_113, %gather3A_1561, %gather3A_1562] : memref<2x64x768xf32, #tpu.memory_space<vmem>> -> memref<1x64x768xf32, #tpu.memory_space<vmem>>
        %gather3A_1564 = tpu.memref_squeeze %gather3A_1563 : memref<1x64x768xf32, #tpu.memory_space<vmem>> -> memref<64x768xf32, #tpu.memory_space<vmem>>
        %gather3A_1565 = tpu.vector_load_idx %gather3A_1564[%broadcast_in_dim3A_1560, %min3A_1229] : memref<64x768xf32, #tpu.memory_space<vmem>>[vector<16xi32>, vector<16xi32>], vector<16xf32>,
        %add3A_1566 = vector.broadcast %mul3A_258 : i32 to vector<16xi32>
        %add3A_1567 = arith.addi %add3A_1566, %mul3A_1235 : vector<16xi32>
        %add3A_1568 = arith.constant 20 : i32
        %add3A_1569 = vector.broadcast %add3A_1568 : i32 to vector<16xi32>
        %add3A_1570 = arith.addi %add3A_1567, %add3A_1569 : vector<16xi32>
        tpu.vector_store_idx %arg11[%add3A_1570], %gather3A_1565 : memref<12288xf32, #tpu.memory_space<vmem>>[vector<16xi32>], vector<16xf32>,
        %broadcast_in_dim3A_1571 = arith.constant 21 : i32
        %broadcast_in_dim3A_1572 = vector.broadcast %broadcast_in_dim3A_1571 : i32 to vector<16xi32>
        %gather3A_1573 = arith.constant 0 : i32
        %gather3A_1574 = arith.constant 0 : i32
        %gather3A_1575 = tpu.memref_slice %arg10[%rem3A_113, %gather3A_1573, %gather3A_1574] : memref<2x64x768xf32, #tpu.memory_space<vmem>> -> memref<1x64x768xf32, #tpu.memory_space<vmem>>
        %gather3A_1576 = tpu.memref_squeeze %gather3A_1575 : memref<1x64x768xf32, #tpu.memory_space<vmem>> -> memref<64x768xf32, #tpu.memory_space<vmem>>
        %gather3A_1577 = tpu.vector_load_idx %gather3A_1576[%broadcast_in_dim3A_1572, %min3A_1229] : memref<64x768xf32, #tpu.memory_space<vmem>>[vector<16xi32>, vector<16xi32>], vector<16xf32>,
        %add3A_1578 = vector.broadcast %mul3A_258 : i32 to vector<16xi32>
        %add3A_1579 = arith.addi %add3A_1578, %mul3A_1235 : vector<16xi32>
        %add3A_1580 = arith.constant 21 : i32
        %add3A_1581 = vector.broadcast %add3A_1580 : i32 to vector<16xi32>
        %add3A_1582 = arith.addi %add3A_1579, %add3A_1581 : vector<16xi32>
        tpu.vector_store_idx %arg11[%add3A_1582], %gather3A_1577 : memref<12288xf32, #tpu.memory_space<vmem>>[vector<16xi32>], vector<16xf32>,
        %broadcast_in_dim3A_1583 = arith.constant 22 : i32
        %broadcast_in_dim3A_1584 = vector.broadcast %broadcast_in_dim3A_1583 : i32 to vector<16xi32>
        %gather3A_1585 = arith.constant 0 : i32
        %gather3A_1586 = arith.constant 0 : i32
        %gather3A_1587 = tpu.memref_slice %arg10[%rem3A_113, %gather3A_1585, %gather3A_1586] : memref<2x64x768xf32, #tpu.memory_space<vmem>> -> memref<1x64x768xf32, #tpu.memory_space<vmem>>
        %gather3A_1588 = tpu.memref_squeeze %gather3A_1587 : memref<1x64x768xf32, #tpu.memory_space<vmem>> -> memref<64x768xf32, #tpu.memory_space<vmem>>
        %gather3A_1589 = tpu.vector_load_idx %gather3A_1588[%broadcast_in_dim3A_1584, %min3A_1229] : memref<64x768xf32, #tpu.memory_space<vmem>>[vector<16xi32>, vector<16xi32>], vector<16xf32>,
        %add3A_1590 = vector.broadcast %mul3A_258 : i32 to vector<16xi32>
        %add3A_1591 = arith.addi %add3A_1590, %mul3A_1235 : vector<16xi32>
        %add3A_1592 = arith.constant 22 : i32
        %add3A_1593 = vector.broadcast %add3A_1592 : i32 to vector<16xi32>
        %add3A_1594 = arith.addi %add3A_1591, %add3A_1593 : vector<16xi32>
        tpu.vector_store_idx %arg11[%add3A_1594], %gather3A_1589 : memref<12288xf32, #tpu.memory_space<vmem>>[vector<16xi32>], vector<16xf32>,
        %broadcast_in_dim3A_1595 = arith.constant 23 : i32
        %broadcast_in_dim3A_1596 = vector.broadcast %broadcast_in_dim3A_1595 : i32 to vector<16xi32>
        %gather3A_1597 = arith.constant 0 : i32
        %gather3A_1598 = arith.constant 0 : i32
        %gather3A_1599 = tpu.memref_slice %arg10[%rem3A_113, %gather3A_1597, %gather3A_1598] : memref<2x64x768xf32, #tpu.memory_space<vmem>> -> memref<1x64x768xf32, #tpu.memory_space<vmem>>
        %gather3A_1600 = tpu.memref_squeeze %gather3A_1599 : memref<1x64x768xf32, #tpu.memory_space<vmem>> -> memref<64x768xf32, #tpu.memory_space<vmem>>
        %gather3A_1601 = tpu.vector_load_idx %gather3A_1600[%broadcast_in_dim3A_1596, %min3A_1229] : memref<64x768xf32, #tpu.memory_space<vmem>>[vector<16xi32>, vector<16xi32>], vector<16xf32>,
        %add3A_1602 = vector.broadcast %mul3A_258 : i32 to vector<16xi32>
        %add3A_1603 = arith.addi %add3A_1602, %mul3A_1235 : vector<16xi32>
        %add3A_1604 = arith.constant 23 : i32
        %add3A_1605 = vector.broadcast %add3A_1604 : i32 to vector<16xi32>
        %add3A_1606 = arith.addi %add3A_1603, %add3A_1605 : vector<16xi32>
        tpu.vector_store_idx %arg11[%add3A_1606], %gather3A_1601 : memref<12288xf32, #tpu.memory_space<vmem>>[vector<16xi32>], vector<16xf32>,
        %broadcast_in_dim3A_1607 = arith.constant 24 : i32
        %broadcast_in_dim3A_1608 = vector.broadcast %broadcast_in_dim3A_1607 : i32 to vector<16xi32>
        %gather3A_1609 = arith.constant 0 : i32
        %gather3A_1610 = arith.constant 0 : i32
        %gather3A_1611 = tpu.memref_slice %arg10[%rem3A_113, %gather3A_1609, %gather3A_1610] : memref<2x64x768xf32, #tpu.memory_space<vmem>> -> memref<1x64x768xf32, #tpu.memory_space<vmem>>
        %gather3A_1612 = tpu.memref_squeeze %gather3A_1611 : memref<1x64x768xf32, #tpu.memory_space<vmem>> -> memref<64x768xf32, #tpu.memory_space<vmem>>
        %gather3A_1613 = tpu.vector_load_idx %gather3A_1612[%broadcast_in_dim3A_1608, %min3A_1229] : memref<64x768xf32, #tpu.memory_space<vmem>>[vector<16xi32>, vector<16xi32>], vector<16xf32>,
        %add3A_1614 = vector.broadcast %mul3A_258 : i32 to vector<16xi32>
        %add3A_1615 = arith.addi %add3A_1614, %mul3A_1235 : vector<16xi32>
        %add3A_1616 = arith.constant 24 : i32
        %add3A_1617 = vector.broadcast %add3A_1616 : i32 to vector<16xi32>
        %add3A_1618 = arith.addi %add3A_1615, %add3A_1617 : vector<16xi32>
        tpu.vector_store_idx %arg11[%add3A_1618], %gather3A_1613 : memref<12288xf32, #tpu.memory_space<vmem>>[vector<16xi32>], vector<16xf32>,
        %broadcast_in_dim3A_1619 = arith.constant 25 : i32
        %broadcast_in_dim3A_1620 = vector.broadcast %broadcast_in_dim3A_1619 : i32 to vector<16xi32>
        %gather3A_1621 = arith.constant 0 : i32
        %gather3A_1622 = arith.constant 0 : i32
        %gather3A_1623 = tpu.memref_slice %arg10[%rem3A_113, %gather3A_1621, %gather3A_1622] : memref<2x64x768xf32, #tpu.memory_space<vmem>> -> memref<1x64x768xf32, #tpu.memory_space<vmem>>
        %gather3A_1624 = tpu.memref_squeeze %gather3A_1623 : memref<1x64x768xf32, #tpu.memory_space<vmem>> -> memref<64x768xf32, #tpu.memory_space<vmem>>
        %gather3A_1625 = tpu.vector_load_idx %gather3A_1624[%broadcast_in_dim3A_1620, %min3A_1229] : memref<64x768xf32, #tpu.memory_space<vmem>>[vector<16xi32>, vector<16xi32>], vector<16xf32>,
        %add3A_1626 = vector.broadcast %mul3A_258 : i32 to vector<16xi32>
        %add3A_1627 = arith.addi %add3A_1626, %mul3A_1235 : vector<16xi32>
        %add3A_1628 = arith.constant 25 : i32
        %add3A_1629 = vector.broadcast %add3A_1628 : i32 to vector<16xi32>
        %add3A_1630 = arith.addi %add3A_1627, %add3A_1629 : vector<16xi32>
        tpu.vector_store_idx %arg11[%add3A_1630], %gather3A_1625 : memref<12288xf32, #tpu.memory_space<vmem>>[vector<16xi32>], vector<16xf32>,
        %broadcast_in_dim3A_1631 = arith.constant 26 : i32
        %broadcast_in_dim3A_1632 = vector.broadcast %broadcast_in_dim3A_1631 : i32 to vector<16xi32>
        %gather3A_1633 = arith.constant 0 : i32
        %gather3A_1634 = arith.constant 0 : i32
        %gather3A_1635 = tpu.memref_slice %arg10[%rem3A_113, %gather3A_1633, %gather3A_1634] : memref<2x64x768xf32, #tpu.memory_space<vmem>> -> memref<1x64x768xf32, #tpu.memory_space<vmem>>
        %gather3A_1636 = tpu.memref_squeeze %gather3A_1635 : memref<1x64x768xf32, #tpu.memory_space<vmem>> -> memref<64x768xf32, #tpu.memory_space<vmem>>
        %gather3A_1637 = tpu.vector_load_idx %gather3A_1636[%broadcast_in_dim3A_1632, %min3A_1229] : memref<64x768xf32, #tpu.memory_space<vmem>>[vector<16xi32>, vector<16xi32>], vector<16xf32>,
        %add3A_1638 = vector.broadcast %mul3A_258 : i32 to vector<16xi32>
        %add3A_1639 = arith.addi %add3A_1638, %mul3A_1235 : vector<16xi32>
        %add3A_1640 = arith.constant 26 : i32
        %add3A_1641 = vector.broadcast %add3A_1640 : i32 to vector<16xi32>
        %add3A_1642 = arith.addi %add3A_1639, %add3A_1641 : vector<16xi32>
        tpu.vector_store_idx %arg11[%add3A_1642], %gather3A_1637 : memref<12288xf32, #tpu.memory_space<vmem>>[vector<16xi32>], vector<16xf32>,
        %broadcast_in_dim3A_1643 = arith.constant 27 : i32
        %broadcast_in_dim3A_1644 = vector.broadcast %broadcast_in_dim3A_1643 : i32 to vector<16xi32>
        %gather3A_1645 = arith.constant 0 : i32
        %gather3A_1646 = arith.constant 0 : i32
        %gather3A_1647 = tpu.memref_slice %arg10[%rem3A_113, %gather3A_1645, %gather3A_1646] : memref<2x64x768xf32, #tpu.memory_space<vmem>> -> memref<1x64x768xf32, #tpu.memory_space<vmem>>
        %gather3A_1648 = tpu.memref_squeeze %gather3A_1647 : memref<1x64x768xf32, #tpu.memory_space<vmem>> -> memref<64x768xf32, #tpu.memory_space<vmem>>
        %gather3A_1649 = tpu.vector_load_idx %gather3A_1648[%broadcast_in_dim3A_1644, %min3A_1229] : memref<64x768xf32, #tpu.memory_space<vmem>>[vector<16xi32>, vector<16xi32>], vector<16xf32>,
        %add3A_1650 = vector.broadcast %mul3A_258 : i32 to vector<16xi32>
        %add3A_1651 = arith.addi %add3A_1650, %mul3A_1235 : vector<16xi32>
        %add3A_1652 = arith.constant 27 : i32
        %add3A_1653 = vector.broadcast %add3A_1652 : i32 to vector<16xi32>
        %add3A_1654 = arith.addi %add3A_1651, %add3A_1653 : vector<16xi32>
        tpu.vector_store_idx %arg11[%add3A_1654], %gather3A_1649 : memref<12288xf32, #tpu.memory_space<vmem>>[vector<16xi32>], vector<16xf32>,
        %broadcast_in_dim3A_1655 = arith.constant 28 : i32
        %broadcast_in_dim3A_1656 = vector.broadcast %broadcast_in_dim3A_1655 : i32 to vector<16xi32>
        %gather3A_1657 = arith.constant 0 : i32
        %gather3A_1658 = arith.constant 0 : i32
        %gather3A_1659 = tpu.memref_slice %arg10[%rem3A_113, %gather3A_1657, %gather3A_1658] : memref<2x64x768xf32, #tpu.memory_space<vmem>> -> memref<1x64x768xf32, #tpu.memory_space<vmem>>
        %gather3A_1660 = tpu.memref_squeeze %gather3A_1659 : memref<1x64x768xf32, #tpu.memory_space<vmem>> -> memref<64x768xf32, #tpu.memory_space<vmem>>
        %gather3A_1661 = tpu.vector_load_idx %gather3A_1660[%broadcast_in_dim3A_1656, %min3A_1229] : memref<64x768xf32, #tpu.memory_space<vmem>>[vector<16xi32>, vector<16xi32>], vector<16xf32>,
        %add3A_1662 = vector.broadcast %mul3A_258 : i32 to vector<16xi32>
        %add3A_1663 = arith.addi %add3A_1662, %mul3A_1235 : vector<16xi32>
        %add3A_1664 = arith.constant 28 : i32
        %add3A_1665 = vector.broadcast %add3A_1664 : i32 to vector<16xi32>
        %add3A_1666 = arith.addi %add3A_1663, %add3A_1665 : vector<16xi32>
        tpu.vector_store_idx %arg11[%add3A_1666], %gather3A_1661 : memref<12288xf32, #tpu.memory_space<vmem>>[vector<16xi32>], vector<16xf32>,
        %broadcast_in_dim3A_1667 = arith.constant 29 : i32
        %broadcast_in_dim3A_1668 = vector.broadcast %broadcast_in_dim3A_1667 : i32 to vector<16xi32>
        %gather3A_1669 = arith.constant 0 : i32
        %gather3A_1670 = arith.constant 0 : i32
        %gather3A_1671 = tpu.memref_slice %arg10[%rem3A_113, %gather3A_1669, %gather3A_1670] : memref<2x64x768xf32, #tpu.memory_space<vmem>> -> memref<1x64x768xf32, #tpu.memory_space<vmem>>
        %gather3A_1672 = tpu.memref_squeeze %gather3A_1671 : memref<1x64x768xf32, #tpu.memory_space<vmem>> -> memref<64x768xf32, #tpu.memory_space<vmem>>
        %gather3A_1673 = tpu.vector_load_idx %gather3A_1672[%broadcast_in_dim3A_1668, %min3A_1229] : memref<64x768xf32, #tpu.memory_space<vmem>>[vector<16xi32>, vector<16xi32>], vector<16xf32>,
        %add3A_1674 = vector.broadcast %mul3A_258 : i32 to vector<16xi32>
        %add3A_1675 = arith.addi %add3A_1674, %mul3A_1235 : vector<16xi32>
        %add3A_1676 = arith.constant 29 : i32
        %add3A_1677 = vector.broadcast %add3A_1676 : i32 to vector<16xi32>
        %add3A_1678 = arith.addi %add3A_1675, %add3A_1677 : vector<16xi32>
        tpu.vector_store_idx %arg11[%add3A_1678], %gather3A_1673 : memref<12288xf32, #tpu.memory_space<vmem>>[vector<16xi32>], vector<16xf32>,
        %broadcast_in_dim3A_1679 = arith.constant 30 : i32
        %broadcast_in_dim3A_1680 = vector.broadcast %broadcast_in_dim3A_1679 : i32 to vector<16xi32>
        %gather3A_1681 = arith.constant 0 : i32
        %gather3A_1682 = arith.constant 0 : i32
        %gather3A_1683 = tpu.memref_slice %arg10[%rem3A_113, %gather3A_1681, %gather3A_1682] : memref<2x64x768xf32, #tpu.memory_space<vmem>> -> memref<1x64x768xf32, #tpu.memory_space<vmem>>
        %gather3A_1684 = tpu.memref_squeeze %gather3A_1683 : memref<1x64x768xf32, #tpu.memory_space<vmem>> -> memref<64x768xf32, #tpu.memory_space<vmem>>
        %gather3A_1685 = tpu.vector_load_idx %gather3A_1684[%broadcast_in_dim3A_1680, %min3A_1229] : memref<64x768xf32, #tpu.memory_space<vmem>>[vector<16xi32>, vector<16xi32>], vector<16xf32>,
        %add3A_1686 = vector.broadcast %mul3A_258 : i32 to vector<16xi32>
        %add3A_1687 = arith.addi %add3A_1686, %mul3A_1235 : vector<16xi32>
        %add3A_1688 = arith.constant 30 : i32
        %add3A_1689 = vector.broadcast %add3A_1688 : i32 to vector<16xi32>
        %add3A_1690 = arith.addi %add3A_1687, %add3A_1689 : vector<16xi32>
        tpu.vector_store_idx %arg11[%add3A_1690], %gather3A_1685 : memref<12288xf32, #tpu.memory_space<vmem>>[vector<16xi32>], vector<16xf32>,
        %broadcast_in_dim3A_1691 = arith.constant 31 : i32
        %broadcast_in_dim3A_1692 = vector.broadcast %broadcast_in_dim3A_1691 : i32 to vector<16xi32>
        %gather3A_1693 = arith.constant 0 : i32
        %gather3A_1694 = arith.constant 0 : i32
        %gather3A_1695 = tpu.memref_slice %arg10[%rem3A_113, %gather3A_1693, %gather3A_1694] : memref<2x64x768xf32, #tpu.memory_space<vmem>> -> memref<1x64x768xf32, #tpu.memory_space<vmem>>
        %gather3A_1696 = tpu.memref_squeeze %gather3A_1695 : memref<1x64x768xf32, #tpu.memory_space<vmem>> -> memref<64x768xf32, #tpu.memory_space<vmem>>
        %gather3A_1697 = tpu.vector_load_idx %gather3A_1696[%broadcast_in_dim3A_1692, %min3A_1229] : memref<64x768xf32, #tpu.memory_space<vmem>>[vector<16xi32>, vector<16xi32>], vector<16xf32>,
        %add3A_1698 = vector.broadcast %mul3A_258 : i32 to vector<16xi32>
        %add3A_1699 = arith.addi %add3A_1698, %mul3A_1235 : vector<16xi32>
        %add3A_1700 = arith.constant 31 : i32
        %add3A_1701 = vector.broadcast %add3A_1700 : i32 to vector<16xi32>
        %add3A_1702 = arith.addi %add3A_1699, %add3A_1701 : vector<16xi32>
        tpu.vector_store_idx %arg11[%add3A_1702], %gather3A_1697 : memref<12288xf32, #tpu.memory_space<vmem>>[vector<16xi32>], vector<16xf32>,
        %broadcast_in_dim3A_1703 = arith.constant 32 : i32
        %broadcast_in_dim3A_1704 = vector.broadcast %broadcast_in_dim3A_1703 : i32 to vector<16xi32>
        %gather3A_1705 = arith.constant 0 : i32
        %gather3A_1706 = arith.constant 0 : i32
        %gather3A_1707 = tpu.memref_slice %arg10[%rem3A_113, %gather3A_1705, %gather3A_1706] : memref<2x64x768xf32, #tpu.memory_space<vmem>> -> memref<1x64x768xf32, #tpu.memory_space<vmem>>
        %gather3A_1708 = tpu.memref_squeeze %gather3A_1707 : memref<1x64x768xf32, #tpu.memory_space<vmem>> -> memref<64x768xf32, #tpu.memory_space<vmem>>
        %gather3A_1709 = tpu.vector_load_idx %gather3A_1708[%broadcast_in_dim3A_1704, %min3A_1229] : memref<64x768xf32, #tpu.memory_space<vmem>>[vector<16xi32>, vector<16xi32>], vector<16xf32>,
        %add3A_1710 = vector.broadcast %mul3A_258 : i32 to vector<16xi32>
        %add3A_1711 = arith.addi %add3A_1710, %mul3A_1235 : vector<16xi32>
        %add3A_1712 = arith.constant 32 : i32
        %add3A_1713 = vector.broadcast %add3A_1712 : i32 to vector<16xi32>
        %add3A_1714 = arith.addi %add3A_1711, %add3A_1713 : vector<16xi32>
        tpu.vector_store_idx %arg11[%add3A_1714], %gather3A_1709 : memref<12288xf32, #tpu.memory_space<vmem>>[vector<16xi32>], vector<16xf32>,
        %broadcast_in_dim3A_1715 = arith.constant 33 : i32
        %broadcast_in_dim3A_1716 = vector.broadcast %broadcast_in_dim3A_1715 : i32 to vector<16xi32>
        %gather3A_1717 = arith.constant 0 : i32
        %gather3A_1718 = arith.constant 0 : i32
        %gather3A_1719 = tpu.memref_slice %arg10[%rem3A_113, %gather3A_1717, %gather3A_1718] : memref<2x64x768xf32, #tpu.memory_space<vmem>> -> memref<1x64x768xf32, #tpu.memory_space<vmem>>
        %gather3A_1720 = tpu.memref_squeeze %gather3A_1719 : memref<1x64x768xf32, #tpu.memory_space<vmem>> -> memref<64x768xf32, #tpu.memory_space<vmem>>
        %gather3A_1721 = tpu.vector_load_idx %gather3A_1720[%broadcast_in_dim3A_1716, %min3A_1229] : memref<64x768xf32, #tpu.memory_space<vmem>>[vector<16xi32>, vector<16xi32>], vector<16xf32>,
        %add3A_1722 = vector.broadcast %mul3A_258 : i32 to vector<16xi32>
        %add3A_1723 = arith.addi %add3A_1722, %mul3A_1235 : vector<16xi32>
        %add3A_1724 = arith.constant 33 : i32
        %add3A_1725 = vector.broadcast %add3A_1724 : i32 to vector<16xi32>
        %add3A_1726 = arith.addi %add3A_1723, %add3A_1725 : vector<16xi32>
        tpu.vector_store_idx %arg11[%add3A_1726], %gather3A_1721 : memref<12288xf32, #tpu.memory_space<vmem>>[vector<16xi32>], vector<16xf32>,
        %broadcast_in_dim3A_1727 = arith.constant 34 : i32
        %broadcast_in_dim3A_1728 = vector.broadcast %broadcast_in_dim3A_1727 : i32 to vector<16xi32>
        %gather3A_1729 = arith.constant 0 : i32
        %gather3A_1730 = arith.constant 0 : i32
        %gather3A_1731 = tpu.memref_slice %arg10[%rem3A_113, %gather3A_1729, %gather3A_1730] : memref<2x64x768xf32, #tpu.memory_space<vmem>> -> memref<1x64x768xf32, #tpu.memory_space<vmem>>
        %gather3A_1732 = tpu.memref_squeeze %gather3A_1731 : memref<1x64x768xf32, #tpu.memory_space<vmem>> -> memref<64x768xf32, #tpu.memory_space<vmem>>
        %gather3A_1733 = tpu.vector_load_idx %gather3A_1732[%broadcast_in_dim3A_1728, %min3A_1229] : memref<64x768xf32, #tpu.memory_space<vmem>>[vector<16xi32>, vector<16xi32>], vector<16xf32>,
        %add3A_1734 = vector.broadcast %mul3A_258 : i32 to vector<16xi32>
        %add3A_1735 = arith.addi %add3A_1734, %mul3A_1235 : vector<16xi32>
        %add3A_1736 = arith.constant 34 : i32
        %add3A_1737 = vector.broadcast %add3A_1736 : i32 to vector<16xi32>
        %add3A_1738 = arith.addi %add3A_1735, %add3A_1737 : vector<16xi32>
        tpu.vector_store_idx %arg11[%add3A_1738], %gather3A_1733 : memref<12288xf32, #tpu.memory_space<vmem>>[vector<16xi32>], vector<16xf32>,
        %broadcast_in_dim3A_1739 = arith.constant 35 : i32
        %broadcast_in_dim3A_1740 = vector.broadcast %broadcast_in_dim3A_1739 : i32 to vector<16xi32>
        %gather3A_1741 = arith.constant 0 : i32
        %gather3A_1742 = arith.constant 0 : i32
        %gather3A_1743 = tpu.memref_slice %arg10[%rem3A_113, %gather3A_1741, %gather3A_1742] : memref<2x64x768xf32, #tpu.memory_space<vmem>> -> memref<1x64x768xf32, #tpu.memory_space<vmem>>
        %gather3A_1744 = tpu.memref_squeeze %gather3A_1743 : memref<1x64x768xf32, #tpu.memory_space<vmem>> -> memref<64x768xf32, #tpu.memory_space<vmem>>
        %gather3A_1745 = tpu.vector_load_idx %gather3A_1744[%broadcast_in_dim3A_1740, %min3A_1229] : memref<64x768xf32, #tpu.memory_space<vmem>>[vector<16xi32>, vector<16xi32>], vector<16xf32>,
        %add3A_1746 = vector.broadcast %mul3A_258 : i32 to vector<16xi32>
        %add3A_1747 = arith.addi %add3A_1746, %mul3A_1235 : vector<16xi32>
        %add3A_1748 = arith.constant 35 : i32
        %add3A_1749 = vector.broadcast %add3A_1748 : i32 to vector<16xi32>
        %add3A_1750 = arith.addi %add3A_1747, %add3A_1749 : vector<16xi32>
        tpu.vector_store_idx %arg11[%add3A_1750], %gather3A_1745 : memref<12288xf32, #tpu.memory_space<vmem>>[vector<16xi32>], vector<16xf32>,
        %broadcast_in_dim3A_1751 = arith.constant 36 : i32
        %broadcast_in_dim3A_1752 = vector.broadcast %broadcast_in_dim3A_1751 : i32 to vector<16xi32>
        %gather3A_1753 = arith.constant 0 : i32
        %gather3A_1754 = arith.constant 0 : i32
        %gather3A_1755 = tpu.memref_slice %arg10[%rem3A_113, %gather3A_1753, %gather3A_1754] : memref<2x64x768xf32, #tpu.memory_space<vmem>> -> memref<1x64x768xf32, #tpu.memory_space<vmem>>
        %gather3A_1756 = tpu.memref_squeeze %gather3A_1755 : memref<1x64x768xf32, #tpu.memory_space<vmem>> -> memref<64x768xf32, #tpu.memory_space<vmem>>
        %gather3A_1757 = tpu.vector_load_idx %gather3A_1756[%broadcast_in_dim3A_1752, %min3A_1229] : memref<64x768xf32, #tpu.memory_space<vmem>>[vector<16xi32>, vector<16xi32>], vector<16xf32>,
        %add3A_1758 = vector.broadcast %mul3A_258 : i32 to vector<16xi32>
        %add3A_1759 = arith.addi %add3A_1758, %mul3A_1235 : vector<16xi32>
        %add3A_1760 = arith.constant 36 : i32
        %add3A_1761 = vector.broadcast %add3A_1760 : i32 to vector<16xi32>
        %add3A_1762 = arith.addi %add3A_1759, %add3A_1761 : vector<16xi32>
        tpu.vector_store_idx %arg11[%add3A_1762], %gather3A_1757 : memref<12288xf32, #tpu.memory_space<vmem>>[vector<16xi32>], vector<16xf32>,
        %broadcast_in_dim3A_1763 = arith.constant 37 : i32
        %broadcast_in_dim3A_1764 = vector.broadcast %broadcast_in_dim3A_1763 : i32 to vector<16xi32>
        %gather3A_1765 = arith.constant 0 : i32
        %gather3A_1766 = arith.constant 0 : i32
        %gather3A_1767 = tpu.memref_slice %arg10[%rem3A_113, %gather3A_1765, %gather3A_1766] : memref<2x64x768xf32, #tpu.memory_space<vmem>> -> memref<1x64x768xf32, #tpu.memory_space<vmem>>
        %gather3A_1768 = tpu.memref_squeeze %gather3A_1767 : memref<1x64x768xf32, #tpu.memory_space<vmem>> -> memref<64x768xf32, #tpu.memory_space<vmem>>
        %gather3A_1769 = tpu.vector_load_idx %gather3A_1768[%broadcast_in_dim3A_1764, %min3A_1229] : memref<64x768xf32, #tpu.memory_space<vmem>>[vector<16xi32>, vector<16xi32>], vector<16xf32>,
        %add3A_1770 = vector.broadcast %mul3A_258 : i32 to vector<16xi32>
        %add3A_1771 = arith.addi %add3A_1770, %mul3A_1235 : vector<16xi32>
        %add3A_1772 = arith.constant 37 : i32
        %add3A_1773 = vector.broadcast %add3A_1772 : i32 to vector<16xi32>
        %add3A_1774 = arith.addi %add3A_1771, %add3A_1773 : vector<16xi32>
        tpu.vector_store_idx %arg11[%add3A_1774], %gather3A_1769 : memref<12288xf32, #tpu.memory_space<vmem>>[vector<16xi32>], vector<16xf32>,
        %broadcast_in_dim3A_1775 = arith.constant 38 : i32
        %broadcast_in_dim3A_1776 = vector.broadcast %broadcast_in_dim3A_1775 : i32 to vector<16xi32>
        %gather3A_1777 = arith.constant 0 : i32
        %gather3A_1778 = arith.constant 0 : i32
        %gather3A_1779 = tpu.memref_slice %arg10[%rem3A_113, %gather3A_1777, %gather3A_1778] : memref<2x64x768xf32, #tpu.memory_space<vmem>> -> memref<1x64x768xf32, #tpu.memory_space<vmem>>
        %gather3A_1780 = tpu.memref_squeeze %gather3A_1779 : memref<1x64x768xf32, #tpu.memory_space<vmem>> -> memref<64x768xf32, #tpu.memory_space<vmem>>
        %gather3A_1781 = tpu.vector_load_idx %gather3A_1780[%broadcast_in_dim3A_1776, %min3A_1229] : memref<64x768xf32, #tpu.memory_space<vmem>>[vector<16xi32>, vector<16xi32>], vector<16xf32>,
        %add3A_1782 = vector.broadcast %mul3A_258 : i32 to vector<16xi32>
        %add3A_1783 = arith.addi %add3A_1782, %mul3A_1235 : vector<16xi32>
        %add3A_1784 = arith.constant 38 : i32
        %add3A_1785 = vector.broadcast %add3A_1784 : i32 to vector<16xi32>
        %add3A_1786 = arith.addi %add3A_1783, %add3A_1785 : vector<16xi32>
        tpu.vector_store_idx %arg11[%add3A_1786], %gather3A_1781 : memref<12288xf32, #tpu.memory_space<vmem>>[vector<16xi32>], vector<16xf32>,
        %broadcast_in_dim3A_1787 = arith.constant 39 : i32
        %broadcast_in_dim3A_1788 = vector.broadcast %broadcast_in_dim3A_1787 : i32 to vector<16xi32>
        %gather3A_1789 = arith.constant 0 : i32
        %gather3A_1790 = arith.constant 0 : i32
        %gather3A_1791 = tpu.memref_slice %arg10[%rem3A_113, %gather3A_1789, %gather3A_1790] : memref<2x64x768xf32, #tpu.memory_space<vmem>> -> memref<1x64x768xf32, #tpu.memory_space<vmem>>
        %gather3A_1792 = tpu.memref_squeeze %gather3A_1791 : memref<1x64x768xf32, #tpu.memory_space<vmem>> -> memref<64x768xf32, #tpu.memory_space<vmem>>
        %gather3A_1793 = tpu.vector_load_idx %gather3A_1792[%broadcast_in_dim3A_1788, %min3A_1229] : memref<64x768xf32, #tpu.memory_space<vmem>>[vector<16xi32>, vector<16xi32>], vector<16xf32>,
        %add3A_1794 = vector.broadcast %mul3A_258 : i32 to vector<16xi32>
        %add3A_1795 = arith.addi %add3A_1794, %mul3A_1235 : vector<16xi32>
        %add3A_1796 = arith.constant 39 : i32
        %add3A_1797 = vector.broadcast %add3A_1796 : i32 to vector<16xi32>
        %add3A_1798 = arith.addi %add3A_1795, %add3A_1797 : vector<16xi32>
        tpu.vector_store_idx %arg11[%add3A_1798], %gather3A_1793 : memref<12288xf32, #tpu.memory_space<vmem>>[vector<16xi32>], vector<16xf32>,
        %broadcast_in_dim3A_1799 = arith.constant 40 : i32
        %broadcast_in_dim3A_1800 = vector.broadcast %broadcast_in_dim3A_1799 : i32 to vector<16xi32>
        %gather3A_1801 = arith.constant 0 : i32
        %gather3A_1802 = arith.constant 0 : i32
        %gather3A_1803 = tpu.memref_slice %arg10[%rem3A_113, %gather3A_1801, %gather3A_1802] : memref<2x64x768xf32, #tpu.memory_space<vmem>> -> memref<1x64x768xf32, #tpu.memory_space<vmem>>
        %gather3A_1804 = tpu.memref_squeeze %gather3A_1803 : memref<1x64x768xf32, #tpu.memory_space<vmem>> -> memref<64x768xf32, #tpu.memory_space<vmem>>
        %gather3A_1805 = tpu.vector_load_idx %gather3A_1804[%broadcast_in_dim3A_1800, %min3A_1229] : memref<64x768xf32, #tpu.memory_space<vmem>>[vector<16xi32>, vector<16xi32>], vector<16xf32>,
        %add3A_1806 = vector.broadcast %mul3A_258 : i32 to vector<16xi32>
        %add3A_1807 = arith.addi %add3A_1806, %mul3A_1235 : vector<16xi32>
        %add3A_1808 = arith.constant 40 : i32
        %add3A_1809 = vector.broadcast %add3A_1808 : i32 to vector<16xi32>
        %add3A_1810 = arith.addi %add3A_1807, %add3A_1809 : vector<16xi32>
        tpu.vector_store_idx %arg11[%add3A_1810], %gather3A_1805 : memref<12288xf32, #tpu.memory_space<vmem>>[vector<16xi32>], vector<16xf32>,
        %broadcast_in_dim3A_1811 = arith.constant 41 : i32
        %broadcast_in_dim3A_1812 = vector.broadcast %broadcast_in_dim3A_1811 : i32 to vector<16xi32>
        %gather3A_1813 = arith.constant 0 : i32
        %gather3A_1814 = arith.constant 0 : i32
        %gather3A_1815 = tpu.memref_slice %arg10[%rem3A_113, %gather3A_1813, %gather3A_1814] : memref<2x64x768xf32, #tpu.memory_space<vmem>> -> memref<1x64x768xf32, #tpu.memory_space<vmem>>
        %gather3A_1816 = tpu.memref_squeeze %gather3A_1815 : memref<1x64x768xf32, #tpu.memory_space<vmem>> -> memref<64x768xf32, #tpu.memory_space<vmem>>
        %gather3A_1817 = tpu.vector_load_idx %gather3A_1816[%broadcast_in_dim3A_1812, %min3A_1229] : memref<64x768xf32, #tpu.memory_space<vmem>>[vector<16xi32>, vector<16xi32>], vector<16xf32>,
        %add3A_1818 = vector.broadcast %mul3A_258 : i32 to vector<16xi32>
        %add3A_1819 = arith.addi %add3A_1818, %mul3A_1235 : vector<16xi32>
        %add3A_1820 = arith.constant 41 : i32
        %add3A_1821 = vector.broadcast %add3A_1820 : i32 to vector<16xi32>
        %add3A_1822 = arith.addi %add3A_1819, %add3A_1821 : vector<16xi32>
        tpu.vector_store_idx %arg11[%add3A_1822], %gather3A_1817 : memref<12288xf32, #tpu.memory_space<vmem>>[vector<16xi32>], vector<16xf32>,
        %broadcast_in_dim3A_1823 = arith.constant 42 : i32
        %broadcast_in_dim3A_1824 = vector.broadcast %broadcast_in_dim3A_1823 : i32 to vector<16xi32>
        %gather3A_1825 = arith.constant 0 : i32
        %gather3A_1826 = arith.constant 0 : i32
        %gather3A_1827 = tpu.memref_slice %arg10[%rem3A_113, %gather3A_1825, %gather3A_1826] : memref<2x64x768xf32, #tpu.memory_space<vmem>> -> memref<1x64x768xf32, #tpu.memory_space<vmem>>
        %gather3A_1828 = tpu.memref_squeeze %gather3A_1827 : memref<1x64x768xf32, #tpu.memory_space<vmem>> -> memref<64x768xf32, #tpu.memory_space<vmem>>
        %gather3A_1829 = tpu.vector_load_idx %gather3A_1828[%broadcast_in_dim3A_1824, %min3A_1229] : memref<64x768xf32, #tpu.memory_space<vmem>>[vector<16xi32>, vector<16xi32>], vector<16xf32>,
        %add3A_1830 = vector.broadcast %mul3A_258 : i32 to vector<16xi32>
        %add3A_1831 = arith.addi %add3A_1830, %mul3A_1235 : vector<16xi32>
        %add3A_1832 = arith.constant 42 : i32
        %add3A_1833 = vector.broadcast %add3A_1832 : i32 to vector<16xi32>
        %add3A_1834 = arith.addi %add3A_1831, %add3A_1833 : vector<16xi32>
        tpu.vector_store_idx %arg11[%add3A_1834], %gather3A_1829 : memref<12288xf32, #tpu.memory_space<vmem>>[vector<16xi32>], vector<16xf32>,
        %broadcast_in_dim3A_1835 = arith.constant 43 : i32
        %broadcast_in_dim3A_1836 = vector.broadcast %broadcast_in_dim3A_1835 : i32 to vector<16xi32>
        %gather3A_1837 = arith.constant 0 : i32
        %gather3A_1838 = arith.constant 0 : i32
        %gather3A_1839 = tpu.memref_slice %arg10[%rem3A_113, %gather3A_1837, %gather3A_1838] : memref<2x64x768xf32, #tpu.memory_space<vmem>> -> memref<1x64x768xf32, #tpu.memory_space<vmem>>
        %gather3A_1840 = tpu.memref_squeeze %gather3A_1839 : memref<1x64x768xf32, #tpu.memory_space<vmem>> -> memref<64x768xf32, #tpu.memory_space<vmem>>
        %gather3A_1841 = tpu.vector_load_idx %gather3A_1840[%broadcast_in_dim3A_1836, %min3A_1229] : memref<64x768xf32, #tpu.memory_space<vmem>>[vector<16xi32>, vector<16xi32>], vector<16xf32>,
        %add3A_1842 = vector.broadcast %mul3A_258 : i32 to vector<16xi32>
        %add3A_1843 = arith.addi %add3A_1842, %mul3A_1235 : vector<16xi32>
        %add3A_1844 = arith.constant 43 : i32
        %add3A_1845 = vector.broadcast %add3A_1844 : i32 to vector<16xi32>
        %add3A_1846 = arith.addi %add3A_1843, %add3A_1845 : vector<16xi32>
        tpu.vector_store_idx %arg11[%add3A_1846], %gather3A_1841 : memref<12288xf32, #tpu.memory_space<vmem>>[vector<16xi32>], vector<16xf32>,
        %broadcast_in_dim3A_1847 = arith.constant 44 : i32
        %broadcast_in_dim3A_1848 = vector.broadcast %broadcast_in_dim3A_1847 : i32 to vector<16xi32>
        %gather3A_1849 = arith.constant 0 : i32
        %gather3A_1850 = arith.constant 0 : i32
        %gather3A_1851 = tpu.memref_slice %arg10[%rem3A_113, %gather3A_1849, %gather3A_1850] : memref<2x64x768xf32, #tpu.memory_space<vmem>> -> memref<1x64x768xf32, #tpu.memory_space<vmem>>
        %gather3A_1852 = tpu.memref_squeeze %gather3A_1851 : memref<1x64x768xf32, #tpu.memory_space<vmem>> -> memref<64x768xf32, #tpu.memory_space<vmem>>
        %gather3A_1853 = tpu.vector_load_idx %gather3A_1852[%broadcast_in_dim3A_1848, %min3A_1229] : memref<64x768xf32, #tpu.memory_space<vmem>>[vector<16xi32>, vector<16xi32>], vector<16xf32>,
        %add3A_1854 = vector.broadcast %mul3A_258 : i32 to vector<16xi32>
        %add3A_1855 = arith.addi %add3A_1854, %mul3A_1235 : vector<16xi32>
        %add3A_1856 = arith.constant 44 : i32
        %add3A_1857 = vector.broadcast %add3A_1856 : i32 to vector<16xi32>
        %add3A_1858 = arith.addi %add3A_1855, %add3A_1857 : vector<16xi32>
        tpu.vector_store_idx %arg11[%add3A_1858], %gather3A_1853 : memref<12288xf32, #tpu.memory_space<vmem>>[vector<16xi32>], vector<16xf32>,
        %broadcast_in_dim3A_1859 = arith.constant 45 : i32
        %broadcast_in_dim3A_1860 = vector.broadcast %broadcast_in_dim3A_1859 : i32 to vector<16xi32>
        %gather3A_1861 = arith.constant 0 : i32
        %gather3A_1862 = arith.constant 0 : i32
        %gather3A_1863 = tpu.memref_slice %arg10[%rem3A_113, %gather3A_1861, %gather3A_1862] : memref<2x64x768xf32, #tpu.memory_space<vmem>> -> memref<1x64x768xf32, #tpu.memory_space<vmem>>
        %gather3A_1864 = tpu.memref_squeeze %gather3A_1863 : memref<1x64x768xf32, #tpu.memory_space<vmem>> -> memref<64x768xf32, #tpu.memory_space<vmem>>
        %gather3A_1865 = tpu.vector_load_idx %gather3A_1864[%broadcast_in_dim3A_1860, %min3A_1229] : memref<64x768xf32, #tpu.memory_space<vmem>>[vector<16xi32>, vector<16xi32>], vector<16xf32>,
        %add3A_1866 = vector.broadcast %mul3A_258 : i32 to vector<16xi32>
        %add3A_1867 = arith.addi %add3A_1866, %mul3A_1235 : vector<16xi32>
        %add3A_1868 = arith.constant 45 : i32
        %add3A_1869 = vector.broadcast %add3A_1868 : i32 to vector<16xi32>
        %add3A_1870 = arith.addi %add3A_1867, %add3A_1869 : vector<16xi32>
        tpu.vector_store_idx %arg11[%add3A_1870], %gather3A_1865 : memref<12288xf32, #tpu.memory_space<vmem>>[vector<16xi32>], vector<16xf32>,
        %broadcast_in_dim3A_1871 = arith.constant 46 : i32
        %broadcast_in_dim3A_1872 = vector.broadcast %broadcast_in_dim3A_1871 : i32 to vector<16xi32>
        %gather3A_1873 = arith.constant 0 : i32
        %gather3A_1874 = arith.constant 0 : i32
        %gather3A_1875 = tpu.memref_slice %arg10[%rem3A_113, %gather3A_1873, %gather3A_1874] : memref<2x64x768xf32, #tpu.memory_space<vmem>> -> memref<1x64x768xf32, #tpu.memory_space<vmem>>
        %gather3A_1876 = tpu.memref_squeeze %gather3A_1875 : memref<1x64x768xf32, #tpu.memory_space<vmem>> -> memref<64x768xf32, #tpu.memory_space<vmem>>
        %gather3A_1877 = tpu.vector_load_idx %gather3A_1876[%broadcast_in_dim3A_1872, %min3A_1229] : memref<64x768xf32, #tpu.memory_space<vmem>>[vector<16xi32>, vector<16xi32>], vector<16xf32>,
        %add3A_1878 = vector.broadcast %mul3A_258 : i32 to vector<16xi32>
        %add3A_1879 = arith.addi %add3A_1878, %mul3A_1235 : vector<16xi32>
        %add3A_1880 = arith.constant 46 : i32
        %add3A_1881 = vector.broadcast %add3A_1880 : i32 to vector<16xi32>
        %add3A_1882 = arith.addi %add3A_1879, %add3A_1881 : vector<16xi32>
        tpu.vector_store_idx %arg11[%add3A_1882], %gather3A_1877 : memref<12288xf32, #tpu.memory_space<vmem>>[vector<16xi32>], vector<16xf32>,
        %broadcast_in_dim3A_1883 = arith.constant 47 : i32
        %broadcast_in_dim3A_1884 = vector.broadcast %broadcast_in_dim3A_1883 : i32 to vector<16xi32>
        %gather3A_1885 = arith.constant 0 : i32
        %gather3A_1886 = arith.constant 0 : i32
        %gather3A_1887 = tpu.memref_slice %arg10[%rem3A_113, %gather3A_1885, %gather3A_1886] : memref<2x64x768xf32, #tpu.memory_space<vmem>> -> memref<1x64x768xf32, #tpu.memory_space<vmem>>
        %gather3A_1888 = tpu.memref_squeeze %gather3A_1887 : memref<1x64x768xf32, #tpu.memory_space<vmem>> -> memref<64x768xf32, #tpu.memory_space<vmem>>
        %gather3A_1889 = tpu.vector_load_idx %gather3A_1888[%broadcast_in_dim3A_1884, %min3A_1229] : memref<64x768xf32, #tpu.memory_space<vmem>>[vector<16xi32>, vector<16xi32>], vector<16xf32>,
        %add3A_1890 = vector.broadcast %mul3A_258 : i32 to vector<16xi32>
        %add3A_1891 = arith.addi %add3A_1890, %mul3A_1235 : vector<16xi32>
        %add3A_1892 = arith.constant 47 : i32
        %add3A_1893 = vector.broadcast %add3A_1892 : i32 to vector<16xi32>
        %add3A_1894 = arith.addi %add3A_1891, %add3A_1893 : vector<16xi32>
        tpu.vector_store_idx %arg11[%add3A_1894], %gather3A_1889 : memref<12288xf32, #tpu.memory_space<vmem>>[vector<16xi32>], vector<16xf32>,
        %broadcast_in_dim3A_1895 = arith.constant 48 : i32
        %broadcast_in_dim3A_1896 = vector.broadcast %broadcast_in_dim3A_1895 : i32 to vector<16xi32>
        %gather3A_1897 = arith.constant 0 : i32
        %gather3A_1898 = arith.constant 0 : i32
        %gather3A_1899 = tpu.memref_slice %arg10[%rem3A_113, %gather3A_1897, %gather3A_1898] : memref<2x64x768xf32, #tpu.memory_space<vmem>> -> memref<1x64x768xf32, #tpu.memory_space<vmem>>
        %gather3A_1900 = tpu.memref_squeeze %gather3A_1899 : memref<1x64x768xf32, #tpu.memory_space<vmem>> -> memref<64x768xf32, #tpu.memory_space<vmem>>
        %gather3A_1901 = tpu.vector_load_idx %gather3A_1900[%broadcast_in_dim3A_1896, %min3A_1229] : memref<64x768xf32, #tpu.memory_space<vmem>>[vector<16xi32>, vector<16xi32>], vector<16xf32>,
        %add3A_1902 = vector.broadcast %mul3A_258 : i32 to vector<16xi32>
        %add3A_1903 = arith.addi %add3A_1902, %mul3A_1235 : vector<16xi32>
        %add3A_1904 = arith.constant 48 : i32
        %add3A_1905 = vector.broadcast %add3A_1904 : i32 to vector<16xi32>
        %add3A_1906 = arith.addi %add3A_1903, %add3A_1905 : vector<16xi32>
        tpu.vector_store_idx %arg11[%add3A_1906], %gather3A_1901 : memref<12288xf32, #tpu.memory_space<vmem>>[vector<16xi32>], vector<16xf32>,
        %broadcast_in_dim3A_1907 = arith.constant 49 : i32
        %broadcast_in_dim3A_1908 = vector.broadcast %broadcast_in_dim3A_1907 : i32 to vector<16xi32>
        %gather3A_1909 = arith.constant 0 : i32
        %gather3A_1910 = arith.constant 0 : i32
        %gather3A_1911 = tpu.memref_slice %arg10[%rem3A_113, %gather3A_1909, %gather3A_1910] : memref<2x64x768xf32, #tpu.memory_space<vmem>> -> memref<1x64x768xf32, #tpu.memory_space<vmem>>
        %gather3A_1912 = tpu.memref_squeeze %gather3A_1911 : memref<1x64x768xf32, #tpu.memory_space<vmem>> -> memref<64x768xf32, #tpu.memory_space<vmem>>
        %gather3A_1913 = tpu.vector_load_idx %gather3A_1912[%broadcast_in_dim3A_1908, %min3A_1229] : memref<64x768xf32, #tpu.memory_space<vmem>>[vector<16xi32>, vector<16xi32>], vector<16xf32>,
        %add3A_1914 = vector.broadcast %mul3A_258 : i32 to vector<16xi32>
        %add3A_1915 = arith.addi %add3A_1914, %mul3A_1235 : vector<16xi32>
        %add3A_1916 = arith.constant 49 : i32
        %add3A_1917 = vector.broadcast %add3A_1916 : i32 to vector<16xi32>
        %add3A_1918 = arith.addi %add3A_1915, %add3A_1917 : vector<16xi32>
        tpu.vector_store_idx %arg11[%add3A_1918], %gather3A_1913 : memref<12288xf32, #tpu.memory_space<vmem>>[vector<16xi32>], vector<16xf32>,
        %broadcast_in_dim3A_1919 = arith.constant 50 : i32
        %broadcast_in_dim3A_1920 = vector.broadcast %broadcast_in_dim3A_1919 : i32 to vector<16xi32>
        %gather3A_1921 = arith.constant 0 : i32
        %gather3A_1922 = arith.constant 0 : i32
        %gather3A_1923 = tpu.memref_slice %arg10[%rem3A_113, %gather3A_1921, %gather3A_1922] : memref<2x64x768xf32, #tpu.memory_space<vmem>> -> memref<1x64x768xf32, #tpu.memory_space<vmem>>
        %gather3A_1924 = tpu.memref_squeeze %gather3A_1923 : memref<1x64x768xf32, #tpu.memory_space<vmem>> -> memref<64x768xf32, #tpu.memory_space<vmem>>
        %gather3A_1925 = tpu.vector_load_idx %gather3A_1924[%broadcast_in_dim3A_1920, %min3A_1229] : memref<64x768xf32, #tpu.memory_space<vmem>>[vector<16xi32>, vector<16xi32>], vector<16xf32>,
        %add3A_1926 = vector.broadcast %mul3A_258 : i32 to vector<16xi32>
        %add3A_1927 = arith.addi %add3A_1926, %mul3A_1235 : vector<16xi32>
        %add3A_1928 = arith.constant 50 : i32
        %add3A_1929 = vector.broadcast %add3A_1928 : i32 to vector<16xi32>
        %add3A_1930 = arith.addi %add3A_1927, %add3A_1929 : vector<16xi32>
        tpu.vector_store_idx %arg11[%add3A_1930], %gather3A_1925 : memref<12288xf32, #tpu.memory_space<vmem>>[vector<16xi32>], vector<16xf32>,
        %broadcast_in_dim3A_1931 = arith.constant 51 : i32
        %broadcast_in_dim3A_1932 = vector.broadcast %broadcast_in_dim3A_1931 : i32 to vector<16xi32>
        %gather3A_1933 = arith.constant 0 : i32
        %gather3A_1934 = arith.constant 0 : i32
        %gather3A_1935 = tpu.memref_slice %arg10[%rem3A_113, %gather3A_1933, %gather3A_1934] : memref<2x64x768xf32, #tpu.memory_space<vmem>> -> memref<1x64x768xf32, #tpu.memory_space<vmem>>
        %gather3A_1936 = tpu.memref_squeeze %gather3A_1935 : memref<1x64x768xf32, #tpu.memory_space<vmem>> -> memref<64x768xf32, #tpu.memory_space<vmem>>
        %gather3A_1937 = tpu.vector_load_idx %gather3A_1936[%broadcast_in_dim3A_1932, %min3A_1229] : memref<64x768xf32, #tpu.memory_space<vmem>>[vector<16xi32>, vector<16xi32>], vector<16xf32>,
        %add3A_1938 = vector.broadcast %mul3A_258 : i32 to vector<16xi32>
        %add3A_1939 = arith.addi %add3A_1938, %mul3A_1235 : vector<16xi32>
        %add3A_1940 = arith.constant 51 : i32
        %add3A_1941 = vector.broadcast %add3A_1940 : i32 to vector<16xi32>
        %add3A_1942 = arith.addi %add3A_1939, %add3A_1941 : vector<16xi32>
        tpu.vector_store_idx %arg11[%add3A_1942], %gather3A_1937 : memref<12288xf32, #tpu.memory_space<vmem>>[vector<16xi32>], vector<16xf32>,
        %broadcast_in_dim3A_1943 = arith.constant 52 : i32
        %broadcast_in_dim3A_1944 = vector.broadcast %broadcast_in_dim3A_1943 : i32 to vector<16xi32>
        %gather3A_1945 = arith.constant 0 : i32
        %gather3A_1946 = arith.constant 0 : i32
        %gather3A_1947 = tpu.memref_slice %arg10[%rem3A_113, %gather3A_1945, %gather3A_1946] : memref<2x64x768xf32, #tpu.memory_space<vmem>> -> memref<1x64x768xf32, #tpu.memory_space<vmem>>
        %gather3A_1948 = tpu.memref_squeeze %gather3A_1947 : memref<1x64x768xf32, #tpu.memory_space<vmem>> -> memref<64x768xf32, #tpu.memory_space<vmem>>
        %gather3A_1949 = tpu.vector_load_idx %gather3A_1948[%broadcast_in_dim3A_1944, %min3A_1229] : memref<64x768xf32, #tpu.memory_space<vmem>>[vector<16xi32>, vector<16xi32>], vector<16xf32>,
        %add3A_1950 = vector.broadcast %mul3A_258 : i32 to vector<16xi32>
        %add3A_1951 = arith.addi %add3A_1950, %mul3A_1235 : vector<16xi32>
        %add3A_1952 = arith.constant 52 : i32
        %add3A_1953 = vector.broadcast %add3A_1952 : i32 to vector<16xi32>
        %add3A_1954 = arith.addi %add3A_1951, %add3A_1953 : vector<16xi32>
        tpu.vector_store_idx %arg11[%add3A_1954], %gather3A_1949 : memref<12288xf32, #tpu.memory_space<vmem>>[vector<16xi32>], vector<16xf32>,
        %broadcast_in_dim3A_1955 = arith.constant 53 : i32
        %broadcast_in_dim3A_1956 = vector.broadcast %broadcast_in_dim3A_1955 : i32 to vector<16xi32>
        %gather3A_1957 = arith.constant 0 : i32
        %gather3A_1958 = arith.constant 0 : i32
        %gather3A_1959 = tpu.memref_slice %arg10[%rem3A_113, %gather3A_1957, %gather3A_1958] : memref<2x64x768xf32, #tpu.memory_space<vmem>> -> memref<1x64x768xf32, #tpu.memory_space<vmem>>
        %gather3A_1960 = tpu.memref_squeeze %gather3A_1959 : memref<1x64x768xf32, #tpu.memory_space<vmem>> -> memref<64x768xf32, #tpu.memory_space<vmem>>
        %gather3A_1961 = tpu.vector_load_idx %gather3A_1960[%broadcast_in_dim3A_1956, %min3A_1229] : memref<64x768xf32, #tpu.memory_space<vmem>>[vector<16xi32>, vector<16xi32>], vector<16xf32>,
        %add3A_1962 = vector.broadcast %mul3A_258 : i32 to vector<16xi32>
        %add3A_1963 = arith.addi %add3A_1962, %mul3A_1235 : vector<16xi32>
        %add3A_1964 = arith.constant 53 : i32
        %add3A_1965 = vector.broadcast %add3A_1964 : i32 to vector<16xi32>
        %add3A_1966 = arith.addi %add3A_1963, %add3A_1965 : vector<16xi32>
        tpu.vector_store_idx %arg11[%add3A_1966], %gather3A_1961 : memref<12288xf32, #tpu.memory_space<vmem>>[vector<16xi32>], vector<16xf32>,
        %broadcast_in_dim3A_1967 = arith.constant 54 : i32
        %broadcast_in_dim3A_1968 = vector.broadcast %broadcast_in_dim3A_1967 : i32 to vector<16xi32>
        %gather3A_1969 = arith.constant 0 : i32
        %gather3A_1970 = arith.constant 0 : i32
        %gather3A_1971 = tpu.memref_slice %arg10[%rem3A_113, %gather3A_1969, %gather3A_1970] : memref<2x64x768xf32, #tpu.memory_space<vmem>> -> memref<1x64x768xf32, #tpu.memory_space<vmem>>
        %gather3A_1972 = tpu.memref_squeeze %gather3A_1971 : memref<1x64x768xf32, #tpu.memory_space<vmem>> -> memref<64x768xf32, #tpu.memory_space<vmem>>
        %gather3A_1973 = tpu.vector_load_idx %gather3A_1972[%broadcast_in_dim3A_1968, %min3A_1229] : memref<64x768xf32, #tpu.memory_space<vmem>>[vector<16xi32>, vector<16xi32>], vector<16xf32>,
        %add3A_1974 = vector.broadcast %mul3A_258 : i32 to vector<16xi32>
        %add3A_1975 = arith.addi %add3A_1974, %mul3A_1235 : vector<16xi32>
        %add3A_1976 = arith.constant 54 : i32
        %add3A_1977 = vector.broadcast %add3A_1976 : i32 to vector<16xi32>
        %add3A_1978 = arith.addi %add3A_1975, %add3A_1977 : vector<16xi32>
        tpu.vector_store_idx %arg11[%add3A_1978], %gather3A_1973 : memref<12288xf32, #tpu.memory_space<vmem>>[vector<16xi32>], vector<16xf32>,
        %broadcast_in_dim3A_1979 = arith.constant 55 : i32
        %broadcast_in_dim3A_1980 = vector.broadcast %broadcast_in_dim3A_1979 : i32 to vector<16xi32>
        %gather3A_1981 = arith.constant 0 : i32
        %gather3A_1982 = arith.constant 0 : i32
        %gather3A_1983 = tpu.memref_slice %arg10[%rem3A_113, %gather3A_1981, %gather3A_1982] : memref<2x64x768xf32, #tpu.memory_space<vmem>> -> memref<1x64x768xf32, #tpu.memory_space<vmem>>
        %gather3A_1984 = tpu.memref_squeeze %gather3A_1983 : memref<1x64x768xf32, #tpu.memory_space<vmem>> -> memref<64x768xf32, #tpu.memory_space<vmem>>
        %gather3A_1985 = tpu.vector_load_idx %gather3A_1984[%broadcast_in_dim3A_1980, %min3A_1229] : memref<64x768xf32, #tpu.memory_space<vmem>>[vector<16xi32>, vector<16xi32>], vector<16xf32>,
        %add3A_1986 = vector.broadcast %mul3A_258 : i32 to vector<16xi32>
        %add3A_1987 = arith.addi %add3A_1986, %mul3A_1235 : vector<16xi32>
        %add3A_1988 = arith.constant 55 : i32
        %add3A_1989 = vector.broadcast %add3A_1988 : i32 to vector<16xi32>
        %add3A_1990 = arith.addi %add3A_1987, %add3A_1989 : vector<16xi32>
        tpu.vector_store_idx %arg11[%add3A_1990], %gather3A_1985 : memref<12288xf32, #tpu.memory_space<vmem>>[vector<16xi32>], vector<16xf32>,
        %broadcast_in_dim3A_1991 = arith.constant 56 : i32
        %broadcast_in_dim3A_1992 = vector.broadcast %broadcast_in_dim3A_1991 : i32 to vector<16xi32>
        %gather3A_1993 = arith.constant 0 : i32
        %gather3A_1994 = arith.constant 0 : i32
        %gather3A_1995 = tpu.memref_slice %arg10[%rem3A_113, %gather3A_1993, %gather3A_1994] : memref<2x64x768xf32, #tpu.memory_space<vmem>> -> memref<1x64x768xf32, #tpu.memory_space<vmem>>
        %gather3A_1996 = tpu.memref_squeeze %gather3A_1995 : memref<1x64x768xf32, #tpu.memory_space<vmem>> -> memref<64x768xf32, #tpu.memory_space<vmem>>
        %gather3A_1997 = tpu.vector_load_idx %gather3A_1996[%broadcast_in_dim3A_1992, %min3A_1229] : memref<64x768xf32, #tpu.memory_space<vmem>>[vector<16xi32>, vector<16xi32>], vector<16xf32>,
        %add3A_1998 = vector.broadcast %mul3A_258 : i32 to vector<16xi32>
        %add3A_1999 = arith.addi %add3A_1998, %mul3A_1235 : vector<16xi32>
        %add3A_2000 = arith.constant 56 : i32
        %add3A_2001 = vector.broadcast %add3A_2000 : i32 to vector<16xi32>
        %add3A_2002 = arith.addi %add3A_1999, %add3A_2001 : vector<16xi32>
        tpu.vector_store_idx %arg11[%add3A_2002], %gather3A_1997 : memref<12288xf32, #tpu.memory_space<vmem>>[vector<16xi32>], vector<16xf32>,
        %broadcast_in_dim3A_2003 = arith.constant 57 : i32
        %broadcast_in_dim3A_2004 = vector.broadcast %broadcast_in_dim3A_2003 : i32 to vector<16xi32>
        %gather3A_2005 = arith.constant 0 : i32
        %gather3A_2006 = arith.constant 0 : i32
        %gather3A_2007 = tpu.memref_slice %arg10[%rem3A_113, %gather3A_2005, %gather3A_2006] : memref<2x64x768xf32, #tpu.memory_space<vmem>> -> memref<1x64x768xf32, #tpu.memory_space<vmem>>
        %gather3A_2008 = tpu.memref_squeeze %gather3A_2007 : memref<1x64x768xf32, #tpu.memory_space<vmem>> -> memref<64x768xf32, #tpu.memory_space<vmem>>
        %gather3A_2009 = tpu.vector_load_idx %gather3A_2008[%broadcast_in_dim3A_2004, %min3A_1229] : memref<64x768xf32, #tpu.memory_space<vmem>>[vector<16xi32>, vector<16xi32>], vector<16xf32>,
        %add3A_2010 = vector.broadcast %mul3A_258 : i32 to vector<16xi32>
        %add3A_2011 = arith.addi %add3A_2010, %mul3A_1235 : vector<16xi32>
        %add3A_2012 = arith.constant 57 : i32
        %add3A_2013 = vector.broadcast %add3A_2012 : i32 to vector<16xi32>
        %add3A_2014 = arith.addi %add3A_2011, %add3A_2013 : vector<16xi32>
        tpu.vector_store_idx %arg11[%add3A_2014], %gather3A_2009 : memref<12288xf32, #tpu.memory_space<vmem>>[vector<16xi32>], vector<16xf32>,
        %broadcast_in_dim3A_2015 = arith.constant 58 : i32
        %broadcast_in_dim3A_2016 = vector.broadcast %broadcast_in_dim3A_2015 : i32 to vector<16xi32>
        %gather3A_2017 = arith.constant 0 : i32
        %gather3A_2018 = arith.constant 0 : i32
        %gather3A_2019 = tpu.memref_slice %arg10[%rem3A_113, %gather3A_2017, %gather3A_2018] : memref<2x64x768xf32, #tpu.memory_space<vmem>> -> memref<1x64x768xf32, #tpu.memory_space<vmem>>
        %gather3A_2020 = tpu.memref_squeeze %gather3A_2019 : memref<1x64x768xf32, #tpu.memory_space<vmem>> -> memref<64x768xf32, #tpu.memory_space<vmem>>
        %gather3A_2021 = tpu.vector_load_idx %gather3A_2020[%broadcast_in_dim3A_2016, %min3A_1229] : memref<64x768xf32, #tpu.memory_space<vmem>>[vector<16xi32>, vector<16xi32>], vector<16xf32>,
        %add3A_2022 = vector.broadcast %mul3A_258 : i32 to vector<16xi32>
        %add3A_2023 = arith.addi %add3A_2022, %mul3A_1235 : vector<16xi32>
        %add3A_2024 = arith.constant 58 : i32
        %add3A_2025 = vector.broadcast %add3A_2024 : i32 to vector<16xi32>
        %add3A_2026 = arith.addi %add3A_2023, %add3A_2025 : vector<16xi32>
        tpu.vector_store_idx %arg11[%add3A_2026], %gather3A_2021 : memref<12288xf32, #tpu.memory_space<vmem>>[vector<16xi32>], vector<16xf32>,
        %broadcast_in_dim3A_2027 = arith.constant 59 : i32
        %broadcast_in_dim3A_2028 = vector.broadcast %broadcast_in_dim3A_2027 : i32 to vector<16xi32>
        %gather3A_2029 = arith.constant 0 : i32
        %gather3A_2030 = arith.constant 0 : i32
        %gather3A_2031 = tpu.memref_slice %arg10[%rem3A_113, %gather3A_2029, %gather3A_2030] : memref<2x64x768xf32, #tpu.memory_space<vmem>> -> memref<1x64x768xf32, #tpu.memory_space<vmem>>
        %gather3A_2032 = tpu.memref_squeeze %gather3A_2031 : memref<1x64x768xf32, #tpu.memory_space<vmem>> -> memref<64x768xf32, #tpu.memory_space<vmem>>
        %gather3A_2033 = tpu.vector_load_idx %gather3A_2032[%broadcast_in_dim3A_2028, %min3A_1229] : memref<64x768xf32, #tpu.memory_space<vmem>>[vector<16xi32>, vector<16xi32>], vector<16xf32>,
        %add3A_2034 = vector.broadcast %mul3A_258 : i32 to vector<16xi32>
        %add3A_2035 = arith.addi %add3A_2034, %mul3A_1235 : vector<16xi32>
        %add3A_2036 = arith.constant 59 : i32
        %add3A_2037 = vector.broadcast %add3A_2036 : i32 to vector<16xi32>
        %add3A_2038 = arith.addi %add3A_2035, %add3A_2037 : vector<16xi32>
        tpu.vector_store_idx %arg11[%add3A_2038], %gather3A_2033 : memref<12288xf32, #tpu.memory_space<vmem>>[vector<16xi32>], vector<16xf32>,
        %broadcast_in_dim3A_2039 = arith.constant 60 : i32
        %broadcast_in_dim3A_2040 = vector.broadcast %broadcast_in_dim3A_2039 : i32 to vector<16xi32>
        %gather3A_2041 = arith.constant 0 : i32
        %gather3A_2042 = arith.constant 0 : i32
        %gather3A_2043 = tpu.memref_slice %arg10[%rem3A_113, %gather3A_2041, %gather3A_2042] : memref<2x64x768xf32, #tpu.memory_space<vmem>> -> memref<1x64x768xf32, #tpu.memory_space<vmem>>
        %gather3A_2044 = tpu.memref_squeeze %gather3A_2043 : memref<1x64x768xf32, #tpu.memory_space<vmem>> -> memref<64x768xf32, #tpu.memory_space<vmem>>
        %gather3A_2045 = tpu.vector_load_idx %gather3A_2044[%broadcast_in_dim3A_2040, %min3A_1229] : memref<64x768xf32, #tpu.memory_space<vmem>>[vector<16xi32>, vector<16xi32>], vector<16xf32>,
        %add3A_2046 = vector.broadcast %mul3A_258 : i32 to vector<16xi32>
        %add3A_2047 = arith.addi %add3A_2046, %mul3A_1235 : vector<16xi32>
        %add3A_2048 = arith.constant 60 : i32
        %add3A_2049 = vector.broadcast %add3A_2048 : i32 to vector<16xi32>
        %add3A_2050 = arith.addi %add3A_2047, %add3A_2049 : vector<16xi32>
        tpu.vector_store_idx %arg11[%add3A_2050], %gather3A_2045 : memref<12288xf32, #tpu.memory_space<vmem>>[vector<16xi32>], vector<16xf32>,
        %broadcast_in_dim3A_2051 = arith.constant 61 : i32
        %broadcast_in_dim3A_2052 = vector.broadcast %broadcast_in_dim3A_2051 : i32 to vector<16xi32>
        %gather3A_2053 = arith.constant 0 : i32
        %gather3A_2054 = arith.constant 0 : i32
        %gather3A_2055 = tpu.memref_slice %arg10[%rem3A_113, %gather3A_2053, %gather3A_2054] : memref<2x64x768xf32, #tpu.memory_space<vmem>> -> memref<1x64x768xf32, #tpu.memory_space<vmem>>
        %gather3A_2056 = tpu.memref_squeeze %gather3A_2055 : memref<1x64x768xf32, #tpu.memory_space<vmem>> -> memref<64x768xf32, #tpu.memory_space<vmem>>
        %gather3A_2057 = tpu.vector_load_idx %gather3A_2056[%broadcast_in_dim3A_2052, %min3A_1229] : memref<64x768xf32, #tpu.memory_space<vmem>>[vector<16xi32>, vector<16xi32>], vector<16xf32>,
        %add3A_2058 = vector.broadcast %mul3A_258 : i32 to vector<16xi32>
        %add3A_2059 = arith.addi %add3A_2058, %mul3A_1235 : vector<16xi32>
        %add3A_2060 = arith.constant 61 : i32
        %add3A_2061 = vector.broadcast %add3A_2060 : i32 to vector<16xi32>
        %add3A_2062 = arith.addi %add3A_2059, %add3A_2061 : vector<16xi32>
        tpu.vector_store_idx %arg11[%add3A_2062], %gather3A_2057 : memref<12288xf32, #tpu.memory_space<vmem>>[vector<16xi32>], vector<16xf32>,
        %broadcast_in_dim3A_2063 = arith.constant 62 : i32
        %broadcast_in_dim3A_2064 = vector.broadcast %broadcast_in_dim3A_2063 : i32 to vector<16xi32>
        %gather3A_2065 = arith.constant 0 : i32
        %gather3A_2066 = arith.constant 0 : i32
        %gather3A_2067 = tpu.memref_slice %arg10[%rem3A_113, %gather3A_2065, %gather3A_2066] : memref<2x64x768xf32, #tpu.memory_space<vmem>> -> memref<1x64x768xf32, #tpu.memory_space<vmem>>
        %gather3A_2068 = tpu.memref_squeeze %gather3A_2067 : memref<1x64x768xf32, #tpu.memory_space<vmem>> -> memref<64x768xf32, #tpu.memory_space<vmem>>
        %gather3A_2069 = tpu.vector_load_idx %gather3A_2068[%broadcast_in_dim3A_2064, %min3A_1229] : memref<64x768xf32, #tpu.memory_space<vmem>>[vector<16xi32>, vector<16xi32>], vector<16xf32>,
        %add3A_2070 = vector.broadcast %mul3A_258 : i32 to vector<16xi32>
        %add3A_2071 = arith.addi %add3A_2070, %mul3A_1235 : vector<16xi32>
        %add3A_2072 = arith.constant 62 : i32
        %add3A_2073 = vector.broadcast %add3A_2072 : i32 to vector<16xi32>
        %add3A_2074 = arith.addi %add3A_2071, %add3A_2073 : vector<16xi32>
        tpu.vector_store_idx %arg11[%add3A_2074], %gather3A_2069 : memref<12288xf32, #tpu.memory_space<vmem>>[vector<16xi32>], vector<16xf32>,
        %broadcast_in_dim3A_2075 = arith.constant 63 : i32
        %broadcast_in_dim3A_2076 = vector.broadcast %broadcast_in_dim3A_2075 : i32 to vector<16xi32>
        %gather3A_2077 = arith.constant 0 : i32
        %gather3A_2078 = arith.constant 0 : i32
        %gather3A_2079 = tpu.memref_slice %arg10[%rem3A_113, %gather3A_2077, %gather3A_2078] : memref<2x64x768xf32, #tpu.memory_space<vmem>> -> memref<1x64x768xf32, #tpu.memory_space<vmem>>
        %gather3A_2080 = tpu.memref_squeeze %gather3A_2079 : memref<1x64x768xf32, #tpu.memory_space<vmem>> -> memref<64x768xf32, #tpu.memory_space<vmem>>
        %gather3A_2081 = tpu.vector_load_idx %gather3A_2080[%broadcast_in_dim3A_2076, %min3A_1229] : memref<64x768xf32, #tpu.memory_space<vmem>>[vector<16xi32>, vector<16xi32>], vector<16xf32>,
        %add3A_2082 = vector.broadcast %mul3A_258 : i32 to vector<16xi32>
        %add3A_2083 = arith.addi %add3A_2082, %mul3A_1235 : vector<16xi32>
        %add3A_2084 = arith.constant 63 : i32
        %add3A_2085 = vector.broadcast %add3A_2084 : i32 to vector<16xi32>
        %add3A_2086 = arith.addi %add3A_2083, %add3A_2085 : vector<16xi32>
        tpu.vector_store_idx %arg11[%add3A_2086], %gather3A_2081 : memref<12288xf32, #tpu.memory_space<vmem>>[vector<16xi32>], vector<16xf32>,
        %add3A_2087 = arith.constant 1024 : i32
        %add3A_2088 = arith.addi %mul3A_258, %add3A_2087 : i32
        %slice3A_2089 = vector.extract_strided_slice %select_n3A_1255 {offsets = [0], sizes = [1], strides = [1]} : vector<16xi32> to vector<1xi32>
        %squeeze3A_2090 = vector.extract %slice3A_2089[0] : i32 from vector<1xi32>
        %mul3A_2091 = arith.constant 64 : i32
        %mul3A_2092 = arith.muli %squeeze3A_2090, %mul3A_2091 : i32
        %dma_start3A_2093 = tpu.memref_slice %arg11[%add3A_2088] : memref<12288xf32, #tpu.memory_space<vmem>> -> memref<64xf32, #tpu.memory_space<vmem>>
        %dma_start3A_2094 = tpu.memref_slice %arg4[%mul3A_2092] : memref<1146880xf32, #tpu.memory_space<hbm>> -> memref<64xf32, #tpu.memory_space<hbm>>
        %dma_start3A_2095 = tpu.memref_slice %arg4[%mul3A_2092] : memref<1146880xf32, #tpu.memory_space<hbm>> -> memref<64xf32, #tpu.memory_space<hbm>>
        %dma_start3A_2096 = tpu.memref_slice %arg11[%add3A_2088] : memref<12288xf32, #tpu.memory_space<vmem>> -> memref<64xf32, #tpu.memory_space<vmem>>
        tpu.enqueue_dma source(%dma_start3A_2096 : memref<64xf32, #tpu.memory_space<vmem>>) target(%dma_start3A_2095 : memref<64xf32, #tpu.memory_space<hbm>>) target_semaphore(%arg13 : memref<!tpu.dma_semaphore, #tpu.memory_space<semaphore_mem>>)
        %add3A_2097 = arith.constant 1088 : i32
        %add3A_2098 = arith.addi %mul3A_258, %add3A_2097 : i32
        %slice3A_2099 = vector.extract_strided_slice %select_n3A_1255 {offsets = [1], sizes = [1], strides = [1]} : vector<16xi32> to vector<1xi32>
        %squeeze3A_2100 = vector.extract %slice3A_2099[0] : i32 from vector<1xi32>
        %mul3A_2101 = arith.constant 64 : i32
        %mul3A_2102 = arith.muli %squeeze3A_2100, %mul3A_2101 : i32
        %dma_start3A_2103 = tpu.memref_slice %arg11[%add3A_2098] : memref<12288xf32, #tpu.memory_space<vmem>> -> memref<64xf32, #tpu.memory_space<vmem>>
        %dma_start3A_2104 = tpu.memref_slice %arg4[%mul3A_2102] : memref<1146880xf32, #tpu.memory_space<hbm>> -> memref<64xf32, #tpu.memory_space<hbm>>
        %dma_start3A_2105 = tpu.memref_slice %arg4[%mul3A_2102] : memref<1146880xf32, #tpu.memory_space<hbm>> -> memref<64xf32, #tpu.memory_space<hbm>>
        %dma_start3A_2106 = tpu.memref_slice %arg11[%add3A_2098] : memref<12288xf32, #tpu.memory_space<vmem>> -> memref<64xf32, #tpu.memory_space<vmem>>
        tpu.enqueue_dma source(%dma_start3A_2106 : memref<64xf32, #tpu.memory_space<vmem>>) target(%dma_start3A_2105 : memref<64xf32, #tpu.memory_space<hbm>>) target_semaphore(%arg13 : memref<!tpu.dma_semaphore, #tpu.memory_space<semaphore_mem>>)
        %add3A_2107 = arith.constant 1152 : i32
        %add3A_2108 = arith.addi %mul3A_258, %add3A_2107 : i32
        %slice3A_2109 = vector.extract_strided_slice %select_n3A_1255 {offsets = [2], sizes = [1], strides = [1]} : vector<16xi32> to vector<1xi32>
        %squeeze3A_2110 = vector.extract %slice3A_2109[0] : i32 from vector<1xi32>
        %mul3A_2111 = arith.constant 64 : i32
        %mul3A_2112 = arith.muli %squeeze3A_2110, %mul3A_2111 : i32
        %dma_start3A_2113 = tpu.memref_slice %arg11[%add3A_2108] : memref<12288xf32, #tpu.memory_space<vmem>> -> memref<64xf32, #tpu.memory_space<vmem>>
        %dma_start3A_2114 = tpu.memref_slice %arg4[%mul3A_2112] : memref<1146880xf32, #tpu.memory_space<hbm>> -> memref<64xf32, #tpu.memory_space<hbm>>
        %dma_start3A_2115 = tpu.memref_slice %arg4[%mul3A_2112] : memref<1146880xf32, #tpu.memory_space<hbm>> -> memref<64xf32, #tpu.memory_space<hbm>>
        %dma_start3A_2116 = tpu.memref_slice %arg11[%add3A_2108] : memref<12288xf32, #tpu.memory_space<vmem>> -> memref<64xf32, #tpu.memory_space<vmem>>
        tpu.enqueue_dma source(%dma_start3A_2116 : memref<64xf32, #tpu.memory_space<vmem>>) target(%dma_start3A_2115 : memref<64xf32, #tpu.memory_space<hbm>>) target_semaphore(%arg13 : memref<!tpu.dma_semaphore, #tpu.memory_space<semaphore_mem>>)
        %add3A_2117 = arith.constant 1216 : i32
        %add3A_2118 = arith.addi %mul3A_258, %add3A_2117 : i32
        %slice3A_2119 = vector.extract_strided_slice %select_n3A_1255 {offsets = [3], sizes = [1], strides = [1]} : vector<16xi32> to vector<1xi32>
        %squeeze3A_2120 = vector.extract %slice3A_2119[0] : i32 from vector<1xi32>
        %mul3A_2121 = arith.constant 64 : i32
        %mul3A_2122 = arith.muli %squeeze3A_2120, %mul3A_2121 : i32
        %dma_start3A_2123 = tpu.memref_slice %arg11[%add3A_2118] : memref<12288xf32, #tpu.memory_space<vmem>> -> memref<64xf32, #tpu.memory_space<vmem>>
        %dma_start3A_2124 = tpu.memref_slice %arg4[%mul3A_2122] : memref<1146880xf32, #tpu.memory_space<hbm>> -> memref<64xf32, #tpu.memory_space<hbm>>
        %dma_start3A_2125 = tpu.memref_slice %arg4[%mul3A_2122] : memref<1146880xf32, #tpu.memory_space<hbm>> -> memref<64xf32, #tpu.memory_space<hbm>>
        %dma_start3A_2126 = tpu.memref_slice %arg11[%add3A_2118] : memref<12288xf32, #tpu.memory_space<vmem>> -> memref<64xf32, #tpu.memory_space<vmem>>
        tpu.enqueue_dma source(%dma_start3A_2126 : memref<64xf32, #tpu.memory_space<vmem>>) target(%dma_start3A_2125 : memref<64xf32, #tpu.memory_space<hbm>>) target_semaphore(%arg13 : memref<!tpu.dma_semaphore, #tpu.memory_space<semaphore_mem>>)
        %add3A_2127 = arith.constant 1280 : i32
        %add3A_2128 = arith.addi %mul3A_258, %add3A_2127 : i32
        %slice3A_2129 = vector.extract_strided_slice %select_n3A_1255 {offsets = [4], sizes = [1], strides = [1]} : vector<16xi32> to vector<1xi32>
        %squeeze3A_2130 = vector.extract %slice3A_2129[0] : i32 from vector<1xi32>
        %mul3A_2131 = arith.constant 64 : i32
        %mul3A_2132 = arith.muli %squeeze3A_2130, %mul3A_2131 : i32
        %dma_start3A_2133 = tpu.memref_slice %arg11[%add3A_2128] : memref<12288xf32, #tpu.memory_space<vmem>> -> memref<64xf32, #tpu.memory_space<vmem>>
        %dma_start3A_2134 = tpu.memref_slice %arg4[%mul3A_2132] : memref<1146880xf32, #tpu.memory_space<hbm>> -> memref<64xf32, #tpu.memory_space<hbm>>
        %dma_start3A_2135 = tpu.memref_slice %arg4[%mul3A_2132] : memref<1146880xf32, #tpu.memory_space<hbm>> -> memref<64xf32, #tpu.memory_space<hbm>>
        %dma_start3A_2136 = tpu.memref_slice %arg11[%add3A_2128] : memref<12288xf32, #tpu.memory_space<vmem>> -> memref<64xf32, #tpu.memory_space<vmem>>
        tpu.enqueue_dma source(%dma_start3A_2136 : memref<64xf32, #tpu.memory_space<vmem>>) target(%dma_start3A_2135 : memref<64xf32, #tpu.memory_space<hbm>>) target_semaphore(%arg13 : memref<!tpu.dma_semaphore, #tpu.memory_space<semaphore_mem>>)
        %add3A_2137 = arith.constant 1344 : i32
        %add3A_2138 = arith.addi %mul3A_258, %add3A_2137 : i32
        %slice3A_2139 = vector.extract_strided_slice %select_n3A_1255 {offsets = [5], sizes = [1], strides = [1]} : vector<16xi32> to vector<1xi32>
        %squeeze3A_2140 = vector.extract %slice3A_2139[0] : i32 from vector<1xi32>
        %mul3A_2141 = arith.constant 64 : i32
        %mul3A_2142 = arith.muli %squeeze3A_2140, %mul3A_2141 : i32
        %dma_start3A_2143 = tpu.memref_slice %arg11[%add3A_2138] : memref<12288xf32, #tpu.memory_space<vmem>> -> memref<64xf32, #tpu.memory_space<vmem>>
        %dma_start3A_2144 = tpu.memref_slice %arg4[%mul3A_2142] : memref<1146880xf32, #tpu.memory_space<hbm>> -> memref<64xf32, #tpu.memory_space<hbm>>
        %dma_start3A_2145 = tpu.memref_slice %arg4[%mul3A_2142] : memref<1146880xf32, #tpu.memory_space<hbm>> -> memref<64xf32, #tpu.memory_space<hbm>>
        %dma_start3A_2146 = tpu.memref_slice %arg11[%add3A_2138] : memref<12288xf32, #tpu.memory_space<vmem>> -> memref<64xf32, #tpu.memory_space<vmem>>
        tpu.enqueue_dma source(%dma_start3A_2146 : memref<64xf32, #tpu.memory_space<vmem>>) target(%dma_start3A_2145 : memref<64xf32, #tpu.memory_space<hbm>>) target_semaphore(%arg13 : memref<!tpu.dma_semaphore, #tpu.memory_space<semaphore_mem>>)
        %add3A_2147 = arith.constant 1408 : i32
        %add3A_2148 = arith.addi %mul3A_258, %add3A_2147 : i32
        %slice3A_2149 = vector.extract_strided_slice %select_n3A_1255 {offsets = [6], sizes = [1], strides = [1]} : vector<16xi32> to vector<1xi32>
        %squeeze3A_2150 = vector.extract %slice3A_2149[0] : i32 from vector<1xi32>
        %mul3A_2151 = arith.constant 64 : i32
        %mul3A_2152 = arith.muli %squeeze3A_2150, %mul3A_2151 : i32
        %dma_start3A_2153 = tpu.memref_slice %arg11[%add3A_2148] : memref<12288xf32, #tpu.memory_space<vmem>> -> memref<64xf32, #tpu.memory_space<vmem>>
        %dma_start3A_2154 = tpu.memref_slice %arg4[%mul3A_2152] : memref<1146880xf32, #tpu.memory_space<hbm>> -> memref<64xf32, #tpu.memory_space<hbm>>
        %dma_start3A_2155 = tpu.memref_slice %arg4[%mul3A_2152] : memref<1146880xf32, #tpu.memory_space<hbm>> -> memref<64xf32, #tpu.memory_space<hbm>>
        %dma_start3A_2156 = tpu.memref_slice %arg11[%add3A_2148] : memref<12288xf32, #tpu.memory_space<vmem>> -> memref<64xf32, #tpu.memory_space<vmem>>
        tpu.enqueue_dma source(%dma_start3A_2156 : memref<64xf32, #tpu.memory_space<vmem>>) target(%dma_start3A_2155 : memref<64xf32, #tpu.memory_space<hbm>>) target_semaphore(%arg13 : memref<!tpu.dma_semaphore, #tpu.memory_space<semaphore_mem>>)
        %add3A_2157 = arith.constant 1472 : i32
        %add3A_2158 = arith.addi %mul3A_258, %add3A_2157 : i32
        %slice3A_2159 = vector.extract_strided_slice %select_n3A_1255 {offsets = [7], sizes = [1], strides = [1]} : vector<16xi32> to vector<1xi32>
        %squeeze3A_2160 = vector.extract %slice3A_2159[0] : i32 from vector<1xi32>
        %mul3A_2161 = arith.constant 64 : i32
        %mul3A_2162 = arith.muli %squeeze3A_2160, %mul3A_2161 : i32
        %dma_start3A_2163 = tpu.memref_slice %arg11[%add3A_2158] : memref<12288xf32, #tpu.memory_space<vmem>> -> memref<64xf32, #tpu.memory_space<vmem>>
        %dma_start3A_2164 = tpu.memref_slice %arg4[%mul3A_2162] : memref<1146880xf32, #tpu.memory_space<hbm>> -> memref<64xf32, #tpu.memory_space<hbm>>
        %dma_start3A_2165 = tpu.memref_slice %arg4[%mul3A_2162] : memref<1146880xf32, #tpu.memory_space<hbm>> -> memref<64xf32, #tpu.memory_space<hbm>>
        %dma_start3A_2166 = tpu.memref_slice %arg11[%add3A_2158] : memref<12288xf32, #tpu.memory_space<vmem>> -> memref<64xf32, #tpu.memory_space<vmem>>
        tpu.enqueue_dma source(%dma_start3A_2166 : memref<64xf32, #tpu.memory_space<vmem>>) target(%dma_start3A_2165 : memref<64xf32, #tpu.memory_space<hbm>>) target_semaphore(%arg13 : memref<!tpu.dma_semaphore, #tpu.memory_space<semaphore_mem>>)
        %add3A_2167 = arith.constant 1536 : i32
        %add3A_2168 = arith.addi %mul3A_258, %add3A_2167 : i32
        %slice3A_2169 = vector.extract_strided_slice %select_n3A_1255 {offsets = [8], sizes = [1], strides = [1]} : vector<16xi32> to vector<1xi32>
        %squeeze3A_2170 = vector.extract %slice3A_2169[0] : i32 from vector<1xi32>
        %mul3A_2171 = arith.constant 64 : i32
        %mul3A_2172 = arith.muli %squeeze3A_2170, %mul3A_2171 : i32
        %dma_start3A_2173 = tpu.memref_slice %arg11[%add3A_2168] : memref<12288xf32, #tpu.memory_space<vmem>> -> memref<64xf32, #tpu.memory_space<vmem>>
        %dma_start3A_2174 = tpu.memref_slice %arg4[%mul3A_2172] : memref<1146880xf32, #tpu.memory_space<hbm>> -> memref<64xf32, #tpu.memory_space<hbm>>
        %dma_start3A_2175 = tpu.memref_slice %arg4[%mul3A_2172] : memref<1146880xf32, #tpu.memory_space<hbm>> -> memref<64xf32, #tpu.memory_space<hbm>>
        %dma_start3A_2176 = tpu.memref_slice %arg11[%add3A_2168] : memref<12288xf32, #tpu.memory_space<vmem>> -> memref<64xf32, #tpu.memory_space<vmem>>
        tpu.enqueue_dma source(%dma_start3A_2176 : memref<64xf32, #tpu.memory_space<vmem>>) target(%dma_start3A_2175 : memref<64xf32, #tpu.memory_space<hbm>>) target_semaphore(%arg13 : memref<!tpu.dma_semaphore, #tpu.memory_space<semaphore_mem>>)
        %add3A_2177 = arith.constant 1600 : i32
        %add3A_2178 = arith.addi %mul3A_258, %add3A_2177 : i32
        %slice3A_2179 = vector.extract_strided_slice %select_n3A_1255 {offsets = [9], sizes = [1], strides = [1]} : vector<16xi32> to vector<1xi32>
        %squeeze3A_2180 = vector.extract %slice3A_2179[0] : i32 from vector<1xi32>
        %mul3A_2181 = arith.constant 64 : i32
        %mul3A_2182 = arith.muli %squeeze3A_2180, %mul3A_2181 : i32
        %dma_start3A_2183 = tpu.memref_slice %arg11[%add3A_2178] : memref<12288xf32, #tpu.memory_space<vmem>> -> memref<64xf32, #tpu.memory_space<vmem>>
        %dma_start3A_2184 = tpu.memref_slice %arg4[%mul3A_2182] : memref<1146880xf32, #tpu.memory_space<hbm>> -> memref<64xf32, #tpu.memory_space<hbm>>
        %dma_start3A_2185 = tpu.memref_slice %arg4[%mul3A_2182] : memref<1146880xf32, #tpu.memory_space<hbm>> -> memref<64xf32, #tpu.memory_space<hbm>>
        %dma_start3A_2186 = tpu.memref_slice %arg11[%add3A_2178] : memref<12288xf32, #tpu.memory_space<vmem>> -> memref<64xf32, #tpu.memory_space<vmem>>
        tpu.enqueue_dma source(%dma_start3A_2186 : memref<64xf32, #tpu.memory_space<vmem>>) target(%dma_start3A_2185 : memref<64xf32, #tpu.memory_space<hbm>>) target_semaphore(%arg13 : memref<!tpu.dma_semaphore, #tpu.memory_space<semaphore_mem>>)
        %add3A_2187 = arith.constant 1664 : i32
        %add3A_2188 = arith.addi %mul3A_258, %add3A_2187 : i32
        %slice3A_2189 = vector.extract_strided_slice %select_n3A_1255 {offsets = [10], sizes = [1], strides = [1]} : vector<16xi32> to vector<1xi32>
        %squeeze3A_2190 = vector.extract %slice3A_2189[0] : i32 from vector<1xi32>
        %mul3A_2191 = arith.constant 64 : i32
        %mul3A_2192 = arith.muli %squeeze3A_2190, %mul3A_2191 : i32
        %dma_start3A_2193 = tpu.memref_slice %arg11[%add3A_2188] : memref<12288xf32, #tpu.memory_space<vmem>> -> memref<64xf32, #tpu.memory_space<vmem>>
        %dma_start3A_2194 = tpu.memref_slice %arg4[%mul3A_2192] : memref<1146880xf32, #tpu.memory_space<hbm>> -> memref<64xf32, #tpu.memory_space<hbm>>
        %dma_start3A_2195 = tpu.memref_slice %arg4[%mul3A_2192] : memref<1146880xf32, #tpu.memory_space<hbm>> -> memref<64xf32, #tpu.memory_space<hbm>>
        %dma_start3A_2196 = tpu.memref_slice %arg11[%add3A_2188] : memref<12288xf32, #tpu.memory_space<vmem>> -> memref<64xf32, #tpu.memory_space<vmem>>
        tpu.enqueue_dma source(%dma_start3A_2196 : memref<64xf32, #tpu.memory_space<vmem>>) target(%dma_start3A_2195 : memref<64xf32, #tpu.memory_space<hbm>>) target_semaphore(%arg13 : memref<!tpu.dma_semaphore, #tpu.memory_space<semaphore_mem>>)
        %add3A_2197 = arith.constant 1728 : i32
        %add3A_2198 = arith.addi %mul3A_258, %add3A_2197 : i32
        %slice3A_2199 = vector.extract_strided_slice %select_n3A_1255 {offsets = [11], sizes = [1], strides = [1]} : vector<16xi32> to vector<1xi32>
        %squeeze3A_2200 = vector.extract %slice3A_2199[0] : i32 from vector<1xi32>
        %mul3A_2201 = arith.constant 64 : i32
        %mul3A_2202 = arith.muli %squeeze3A_2200, %mul3A_2201 : i32
        %dma_start3A_2203 = tpu.memref_slice %arg11[%add3A_2198] : memref<12288xf32, #tpu.memory_space<vmem>> -> memref<64xf32, #tpu.memory_space<vmem>>
        %dma_start3A_2204 = tpu.memref_slice %arg4[%mul3A_2202] : memref<1146880xf32, #tpu.memory_space<hbm>> -> memref<64xf32, #tpu.memory_space<hbm>>
        %dma_start3A_2205 = tpu.memref_slice %arg4[%mul3A_2202] : memref<1146880xf32, #tpu.memory_space<hbm>> -> memref<64xf32, #tpu.memory_space<hbm>>
        %dma_start3A_2206 = tpu.memref_slice %arg11[%add3A_2198] : memref<12288xf32, #tpu.memory_space<vmem>> -> memref<64xf32, #tpu.memory_space<vmem>>
        tpu.enqueue_dma source(%dma_start3A_2206 : memref<64xf32, #tpu.memory_space<vmem>>) target(%dma_start3A_2205 : memref<64xf32, #tpu.memory_space<hbm>>) target_semaphore(%arg13 : memref<!tpu.dma_semaphore, #tpu.memory_space<semaphore_mem>>)
        %add3A_2207 = arith.constant 1792 : i32
        %add3A_2208 = arith.addi %mul3A_258, %add3A_2207 : i32
        %slice3A_2209 = vector.extract_strided_slice %select_n3A_1255 {offsets = [12], sizes = [1], strides = [1]} : vector<16xi32> to vector<1xi32>
        %squeeze3A_2210 = vector.extract %slice3A_2209[0] : i32 from vector<1xi32>
        %mul3A_2211 = arith.constant 64 : i32
        %mul3A_2212 = arith.muli %squeeze3A_2210, %mul3A_2211 : i32
        %dma_start3A_2213 = tpu.memref_slice %arg11[%add3A_2208] : memref<12288xf32, #tpu.memory_space<vmem>> -> memref<64xf32, #tpu.memory_space<vmem>>
        %dma_start3A_2214 = tpu.memref_slice %arg4[%mul3A_2212] : memref<1146880xf32, #tpu.memory_space<hbm>> -> memref<64xf32, #tpu.memory_space<hbm>>
        %dma_start3A_2215 = tpu.memref_slice %arg4[%mul3A_2212] : memref<1146880xf32, #tpu.memory_space<hbm>> -> memref<64xf32, #tpu.memory_space<hbm>>
        %dma_start3A_2216 = tpu.memref_slice %arg11[%add3A_2208] : memref<12288xf32, #tpu.memory_space<vmem>> -> memref<64xf32, #tpu.memory_space<vmem>>
        tpu.enqueue_dma source(%dma_start3A_2216 : memref<64xf32, #tpu.memory_space<vmem>>) target(%dma_start3A_2215 : memref<64xf32, #tpu.memory_space<hbm>>) target_semaphore(%arg13 : memref<!tpu.dma_semaphore, #tpu.memory_space<semaphore_mem>>)
        %add3A_2217 = arith.constant 1856 : i32
        %add3A_2218 = arith.addi %mul3A_258, %add3A_2217 : i32
        %slice3A_2219 = vector.extract_strided_slice %select_n3A_1255 {offsets = [13], sizes = [1], strides = [1]} : vector<16xi32> to vector<1xi32>
        %squeeze3A_2220 = vector.extract %slice3A_2219[0] : i32 from vector<1xi32>
        %mul3A_2221 = arith.constant 64 : i32
        %mul3A_2222 = arith.muli %squeeze3A_2220, %mul3A_2221 : i32
        %dma_start3A_2223 = tpu.memref_slice %arg11[%add3A_2218] : memref<12288xf32, #tpu.memory_space<vmem>> -> memref<64xf32, #tpu.memory_space<vmem>>
        %dma_start3A_2224 = tpu.memref_slice %arg4[%mul3A_2222] : memref<1146880xf32, #tpu.memory_space<hbm>> -> memref<64xf32, #tpu.memory_space<hbm>>
        %dma_start3A_2225 = tpu.memref_slice %arg4[%mul3A_2222] : memref<1146880xf32, #tpu.memory_space<hbm>> -> memref<64xf32, #tpu.memory_space<hbm>>
        %dma_start3A_2226 = tpu.memref_slice %arg11[%add3A_2218] : memref<12288xf32, #tpu.memory_space<vmem>> -> memref<64xf32, #tpu.memory_space<vmem>>
        tpu.enqueue_dma source(%dma_start3A_2226 : memref<64xf32, #tpu.memory_space<vmem>>) target(%dma_start3A_2225 : memref<64xf32, #tpu.memory_space<hbm>>) target_semaphore(%arg13 : memref<!tpu.dma_semaphore, #tpu.memory_space<semaphore_mem>>)
        %add3A_2227 = arith.constant 1920 : i32
        %add3A_2228 = arith.addi %mul3A_258, %add3A_2227 : i32
        %slice3A_2229 = vector.extract_strided_slice %select_n3A_1255 {offsets = [14], sizes = [1], strides = [1]} : vector<16xi32> to vector<1xi32>
        %squeeze3A_2230 = vector.extract %slice3A_2229[0] : i32 from vector<1xi32>
        %mul3A_2231 = arith.constant 64 : i32
        %mul3A_2232 = arith.muli %squeeze3A_2230, %mul3A_2231 : i32
        %dma_start3A_2233 = tpu.memref_slice %arg11[%add3A_2228] : memref<12288xf32, #tpu.memory_space<vmem>> -> memref<64xf32, #tpu.memory_space<vmem>>
        %dma_start3A_2234 = tpu.memref_slice %arg4[%mul3A_2232] : memref<1146880xf32, #tpu.memory_space<hbm>> -> memref<64xf32, #tpu.memory_space<hbm>>
        %dma_start3A_2235 = tpu.memref_slice %arg4[%mul3A_2232] : memref<1146880xf32, #tpu.memory_space<hbm>> -> memref<64xf32, #tpu.memory_space<hbm>>
        %dma_start3A_2236 = tpu.memref_slice %arg11[%add3A_2228] : memref<12288xf32, #tpu.memory_space<vmem>> -> memref<64xf32, #tpu.memory_space<vmem>>
        tpu.enqueue_dma source(%dma_start3A_2236 : memref<64xf32, #tpu.memory_space<vmem>>) target(%dma_start3A_2235 : memref<64xf32, #tpu.memory_space<hbm>>) target_semaphore(%arg13 : memref<!tpu.dma_semaphore, #tpu.memory_space<semaphore_mem>>)
        %add3A_2237 = arith.constant 1984 : i32
        %add3A_2238 = arith.addi %mul3A_258, %add3A_2237 : i32
        %slice3A_2239 = vector.extract_strided_slice %select_n3A_1255 {offsets = [15], sizes = [1], strides = [1]} : vector<16xi32> to vector<1xi32>
        %squeeze3A_2240 = vector.extract %slice3A_2239[0] : i32 from vector<1xi32>
        %mul3A_2241 = arith.constant 64 : i32
        %mul3A_2242 = arith.muli %squeeze3A_2240, %mul3A_2241 : i32
        %dma_start3A_2243 = tpu.memref_slice %arg11[%add3A_2238] : memref<12288xf32, #tpu.memory_space<vmem>> -> memref<64xf32, #tpu.memory_space<vmem>>
        %dma_start3A_2244 = tpu.memref_slice %arg4[%mul3A_2242] : memref<1146880xf32, #tpu.memory_space<hbm>> -> memref<64xf32, #tpu.memory_space<hbm>>
        %dma_start3A_2245 = tpu.memref_slice %arg4[%mul3A_2242] : memref<1146880xf32, #tpu.memory_space<hbm>> -> memref<64xf32, #tpu.memory_space<hbm>>
        %dma_start3A_2246 = tpu.memref_slice %arg11[%add3A_2238] : memref<12288xf32, #tpu.memory_space<vmem>> -> memref<64xf32, #tpu.memory_space<vmem>>
        tpu.enqueue_dma source(%dma_start3A_2246 : memref<64xf32, #tpu.memory_space<vmem>>) target(%dma_start3A_2245 : memref<64xf32, #tpu.memory_space<hbm>>) target_semaphore(%arg13 : memref<!tpu.dma_semaphore, #tpu.memory_space<semaphore_mem>>)
      } else {
      }
      %le3A = arith.constant 16 : i32
      %le3A_1260 = arith.cmpi sle, %while3A_239, %le3A : i32
      %convert_element_type3A_1261 = arith.extui %le3A_1260 : i1 to i32
      %cond3A_1262 = arith.constant 0 : i32
      %cond3A_1263 = arith.cmpi ne, %convert_element_type3A_1261, %cond3A_1262 : i32
      scf.if %cond3A_1263 {
        %add3A_1319 = arith.constant 1024 : i32
        %add3A_1320 = arith.addi %mul3A_258, %add3A_1319 : i32
        %add3A_1321 = arith.constant 16 : i32
        %add3A_1322 = arith.addi %add3A_16, %add3A_1321 : i32
        %mul3A_1323 = arith.constant 64 : i32
        %mul3A_1324 = arith.muli %add3A_1322, %mul3A_1323 : i32
        %dma_start3A_1325 = tpu.memref_slice %arg11[%add3A_1320] : memref<12288xf32, #tpu.memory_space<vmem>> -> memref<1024xf32, #tpu.memory_space<vmem>>
        %dma_start3A_1326 = tpu.memref_slice %arg4[%mul3A_1324] : memref<1146880xf32, #tpu.memory_space<hbm>> -> memref<1024xf32, #tpu.memory_space<hbm>>
        %dma_start3A_1327 = tpu.memref_slice %arg4[%mul3A_1324] : memref<1146880xf32, #tpu.memory_space<hbm>> -> memref<1024xf32, #tpu.memory_space<hbm>>
        %dma_start3A_1328 = tpu.memref_slice %arg11[%add3A_1320] : memref<12288xf32, #tpu.memory_space<vmem>> -> memref<1024xf32, #tpu.memory_space<vmem>>
        tpu.enqueue_dma source(%dma_start3A_1328 : memref<1024xf32, #tpu.memory_space<vmem>>) target(%dma_start3A_1327 : memref<1024xf32, #tpu.memory_space<hbm>>) target_semaphore(%arg13 : memref<!tpu.dma_semaphore, #tpu.memory_space<semaphore_mem>>)
      } else {
      }
      %get3A_1264 = arith.constant 32 : index
      %get3A_1265 = tpu.vector_load %arg8[%get3A_1264] {strides = array<i32>} : memref<48xi32, #tpu.memory_space<vmem>>, vector<16xi32>,
      %get3A_1266 = arith.constant 32 : index
      %get3A_1267 = tpu.vector_load %arg9[%get3A_1266] {strides = array<i32>} : memref<48xi32, #tpu.memory_space<vmem>>, vector<16xi32>,
      %sub3A_1268 = vector.broadcast %mul3A_132 : i32 to vector<16xi32>
      %sub3A_1269 = arith.subi %get3A_1265, %sub3A_1268 : vector<16xi32>
      %jit3A_1270 = arith.constant 0 : i32
      %jit3A_1271 = arith.constant 767 : i32
      %max3A_1272 = vector.broadcast %jit3A_1270 : i32 to vector<16xi32>
      %max3A_1273 = arith.maxsi %max3A_1272, %sub3A_1269 : vector<16xi32>
      %min3A_1274 = vector.broadcast %jit3A_1271 : i32 to vector<16xi32>
      %min3A_1275 = arith.minsi %min3A_1274, %max3A_1273 : vector<16xi32>
      %add3A_1276 = arith.constant 32 : i32
      %add3A_1277 = vector.broadcast %add3A_1276 : i32 to vector<16xi32>
      %add3A_1278 = arith.addi %add3A_1277, %iota3A : vector<16xi32>
      %mul3A_1279 = arith.constant 64 : i32
      %mul3A_1280 = vector.broadcast %mul3A_1279 : i32 to vector<16xi32>
      %mul3A_1281 = arith.muli %add3A_1278, %mul3A_1280 : vector<16xi32>
      %ge3A_1282 = arith.constant 8192 : i32
      %ge3A_1283 = vector.broadcast %ge3A_1282 : i32 to vector<16xi32>
      %ge3A_1284 = arith.cmpi sge, %get3A_1267, %ge3A_1283 : vector<16xi32>
      %mul3A_1285 = arith.constant 2 : i32
      %mul3A_1286 = vector.broadcast %mul3A_1285 : i32 to vector<16xi32>
      %mul3A_1287 = arith.muli %mul3A_1286, %get3A_1267 : vector<16xi32>
      %sub3A_1288 = arith.constant 16383 : i32
      %sub3A_1289 = vector.broadcast %sub3A_1288 : i32 to vector<16xi32>
      %sub3A_1290 = arith.subi %mul3A_1287, %sub3A_1289 : vector<16xi32>
      %mul3A_1291 = arith.constant 2 : i32
      %mul3A_1292 = vector.broadcast %mul3A_1291 : i32 to vector<16xi32>
      %mul3A_1293 = arith.muli %mul3A_1292, %get3A_1267 : vector<16xi32>
      %select_n3A_1294 = arith.select %ge3A_1284, %sub3A_1290, %mul3A_1293 : vector<16xi1>, vector<16xi32>
      %lt3A_1295 = vector.broadcast %min3A_123 : i32 to vector<16xi32>
      %lt3A_1296 = arith.cmpi slt, %get3A_1265, %lt3A_1295 : vector<16xi32>
      %add3A_1297 = arith.constant 32 : i32
      %add3A_1298 = arith.addi %add3A_16, %add3A_1297 : i32
      %add3A_1299 = vector.broadcast %add3A_1298 : i32 to vector<16xi32>
      %add3A_1300 = arith.addi %add3A_1299, %iota3A : vector<16xi32>
      %select_n3A_1301 = arith.select %lt3A_1296, %select_n3A_1294, %add3A_1300 : vector<16xi1>, vector<16xi32>
      %gt3A_1302 = arith.constant 32 : i32
      %gt3A_1303 = arith.cmpi sgt, %while3A_239, %gt3A_1302 : i32
      %convert_element_type3A_1304 = arith.extui %gt3A_1303 : i1 to i32
      %cond3A_1305 = arith.constant 0 : i32
      %cond3A_1306 = arith.cmpi ne, %convert_element_type3A_1304, %cond3A_1305 : i32
      scf.if %cond3A_1306 {
        %broadcast_in_dim3A_1319 = arith.constant 0 : i32
        %broadcast_in_dim3A_1320 = vector.broadcast %broadcast_in_dim3A_1319 : i32 to vector<16xi32>
        %gather3A_1321 = arith.constant 0 : i32
        %gather3A_1322 = arith.constant 0 : i32
        %gather3A_1323 = tpu.memref_slice %arg10[%rem3A_113, %gather3A_1321, %gather3A_1322] : memref<2x64x768xf32, #tpu.memory_space<vmem>> -> memref<1x64x768xf32, #tpu.memory_space<vmem>>
        %gather3A_1324 = tpu.memref_squeeze %gather3A_1323 : memref<1x64x768xf32, #tpu.memory_space<vmem>> -> memref<64x768xf32, #tpu.memory_space<vmem>>
        %gather3A_1325 = tpu.vector_load_idx %gather3A_1324[%broadcast_in_dim3A_1320, %min3A_1275] : memref<64x768xf32, #tpu.memory_space<vmem>>[vector<16xi32>, vector<16xi32>], vector<16xf32>,
        %add3A_1326 = vector.broadcast %mul3A_258 : i32 to vector<16xi32>
        %add3A_1327 = arith.addi %add3A_1326, %mul3A_1281 : vector<16xi32>
        %add3A_1328 = arith.constant 0 : i32
        %add3A_1329 = vector.broadcast %add3A_1328 : i32 to vector<16xi32>
        %add3A_1330 = arith.addi %add3A_1327, %add3A_1329 : vector<16xi32>
        tpu.vector_store_idx %arg11[%add3A_1330], %gather3A_1325 : memref<12288xf32, #tpu.memory_space<vmem>>[vector<16xi32>], vector<16xf32>,
        %broadcast_in_dim3A_1331 = arith.constant 1 : i32
        %broadcast_in_dim3A_1332 = vector.broadcast %broadcast_in_dim3A_1331 : i32 to vector<16xi32>
        %gather3A_1333 = arith.constant 0 : i32
        %gather3A_1334 = arith.constant 0 : i32
        %gather3A_1335 = tpu.memref_slice %arg10[%rem3A_113, %gather3A_1333, %gather3A_1334] : memref<2x64x768xf32, #tpu.memory_space<vmem>> -> memref<1x64x768xf32, #tpu.memory_space<vmem>>
        %gather3A_1336 = tpu.memref_squeeze %gather3A_1335 : memref<1x64x768xf32, #tpu.memory_space<vmem>> -> memref<64x768xf32, #tpu.memory_space<vmem>>
        %gather3A_1337 = tpu.vector_load_idx %gather3A_1336[%broadcast_in_dim3A_1332, %min3A_1275] : memref<64x768xf32, #tpu.memory_space<vmem>>[vector<16xi32>, vector<16xi32>], vector<16xf32>,
        %add3A_1338 = vector.broadcast %mul3A_258 : i32 to vector<16xi32>
        %add3A_1339 = arith.addi %add3A_1338, %mul3A_1281 : vector<16xi32>
        %add3A_1340 = arith.constant 1 : i32
        %add3A_1341 = vector.broadcast %add3A_1340 : i32 to vector<16xi32>
        %add3A_1342 = arith.addi %add3A_1339, %add3A_1341 : vector<16xi32>
        tpu.vector_store_idx %arg11[%add3A_1342], %gather3A_1337 : memref<12288xf32, #tpu.memory_space<vmem>>[vector<16xi32>], vector<16xf32>,
        %broadcast_in_dim3A_1343 = arith.constant 2 : i32
        %broadcast_in_dim3A_1344 = vector.broadcast %broadcast_in_dim3A_1343 : i32 to vector<16xi32>
        %gather3A_1345 = arith.constant 0 : i32
        %gather3A_1346 = arith.constant 0 : i32
        %gather3A_1347 = tpu.memref_slice %arg10[%rem3A_113, %gather3A_1345, %gather3A_1346] : memref<2x64x768xf32, #tpu.memory_space<vmem>> -> memref<1x64x768xf32, #tpu.memory_space<vmem>>
        %gather3A_1348 = tpu.memref_squeeze %gather3A_1347 : memref<1x64x768xf32, #tpu.memory_space<vmem>> -> memref<64x768xf32, #tpu.memory_space<vmem>>
        %gather3A_1349 = tpu.vector_load_idx %gather3A_1348[%broadcast_in_dim3A_1344, %min3A_1275] : memref<64x768xf32, #tpu.memory_space<vmem>>[vector<16xi32>, vector<16xi32>], vector<16xf32>,
        %add3A_1350 = vector.broadcast %mul3A_258 : i32 to vector<16xi32>
        %add3A_1351 = arith.addi %add3A_1350, %mul3A_1281 : vector<16xi32>
        %add3A_1352 = arith.constant 2 : i32
        %add3A_1353 = vector.broadcast %add3A_1352 : i32 to vector<16xi32>
        %add3A_1354 = arith.addi %add3A_1351, %add3A_1353 : vector<16xi32>
        tpu.vector_store_idx %arg11[%add3A_1354], %gather3A_1349 : memref<12288xf32, #tpu.memory_space<vmem>>[vector<16xi32>], vector<16xf32>,
        %broadcast_in_dim3A_1355 = arith.constant 3 : i32
        %broadcast_in_dim3A_1356 = vector.broadcast %broadcast_in_dim3A_1355 : i32 to vector<16xi32>
        %gather3A_1357 = arith.constant 0 : i32
        %gather3A_1358 = arith.constant 0 : i32
        %gather3A_1359 = tpu.memref_slice %arg10[%rem3A_113, %gather3A_1357, %gather3A_1358] : memref<2x64x768xf32, #tpu.memory_space<vmem>> -> memref<1x64x768xf32, #tpu.memory_space<vmem>>
        %gather3A_1360 = tpu.memref_squeeze %gather3A_1359 : memref<1x64x768xf32, #tpu.memory_space<vmem>> -> memref<64x768xf32, #tpu.memory_space<vmem>>
        %gather3A_1361 = tpu.vector_load_idx %gather3A_1360[%broadcast_in_dim3A_1356, %min3A_1275] : memref<64x768xf32, #tpu.memory_space<vmem>>[vector<16xi32>, vector<16xi32>], vector<16xf32>,
        %add3A_1362 = vector.broadcast %mul3A_258 : i32 to vector<16xi32>
        %add3A_1363 = arith.addi %add3A_1362, %mul3A_1281 : vector<16xi32>
        %add3A_1364 = arith.constant 3 : i32
        %add3A_1365 = vector.broadcast %add3A_1364 : i32 to vector<16xi32>
        %add3A_1366 = arith.addi %add3A_1363, %add3A_1365 : vector<16xi32>
        tpu.vector_store_idx %arg11[%add3A_1366], %gather3A_1361 : memref<12288xf32, #tpu.memory_space<vmem>>[vector<16xi32>], vector<16xf32>,
        %broadcast_in_dim3A_1367 = arith.constant 4 : i32
        %broadcast_in_dim3A_1368 = vector.broadcast %broadcast_in_dim3A_1367 : i32 to vector<16xi32>
        %gather3A_1369 = arith.constant 0 : i32
        %gather3A_1370 = arith.constant 0 : i32
        %gather3A_1371 = tpu.memref_slice %arg10[%rem3A_113, %gather3A_1369, %gather3A_1370] : memref<2x64x768xf32, #tpu.memory_space<vmem>> -> memref<1x64x768xf32, #tpu.memory_space<vmem>>
        %gather3A_1372 = tpu.memref_squeeze %gather3A_1371 : memref<1x64x768xf32, #tpu.memory_space<vmem>> -> memref<64x768xf32, #tpu.memory_space<vmem>>
        %gather3A_1373 = tpu.vector_load_idx %gather3A_1372[%broadcast_in_dim3A_1368, %min3A_1275] : memref<64x768xf32, #tpu.memory_space<vmem>>[vector<16xi32>, vector<16xi32>], vector<16xf32>,
        %add3A_1374 = vector.broadcast %mul3A_258 : i32 to vector<16xi32>
        %add3A_1375 = arith.addi %add3A_1374, %mul3A_1281 : vector<16xi32>
        %add3A_1376 = arith.constant 4 : i32
        %add3A_1377 = vector.broadcast %add3A_1376 : i32 to vector<16xi32>
        %add3A_1378 = arith.addi %add3A_1375, %add3A_1377 : vector<16xi32>
        tpu.vector_store_idx %arg11[%add3A_1378], %gather3A_1373 : memref<12288xf32, #tpu.memory_space<vmem>>[vector<16xi32>], vector<16xf32>,
        %broadcast_in_dim3A_1379 = arith.constant 5 : i32
        %broadcast_in_dim3A_1380 = vector.broadcast %broadcast_in_dim3A_1379 : i32 to vector<16xi32>
        %gather3A_1381 = arith.constant 0 : i32
        %gather3A_1382 = arith.constant 0 : i32
        %gather3A_1383 = tpu.memref_slice %arg10[%rem3A_113, %gather3A_1381, %gather3A_1382] : memref<2x64x768xf32, #tpu.memory_space<vmem>> -> memref<1x64x768xf32, #tpu.memory_space<vmem>>
        %gather3A_1384 = tpu.memref_squeeze %gather3A_1383 : memref<1x64x768xf32, #tpu.memory_space<vmem>> -> memref<64x768xf32, #tpu.memory_space<vmem>>
        %gather3A_1385 = tpu.vector_load_idx %gather3A_1384[%broadcast_in_dim3A_1380, %min3A_1275] : memref<64x768xf32, #tpu.memory_space<vmem>>[vector<16xi32>, vector<16xi32>], vector<16xf32>,
        %add3A_1386 = vector.broadcast %mul3A_258 : i32 to vector<16xi32>
        %add3A_1387 = arith.addi %add3A_1386, %mul3A_1281 : vector<16xi32>
        %add3A_1388 = arith.constant 5 : i32
        %add3A_1389 = vector.broadcast %add3A_1388 : i32 to vector<16xi32>
        %add3A_1390 = arith.addi %add3A_1387, %add3A_1389 : vector<16xi32>
        tpu.vector_store_idx %arg11[%add3A_1390], %gather3A_1385 : memref<12288xf32, #tpu.memory_space<vmem>>[vector<16xi32>], vector<16xf32>,
        %broadcast_in_dim3A_1391 = arith.constant 6 : i32
        %broadcast_in_dim3A_1392 = vector.broadcast %broadcast_in_dim3A_1391 : i32 to vector<16xi32>
        %gather3A_1393 = arith.constant 0 : i32
        %gather3A_1394 = arith.constant 0 : i32
        %gather3A_1395 = tpu.memref_slice %arg10[%rem3A_113, %gather3A_1393, %gather3A_1394] : memref<2x64x768xf32, #tpu.memory_space<vmem>> -> memref<1x64x768xf32, #tpu.memory_space<vmem>>
        %gather3A_1396 = tpu.memref_squeeze %gather3A_1395 : memref<1x64x768xf32, #tpu.memory_space<vmem>> -> memref<64x768xf32, #tpu.memory_space<vmem>>
        %gather3A_1397 = tpu.vector_load_idx %gather3A_1396[%broadcast_in_dim3A_1392, %min3A_1275] : memref<64x768xf32, #tpu.memory_space<vmem>>[vector<16xi32>, vector<16xi32>], vector<16xf32>,
        %add3A_1398 = vector.broadcast %mul3A_258 : i32 to vector<16xi32>
        %add3A_1399 = arith.addi %add3A_1398, %mul3A_1281 : vector<16xi32>
        %add3A_1400 = arith.constant 6 : i32
        %add3A_1401 = vector.broadcast %add3A_1400 : i32 to vector<16xi32>
        %add3A_1402 = arith.addi %add3A_1399, %add3A_1401 : vector<16xi32>
        tpu.vector_store_idx %arg11[%add3A_1402], %gather3A_1397 : memref<12288xf32, #tpu.memory_space<vmem>>[vector<16xi32>], vector<16xf32>,
        %broadcast_in_dim3A_1403 = arith.constant 7 : i32
        %broadcast_in_dim3A_1404 = vector.broadcast %broadcast_in_dim3A_1403 : i32 to vector<16xi32>
        %gather3A_1405 = arith.constant 0 : i32
        %gather3A_1406 = arith.constant 0 : i32
        %gather3A_1407 = tpu.memref_slice %arg10[%rem3A_113, %gather3A_1405, %gather3A_1406] : memref<2x64x768xf32, #tpu.memory_space<vmem>> -> memref<1x64x768xf32, #tpu.memory_space<vmem>>
        %gather3A_1408 = tpu.memref_squeeze %gather3A_1407 : memref<1x64x768xf32, #tpu.memory_space<vmem>> -> memref<64x768xf32, #tpu.memory_space<vmem>>
        %gather3A_1409 = tpu.vector_load_idx %gather3A_1408[%broadcast_in_dim3A_1404, %min3A_1275] : memref<64x768xf32, #tpu.memory_space<vmem>>[vector<16xi32>, vector<16xi32>], vector<16xf32>,
        %add3A_1410 = vector.broadcast %mul3A_258 : i32 to vector<16xi32>
        %add3A_1411 = arith.addi %add3A_1410, %mul3A_1281 : vector<16xi32>
        %add3A_1412 = arith.constant 7 : i32
        %add3A_1413 = vector.broadcast %add3A_1412 : i32 to vector<16xi32>
        %add3A_1414 = arith.addi %add3A_1411, %add3A_1413 : vector<16xi32>
        tpu.vector_store_idx %arg11[%add3A_1414], %gather3A_1409 : memref<12288xf32, #tpu.memory_space<vmem>>[vector<16xi32>], vector<16xf32>,
        %broadcast_in_dim3A_1415 = arith.constant 8 : i32
        %broadcast_in_dim3A_1416 = vector.broadcast %broadcast_in_dim3A_1415 : i32 to vector<16xi32>
        %gather3A_1417 = arith.constant 0 : i32
        %gather3A_1418 = arith.constant 0 : i32
        %gather3A_1419 = tpu.memref_slice %arg10[%rem3A_113, %gather3A_1417, %gather3A_1418] : memref<2x64x768xf32, #tpu.memory_space<vmem>> -> memref<1x64x768xf32, #tpu.memory_space<vmem>>
        %gather3A_1420 = tpu.memref_squeeze %gather3A_1419 : memref<1x64x768xf32, #tpu.memory_space<vmem>> -> memref<64x768xf32, #tpu.memory_space<vmem>>
        %gather3A_1421 = tpu.vector_load_idx %gather3A_1420[%broadcast_in_dim3A_1416, %min3A_1275] : memref<64x768xf32, #tpu.memory_space<vmem>>[vector<16xi32>, vector<16xi32>], vector<16xf32>,
        %add3A_1422 = vector.broadcast %mul3A_258 : i32 to vector<16xi32>
        %add3A_1423 = arith.addi %add3A_1422, %mul3A_1281 : vector<16xi32>
        %add3A_1424 = arith.constant 8 : i32
        %add3A_1425 = vector.broadcast %add3A_1424 : i32 to vector<16xi32>
        %add3A_1426 = arith.addi %add3A_1423, %add3A_1425 : vector<16xi32>
        tpu.vector_store_idx %arg11[%add3A_1426], %gather3A_1421 : memref<12288xf32, #tpu.memory_space<vmem>>[vector<16xi32>], vector<16xf32>,
        %broadcast_in_dim3A_1427 = arith.constant 9 : i32
        %broadcast_in_dim3A_1428 = vector.broadcast %broadcast_in_dim3A_1427 : i32 to vector<16xi32>
        %gather3A_1429 = arith.constant 0 : i32
        %gather3A_1430 = arith.constant 0 : i32
        %gather3A_1431 = tpu.memref_slice %arg10[%rem3A_113, %gather3A_1429, %gather3A_1430] : memref<2x64x768xf32, #tpu.memory_space<vmem>> -> memref<1x64x768xf32, #tpu.memory_space<vmem>>
        %gather3A_1432 = tpu.memref_squeeze %gather3A_1431 : memref<1x64x768xf32, #tpu.memory_space<vmem>> -> memref<64x768xf32, #tpu.memory_space<vmem>>
        %gather3A_1433 = tpu.vector_load_idx %gather3A_1432[%broadcast_in_dim3A_1428, %min3A_1275] : memref<64x768xf32, #tpu.memory_space<vmem>>[vector<16xi32>, vector<16xi32>], vector<16xf32>,
        %add3A_1434 = vector.broadcast %mul3A_258 : i32 to vector<16xi32>
        %add3A_1435 = arith.addi %add3A_1434, %mul3A_1281 : vector<16xi32>
        %add3A_1436 = arith.constant 9 : i32
        %add3A_1437 = vector.broadcast %add3A_1436 : i32 to vector<16xi32>
        %add3A_1438 = arith.addi %add3A_1435, %add3A_1437 : vector<16xi32>
        tpu.vector_store_idx %arg11[%add3A_1438], %gather3A_1433 : memref<12288xf32, #tpu.memory_space<vmem>>[vector<16xi32>], vector<16xf32>,
        %broadcast_in_dim3A_1439 = arith.constant 10 : i32
        %broadcast_in_dim3A_1440 = vector.broadcast %broadcast_in_dim3A_1439 : i32 to vector<16xi32>
        %gather3A_1441 = arith.constant 0 : i32
        %gather3A_1442 = arith.constant 0 : i32
        %gather3A_1443 = tpu.memref_slice %arg10[%rem3A_113, %gather3A_1441, %gather3A_1442] : memref<2x64x768xf32, #tpu.memory_space<vmem>> -> memref<1x64x768xf32, #tpu.memory_space<vmem>>
        %gather3A_1444 = tpu.memref_squeeze %gather3A_1443 : memref<1x64x768xf32, #tpu.memory_space<vmem>> -> memref<64x768xf32, #tpu.memory_space<vmem>>
        %gather3A_1445 = tpu.vector_load_idx %gather3A_1444[%broadcast_in_dim3A_1440, %min3A_1275] : memref<64x768xf32, #tpu.memory_space<vmem>>[vector<16xi32>, vector<16xi32>], vector<16xf32>,
        %add3A_1446 = vector.broadcast %mul3A_258 : i32 to vector<16xi32>
        %add3A_1447 = arith.addi %add3A_1446, %mul3A_1281 : vector<16xi32>
        %add3A_1448 = arith.constant 10 : i32
        %add3A_1449 = vector.broadcast %add3A_1448 : i32 to vector<16xi32>
        %add3A_1450 = arith.addi %add3A_1447, %add3A_1449 : vector<16xi32>
        tpu.vector_store_idx %arg11[%add3A_1450], %gather3A_1445 : memref<12288xf32, #tpu.memory_space<vmem>>[vector<16xi32>], vector<16xf32>,
        %broadcast_in_dim3A_1451 = arith.constant 11 : i32
        %broadcast_in_dim3A_1452 = vector.broadcast %broadcast_in_dim3A_1451 : i32 to vector<16xi32>
        %gather3A_1453 = arith.constant 0 : i32
        %gather3A_1454 = arith.constant 0 : i32
        %gather3A_1455 = tpu.memref_slice %arg10[%rem3A_113, %gather3A_1453, %gather3A_1454] : memref<2x64x768xf32, #tpu.memory_space<vmem>> -> memref<1x64x768xf32, #tpu.memory_space<vmem>>
        %gather3A_1456 = tpu.memref_squeeze %gather3A_1455 : memref<1x64x768xf32, #tpu.memory_space<vmem>> -> memref<64x768xf32, #tpu.memory_space<vmem>>
        %gather3A_1457 = tpu.vector_load_idx %gather3A_1456[%broadcast_in_dim3A_1452, %min3A_1275] : memref<64x768xf32, #tpu.memory_space<vmem>>[vector<16xi32>, vector<16xi32>], vector<16xf32>,
        %add3A_1458 = vector.broadcast %mul3A_258 : i32 to vector<16xi32>
        %add3A_1459 = arith.addi %add3A_1458, %mul3A_1281 : vector<16xi32>
        %add3A_1460 = arith.constant 11 : i32
        %add3A_1461 = vector.broadcast %add3A_1460 : i32 to vector<16xi32>
        %add3A_1462 = arith.addi %add3A_1459, %add3A_1461 : vector<16xi32>
        tpu.vector_store_idx %arg11[%add3A_1462], %gather3A_1457 : memref<12288xf32, #tpu.memory_space<vmem>>[vector<16xi32>], vector<16xf32>,
        %broadcast_in_dim3A_1463 = arith.constant 12 : i32
        %broadcast_in_dim3A_1464 = vector.broadcast %broadcast_in_dim3A_1463 : i32 to vector<16xi32>
        %gather3A_1465 = arith.constant 0 : i32
        %gather3A_1466 = arith.constant 0 : i32
        %gather3A_1467 = tpu.memref_slice %arg10[%rem3A_113, %gather3A_1465, %gather3A_1466] : memref<2x64x768xf32, #tpu.memory_space<vmem>> -> memref<1x64x768xf32, #tpu.memory_space<vmem>>
        %gather3A_1468 = tpu.memref_squeeze %gather3A_1467 : memref<1x64x768xf32, #tpu.memory_space<vmem>> -> memref<64x768xf32, #tpu.memory_space<vmem>>
        %gather3A_1469 = tpu.vector_load_idx %gather3A_1468[%broadcast_in_dim3A_1464, %min3A_1275] : memref<64x768xf32, #tpu.memory_space<vmem>>[vector<16xi32>, vector<16xi32>], vector<16xf32>,
        %add3A_1470 = vector.broadcast %mul3A_258 : i32 to vector<16xi32>
        %add3A_1471 = arith.addi %add3A_1470, %mul3A_1281 : vector<16xi32>
        %add3A_1472 = arith.constant 12 : i32
        %add3A_1473 = vector.broadcast %add3A_1472 : i32 to vector<16xi32>
        %add3A_1474 = arith.addi %add3A_1471, %add3A_1473 : vector<16xi32>
        tpu.vector_store_idx %arg11[%add3A_1474], %gather3A_1469 : memref<12288xf32, #tpu.memory_space<vmem>>[vector<16xi32>], vector<16xf32>,
        %broadcast_in_dim3A_1475 = arith.constant 13 : i32
        %broadcast_in_dim3A_1476 = vector.broadcast %broadcast_in_dim3A_1475 : i32 to vector<16xi32>
        %gather3A_1477 = arith.constant 0 : i32
        %gather3A_1478 = arith.constant 0 : i32
        %gather3A_1479 = tpu.memref_slice %arg10[%rem3A_113, %gather3A_1477, %gather3A_1478] : memref<2x64x768xf32, #tpu.memory_space<vmem>> -> memref<1x64x768xf32, #tpu.memory_space<vmem>>
        %gather3A_1480 = tpu.memref_squeeze %gather3A_1479 : memref<1x64x768xf32, #tpu.memory_space<vmem>> -> memref<64x768xf32, #tpu.memory_space<vmem>>
        %gather3A_1481 = tpu.vector_load_idx %gather3A_1480[%broadcast_in_dim3A_1476, %min3A_1275] : memref<64x768xf32, #tpu.memory_space<vmem>>[vector<16xi32>, vector<16xi32>], vector<16xf32>,
        %add3A_1482 = vector.broadcast %mul3A_258 : i32 to vector<16xi32>
        %add3A_1483 = arith.addi %add3A_1482, %mul3A_1281 : vector<16xi32>
        %add3A_1484 = arith.constant 13 : i32
        %add3A_1485 = vector.broadcast %add3A_1484 : i32 to vector<16xi32>
        %add3A_1486 = arith.addi %add3A_1483, %add3A_1485 : vector<16xi32>
        tpu.vector_store_idx %arg11[%add3A_1486], %gather3A_1481 : memref<12288xf32, #tpu.memory_space<vmem>>[vector<16xi32>], vector<16xf32>,
        %broadcast_in_dim3A_1487 = arith.constant 14 : i32
        %broadcast_in_dim3A_1488 = vector.broadcast %broadcast_in_dim3A_1487 : i32 to vector<16xi32>
        %gather3A_1489 = arith.constant 0 : i32
        %gather3A_1490 = arith.constant 0 : i32
        %gather3A_1491 = tpu.memref_slice %arg10[%rem3A_113, %gather3A_1489, %gather3A_1490] : memref<2x64x768xf32, #tpu.memory_space<vmem>> -> memref<1x64x768xf32, #tpu.memory_space<vmem>>
        %gather3A_1492 = tpu.memref_squeeze %gather3A_1491 : memref<1x64x768xf32, #tpu.memory_space<vmem>> -> memref<64x768xf32, #tpu.memory_space<vmem>>
        %gather3A_1493 = tpu.vector_load_idx %gather3A_1492[%broadcast_in_dim3A_1488, %min3A_1275] : memref<64x768xf32, #tpu.memory_space<vmem>>[vector<16xi32>, vector<16xi32>], vector<16xf32>,
        %add3A_1494 = vector.broadcast %mul3A_258 : i32 to vector<16xi32>
        %add3A_1495 = arith.addi %add3A_1494, %mul3A_1281 : vector<16xi32>
        %add3A_1496 = arith.constant 14 : i32
        %add3A_1497 = vector.broadcast %add3A_1496 : i32 to vector<16xi32>
        %add3A_1498 = arith.addi %add3A_1495, %add3A_1497 : vector<16xi32>
        tpu.vector_store_idx %arg11[%add3A_1498], %gather3A_1493 : memref<12288xf32, #tpu.memory_space<vmem>>[vector<16xi32>], vector<16xf32>,
        %broadcast_in_dim3A_1499 = arith.constant 15 : i32
        %broadcast_in_dim3A_1500 = vector.broadcast %broadcast_in_dim3A_1499 : i32 to vector<16xi32>
        %gather3A_1501 = arith.constant 0 : i32
        %gather3A_1502 = arith.constant 0 : i32
        %gather3A_1503 = tpu.memref_slice %arg10[%rem3A_113, %gather3A_1501, %gather3A_1502] : memref<2x64x768xf32, #tpu.memory_space<vmem>> -> memref<1x64x768xf32, #tpu.memory_space<vmem>>
        %gather3A_1504 = tpu.memref_squeeze %gather3A_1503 : memref<1x64x768xf32, #tpu.memory_space<vmem>> -> memref<64x768xf32, #tpu.memory_space<vmem>>
        %gather3A_1505 = tpu.vector_load_idx %gather3A_1504[%broadcast_in_dim3A_1500, %min3A_1275] : memref<64x768xf32, #tpu.memory_space<vmem>>[vector<16xi32>, vector<16xi32>], vector<16xf32>,
        %add3A_1506 = vector.broadcast %mul3A_258 : i32 to vector<16xi32>
        %add3A_1507 = arith.addi %add3A_1506, %mul3A_1281 : vector<16xi32>
        %add3A_1508 = arith.constant 15 : i32
        %add3A_1509 = vector.broadcast %add3A_1508 : i32 to vector<16xi32>
        %add3A_1510 = arith.addi %add3A_1507, %add3A_1509 : vector<16xi32>
        tpu.vector_store_idx %arg11[%add3A_1510], %gather3A_1505 : memref<12288xf32, #tpu.memory_space<vmem>>[vector<16xi32>], vector<16xf32>,
        %broadcast_in_dim3A_1511 = arith.constant 16 : i32
        %broadcast_in_dim3A_1512 = vector.broadcast %broadcast_in_dim3A_1511 : i32 to vector<16xi32>
        %gather3A_1513 = arith.constant 0 : i32
        %gather3A_1514 = arith.constant 0 : i32
        %gather3A_1515 = tpu.memref_slice %arg10[%rem3A_113, %gather3A_1513, %gather3A_1514] : memref<2x64x768xf32, #tpu.memory_space<vmem>> -> memref<1x64x768xf32, #tpu.memory_space<vmem>>
        %gather3A_1516 = tpu.memref_squeeze %gather3A_1515 : memref<1x64x768xf32, #tpu.memory_space<vmem>> -> memref<64x768xf32, #tpu.memory_space<vmem>>
        %gather3A_1517 = tpu.vector_load_idx %gather3A_1516[%broadcast_in_dim3A_1512, %min3A_1275] : memref<64x768xf32, #tpu.memory_space<vmem>>[vector<16xi32>, vector<16xi32>], vector<16xf32>,
        %add3A_1518 = vector.broadcast %mul3A_258 : i32 to vector<16xi32>
        %add3A_1519 = arith.addi %add3A_1518, %mul3A_1281 : vector<16xi32>
        %add3A_1520 = arith.constant 16 : i32
        %add3A_1521 = vector.broadcast %add3A_1520 : i32 to vector<16xi32>
        %add3A_1522 = arith.addi %add3A_1519, %add3A_1521 : vector<16xi32>
        tpu.vector_store_idx %arg11[%add3A_1522], %gather3A_1517 : memref<12288xf32, #tpu.memory_space<vmem>>[vector<16xi32>], vector<16xf32>,
        %broadcast_in_dim3A_1523 = arith.constant 17 : i32
        %broadcast_in_dim3A_1524 = vector.broadcast %broadcast_in_dim3A_1523 : i32 to vector<16xi32>
        %gather3A_1525 = arith.constant 0 : i32
        %gather3A_1526 = arith.constant 0 : i32
        %gather3A_1527 = tpu.memref_slice %arg10[%rem3A_113, %gather3A_1525, %gather3A_1526] : memref<2x64x768xf32, #tpu.memory_space<vmem>> -> memref<1x64x768xf32, #tpu.memory_space<vmem>>
        %gather3A_1528 = tpu.memref_squeeze %gather3A_1527 : memref<1x64x768xf32, #tpu.memory_space<vmem>> -> memref<64x768xf32, #tpu.memory_space<vmem>>
        %gather3A_1529 = tpu.vector_load_idx %gather3A_1528[%broadcast_in_dim3A_1524, %min3A_1275] : memref<64x768xf32, #tpu.memory_space<vmem>>[vector<16xi32>, vector<16xi32>], vector<16xf32>,
        %add3A_1530 = vector.broadcast %mul3A_258 : i32 to vector<16xi32>
        %add3A_1531 = arith.addi %add3A_1530, %mul3A_1281 : vector<16xi32>
        %add3A_1532 = arith.constant 17 : i32
        %add3A_1533 = vector.broadcast %add3A_1532 : i32 to vector<16xi32>
        %add3A_1534 = arith.addi %add3A_1531, %add3A_1533 : vector<16xi32>
        tpu.vector_store_idx %arg11[%add3A_1534], %gather3A_1529 : memref<12288xf32, #tpu.memory_space<vmem>>[vector<16xi32>], vector<16xf32>,
        %broadcast_in_dim3A_1535 = arith.constant 18 : i32
        %broadcast_in_dim3A_1536 = vector.broadcast %broadcast_in_dim3A_1535 : i32 to vector<16xi32>
        %gather3A_1537 = arith.constant 0 : i32
        %gather3A_1538 = arith.constant 0 : i32
        %gather3A_1539 = tpu.memref_slice %arg10[%rem3A_113, %gather3A_1537, %gather3A_1538] : memref<2x64x768xf32, #tpu.memory_space<vmem>> -> memref<1x64x768xf32, #tpu.memory_space<vmem>>
        %gather3A_1540 = tpu.memref_squeeze %gather3A_1539 : memref<1x64x768xf32, #tpu.memory_space<vmem>> -> memref<64x768xf32, #tpu.memory_space<vmem>>
        %gather3A_1541 = tpu.vector_load_idx %gather3A_1540[%broadcast_in_dim3A_1536, %min3A_1275] : memref<64x768xf32, #tpu.memory_space<vmem>>[vector<16xi32>, vector<16xi32>], vector<16xf32>,
        %add3A_1542 = vector.broadcast %mul3A_258 : i32 to vector<16xi32>
        %add3A_1543 = arith.addi %add3A_1542, %mul3A_1281 : vector<16xi32>
        %add3A_1544 = arith.constant 18 : i32
        %add3A_1545 = vector.broadcast %add3A_1544 : i32 to vector<16xi32>
        %add3A_1546 = arith.addi %add3A_1543, %add3A_1545 : vector<16xi32>
        tpu.vector_store_idx %arg11[%add3A_1546], %gather3A_1541 : memref<12288xf32, #tpu.memory_space<vmem>>[vector<16xi32>], vector<16xf32>,
        %broadcast_in_dim3A_1547 = arith.constant 19 : i32
        %broadcast_in_dim3A_1548 = vector.broadcast %broadcast_in_dim3A_1547 : i32 to vector<16xi32>
        %gather3A_1549 = arith.constant 0 : i32
        %gather3A_1550 = arith.constant 0 : i32
        %gather3A_1551 = tpu.memref_slice %arg10[%rem3A_113, %gather3A_1549, %gather3A_1550] : memref<2x64x768xf32, #tpu.memory_space<vmem>> -> memref<1x64x768xf32, #tpu.memory_space<vmem>>
        %gather3A_1552 = tpu.memref_squeeze %gather3A_1551 : memref<1x64x768xf32, #tpu.memory_space<vmem>> -> memref<64x768xf32, #tpu.memory_space<vmem>>
        %gather3A_1553 = tpu.vector_load_idx %gather3A_1552[%broadcast_in_dim3A_1548, %min3A_1275] : memref<64x768xf32, #tpu.memory_space<vmem>>[vector<16xi32>, vector<16xi32>], vector<16xf32>,
        %add3A_1554 = vector.broadcast %mul3A_258 : i32 to vector<16xi32>
        %add3A_1555 = arith.addi %add3A_1554, %mul3A_1281 : vector<16xi32>
        %add3A_1556 = arith.constant 19 : i32
        %add3A_1557 = vector.broadcast %add3A_1556 : i32 to vector<16xi32>
        %add3A_1558 = arith.addi %add3A_1555, %add3A_1557 : vector<16xi32>
        tpu.vector_store_idx %arg11[%add3A_1558], %gather3A_1553 : memref<12288xf32, #tpu.memory_space<vmem>>[vector<16xi32>], vector<16xf32>,
        %broadcast_in_dim3A_1559 = arith.constant 20 : i32
        %broadcast_in_dim3A_1560 = vector.broadcast %broadcast_in_dim3A_1559 : i32 to vector<16xi32>
        %gather3A_1561 = arith.constant 0 : i32
        %gather3A_1562 = arith.constant 0 : i32
        %gather3A_1563 = tpu.memref_slice %arg10[%rem3A_113, %gather3A_1561, %gather3A_1562] : memref<2x64x768xf32, #tpu.memory_space<vmem>> -> memref<1x64x768xf32, #tpu.memory_space<vmem>>
        %gather3A_1564 = tpu.memref_squeeze %gather3A_1563 : memref<1x64x768xf32, #tpu.memory_space<vmem>> -> memref<64x768xf32, #tpu.memory_space<vmem>>
        %gather3A_1565 = tpu.vector_load_idx %gather3A_1564[%broadcast_in_dim3A_1560, %min3A_1275] : memref<64x768xf32, #tpu.memory_space<vmem>>[vector<16xi32>, vector<16xi32>], vector<16xf32>,
        %add3A_1566 = vector.broadcast %mul3A_258 : i32 to vector<16xi32>
        %add3A_1567 = arith.addi %add3A_1566, %mul3A_1281 : vector<16xi32>
        %add3A_1568 = arith.constant 20 : i32
        %add3A_1569 = vector.broadcast %add3A_1568 : i32 to vector<16xi32>
        %add3A_1570 = arith.addi %add3A_1567, %add3A_1569 : vector<16xi32>
        tpu.vector_store_idx %arg11[%add3A_1570], %gather3A_1565 : memref<12288xf32, #tpu.memory_space<vmem>>[vector<16xi32>], vector<16xf32>,
        %broadcast_in_dim3A_1571 = arith.constant 21 : i32
        %broadcast_in_dim3A_1572 = vector.broadcast %broadcast_in_dim3A_1571 : i32 to vector<16xi32>
        %gather3A_1573 = arith.constant 0 : i32
        %gather3A_1574 = arith.constant 0 : i32
        %gather3A_1575 = tpu.memref_slice %arg10[%rem3A_113, %gather3A_1573, %gather3A_1574] : memref<2x64x768xf32, #tpu.memory_space<vmem>> -> memref<1x64x768xf32, #tpu.memory_space<vmem>>
        %gather3A_1576 = tpu.memref_squeeze %gather3A_1575 : memref<1x64x768xf32, #tpu.memory_space<vmem>> -> memref<64x768xf32, #tpu.memory_space<vmem>>
        %gather3A_1577 = tpu.vector_load_idx %gather3A_1576[%broadcast_in_dim3A_1572, %min3A_1275] : memref<64x768xf32, #tpu.memory_space<vmem>>[vector<16xi32>, vector<16xi32>], vector<16xf32>,
        %add3A_1578 = vector.broadcast %mul3A_258 : i32 to vector<16xi32>
        %add3A_1579 = arith.addi %add3A_1578, %mul3A_1281 : vector<16xi32>
        %add3A_1580 = arith.constant 21 : i32
        %add3A_1581 = vector.broadcast %add3A_1580 : i32 to vector<16xi32>
        %add3A_1582 = arith.addi %add3A_1579, %add3A_1581 : vector<16xi32>
        tpu.vector_store_idx %arg11[%add3A_1582], %gather3A_1577 : memref<12288xf32, #tpu.memory_space<vmem>>[vector<16xi32>], vector<16xf32>,
        %broadcast_in_dim3A_1583 = arith.constant 22 : i32
        %broadcast_in_dim3A_1584 = vector.broadcast %broadcast_in_dim3A_1583 : i32 to vector<16xi32>
        %gather3A_1585 = arith.constant 0 : i32
        %gather3A_1586 = arith.constant 0 : i32
        %gather3A_1587 = tpu.memref_slice %arg10[%rem3A_113, %gather3A_1585, %gather3A_1586] : memref<2x64x768xf32, #tpu.memory_space<vmem>> -> memref<1x64x768xf32, #tpu.memory_space<vmem>>
        %gather3A_1588 = tpu.memref_squeeze %gather3A_1587 : memref<1x64x768xf32, #tpu.memory_space<vmem>> -> memref<64x768xf32, #tpu.memory_space<vmem>>
        %gather3A_1589 = tpu.vector_load_idx %gather3A_1588[%broadcast_in_dim3A_1584, %min3A_1275] : memref<64x768xf32, #tpu.memory_space<vmem>>[vector<16xi32>, vector<16xi32>], vector<16xf32>,
        %add3A_1590 = vector.broadcast %mul3A_258 : i32 to vector<16xi32>
        %add3A_1591 = arith.addi %add3A_1590, %mul3A_1281 : vector<16xi32>
        %add3A_1592 = arith.constant 22 : i32
        %add3A_1593 = vector.broadcast %add3A_1592 : i32 to vector<16xi32>
        %add3A_1594 = arith.addi %add3A_1591, %add3A_1593 : vector<16xi32>
        tpu.vector_store_idx %arg11[%add3A_1594], %gather3A_1589 : memref<12288xf32, #tpu.memory_space<vmem>>[vector<16xi32>], vector<16xf32>,
        %broadcast_in_dim3A_1595 = arith.constant 23 : i32
        %broadcast_in_dim3A_1596 = vector.broadcast %broadcast_in_dim3A_1595 : i32 to vector<16xi32>
        %gather3A_1597 = arith.constant 0 : i32
        %gather3A_1598 = arith.constant 0 : i32
        %gather3A_1599 = tpu.memref_slice %arg10[%rem3A_113, %gather3A_1597, %gather3A_1598] : memref<2x64x768xf32, #tpu.memory_space<vmem>> -> memref<1x64x768xf32, #tpu.memory_space<vmem>>
        %gather3A_1600 = tpu.memref_squeeze %gather3A_1599 : memref<1x64x768xf32, #tpu.memory_space<vmem>> -> memref<64x768xf32, #tpu.memory_space<vmem>>
        %gather3A_1601 = tpu.vector_load_idx %gather3A_1600[%broadcast_in_dim3A_1596, %min3A_1275] : memref<64x768xf32, #tpu.memory_space<vmem>>[vector<16xi32>, vector<16xi32>], vector<16xf32>,
        %add3A_1602 = vector.broadcast %mul3A_258 : i32 to vector<16xi32>
        %add3A_1603 = arith.addi %add3A_1602, %mul3A_1281 : vector<16xi32>
        %add3A_1604 = arith.constant 23 : i32
        %add3A_1605 = vector.broadcast %add3A_1604 : i32 to vector<16xi32>
        %add3A_1606 = arith.addi %add3A_1603, %add3A_1605 : vector<16xi32>
        tpu.vector_store_idx %arg11[%add3A_1606], %gather3A_1601 : memref<12288xf32, #tpu.memory_space<vmem>>[vector<16xi32>], vector<16xf32>,
        %broadcast_in_dim3A_1607 = arith.constant 24 : i32
        %broadcast_in_dim3A_1608 = vector.broadcast %broadcast_in_dim3A_1607 : i32 to vector<16xi32>
        %gather3A_1609 = arith.constant 0 : i32
        %gather3A_1610 = arith.constant 0 : i32
        %gather3A_1611 = tpu.memref_slice %arg10[%rem3A_113, %gather3A_1609, %gather3A_1610] : memref<2x64x768xf32, #tpu.memory_space<vmem>> -> memref<1x64x768xf32, #tpu.memory_space<vmem>>
        %gather3A_1612 = tpu.memref_squeeze %gather3A_1611 : memref<1x64x768xf32, #tpu.memory_space<vmem>> -> memref<64x768xf32, #tpu.memory_space<vmem>>
        %gather3A_1613 = tpu.vector_load_idx %gather3A_1612[%broadcast_in_dim3A_1608, %min3A_1275] : memref<64x768xf32, #tpu.memory_space<vmem>>[vector<16xi32>, vector<16xi32>], vector<16xf32>,
        %add3A_1614 = vector.broadcast %mul3A_258 : i32 to vector<16xi32>
        %add3A_1615 = arith.addi %add3A_1614, %mul3A_1281 : vector<16xi32>
        %add3A_1616 = arith.constant 24 : i32
        %add3A_1617 = vector.broadcast %add3A_1616 : i32 to vector<16xi32>
        %add3A_1618 = arith.addi %add3A_1615, %add3A_1617 : vector<16xi32>
        tpu.vector_store_idx %arg11[%add3A_1618], %gather3A_1613 : memref<12288xf32, #tpu.memory_space<vmem>>[vector<16xi32>], vector<16xf32>,
        %broadcast_in_dim3A_1619 = arith.constant 25 : i32
        %broadcast_in_dim3A_1620 = vector.broadcast %broadcast_in_dim3A_1619 : i32 to vector<16xi32>
        %gather3A_1621 = arith.constant 0 : i32
        %gather3A_1622 = arith.constant 0 : i32
        %gather3A_1623 = tpu.memref_slice %arg10[%rem3A_113, %gather3A_1621, %gather3A_1622] : memref<2x64x768xf32, #tpu.memory_space<vmem>> -> memref<1x64x768xf32, #tpu.memory_space<vmem>>
        %gather3A_1624 = tpu.memref_squeeze %gather3A_1623 : memref<1x64x768xf32, #tpu.memory_space<vmem>> -> memref<64x768xf32, #tpu.memory_space<vmem>>
        %gather3A_1625 = tpu.vector_load_idx %gather3A_1624[%broadcast_in_dim3A_1620, %min3A_1275] : memref<64x768xf32, #tpu.memory_space<vmem>>[vector<16xi32>, vector<16xi32>], vector<16xf32>,
        %add3A_1626 = vector.broadcast %mul3A_258 : i32 to vector<16xi32>
        %add3A_1627 = arith.addi %add3A_1626, %mul3A_1281 : vector<16xi32>
        %add3A_1628 = arith.constant 25 : i32
        %add3A_1629 = vector.broadcast %add3A_1628 : i32 to vector<16xi32>
        %add3A_1630 = arith.addi %add3A_1627, %add3A_1629 : vector<16xi32>
        tpu.vector_store_idx %arg11[%add3A_1630], %gather3A_1625 : memref<12288xf32, #tpu.memory_space<vmem>>[vector<16xi32>], vector<16xf32>,
        %broadcast_in_dim3A_1631 = arith.constant 26 : i32
        %broadcast_in_dim3A_1632 = vector.broadcast %broadcast_in_dim3A_1631 : i32 to vector<16xi32>
        %gather3A_1633 = arith.constant 0 : i32
        %gather3A_1634 = arith.constant 0 : i32
        %gather3A_1635 = tpu.memref_slice %arg10[%rem3A_113, %gather3A_1633, %gather3A_1634] : memref<2x64x768xf32, #tpu.memory_space<vmem>> -> memref<1x64x768xf32, #tpu.memory_space<vmem>>
        %gather3A_1636 = tpu.memref_squeeze %gather3A_1635 : memref<1x64x768xf32, #tpu.memory_space<vmem>> -> memref<64x768xf32, #tpu.memory_space<vmem>>
        %gather3A_1637 = tpu.vector_load_idx %gather3A_1636[%broadcast_in_dim3A_1632, %min3A_1275] : memref<64x768xf32, #tpu.memory_space<vmem>>[vector<16xi32>, vector<16xi32>], vector<16xf32>,
        %add3A_1638 = vector.broadcast %mul3A_258 : i32 to vector<16xi32>
        %add3A_1639 = arith.addi %add3A_1638, %mul3A_1281 : vector<16xi32>
        %add3A_1640 = arith.constant 26 : i32
        %add3A_1641 = vector.broadcast %add3A_1640 : i32 to vector<16xi32>
        %add3A_1642 = arith.addi %add3A_1639, %add3A_1641 : vector<16xi32>
        tpu.vector_store_idx %arg11[%add3A_1642], %gather3A_1637 : memref<12288xf32, #tpu.memory_space<vmem>>[vector<16xi32>], vector<16xf32>,
        %broadcast_in_dim3A_1643 = arith.constant 27 : i32
        %broadcast_in_dim3A_1644 = vector.broadcast %broadcast_in_dim3A_1643 : i32 to vector<16xi32>
        %gather3A_1645 = arith.constant 0 : i32
        %gather3A_1646 = arith.constant 0 : i32
        %gather3A_1647 = tpu.memref_slice %arg10[%rem3A_113, %gather3A_1645, %gather3A_1646] : memref<2x64x768xf32, #tpu.memory_space<vmem>> -> memref<1x64x768xf32, #tpu.memory_space<vmem>>
        %gather3A_1648 = tpu.memref_squeeze %gather3A_1647 : memref<1x64x768xf32, #tpu.memory_space<vmem>> -> memref<64x768xf32, #tpu.memory_space<vmem>>
        %gather3A_1649 = tpu.vector_load_idx %gather3A_1648[%broadcast_in_dim3A_1644, %min3A_1275] : memref<64x768xf32, #tpu.memory_space<vmem>>[vector<16xi32>, vector<16xi32>], vector<16xf32>,
        %add3A_1650 = vector.broadcast %mul3A_258 : i32 to vector<16xi32>
        %add3A_1651 = arith.addi %add3A_1650, %mul3A_1281 : vector<16xi32>
        %add3A_1652 = arith.constant 27 : i32
        %add3A_1653 = vector.broadcast %add3A_1652 : i32 to vector<16xi32>
        %add3A_1654 = arith.addi %add3A_1651, %add3A_1653 : vector<16xi32>
        tpu.vector_store_idx %arg11[%add3A_1654], %gather3A_1649 : memref<12288xf32, #tpu.memory_space<vmem>>[vector<16xi32>], vector<16xf32>,
        %broadcast_in_dim3A_1655 = arith.constant 28 : i32
        %broadcast_in_dim3A_1656 = vector.broadcast %broadcast_in_dim3A_1655 : i32 to vector<16xi32>
        %gather3A_1657 = arith.constant 0 : i32
        %gather3A_1658 = arith.constant 0 : i32
        %gather3A_1659 = tpu.memref_slice %arg10[%rem3A_113, %gather3A_1657, %gather3A_1658] : memref<2x64x768xf32, #tpu.memory_space<vmem>> -> memref<1x64x768xf32, #tpu.memory_space<vmem>>
        %gather3A_1660 = tpu.memref_squeeze %gather3A_1659 : memref<1x64x768xf32, #tpu.memory_space<vmem>> -> memref<64x768xf32, #tpu.memory_space<vmem>>
        %gather3A_1661 = tpu.vector_load_idx %gather3A_1660[%broadcast_in_dim3A_1656, %min3A_1275] : memref<64x768xf32, #tpu.memory_space<vmem>>[vector<16xi32>, vector<16xi32>], vector<16xf32>,
        %add3A_1662 = vector.broadcast %mul3A_258 : i32 to vector<16xi32>
        %add3A_1663 = arith.addi %add3A_1662, %mul3A_1281 : vector<16xi32>
        %add3A_1664 = arith.constant 28 : i32
        %add3A_1665 = vector.broadcast %add3A_1664 : i32 to vector<16xi32>
        %add3A_1666 = arith.addi %add3A_1663, %add3A_1665 : vector<16xi32>
        tpu.vector_store_idx %arg11[%add3A_1666], %gather3A_1661 : memref<12288xf32, #tpu.memory_space<vmem>>[vector<16xi32>], vector<16xf32>,
        %broadcast_in_dim3A_1667 = arith.constant 29 : i32
        %broadcast_in_dim3A_1668 = vector.broadcast %broadcast_in_dim3A_1667 : i32 to vector<16xi32>
        %gather3A_1669 = arith.constant 0 : i32
        %gather3A_1670 = arith.constant 0 : i32
        %gather3A_1671 = tpu.memref_slice %arg10[%rem3A_113, %gather3A_1669, %gather3A_1670] : memref<2x64x768xf32, #tpu.memory_space<vmem>> -> memref<1x64x768xf32, #tpu.memory_space<vmem>>
        %gather3A_1672 = tpu.memref_squeeze %gather3A_1671 : memref<1x64x768xf32, #tpu.memory_space<vmem>> -> memref<64x768xf32, #tpu.memory_space<vmem>>
        %gather3A_1673 = tpu.vector_load_idx %gather3A_1672[%broadcast_in_dim3A_1668, %min3A_1275] : memref<64x768xf32, #tpu.memory_space<vmem>>[vector<16xi32>, vector<16xi32>], vector<16xf32>,
        %add3A_1674 = vector.broadcast %mul3A_258 : i32 to vector<16xi32>
        %add3A_1675 = arith.addi %add3A_1674, %mul3A_1281 : vector<16xi32>
        %add3A_1676 = arith.constant 29 : i32
        %add3A_1677 = vector.broadcast %add3A_1676 : i32 to vector<16xi32>
        %add3A_1678 = arith.addi %add3A_1675, %add3A_1677 : vector<16xi32>
        tpu.vector_store_idx %arg11[%add3A_1678], %gather3A_1673 : memref<12288xf32, #tpu.memory_space<vmem>>[vector<16xi32>], vector<16xf32>,
        %broadcast_in_dim3A_1679 = arith.constant 30 : i32
        %broadcast_in_dim3A_1680 = vector.broadcast %broadcast_in_dim3A_1679 : i32 to vector<16xi32>
        %gather3A_1681 = arith.constant 0 : i32
        %gather3A_1682 = arith.constant 0 : i32
        %gather3A_1683 = tpu.memref_slice %arg10[%rem3A_113, %gather3A_1681, %gather3A_1682] : memref<2x64x768xf32, #tpu.memory_space<vmem>> -> memref<1x64x768xf32, #tpu.memory_space<vmem>>
        %gather3A_1684 = tpu.memref_squeeze %gather3A_1683 : memref<1x64x768xf32, #tpu.memory_space<vmem>> -> memref<64x768xf32, #tpu.memory_space<vmem>>
        %gather3A_1685 = tpu.vector_load_idx %gather3A_1684[%broadcast_in_dim3A_1680, %min3A_1275] : memref<64x768xf32, #tpu.memory_space<vmem>>[vector<16xi32>, vector<16xi32>], vector<16xf32>,
        %add3A_1686 = vector.broadcast %mul3A_258 : i32 to vector<16xi32>
        %add3A_1687 = arith.addi %add3A_1686, %mul3A_1281 : vector<16xi32>
        %add3A_1688 = arith.constant 30 : i32
        %add3A_1689 = vector.broadcast %add3A_1688 : i32 to vector<16xi32>
        %add3A_1690 = arith.addi %add3A_1687, %add3A_1689 : vector<16xi32>
        tpu.vector_store_idx %arg11[%add3A_1690], %gather3A_1685 : memref<12288xf32, #tpu.memory_space<vmem>>[vector<16xi32>], vector<16xf32>,
        %broadcast_in_dim3A_1691 = arith.constant 31 : i32
        %broadcast_in_dim3A_1692 = vector.broadcast %broadcast_in_dim3A_1691 : i32 to vector<16xi32>
        %gather3A_1693 = arith.constant 0 : i32
        %gather3A_1694 = arith.constant 0 : i32
        %gather3A_1695 = tpu.memref_slice %arg10[%rem3A_113, %gather3A_1693, %gather3A_1694] : memref<2x64x768xf32, #tpu.memory_space<vmem>> -> memref<1x64x768xf32, #tpu.memory_space<vmem>>
        %gather3A_1696 = tpu.memref_squeeze %gather3A_1695 : memref<1x64x768xf32, #tpu.memory_space<vmem>> -> memref<64x768xf32, #tpu.memory_space<vmem>>
        %gather3A_1697 = tpu.vector_load_idx %gather3A_1696[%broadcast_in_dim3A_1692, %min3A_1275] : memref<64x768xf32, #tpu.memory_space<vmem>>[vector<16xi32>, vector<16xi32>], vector<16xf32>,
        %add3A_1698 = vector.broadcast %mul3A_258 : i32 to vector<16xi32>
        %add3A_1699 = arith.addi %add3A_1698, %mul3A_1281 : vector<16xi32>
        %add3A_1700 = arith.constant 31 : i32
        %add3A_1701 = vector.broadcast %add3A_1700 : i32 to vector<16xi32>
        %add3A_1702 = arith.addi %add3A_1699, %add3A_1701 : vector<16xi32>
        tpu.vector_store_idx %arg11[%add3A_1702], %gather3A_1697 : memref<12288xf32, #tpu.memory_space<vmem>>[vector<16xi32>], vector<16xf32>,
        %broadcast_in_dim3A_1703 = arith.constant 32 : i32
        %broadcast_in_dim3A_1704 = vector.broadcast %broadcast_in_dim3A_1703 : i32 to vector<16xi32>
        %gather3A_1705 = arith.constant 0 : i32
        %gather3A_1706 = arith.constant 0 : i32
        %gather3A_1707 = tpu.memref_slice %arg10[%rem3A_113, %gather3A_1705, %gather3A_1706] : memref<2x64x768xf32, #tpu.memory_space<vmem>> -> memref<1x64x768xf32, #tpu.memory_space<vmem>>
        %gather3A_1708 = tpu.memref_squeeze %gather3A_1707 : memref<1x64x768xf32, #tpu.memory_space<vmem>> -> memref<64x768xf32, #tpu.memory_space<vmem>>
        %gather3A_1709 = tpu.vector_load_idx %gather3A_1708[%broadcast_in_dim3A_1704, %min3A_1275] : memref<64x768xf32, #tpu.memory_space<vmem>>[vector<16xi32>, vector<16xi32>], vector<16xf32>,
        %add3A_1710 = vector.broadcast %mul3A_258 : i32 to vector<16xi32>
        %add3A_1711 = arith.addi %add3A_1710, %mul3A_1281 : vector<16xi32>
        %add3A_1712 = arith.constant 32 : i32
        %add3A_1713 = vector.broadcast %add3A_1712 : i32 to vector<16xi32>
        %add3A_1714 = arith.addi %add3A_1711, %add3A_1713 : vector<16xi32>
        tpu.vector_store_idx %arg11[%add3A_1714], %gather3A_1709 : memref<12288xf32, #tpu.memory_space<vmem>>[vector<16xi32>], vector<16xf32>,
        %broadcast_in_dim3A_1715 = arith.constant 33 : i32
        %broadcast_in_dim3A_1716 = vector.broadcast %broadcast_in_dim3A_1715 : i32 to vector<16xi32>
        %gather3A_1717 = arith.constant 0 : i32
        %gather3A_1718 = arith.constant 0 : i32
        %gather3A_1719 = tpu.memref_slice %arg10[%rem3A_113, %gather3A_1717, %gather3A_1718] : memref<2x64x768xf32, #tpu.memory_space<vmem>> -> memref<1x64x768xf32, #tpu.memory_space<vmem>>
        %gather3A_1720 = tpu.memref_squeeze %gather3A_1719 : memref<1x64x768xf32, #tpu.memory_space<vmem>> -> memref<64x768xf32, #tpu.memory_space<vmem>>
        %gather3A_1721 = tpu.vector_load_idx %gather3A_1720[%broadcast_in_dim3A_1716, %min3A_1275] : memref<64x768xf32, #tpu.memory_space<vmem>>[vector<16xi32>, vector<16xi32>], vector<16xf32>,
        %add3A_1722 = vector.broadcast %mul3A_258 : i32 to vector<16xi32>
        %add3A_1723 = arith.addi %add3A_1722, %mul3A_1281 : vector<16xi32>
        %add3A_1724 = arith.constant 33 : i32
        %add3A_1725 = vector.broadcast %add3A_1724 : i32 to vector<16xi32>
        %add3A_1726 = arith.addi %add3A_1723, %add3A_1725 : vector<16xi32>
        tpu.vector_store_idx %arg11[%add3A_1726], %gather3A_1721 : memref<12288xf32, #tpu.memory_space<vmem>>[vector<16xi32>], vector<16xf32>,
        %broadcast_in_dim3A_1727 = arith.constant 34 : i32
        %broadcast_in_dim3A_1728 = vector.broadcast %broadcast_in_dim3A_1727 : i32 to vector<16xi32>
        %gather3A_1729 = arith.constant 0 : i32
        %gather3A_1730 = arith.constant 0 : i32
        %gather3A_1731 = tpu.memref_slice %arg10[%rem3A_113, %gather3A_1729, %gather3A_1730] : memref<2x64x768xf32, #tpu.memory_space<vmem>> -> memref<1x64x768xf32, #tpu.memory_space<vmem>>
        %gather3A_1732 = tpu.memref_squeeze %gather3A_1731 : memref<1x64x768xf32, #tpu.memory_space<vmem>> -> memref<64x768xf32, #tpu.memory_space<vmem>>
        %gather3A_1733 = tpu.vector_load_idx %gather3A_1732[%broadcast_in_dim3A_1728, %min3A_1275] : memref<64x768xf32, #tpu.memory_space<vmem>>[vector<16xi32>, vector<16xi32>], vector<16xf32>,
        %add3A_1734 = vector.broadcast %mul3A_258 : i32 to vector<16xi32>
        %add3A_1735 = arith.addi %add3A_1734, %mul3A_1281 : vector<16xi32>
        %add3A_1736 = arith.constant 34 : i32
        %add3A_1737 = vector.broadcast %add3A_1736 : i32 to vector<16xi32>
        %add3A_1738 = arith.addi %add3A_1735, %add3A_1737 : vector<16xi32>
        tpu.vector_store_idx %arg11[%add3A_1738], %gather3A_1733 : memref<12288xf32, #tpu.memory_space<vmem>>[vector<16xi32>], vector<16xf32>,
        %broadcast_in_dim3A_1739 = arith.constant 35 : i32
        %broadcast_in_dim3A_1740 = vector.broadcast %broadcast_in_dim3A_1739 : i32 to vector<16xi32>
        %gather3A_1741 = arith.constant 0 : i32
        %gather3A_1742 = arith.constant 0 : i32
        %gather3A_1743 = tpu.memref_slice %arg10[%rem3A_113, %gather3A_1741, %gather3A_1742] : memref<2x64x768xf32, #tpu.memory_space<vmem>> -> memref<1x64x768xf32, #tpu.memory_space<vmem>>
        %gather3A_1744 = tpu.memref_squeeze %gather3A_1743 : memref<1x64x768xf32, #tpu.memory_space<vmem>> -> memref<64x768xf32, #tpu.memory_space<vmem>>
        %gather3A_1745 = tpu.vector_load_idx %gather3A_1744[%broadcast_in_dim3A_1740, %min3A_1275] : memref<64x768xf32, #tpu.memory_space<vmem>>[vector<16xi32>, vector<16xi32>], vector<16xf32>,
        %add3A_1746 = vector.broadcast %mul3A_258 : i32 to vector<16xi32>
        %add3A_1747 = arith.addi %add3A_1746, %mul3A_1281 : vector<16xi32>
        %add3A_1748 = arith.constant 35 : i32
        %add3A_1749 = vector.broadcast %add3A_1748 : i32 to vector<16xi32>
        %add3A_1750 = arith.addi %add3A_1747, %add3A_1749 : vector<16xi32>
        tpu.vector_store_idx %arg11[%add3A_1750], %gather3A_1745 : memref<12288xf32, #tpu.memory_space<vmem>>[vector<16xi32>], vector<16xf32>,
        %broadcast_in_dim3A_1751 = arith.constant 36 : i32
        %broadcast_in_dim3A_1752 = vector.broadcast %broadcast_in_dim3A_1751 : i32 to vector<16xi32>
        %gather3A_1753 = arith.constant 0 : i32
        %gather3A_1754 = arith.constant 0 : i32
        %gather3A_1755 = tpu.memref_slice %arg10[%rem3A_113, %gather3A_1753, %gather3A_1754] : memref<2x64x768xf32, #tpu.memory_space<vmem>> -> memref<1x64x768xf32, #tpu.memory_space<vmem>>
        %gather3A_1756 = tpu.memref_squeeze %gather3A_1755 : memref<1x64x768xf32, #tpu.memory_space<vmem>> -> memref<64x768xf32, #tpu.memory_space<vmem>>
        %gather3A_1757 = tpu.vector_load_idx %gather3A_1756[%broadcast_in_dim3A_1752, %min3A_1275] : memref<64x768xf32, #tpu.memory_space<vmem>>[vector<16xi32>, vector<16xi32>], vector<16xf32>,
        %add3A_1758 = vector.broadcast %mul3A_258 : i32 to vector<16xi32>
        %add3A_1759 = arith.addi %add3A_1758, %mul3A_1281 : vector<16xi32>
        %add3A_1760 = arith.constant 36 : i32
        %add3A_1761 = vector.broadcast %add3A_1760 : i32 to vector<16xi32>
        %add3A_1762 = arith.addi %add3A_1759, %add3A_1761 : vector<16xi32>
        tpu.vector_store_idx %arg11[%add3A_1762], %gather3A_1757 : memref<12288xf32, #tpu.memory_space<vmem>>[vector<16xi32>], vector<16xf32>,
        %broadcast_in_dim3A_1763 = arith.constant 37 : i32
        %broadcast_in_dim3A_1764 = vector.broadcast %broadcast_in_dim3A_1763 : i32 to vector<16xi32>
        %gather3A_1765 = arith.constant 0 : i32
        %gather3A_1766 = arith.constant 0 : i32
        %gather3A_1767 = tpu.memref_slice %arg10[%rem3A_113, %gather3A_1765, %gather3A_1766] : memref<2x64x768xf32, #tpu.memory_space<vmem>> -> memref<1x64x768xf32, #tpu.memory_space<vmem>>
        %gather3A_1768 = tpu.memref_squeeze %gather3A_1767 : memref<1x64x768xf32, #tpu.memory_space<vmem>> -> memref<64x768xf32, #tpu.memory_space<vmem>>
        %gather3A_1769 = tpu.vector_load_idx %gather3A_1768[%broadcast_in_dim3A_1764, %min3A_1275] : memref<64x768xf32, #tpu.memory_space<vmem>>[vector<16xi32>, vector<16xi32>], vector<16xf32>,
        %add3A_1770 = vector.broadcast %mul3A_258 : i32 to vector<16xi32>
        %add3A_1771 = arith.addi %add3A_1770, %mul3A_1281 : vector<16xi32>
        %add3A_1772 = arith.constant 37 : i32
        %add3A_1773 = vector.broadcast %add3A_1772 : i32 to vector<16xi32>
        %add3A_1774 = arith.addi %add3A_1771, %add3A_1773 : vector<16xi32>
        tpu.vector_store_idx %arg11[%add3A_1774], %gather3A_1769 : memref<12288xf32, #tpu.memory_space<vmem>>[vector<16xi32>], vector<16xf32>,
        %broadcast_in_dim3A_1775 = arith.constant 38 : i32
        %broadcast_in_dim3A_1776 = vector.broadcast %broadcast_in_dim3A_1775 : i32 to vector<16xi32>
        %gather3A_1777 = arith.constant 0 : i32
        %gather3A_1778 = arith.constant 0 : i32
        %gather3A_1779 = tpu.memref_slice %arg10[%rem3A_113, %gather3A_1777, %gather3A_1778] : memref<2x64x768xf32, #tpu.memory_space<vmem>> -> memref<1x64x768xf32, #tpu.memory_space<vmem>>
        %gather3A_1780 = tpu.memref_squeeze %gather3A_1779 : memref<1x64x768xf32, #tpu.memory_space<vmem>> -> memref<64x768xf32, #tpu.memory_space<vmem>>
        %gather3A_1781 = tpu.vector_load_idx %gather3A_1780[%broadcast_in_dim3A_1776, %min3A_1275] : memref<64x768xf32, #tpu.memory_space<vmem>>[vector<16xi32>, vector<16xi32>], vector<16xf32>,
        %add3A_1782 = vector.broadcast %mul3A_258 : i32 to vector<16xi32>
        %add3A_1783 = arith.addi %add3A_1782, %mul3A_1281 : vector<16xi32>
        %add3A_1784 = arith.constant 38 : i32
        %add3A_1785 = vector.broadcast %add3A_1784 : i32 to vector<16xi32>
        %add3A_1786 = arith.addi %add3A_1783, %add3A_1785 : vector<16xi32>
        tpu.vector_store_idx %arg11[%add3A_1786], %gather3A_1781 : memref<12288xf32, #tpu.memory_space<vmem>>[vector<16xi32>], vector<16xf32>,
        %broadcast_in_dim3A_1787 = arith.constant 39 : i32
        %broadcast_in_dim3A_1788 = vector.broadcast %broadcast_in_dim3A_1787 : i32 to vector<16xi32>
        %gather3A_1789 = arith.constant 0 : i32
        %gather3A_1790 = arith.constant 0 : i32
        %gather3A_1791 = tpu.memref_slice %arg10[%rem3A_113, %gather3A_1789, %gather3A_1790] : memref<2x64x768xf32, #tpu.memory_space<vmem>> -> memref<1x64x768xf32, #tpu.memory_space<vmem>>
        %gather3A_1792 = tpu.memref_squeeze %gather3A_1791 : memref<1x64x768xf32, #tpu.memory_space<vmem>> -> memref<64x768xf32, #tpu.memory_space<vmem>>
        %gather3A_1793 = tpu.vector_load_idx %gather3A_1792[%broadcast_in_dim3A_1788, %min3A_1275] : memref<64x768xf32, #tpu.memory_space<vmem>>[vector<16xi32>, vector<16xi32>], vector<16xf32>,
        %add3A_1794 = vector.broadcast %mul3A_258 : i32 to vector<16xi32>
        %add3A_1795 = arith.addi %add3A_1794, %mul3A_1281 : vector<16xi32>
        %add3A_1796 = arith.constant 39 : i32
        %add3A_1797 = vector.broadcast %add3A_1796 : i32 to vector<16xi32>
        %add3A_1798 = arith.addi %add3A_1795, %add3A_1797 : vector<16xi32>
        tpu.vector_store_idx %arg11[%add3A_1798], %gather3A_1793 : memref<12288xf32, #tpu.memory_space<vmem>>[vector<16xi32>], vector<16xf32>,
        %broadcast_in_dim3A_1799 = arith.constant 40 : i32
        %broadcast_in_dim3A_1800 = vector.broadcast %broadcast_in_dim3A_1799 : i32 to vector<16xi32>
        %gather3A_1801 = arith.constant 0 : i32
        %gather3A_1802 = arith.constant 0 : i32
        %gather3A_1803 = tpu.memref_slice %arg10[%rem3A_113, %gather3A_1801, %gather3A_1802] : memref<2x64x768xf32, #tpu.memory_space<vmem>> -> memref<1x64x768xf32, #tpu.memory_space<vmem>>
        %gather3A_1804 = tpu.memref_squeeze %gather3A_1803 : memref<1x64x768xf32, #tpu.memory_space<vmem>> -> memref<64x768xf32, #tpu.memory_space<vmem>>
        %gather3A_1805 = tpu.vector_load_idx %gather3A_1804[%broadcast_in_dim3A_1800, %min3A_1275] : memref<64x768xf32, #tpu.memory_space<vmem>>[vector<16xi32>, vector<16xi32>], vector<16xf32>,
        %add3A_1806 = vector.broadcast %mul3A_258 : i32 to vector<16xi32>
        %add3A_1807 = arith.addi %add3A_1806, %mul3A_1281 : vector<16xi32>
        %add3A_1808 = arith.constant 40 : i32
        %add3A_1809 = vector.broadcast %add3A_1808 : i32 to vector<16xi32>
        %add3A_1810 = arith.addi %add3A_1807, %add3A_1809 : vector<16xi32>
        tpu.vector_store_idx %arg11[%add3A_1810], %gather3A_1805 : memref<12288xf32, #tpu.memory_space<vmem>>[vector<16xi32>], vector<16xf32>,
        %broadcast_in_dim3A_1811 = arith.constant 41 : i32
        %broadcast_in_dim3A_1812 = vector.broadcast %broadcast_in_dim3A_1811 : i32 to vector<16xi32>
        %gather3A_1813 = arith.constant 0 : i32
        %gather3A_1814 = arith.constant 0 : i32
        %gather3A_1815 = tpu.memref_slice %arg10[%rem3A_113, %gather3A_1813, %gather3A_1814] : memref<2x64x768xf32, #tpu.memory_space<vmem>> -> memref<1x64x768xf32, #tpu.memory_space<vmem>>
        %gather3A_1816 = tpu.memref_squeeze %gather3A_1815 : memref<1x64x768xf32, #tpu.memory_space<vmem>> -> memref<64x768xf32, #tpu.memory_space<vmem>>
        %gather3A_1817 = tpu.vector_load_idx %gather3A_1816[%broadcast_in_dim3A_1812, %min3A_1275] : memref<64x768xf32, #tpu.memory_space<vmem>>[vector<16xi32>, vector<16xi32>], vector<16xf32>,
        %add3A_1818 = vector.broadcast %mul3A_258 : i32 to vector<16xi32>
        %add3A_1819 = arith.addi %add3A_1818, %mul3A_1281 : vector<16xi32>
        %add3A_1820 = arith.constant 41 : i32
        %add3A_1821 = vector.broadcast %add3A_1820 : i32 to vector<16xi32>
        %add3A_1822 = arith.addi %add3A_1819, %add3A_1821 : vector<16xi32>
        tpu.vector_store_idx %arg11[%add3A_1822], %gather3A_1817 : memref<12288xf32, #tpu.memory_space<vmem>>[vector<16xi32>], vector<16xf32>,
        %broadcast_in_dim3A_1823 = arith.constant 42 : i32
        %broadcast_in_dim3A_1824 = vector.broadcast %broadcast_in_dim3A_1823 : i32 to vector<16xi32>
        %gather3A_1825 = arith.constant 0 : i32
        %gather3A_1826 = arith.constant 0 : i32
        %gather3A_1827 = tpu.memref_slice %arg10[%rem3A_113, %gather3A_1825, %gather3A_1826] : memref<2x64x768xf32, #tpu.memory_space<vmem>> -> memref<1x64x768xf32, #tpu.memory_space<vmem>>
        %gather3A_1828 = tpu.memref_squeeze %gather3A_1827 : memref<1x64x768xf32, #tpu.memory_space<vmem>> -> memref<64x768xf32, #tpu.memory_space<vmem>>
        %gather3A_1829 = tpu.vector_load_idx %gather3A_1828[%broadcast_in_dim3A_1824, %min3A_1275] : memref<64x768xf32, #tpu.memory_space<vmem>>[vector<16xi32>, vector<16xi32>], vector<16xf32>,
        %add3A_1830 = vector.broadcast %mul3A_258 : i32 to vector<16xi32>
        %add3A_1831 = arith.addi %add3A_1830, %mul3A_1281 : vector<16xi32>
        %add3A_1832 = arith.constant 42 : i32
        %add3A_1833 = vector.broadcast %add3A_1832 : i32 to vector<16xi32>
        %add3A_1834 = arith.addi %add3A_1831, %add3A_1833 : vector<16xi32>
        tpu.vector_store_idx %arg11[%add3A_1834], %gather3A_1829 : memref<12288xf32, #tpu.memory_space<vmem>>[vector<16xi32>], vector<16xf32>,
        %broadcast_in_dim3A_1835 = arith.constant 43 : i32
        %broadcast_in_dim3A_1836 = vector.broadcast %broadcast_in_dim3A_1835 : i32 to vector<16xi32>
        %gather3A_1837 = arith.constant 0 : i32
        %gather3A_1838 = arith.constant 0 : i32
        %gather3A_1839 = tpu.memref_slice %arg10[%rem3A_113, %gather3A_1837, %gather3A_1838] : memref<2x64x768xf32, #tpu.memory_space<vmem>> -> memref<1x64x768xf32, #tpu.memory_space<vmem>>
        %gather3A_1840 = tpu.memref_squeeze %gather3A_1839 : memref<1x64x768xf32, #tpu.memory_space<vmem>> -> memref<64x768xf32, #tpu.memory_space<vmem>>
        %gather3A_1841 = tpu.vector_load_idx %gather3A_1840[%broadcast_in_dim3A_1836, %min3A_1275] : memref<64x768xf32, #tpu.memory_space<vmem>>[vector<16xi32>, vector<16xi32>], vector<16xf32>,
        %add3A_1842 = vector.broadcast %mul3A_258 : i32 to vector<16xi32>
        %add3A_1843 = arith.addi %add3A_1842, %mul3A_1281 : vector<16xi32>
        %add3A_1844 = arith.constant 43 : i32
        %add3A_1845 = vector.broadcast %add3A_1844 : i32 to vector<16xi32>
        %add3A_1846 = arith.addi %add3A_1843, %add3A_1845 : vector<16xi32>
        tpu.vector_store_idx %arg11[%add3A_1846], %gather3A_1841 : memref<12288xf32, #tpu.memory_space<vmem>>[vector<16xi32>], vector<16xf32>,
        %broadcast_in_dim3A_1847 = arith.constant 44 : i32
        %broadcast_in_dim3A_1848 = vector.broadcast %broadcast_in_dim3A_1847 : i32 to vector<16xi32>
        %gather3A_1849 = arith.constant 0 : i32
        %gather3A_1850 = arith.constant 0 : i32
        %gather3A_1851 = tpu.memref_slice %arg10[%rem3A_113, %gather3A_1849, %gather3A_1850] : memref<2x64x768xf32, #tpu.memory_space<vmem>> -> memref<1x64x768xf32, #tpu.memory_space<vmem>>
        %gather3A_1852 = tpu.memref_squeeze %gather3A_1851 : memref<1x64x768xf32, #tpu.memory_space<vmem>> -> memref<64x768xf32, #tpu.memory_space<vmem>>
        %gather3A_1853 = tpu.vector_load_idx %gather3A_1852[%broadcast_in_dim3A_1848, %min3A_1275] : memref<64x768xf32, #tpu.memory_space<vmem>>[vector<16xi32>, vector<16xi32>], vector<16xf32>,
        %add3A_1854 = vector.broadcast %mul3A_258 : i32 to vector<16xi32>
        %add3A_1855 = arith.addi %add3A_1854, %mul3A_1281 : vector<16xi32>
        %add3A_1856 = arith.constant 44 : i32
        %add3A_1857 = vector.broadcast %add3A_1856 : i32 to vector<16xi32>
        %add3A_1858 = arith.addi %add3A_1855, %add3A_1857 : vector<16xi32>
        tpu.vector_store_idx %arg11[%add3A_1858], %gather3A_1853 : memref<12288xf32, #tpu.memory_space<vmem>>[vector<16xi32>], vector<16xf32>,
        %broadcast_in_dim3A_1859 = arith.constant 45 : i32
        %broadcast_in_dim3A_1860 = vector.broadcast %broadcast_in_dim3A_1859 : i32 to vector<16xi32>
        %gather3A_1861 = arith.constant 0 : i32
        %gather3A_1862 = arith.constant 0 : i32
        %gather3A_1863 = tpu.memref_slice %arg10[%rem3A_113, %gather3A_1861, %gather3A_1862] : memref<2x64x768xf32, #tpu.memory_space<vmem>> -> memref<1x64x768xf32, #tpu.memory_space<vmem>>
        %gather3A_1864 = tpu.memref_squeeze %gather3A_1863 : memref<1x64x768xf32, #tpu.memory_space<vmem>> -> memref<64x768xf32, #tpu.memory_space<vmem>>
        %gather3A_1865 = tpu.vector_load_idx %gather3A_1864[%broadcast_in_dim3A_1860, %min3A_1275] : memref<64x768xf32, #tpu.memory_space<vmem>>[vector<16xi32>, vector<16xi32>], vector<16xf32>,
        %add3A_1866 = vector.broadcast %mul3A_258 : i32 to vector<16xi32>
        %add3A_1867 = arith.addi %add3A_1866, %mul3A_1281 : vector<16xi32>
        %add3A_1868 = arith.constant 45 : i32
        %add3A_1869 = vector.broadcast %add3A_1868 : i32 to vector<16xi32>
        %add3A_1870 = arith.addi %add3A_1867, %add3A_1869 : vector<16xi32>
        tpu.vector_store_idx %arg11[%add3A_1870], %gather3A_1865 : memref<12288xf32, #tpu.memory_space<vmem>>[vector<16xi32>], vector<16xf32>,
        %broadcast_in_dim3A_1871 = arith.constant 46 : i32
        %broadcast_in_dim3A_1872 = vector.broadcast %broadcast_in_dim3A_1871 : i32 to vector<16xi32>
        %gather3A_1873 = arith.constant 0 : i32
        %gather3A_1874 = arith.constant 0 : i32
        %gather3A_1875 = tpu.memref_slice %arg10[%rem3A_113, %gather3A_1873, %gather3A_1874] : memref<2x64x768xf32, #tpu.memory_space<vmem>> -> memref<1x64x768xf32, #tpu.memory_space<vmem>>
        %gather3A_1876 = tpu.memref_squeeze %gather3A_1875 : memref<1x64x768xf32, #tpu.memory_space<vmem>> -> memref<64x768xf32, #tpu.memory_space<vmem>>
        %gather3A_1877 = tpu.vector_load_idx %gather3A_1876[%broadcast_in_dim3A_1872, %min3A_1275] : memref<64x768xf32, #tpu.memory_space<vmem>>[vector<16xi32>, vector<16xi32>], vector<16xf32>,
        %add3A_1878 = vector.broadcast %mul3A_258 : i32 to vector<16xi32>
        %add3A_1879 = arith.addi %add3A_1878, %mul3A_1281 : vector<16xi32>
        %add3A_1880 = arith.constant 46 : i32
        %add3A_1881 = vector.broadcast %add3A_1880 : i32 to vector<16xi32>
        %add3A_1882 = arith.addi %add3A_1879, %add3A_1881 : vector<16xi32>
        tpu.vector_store_idx %arg11[%add3A_1882], %gather3A_1877 : memref<12288xf32, #tpu.memory_space<vmem>>[vector<16xi32>], vector<16xf32>,
        %broadcast_in_dim3A_1883 = arith.constant 47 : i32
        %broadcast_in_dim3A_1884 = vector.broadcast %broadcast_in_dim3A_1883 : i32 to vector<16xi32>
        %gather3A_1885 = arith.constant 0 : i32
        %gather3A_1886 = arith.constant 0 : i32
        %gather3A_1887 = tpu.memref_slice %arg10[%rem3A_113, %gather3A_1885, %gather3A_1886] : memref<2x64x768xf32, #tpu.memory_space<vmem>> -> memref<1x64x768xf32, #tpu.memory_space<vmem>>
        %gather3A_1888 = tpu.memref_squeeze %gather3A_1887 : memref<1x64x768xf32, #tpu.memory_space<vmem>> -> memref<64x768xf32, #tpu.memory_space<vmem>>
        %gather3A_1889 = tpu.vector_load_idx %gather3A_1888[%broadcast_in_dim3A_1884, %min3A_1275] : memref<64x768xf32, #tpu.memory_space<vmem>>[vector<16xi32>, vector<16xi32>], vector<16xf32>,
        %add3A_1890 = vector.broadcast %mul3A_258 : i32 to vector<16xi32>
        %add3A_1891 = arith.addi %add3A_1890, %mul3A_1281 : vector<16xi32>
        %add3A_1892 = arith.constant 47 : i32
        %add3A_1893 = vector.broadcast %add3A_1892 : i32 to vector<16xi32>
        %add3A_1894 = arith.addi %add3A_1891, %add3A_1893 : vector<16xi32>
        tpu.vector_store_idx %arg11[%add3A_1894], %gather3A_1889 : memref<12288xf32, #tpu.memory_space<vmem>>[vector<16xi32>], vector<16xf32>,
        %broadcast_in_dim3A_1895 = arith.constant 48 : i32
        %broadcast_in_dim3A_1896 = vector.broadcast %broadcast_in_dim3A_1895 : i32 to vector<16xi32>
        %gather3A_1897 = arith.constant 0 : i32
        %gather3A_1898 = arith.constant 0 : i32
        %gather3A_1899 = tpu.memref_slice %arg10[%rem3A_113, %gather3A_1897, %gather3A_1898] : memref<2x64x768xf32, #tpu.memory_space<vmem>> -> memref<1x64x768xf32, #tpu.memory_space<vmem>>
        %gather3A_1900 = tpu.memref_squeeze %gather3A_1899 : memref<1x64x768xf32, #tpu.memory_space<vmem>> -> memref<64x768xf32, #tpu.memory_space<vmem>>
        %gather3A_1901 = tpu.vector_load_idx %gather3A_1900[%broadcast_in_dim3A_1896, %min3A_1275] : memref<64x768xf32, #tpu.memory_space<vmem>>[vector<16xi32>, vector<16xi32>], vector<16xf32>,
        %add3A_1902 = vector.broadcast %mul3A_258 : i32 to vector<16xi32>
        %add3A_1903 = arith.addi %add3A_1902, %mul3A_1281 : vector<16xi32>
        %add3A_1904 = arith.constant 48 : i32
        %add3A_1905 = vector.broadcast %add3A_1904 : i32 to vector<16xi32>
        %add3A_1906 = arith.addi %add3A_1903, %add3A_1905 : vector<16xi32>
        tpu.vector_store_idx %arg11[%add3A_1906], %gather3A_1901 : memref<12288xf32, #tpu.memory_space<vmem>>[vector<16xi32>], vector<16xf32>,
        %broadcast_in_dim3A_1907 = arith.constant 49 : i32
        %broadcast_in_dim3A_1908 = vector.broadcast %broadcast_in_dim3A_1907 : i32 to vector<16xi32>
        %gather3A_1909 = arith.constant 0 : i32
        %gather3A_1910 = arith.constant 0 : i32
        %gather3A_1911 = tpu.memref_slice %arg10[%rem3A_113, %gather3A_1909, %gather3A_1910] : memref<2x64x768xf32, #tpu.memory_space<vmem>> -> memref<1x64x768xf32, #tpu.memory_space<vmem>>
        %gather3A_1912 = tpu.memref_squeeze %gather3A_1911 : memref<1x64x768xf32, #tpu.memory_space<vmem>> -> memref<64x768xf32, #tpu.memory_space<vmem>>
        %gather3A_1913 = tpu.vector_load_idx %gather3A_1912[%broadcast_in_dim3A_1908, %min3A_1275] : memref<64x768xf32, #tpu.memory_space<vmem>>[vector<16xi32>, vector<16xi32>], vector<16xf32>,
        %add3A_1914 = vector.broadcast %mul3A_258 : i32 to vector<16xi32>
        %add3A_1915 = arith.addi %add3A_1914, %mul3A_1281 : vector<16xi32>
        %add3A_1916 = arith.constant 49 : i32
        %add3A_1917 = vector.broadcast %add3A_1916 : i32 to vector<16xi32>
        %add3A_1918 = arith.addi %add3A_1915, %add3A_1917 : vector<16xi32>
        tpu.vector_store_idx %arg11[%add3A_1918], %gather3A_1913 : memref<12288xf32, #tpu.memory_space<vmem>>[vector<16xi32>], vector<16xf32>,
        %broadcast_in_dim3A_1919 = arith.constant 50 : i32
        %broadcast_in_dim3A_1920 = vector.broadcast %broadcast_in_dim3A_1919 : i32 to vector<16xi32>
        %gather3A_1921 = arith.constant 0 : i32
        %gather3A_1922 = arith.constant 0 : i32
        %gather3A_1923 = tpu.memref_slice %arg10[%rem3A_113, %gather3A_1921, %gather3A_1922] : memref<2x64x768xf32, #tpu.memory_space<vmem>> -> memref<1x64x768xf32, #tpu.memory_space<vmem>>
        %gather3A_1924 = tpu.memref_squeeze %gather3A_1923 : memref<1x64x768xf32, #tpu.memory_space<vmem>> -> memref<64x768xf32, #tpu.memory_space<vmem>>
        %gather3A_1925 = tpu.vector_load_idx %gather3A_1924[%broadcast_in_dim3A_1920, %min3A_1275] : memref<64x768xf32, #tpu.memory_space<vmem>>[vector<16xi32>, vector<16xi32>], vector<16xf32>,
        %add3A_1926 = vector.broadcast %mul3A_258 : i32 to vector<16xi32>
        %add3A_1927 = arith.addi %add3A_1926, %mul3A_1281 : vector<16xi32>
        %add3A_1928 = arith.constant 50 : i32
        %add3A_1929 = vector.broadcast %add3A_1928 : i32 to vector<16xi32>
        %add3A_1930 = arith.addi %add3A_1927, %add3A_1929 : vector<16xi32>
        tpu.vector_store_idx %arg11[%add3A_1930], %gather3A_1925 : memref<12288xf32, #tpu.memory_space<vmem>>[vector<16xi32>], vector<16xf32>,
        %broadcast_in_dim3A_1931 = arith.constant 51 : i32
        %broadcast_in_dim3A_1932 = vector.broadcast %broadcast_in_dim3A_1931 : i32 to vector<16xi32>
        %gather3A_1933 = arith.constant 0 : i32
        %gather3A_1934 = arith.constant 0 : i32
        %gather3A_1935 = tpu.memref_slice %arg10[%rem3A_113, %gather3A_1933, %gather3A_1934] : memref<2x64x768xf32, #tpu.memory_space<vmem>> -> memref<1x64x768xf32, #tpu.memory_space<vmem>>
        %gather3A_1936 = tpu.memref_squeeze %gather3A_1935 : memref<1x64x768xf32, #tpu.memory_space<vmem>> -> memref<64x768xf32, #tpu.memory_space<vmem>>
        %gather3A_1937 = tpu.vector_load_idx %gather3A_1936[%broadcast_in_dim3A_1932, %min3A_1275] : memref<64x768xf32, #tpu.memory_space<vmem>>[vector<16xi32>, vector<16xi32>], vector<16xf32>,
        %add3A_1938 = vector.broadcast %mul3A_258 : i32 to vector<16xi32>
        %add3A_1939 = arith.addi %add3A_1938, %mul3A_1281 : vector<16xi32>
        %add3A_1940 = arith.constant 51 : i32
        %add3A_1941 = vector.broadcast %add3A_1940 : i32 to vector<16xi32>
        %add3A_1942 = arith.addi %add3A_1939, %add3A_1941 : vector<16xi32>
        tpu.vector_store_idx %arg11[%add3A_1942], %gather3A_1937 : memref<12288xf32, #tpu.memory_space<vmem>>[vector<16xi32>], vector<16xf32>,
        %broadcast_in_dim3A_1943 = arith.constant 52 : i32
        %broadcast_in_dim3A_1944 = vector.broadcast %broadcast_in_dim3A_1943 : i32 to vector<16xi32>
        %gather3A_1945 = arith.constant 0 : i32
        %gather3A_1946 = arith.constant 0 : i32
        %gather3A_1947 = tpu.memref_slice %arg10[%rem3A_113, %gather3A_1945, %gather3A_1946] : memref<2x64x768xf32, #tpu.memory_space<vmem>> -> memref<1x64x768xf32, #tpu.memory_space<vmem>>
        %gather3A_1948 = tpu.memref_squeeze %gather3A_1947 : memref<1x64x768xf32, #tpu.memory_space<vmem>> -> memref<64x768xf32, #tpu.memory_space<vmem>>
        %gather3A_1949 = tpu.vector_load_idx %gather3A_1948[%broadcast_in_dim3A_1944, %min3A_1275] : memref<64x768xf32, #tpu.memory_space<vmem>>[vector<16xi32>, vector<16xi32>], vector<16xf32>,
        %add3A_1950 = vector.broadcast %mul3A_258 : i32 to vector<16xi32>
        %add3A_1951 = arith.addi %add3A_1950, %mul3A_1281 : vector<16xi32>
        %add3A_1952 = arith.constant 52 : i32
        %add3A_1953 = vector.broadcast %add3A_1952 : i32 to vector<16xi32>
        %add3A_1954 = arith.addi %add3A_1951, %add3A_1953 : vector<16xi32>
        tpu.vector_store_idx %arg11[%add3A_1954], %gather3A_1949 : memref<12288xf32, #tpu.memory_space<vmem>>[vector<16xi32>], vector<16xf32>,
        %broadcast_in_dim3A_1955 = arith.constant 53 : i32
        %broadcast_in_dim3A_1956 = vector.broadcast %broadcast_in_dim3A_1955 : i32 to vector<16xi32>
        %gather3A_1957 = arith.constant 0 : i32
        %gather3A_1958 = arith.constant 0 : i32
        %gather3A_1959 = tpu.memref_slice %arg10[%rem3A_113, %gather3A_1957, %gather3A_1958] : memref<2x64x768xf32, #tpu.memory_space<vmem>> -> memref<1x64x768xf32, #tpu.memory_space<vmem>>
        %gather3A_1960 = tpu.memref_squeeze %gather3A_1959 : memref<1x64x768xf32, #tpu.memory_space<vmem>> -> memref<64x768xf32, #tpu.memory_space<vmem>>
        %gather3A_1961 = tpu.vector_load_idx %gather3A_1960[%broadcast_in_dim3A_1956, %min3A_1275] : memref<64x768xf32, #tpu.memory_space<vmem>>[vector<16xi32>, vector<16xi32>], vector<16xf32>,
        %add3A_1962 = vector.broadcast %mul3A_258 : i32 to vector<16xi32>
        %add3A_1963 = arith.addi %add3A_1962, %mul3A_1281 : vector<16xi32>
        %add3A_1964 = arith.constant 53 : i32
        %add3A_1965 = vector.broadcast %add3A_1964 : i32 to vector<16xi32>
        %add3A_1966 = arith.addi %add3A_1963, %add3A_1965 : vector<16xi32>
        tpu.vector_store_idx %arg11[%add3A_1966], %gather3A_1961 : memref<12288xf32, #tpu.memory_space<vmem>>[vector<16xi32>], vector<16xf32>,
        %broadcast_in_dim3A_1967 = arith.constant 54 : i32
        %broadcast_in_dim3A_1968 = vector.broadcast %broadcast_in_dim3A_1967 : i32 to vector<16xi32>
        %gather3A_1969 = arith.constant 0 : i32
        %gather3A_1970 = arith.constant 0 : i32
        %gather3A_1971 = tpu.memref_slice %arg10[%rem3A_113, %gather3A_1969, %gather3A_1970] : memref<2x64x768xf32, #tpu.memory_space<vmem>> -> memref<1x64x768xf32, #tpu.memory_space<vmem>>
        %gather3A_1972 = tpu.memref_squeeze %gather3A_1971 : memref<1x64x768xf32, #tpu.memory_space<vmem>> -> memref<64x768xf32, #tpu.memory_space<vmem>>
        %gather3A_1973 = tpu.vector_load_idx %gather3A_1972[%broadcast_in_dim3A_1968, %min3A_1275] : memref<64x768xf32, #tpu.memory_space<vmem>>[vector<16xi32>, vector<16xi32>], vector<16xf32>,
        %add3A_1974 = vector.broadcast %mul3A_258 : i32 to vector<16xi32>
        %add3A_1975 = arith.addi %add3A_1974, %mul3A_1281 : vector<16xi32>
        %add3A_1976 = arith.constant 54 : i32
        %add3A_1977 = vector.broadcast %add3A_1976 : i32 to vector<16xi32>
        %add3A_1978 = arith.addi %add3A_1975, %add3A_1977 : vector<16xi32>
        tpu.vector_store_idx %arg11[%add3A_1978], %gather3A_1973 : memref<12288xf32, #tpu.memory_space<vmem>>[vector<16xi32>], vector<16xf32>,
        %broadcast_in_dim3A_1979 = arith.constant 55 : i32
        %broadcast_in_dim3A_1980 = vector.broadcast %broadcast_in_dim3A_1979 : i32 to vector<16xi32>
        %gather3A_1981 = arith.constant 0 : i32
        %gather3A_1982 = arith.constant 0 : i32
        %gather3A_1983 = tpu.memref_slice %arg10[%rem3A_113, %gather3A_1981, %gather3A_1982] : memref<2x64x768xf32, #tpu.memory_space<vmem>> -> memref<1x64x768xf32, #tpu.memory_space<vmem>>
        %gather3A_1984 = tpu.memref_squeeze %gather3A_1983 : memref<1x64x768xf32, #tpu.memory_space<vmem>> -> memref<64x768xf32, #tpu.memory_space<vmem>>
        %gather3A_1985 = tpu.vector_load_idx %gather3A_1984[%broadcast_in_dim3A_1980, %min3A_1275] : memref<64x768xf32, #tpu.memory_space<vmem>>[vector<16xi32>, vector<16xi32>], vector<16xf32>,
        %add3A_1986 = vector.broadcast %mul3A_258 : i32 to vector<16xi32>
        %add3A_1987 = arith.addi %add3A_1986, %mul3A_1281 : vector<16xi32>
        %add3A_1988 = arith.constant 55 : i32
        %add3A_1989 = vector.broadcast %add3A_1988 : i32 to vector<16xi32>
        %add3A_1990 = arith.addi %add3A_1987, %add3A_1989 : vector<16xi32>
        tpu.vector_store_idx %arg11[%add3A_1990], %gather3A_1985 : memref<12288xf32, #tpu.memory_space<vmem>>[vector<16xi32>], vector<16xf32>,
        %broadcast_in_dim3A_1991 = arith.constant 56 : i32
        %broadcast_in_dim3A_1992 = vector.broadcast %broadcast_in_dim3A_1991 : i32 to vector<16xi32>
        %gather3A_1993 = arith.constant 0 : i32
        %gather3A_1994 = arith.constant 0 : i32
        %gather3A_1995 = tpu.memref_slice %arg10[%rem3A_113, %gather3A_1993, %gather3A_1994] : memref<2x64x768xf32, #tpu.memory_space<vmem>> -> memref<1x64x768xf32, #tpu.memory_space<vmem>>
        %gather3A_1996 = tpu.memref_squeeze %gather3A_1995 : memref<1x64x768xf32, #tpu.memory_space<vmem>> -> memref<64x768xf32, #tpu.memory_space<vmem>>
        %gather3A_1997 = tpu.vector_load_idx %gather3A_1996[%broadcast_in_dim3A_1992, %min3A_1275] : memref<64x768xf32, #tpu.memory_space<vmem>>[vector<16xi32>, vector<16xi32>], vector<16xf32>,
        %add3A_1998 = vector.broadcast %mul3A_258 : i32 to vector<16xi32>
        %add3A_1999 = arith.addi %add3A_1998, %mul3A_1281 : vector<16xi32>
        %add3A_2000 = arith.constant 56 : i32
        %add3A_2001 = vector.broadcast %add3A_2000 : i32 to vector<16xi32>
        %add3A_2002 = arith.addi %add3A_1999, %add3A_2001 : vector<16xi32>
        tpu.vector_store_idx %arg11[%add3A_2002], %gather3A_1997 : memref<12288xf32, #tpu.memory_space<vmem>>[vector<16xi32>], vector<16xf32>,
        %broadcast_in_dim3A_2003 = arith.constant 57 : i32
        %broadcast_in_dim3A_2004 = vector.broadcast %broadcast_in_dim3A_2003 : i32 to vector<16xi32>
        %gather3A_2005 = arith.constant 0 : i32
        %gather3A_2006 = arith.constant 0 : i32
        %gather3A_2007 = tpu.memref_slice %arg10[%rem3A_113, %gather3A_2005, %gather3A_2006] : memref<2x64x768xf32, #tpu.memory_space<vmem>> -> memref<1x64x768xf32, #tpu.memory_space<vmem>>
        %gather3A_2008 = tpu.memref_squeeze %gather3A_2007 : memref<1x64x768xf32, #tpu.memory_space<vmem>> -> memref<64x768xf32, #tpu.memory_space<vmem>>
        %gather3A_2009 = tpu.vector_load_idx %gather3A_2008[%broadcast_in_dim3A_2004, %min3A_1275] : memref<64x768xf32, #tpu.memory_space<vmem>>[vector<16xi32>, vector<16xi32>], vector<16xf32>,
        %add3A_2010 = vector.broadcast %mul3A_258 : i32 to vector<16xi32>
        %add3A_2011 = arith.addi %add3A_2010, %mul3A_1281 : vector<16xi32>
        %add3A_2012 = arith.constant 57 : i32
        %add3A_2013 = vector.broadcast %add3A_2012 : i32 to vector<16xi32>
        %add3A_2014 = arith.addi %add3A_2011, %add3A_2013 : vector<16xi32>
        tpu.vector_store_idx %arg11[%add3A_2014], %gather3A_2009 : memref<12288xf32, #tpu.memory_space<vmem>>[vector<16xi32>], vector<16xf32>,
        %broadcast_in_dim3A_2015 = arith.constant 58 : i32
        %broadcast_in_dim3A_2016 = vector.broadcast %broadcast_in_dim3A_2015 : i32 to vector<16xi32>
        %gather3A_2017 = arith.constant 0 : i32
        %gather3A_2018 = arith.constant 0 : i32
        %gather3A_2019 = tpu.memref_slice %arg10[%rem3A_113, %gather3A_2017, %gather3A_2018] : memref<2x64x768xf32, #tpu.memory_space<vmem>> -> memref<1x64x768xf32, #tpu.memory_space<vmem>>
        %gather3A_2020 = tpu.memref_squeeze %gather3A_2019 : memref<1x64x768xf32, #tpu.memory_space<vmem>> -> memref<64x768xf32, #tpu.memory_space<vmem>>
        %gather3A_2021 = tpu.vector_load_idx %gather3A_2020[%broadcast_in_dim3A_2016, %min3A_1275] : memref<64x768xf32, #tpu.memory_space<vmem>>[vector<16xi32>, vector<16xi32>], vector<16xf32>,
        %add3A_2022 = vector.broadcast %mul3A_258 : i32 to vector<16xi32>
        %add3A_2023 = arith.addi %add3A_2022, %mul3A_1281 : vector<16xi32>
        %add3A_2024 = arith.constant 58 : i32
        %add3A_2025 = vector.broadcast %add3A_2024 : i32 to vector<16xi32>
        %add3A_2026 = arith.addi %add3A_2023, %add3A_2025 : vector<16xi32>
        tpu.vector_store_idx %arg11[%add3A_2026], %gather3A_2021 : memref<12288xf32, #tpu.memory_space<vmem>>[vector<16xi32>], vector<16xf32>,
        %broadcast_in_dim3A_2027 = arith.constant 59 : i32
        %broadcast_in_dim3A_2028 = vector.broadcast %broadcast_in_dim3A_2027 : i32 to vector<16xi32>
        %gather3A_2029 = arith.constant 0 : i32
        %gather3A_2030 = arith.constant 0 : i32
        %gather3A_2031 = tpu.memref_slice %arg10[%rem3A_113, %gather3A_2029, %gather3A_2030] : memref<2x64x768xf32, #tpu.memory_space<vmem>> -> memref<1x64x768xf32, #tpu.memory_space<vmem>>
        %gather3A_2032 = tpu.memref_squeeze %gather3A_2031 : memref<1x64x768xf32, #tpu.memory_space<vmem>> -> memref<64x768xf32, #tpu.memory_space<vmem>>
        %gather3A_2033 = tpu.vector_load_idx %gather3A_2032[%broadcast_in_dim3A_2028, %min3A_1275] : memref<64x768xf32, #tpu.memory_space<vmem>>[vector<16xi32>, vector<16xi32>], vector<16xf32>,
        %add3A_2034 = vector.broadcast %mul3A_258 : i32 to vector<16xi32>
        %add3A_2035 = arith.addi %add3A_2034, %mul3A_1281 : vector<16xi32>
        %add3A_2036 = arith.constant 59 : i32
        %add3A_2037 = vector.broadcast %add3A_2036 : i32 to vector<16xi32>
        %add3A_2038 = arith.addi %add3A_2035, %add3A_2037 : vector<16xi32>
        tpu.vector_store_idx %arg11[%add3A_2038], %gather3A_2033 : memref<12288xf32, #tpu.memory_space<vmem>>[vector<16xi32>], vector<16xf32>,
        %broadcast_in_dim3A_2039 = arith.constant 60 : i32
        %broadcast_in_dim3A_2040 = vector.broadcast %broadcast_in_dim3A_2039 : i32 to vector<16xi32>
        %gather3A_2041 = arith.constant 0 : i32
        %gather3A_2042 = arith.constant 0 : i32
        %gather3A_2043 = tpu.memref_slice %arg10[%rem3A_113, %gather3A_2041, %gather3A_2042] : memref<2x64x768xf32, #tpu.memory_space<vmem>> -> memref<1x64x768xf32, #tpu.memory_space<vmem>>
        %gather3A_2044 = tpu.memref_squeeze %gather3A_2043 : memref<1x64x768xf32, #tpu.memory_space<vmem>> -> memref<64x768xf32, #tpu.memory_space<vmem>>
        %gather3A_2045 = tpu.vector_load_idx %gather3A_2044[%broadcast_in_dim3A_2040, %min3A_1275] : memref<64x768xf32, #tpu.memory_space<vmem>>[vector<16xi32>, vector<16xi32>], vector<16xf32>,
        %add3A_2046 = vector.broadcast %mul3A_258 : i32 to vector<16xi32>
        %add3A_2047 = arith.addi %add3A_2046, %mul3A_1281 : vector<16xi32>
        %add3A_2048 = arith.constant 60 : i32
        %add3A_2049 = vector.broadcast %add3A_2048 : i32 to vector<16xi32>
        %add3A_2050 = arith.addi %add3A_2047, %add3A_2049 : vector<16xi32>
        tpu.vector_store_idx %arg11[%add3A_2050], %gather3A_2045 : memref<12288xf32, #tpu.memory_space<vmem>>[vector<16xi32>], vector<16xf32>,
        %broadcast_in_dim3A_2051 = arith.constant 61 : i32
        %broadcast_in_dim3A_2052 = vector.broadcast %broadcast_in_dim3A_2051 : i32 to vector<16xi32>
        %gather3A_2053 = arith.constant 0 : i32
        %gather3A_2054 = arith.constant 0 : i32
        %gather3A_2055 = tpu.memref_slice %arg10[%rem3A_113, %gather3A_2053, %gather3A_2054] : memref<2x64x768xf32, #tpu.memory_space<vmem>> -> memref<1x64x768xf32, #tpu.memory_space<vmem>>
        %gather3A_2056 = tpu.memref_squeeze %gather3A_2055 : memref<1x64x768xf32, #tpu.memory_space<vmem>> -> memref<64x768xf32, #tpu.memory_space<vmem>>
        %gather3A_2057 = tpu.vector_load_idx %gather3A_2056[%broadcast_in_dim3A_2052, %min3A_1275] : memref<64x768xf32, #tpu.memory_space<vmem>>[vector<16xi32>, vector<16xi32>], vector<16xf32>,
        %add3A_2058 = vector.broadcast %mul3A_258 : i32 to vector<16xi32>
        %add3A_2059 = arith.addi %add3A_2058, %mul3A_1281 : vector<16xi32>
        %add3A_2060 = arith.constant 61 : i32
        %add3A_2061 = vector.broadcast %add3A_2060 : i32 to vector<16xi32>
        %add3A_2062 = arith.addi %add3A_2059, %add3A_2061 : vector<16xi32>
        tpu.vector_store_idx %arg11[%add3A_2062], %gather3A_2057 : memref<12288xf32, #tpu.memory_space<vmem>>[vector<16xi32>], vector<16xf32>,
        %broadcast_in_dim3A_2063 = arith.constant 62 : i32
        %broadcast_in_dim3A_2064 = vector.broadcast %broadcast_in_dim3A_2063 : i32 to vector<16xi32>
        %gather3A_2065 = arith.constant 0 : i32
        %gather3A_2066 = arith.constant 0 : i32
        %gather3A_2067 = tpu.memref_slice %arg10[%rem3A_113, %gather3A_2065, %gather3A_2066] : memref<2x64x768xf32, #tpu.memory_space<vmem>> -> memref<1x64x768xf32, #tpu.memory_space<vmem>>
        %gather3A_2068 = tpu.memref_squeeze %gather3A_2067 : memref<1x64x768xf32, #tpu.memory_space<vmem>> -> memref<64x768xf32, #tpu.memory_space<vmem>>
        %gather3A_2069 = tpu.vector_load_idx %gather3A_2068[%broadcast_in_dim3A_2064, %min3A_1275] : memref<64x768xf32, #tpu.memory_space<vmem>>[vector<16xi32>, vector<16xi32>], vector<16xf32>,
        %add3A_2070 = vector.broadcast %mul3A_258 : i32 to vector<16xi32>
        %add3A_2071 = arith.addi %add3A_2070, %mul3A_1281 : vector<16xi32>
        %add3A_2072 = arith.constant 62 : i32
        %add3A_2073 = vector.broadcast %add3A_2072 : i32 to vector<16xi32>
        %add3A_2074 = arith.addi %add3A_2071, %add3A_2073 : vector<16xi32>
        tpu.vector_store_idx %arg11[%add3A_2074], %gather3A_2069 : memref<12288xf32, #tpu.memory_space<vmem>>[vector<16xi32>], vector<16xf32>,
        %broadcast_in_dim3A_2075 = arith.constant 63 : i32
        %broadcast_in_dim3A_2076 = vector.broadcast %broadcast_in_dim3A_2075 : i32 to vector<16xi32>
        %gather3A_2077 = arith.constant 0 : i32
        %gather3A_2078 = arith.constant 0 : i32
        %gather3A_2079 = tpu.memref_slice %arg10[%rem3A_113, %gather3A_2077, %gather3A_2078] : memref<2x64x768xf32, #tpu.memory_space<vmem>> -> memref<1x64x768xf32, #tpu.memory_space<vmem>>
        %gather3A_2080 = tpu.memref_squeeze %gather3A_2079 : memref<1x64x768xf32, #tpu.memory_space<vmem>> -> memref<64x768xf32, #tpu.memory_space<vmem>>
        %gather3A_2081 = tpu.vector_load_idx %gather3A_2080[%broadcast_in_dim3A_2076, %min3A_1275] : memref<64x768xf32, #tpu.memory_space<vmem>>[vector<16xi32>, vector<16xi32>], vector<16xf32>,
        %add3A_2082 = vector.broadcast %mul3A_258 : i32 to vector<16xi32>
        %add3A_2083 = arith.addi %add3A_2082, %mul3A_1281 : vector<16xi32>
        %add3A_2084 = arith.constant 63 : i32
        %add3A_2085 = vector.broadcast %add3A_2084 : i32 to vector<16xi32>
        %add3A_2086 = arith.addi %add3A_2083, %add3A_2085 : vector<16xi32>
        tpu.vector_store_idx %arg11[%add3A_2086], %gather3A_2081 : memref<12288xf32, #tpu.memory_space<vmem>>[vector<16xi32>], vector<16xf32>,
        %add3A_2087 = arith.constant 2048 : i32
        %add3A_2088 = arith.addi %mul3A_258, %add3A_2087 : i32
        %slice3A_2089 = vector.extract_strided_slice %select_n3A_1301 {offsets = [0], sizes = [1], strides = [1]} : vector<16xi32> to vector<1xi32>
        %squeeze3A_2090 = vector.extract %slice3A_2089[0] : i32 from vector<1xi32>
        %mul3A_2091 = arith.constant 64 : i32
        %mul3A_2092 = arith.muli %squeeze3A_2090, %mul3A_2091 : i32
        %dma_start3A_2093 = tpu.memref_slice %arg11[%add3A_2088] : memref<12288xf32, #tpu.memory_space<vmem>> -> memref<64xf32, #tpu.memory_space<vmem>>
        %dma_start3A_2094 = tpu.memref_slice %arg4[%mul3A_2092] : memref<1146880xf32, #tpu.memory_space<hbm>> -> memref<64xf32, #tpu.memory_space<hbm>>
        %dma_start3A_2095 = tpu.memref_slice %arg4[%mul3A_2092] : memref<1146880xf32, #tpu.memory_space<hbm>> -> memref<64xf32, #tpu.memory_space<hbm>>
        %dma_start3A_2096 = tpu.memref_slice %arg11[%add3A_2088] : memref<12288xf32, #tpu.memory_space<vmem>> -> memref<64xf32, #tpu.memory_space<vmem>>
        tpu.enqueue_dma source(%dma_start3A_2096 : memref<64xf32, #tpu.memory_space<vmem>>) target(%dma_start3A_2095 : memref<64xf32, #tpu.memory_space<hbm>>) target_semaphore(%arg13 : memref<!tpu.dma_semaphore, #tpu.memory_space<semaphore_mem>>)
        %add3A_2097 = arith.constant 2112 : i32
        %add3A_2098 = arith.addi %mul3A_258, %add3A_2097 : i32
        %slice3A_2099 = vector.extract_strided_slice %select_n3A_1301 {offsets = [1], sizes = [1], strides = [1]} : vector<16xi32> to vector<1xi32>
        %squeeze3A_2100 = vector.extract %slice3A_2099[0] : i32 from vector<1xi32>
        %mul3A_2101 = arith.constant 64 : i32
        %mul3A_2102 = arith.muli %squeeze3A_2100, %mul3A_2101 : i32
        %dma_start3A_2103 = tpu.memref_slice %arg11[%add3A_2098] : memref<12288xf32, #tpu.memory_space<vmem>> -> memref<64xf32, #tpu.memory_space<vmem>>
        %dma_start3A_2104 = tpu.memref_slice %arg4[%mul3A_2102] : memref<1146880xf32, #tpu.memory_space<hbm>> -> memref<64xf32, #tpu.memory_space<hbm>>
        %dma_start3A_2105 = tpu.memref_slice %arg4[%mul3A_2102] : memref<1146880xf32, #tpu.memory_space<hbm>> -> memref<64xf32, #tpu.memory_space<hbm>>
        %dma_start3A_2106 = tpu.memref_slice %arg11[%add3A_2098] : memref<12288xf32, #tpu.memory_space<vmem>> -> memref<64xf32, #tpu.memory_space<vmem>>
        tpu.enqueue_dma source(%dma_start3A_2106 : memref<64xf32, #tpu.memory_space<vmem>>) target(%dma_start3A_2105 : memref<64xf32, #tpu.memory_space<hbm>>) target_semaphore(%arg13 : memref<!tpu.dma_semaphore, #tpu.memory_space<semaphore_mem>>)
        %add3A_2107 = arith.constant 2176 : i32
        %add3A_2108 = arith.addi %mul3A_258, %add3A_2107 : i32
        %slice3A_2109 = vector.extract_strided_slice %select_n3A_1301 {offsets = [2], sizes = [1], strides = [1]} : vector<16xi32> to vector<1xi32>
        %squeeze3A_2110 = vector.extract %slice3A_2109[0] : i32 from vector<1xi32>
        %mul3A_2111 = arith.constant 64 : i32
        %mul3A_2112 = arith.muli %squeeze3A_2110, %mul3A_2111 : i32
        %dma_start3A_2113 = tpu.memref_slice %arg11[%add3A_2108] : memref<12288xf32, #tpu.memory_space<vmem>> -> memref<64xf32, #tpu.memory_space<vmem>>
        %dma_start3A_2114 = tpu.memref_slice %arg4[%mul3A_2112] : memref<1146880xf32, #tpu.memory_space<hbm>> -> memref<64xf32, #tpu.memory_space<hbm>>
        %dma_start3A_2115 = tpu.memref_slice %arg4[%mul3A_2112] : memref<1146880xf32, #tpu.memory_space<hbm>> -> memref<64xf32, #tpu.memory_space<hbm>>
        %dma_start3A_2116 = tpu.memref_slice %arg11[%add3A_2108] : memref<12288xf32, #tpu.memory_space<vmem>> -> memref<64xf32, #tpu.memory_space<vmem>>
        tpu.enqueue_dma source(%dma_start3A_2116 : memref<64xf32, #tpu.memory_space<vmem>>) target(%dma_start3A_2115 : memref<64xf32, #tpu.memory_space<hbm>>) target_semaphore(%arg13 : memref<!tpu.dma_semaphore, #tpu.memory_space<semaphore_mem>>)
        %add3A_2117 = arith.constant 2240 : i32
        %add3A_2118 = arith.addi %mul3A_258, %add3A_2117 : i32
        %slice3A_2119 = vector.extract_strided_slice %select_n3A_1301 {offsets = [3], sizes = [1], strides = [1]} : vector<16xi32> to vector<1xi32>
        %squeeze3A_2120 = vector.extract %slice3A_2119[0] : i32 from vector<1xi32>
        %mul3A_2121 = arith.constant 64 : i32
        %mul3A_2122 = arith.muli %squeeze3A_2120, %mul3A_2121 : i32
        %dma_start3A_2123 = tpu.memref_slice %arg11[%add3A_2118] : memref<12288xf32, #tpu.memory_space<vmem>> -> memref<64xf32, #tpu.memory_space<vmem>>
        %dma_start3A_2124 = tpu.memref_slice %arg4[%mul3A_2122] : memref<1146880xf32, #tpu.memory_space<hbm>> -> memref<64xf32, #tpu.memory_space<hbm>>
        %dma_start3A_2125 = tpu.memref_slice %arg4[%mul3A_2122] : memref<1146880xf32, #tpu.memory_space<hbm>> -> memref<64xf32, #tpu.memory_space<hbm>>
        %dma_start3A_2126 = tpu.memref_slice %arg11[%add3A_2118] : memref<12288xf32, #tpu.memory_space<vmem>> -> memref<64xf32, #tpu.memory_space<vmem>>
        tpu.enqueue_dma source(%dma_start3A_2126 : memref<64xf32, #tpu.memory_space<vmem>>) target(%dma_start3A_2125 : memref<64xf32, #tpu.memory_space<hbm>>) target_semaphore(%arg13 : memref<!tpu.dma_semaphore, #tpu.memory_space<semaphore_mem>>)
        %add3A_2127 = arith.constant 2304 : i32
        %add3A_2128 = arith.addi %mul3A_258, %add3A_2127 : i32
        %slice3A_2129 = vector.extract_strided_slice %select_n3A_1301 {offsets = [4], sizes = [1], strides = [1]} : vector<16xi32> to vector<1xi32>
        %squeeze3A_2130 = vector.extract %slice3A_2129[0] : i32 from vector<1xi32>
        %mul3A_2131 = arith.constant 64 : i32
        %mul3A_2132 = arith.muli %squeeze3A_2130, %mul3A_2131 : i32
        %dma_start3A_2133 = tpu.memref_slice %arg11[%add3A_2128] : memref<12288xf32, #tpu.memory_space<vmem>> -> memref<64xf32, #tpu.memory_space<vmem>>
        %dma_start3A_2134 = tpu.memref_slice %arg4[%mul3A_2132] : memref<1146880xf32, #tpu.memory_space<hbm>> -> memref<64xf32, #tpu.memory_space<hbm>>
        %dma_start3A_2135 = tpu.memref_slice %arg4[%mul3A_2132] : memref<1146880xf32, #tpu.memory_space<hbm>> -> memref<64xf32, #tpu.memory_space<hbm>>
        %dma_start3A_2136 = tpu.memref_slice %arg11[%add3A_2128] : memref<12288xf32, #tpu.memory_space<vmem>> -> memref<64xf32, #tpu.memory_space<vmem>>
        tpu.enqueue_dma source(%dma_start3A_2136 : memref<64xf32, #tpu.memory_space<vmem>>) target(%dma_start3A_2135 : memref<64xf32, #tpu.memory_space<hbm>>) target_semaphore(%arg13 : memref<!tpu.dma_semaphore, #tpu.memory_space<semaphore_mem>>)
        %add3A_2137 = arith.constant 2368 : i32
        %add3A_2138 = arith.addi %mul3A_258, %add3A_2137 : i32
        %slice3A_2139 = vector.extract_strided_slice %select_n3A_1301 {offsets = [5], sizes = [1], strides = [1]} : vector<16xi32> to vector<1xi32>
        %squeeze3A_2140 = vector.extract %slice3A_2139[0] : i32 from vector<1xi32>
        %mul3A_2141 = arith.constant 64 : i32
        %mul3A_2142 = arith.muli %squeeze3A_2140, %mul3A_2141 : i32
        %dma_start3A_2143 = tpu.memref_slice %arg11[%add3A_2138] : memref<12288xf32, #tpu.memory_space<vmem>> -> memref<64xf32, #tpu.memory_space<vmem>>
        %dma_start3A_2144 = tpu.memref_slice %arg4[%mul3A_2142] : memref<1146880xf32, #tpu.memory_space<hbm>> -> memref<64xf32, #tpu.memory_space<hbm>>
        %dma_start3A_2145 = tpu.memref_slice %arg4[%mul3A_2142] : memref<1146880xf32, #tpu.memory_space<hbm>> -> memref<64xf32, #tpu.memory_space<hbm>>
        %dma_start3A_2146 = tpu.memref_slice %arg11[%add3A_2138] : memref<12288xf32, #tpu.memory_space<vmem>> -> memref<64xf32, #tpu.memory_space<vmem>>
        tpu.enqueue_dma source(%dma_start3A_2146 : memref<64xf32, #tpu.memory_space<vmem>>) target(%dma_start3A_2145 : memref<64xf32, #tpu.memory_space<hbm>>) target_semaphore(%arg13 : memref<!tpu.dma_semaphore, #tpu.memory_space<semaphore_mem>>)
        %add3A_2147 = arith.constant 2432 : i32
        %add3A_2148 = arith.addi %mul3A_258, %add3A_2147 : i32
        %slice3A_2149 = vector.extract_strided_slice %select_n3A_1301 {offsets = [6], sizes = [1], strides = [1]} : vector<16xi32> to vector<1xi32>
        %squeeze3A_2150 = vector.extract %slice3A_2149[0] : i32 from vector<1xi32>
        %mul3A_2151 = arith.constant 64 : i32
        %mul3A_2152 = arith.muli %squeeze3A_2150, %mul3A_2151 : i32
        %dma_start3A_2153 = tpu.memref_slice %arg11[%add3A_2148] : memref<12288xf32, #tpu.memory_space<vmem>> -> memref<64xf32, #tpu.memory_space<vmem>>
        %dma_start3A_2154 = tpu.memref_slice %arg4[%mul3A_2152] : memref<1146880xf32, #tpu.memory_space<hbm>> -> memref<64xf32, #tpu.memory_space<hbm>>
        %dma_start3A_2155 = tpu.memref_slice %arg4[%mul3A_2152] : memref<1146880xf32, #tpu.memory_space<hbm>> -> memref<64xf32, #tpu.memory_space<hbm>>
        %dma_start3A_2156 = tpu.memref_slice %arg11[%add3A_2148] : memref<12288xf32, #tpu.memory_space<vmem>> -> memref<64xf32, #tpu.memory_space<vmem>>
        tpu.enqueue_dma source(%dma_start3A_2156 : memref<64xf32, #tpu.memory_space<vmem>>) target(%dma_start3A_2155 : memref<64xf32, #tpu.memory_space<hbm>>) target_semaphore(%arg13 : memref<!tpu.dma_semaphore, #tpu.memory_space<semaphore_mem>>)
        %add3A_2157 = arith.constant 2496 : i32
        %add3A_2158 = arith.addi %mul3A_258, %add3A_2157 : i32
        %slice3A_2159 = vector.extract_strided_slice %select_n3A_1301 {offsets = [7], sizes = [1], strides = [1]} : vector<16xi32> to vector<1xi32>
        %squeeze3A_2160 = vector.extract %slice3A_2159[0] : i32 from vector<1xi32>
        %mul3A_2161 = arith.constant 64 : i32
        %mul3A_2162 = arith.muli %squeeze3A_2160, %mul3A_2161 : i32
        %dma_start3A_2163 = tpu.memref_slice %arg11[%add3A_2158] : memref<12288xf32, #tpu.memory_space<vmem>> -> memref<64xf32, #tpu.memory_space<vmem>>
        %dma_start3A_2164 = tpu.memref_slice %arg4[%mul3A_2162] : memref<1146880xf32, #tpu.memory_space<hbm>> -> memref<64xf32, #tpu.memory_space<hbm>>
        %dma_start3A_2165 = tpu.memref_slice %arg4[%mul3A_2162] : memref<1146880xf32, #tpu.memory_space<hbm>> -> memref<64xf32, #tpu.memory_space<hbm>>
        %dma_start3A_2166 = tpu.memref_slice %arg11[%add3A_2158] : memref<12288xf32, #tpu.memory_space<vmem>> -> memref<64xf32, #tpu.memory_space<vmem>>
        tpu.enqueue_dma source(%dma_start3A_2166 : memref<64xf32, #tpu.memory_space<vmem>>) target(%dma_start3A_2165 : memref<64xf32, #tpu.memory_space<hbm>>) target_semaphore(%arg13 : memref<!tpu.dma_semaphore, #tpu.memory_space<semaphore_mem>>)
        %add3A_2167 = arith.constant 2560 : i32
        %add3A_2168 = arith.addi %mul3A_258, %add3A_2167 : i32
        %slice3A_2169 = vector.extract_strided_slice %select_n3A_1301 {offsets = [8], sizes = [1], strides = [1]} : vector<16xi32> to vector<1xi32>
        %squeeze3A_2170 = vector.extract %slice3A_2169[0] : i32 from vector<1xi32>
        %mul3A_2171 = arith.constant 64 : i32
        %mul3A_2172 = arith.muli %squeeze3A_2170, %mul3A_2171 : i32
        %dma_start3A_2173 = tpu.memref_slice %arg11[%add3A_2168] : memref<12288xf32, #tpu.memory_space<vmem>> -> memref<64xf32, #tpu.memory_space<vmem>>
        %dma_start3A_2174 = tpu.memref_slice %arg4[%mul3A_2172] : memref<1146880xf32, #tpu.memory_space<hbm>> -> memref<64xf32, #tpu.memory_space<hbm>>
        %dma_start3A_2175 = tpu.memref_slice %arg4[%mul3A_2172] : memref<1146880xf32, #tpu.memory_space<hbm>> -> memref<64xf32, #tpu.memory_space<hbm>>
        %dma_start3A_2176 = tpu.memref_slice %arg11[%add3A_2168] : memref<12288xf32, #tpu.memory_space<vmem>> -> memref<64xf32, #tpu.memory_space<vmem>>
        tpu.enqueue_dma source(%dma_start3A_2176 : memref<64xf32, #tpu.memory_space<vmem>>) target(%dma_start3A_2175 : memref<64xf32, #tpu.memory_space<hbm>>) target_semaphore(%arg13 : memref<!tpu.dma_semaphore, #tpu.memory_space<semaphore_mem>>)
        %add3A_2177 = arith.constant 2624 : i32
        %add3A_2178 = arith.addi %mul3A_258, %add3A_2177 : i32
        %slice3A_2179 = vector.extract_strided_slice %select_n3A_1301 {offsets = [9], sizes = [1], strides = [1]} : vector<16xi32> to vector<1xi32>
        %squeeze3A_2180 = vector.extract %slice3A_2179[0] : i32 from vector<1xi32>
        %mul3A_2181 = arith.constant 64 : i32
        %mul3A_2182 = arith.muli %squeeze3A_2180, %mul3A_2181 : i32
        %dma_start3A_2183 = tpu.memref_slice %arg11[%add3A_2178] : memref<12288xf32, #tpu.memory_space<vmem>> -> memref<64xf32, #tpu.memory_space<vmem>>
        %dma_start3A_2184 = tpu.memref_slice %arg4[%mul3A_2182] : memref<1146880xf32, #tpu.memory_space<hbm>> -> memref<64xf32, #tpu.memory_space<hbm>>
        %dma_start3A_2185 = tpu.memref_slice %arg4[%mul3A_2182] : memref<1146880xf32, #tpu.memory_space<hbm>> -> memref<64xf32, #tpu.memory_space<hbm>>
        %dma_start3A_2186 = tpu.memref_slice %arg11[%add3A_2178] : memref<12288xf32, #tpu.memory_space<vmem>> -> memref<64xf32, #tpu.memory_space<vmem>>
        tpu.enqueue_dma source(%dma_start3A_2186 : memref<64xf32, #tpu.memory_space<vmem>>) target(%dma_start3A_2185 : memref<64xf32, #tpu.memory_space<hbm>>) target_semaphore(%arg13 : memref<!tpu.dma_semaphore, #tpu.memory_space<semaphore_mem>>)
        %add3A_2187 = arith.constant 2688 : i32
        %add3A_2188 = arith.addi %mul3A_258, %add3A_2187 : i32
        %slice3A_2189 = vector.extract_strided_slice %select_n3A_1301 {offsets = [10], sizes = [1], strides = [1]} : vector<16xi32> to vector<1xi32>
        %squeeze3A_2190 = vector.extract %slice3A_2189[0] : i32 from vector<1xi32>
        %mul3A_2191 = arith.constant 64 : i32
        %mul3A_2192 = arith.muli %squeeze3A_2190, %mul3A_2191 : i32
        %dma_start3A_2193 = tpu.memref_slice %arg11[%add3A_2188] : memref<12288xf32, #tpu.memory_space<vmem>> -> memref<64xf32, #tpu.memory_space<vmem>>
        %dma_start3A_2194 = tpu.memref_slice %arg4[%mul3A_2192] : memref<1146880xf32, #tpu.memory_space<hbm>> -> memref<64xf32, #tpu.memory_space<hbm>>
        %dma_start3A_2195 = tpu.memref_slice %arg4[%mul3A_2192] : memref<1146880xf32, #tpu.memory_space<hbm>> -> memref<64xf32, #tpu.memory_space<hbm>>
        %dma_start3A_2196 = tpu.memref_slice %arg11[%add3A_2188] : memref<12288xf32, #tpu.memory_space<vmem>> -> memref<64xf32, #tpu.memory_space<vmem>>
        tpu.enqueue_dma source(%dma_start3A_2196 : memref<64xf32, #tpu.memory_space<vmem>>) target(%dma_start3A_2195 : memref<64xf32, #tpu.memory_space<hbm>>) target_semaphore(%arg13 : memref<!tpu.dma_semaphore, #tpu.memory_space<semaphore_mem>>)
        %add3A_2197 = arith.constant 2752 : i32
        %add3A_2198 = arith.addi %mul3A_258, %add3A_2197 : i32
        %slice3A_2199 = vector.extract_strided_slice %select_n3A_1301 {offsets = [11], sizes = [1], strides = [1]} : vector<16xi32> to vector<1xi32>
        %squeeze3A_2200 = vector.extract %slice3A_2199[0] : i32 from vector<1xi32>
        %mul3A_2201 = arith.constant 64 : i32
        %mul3A_2202 = arith.muli %squeeze3A_2200, %mul3A_2201 : i32
        %dma_start3A_2203 = tpu.memref_slice %arg11[%add3A_2198] : memref<12288xf32, #tpu.memory_space<vmem>> -> memref<64xf32, #tpu.memory_space<vmem>>
        %dma_start3A_2204 = tpu.memref_slice %arg4[%mul3A_2202] : memref<1146880xf32, #tpu.memory_space<hbm>> -> memref<64xf32, #tpu.memory_space<hbm>>
        %dma_start3A_2205 = tpu.memref_slice %arg4[%mul3A_2202] : memref<1146880xf32, #tpu.memory_space<hbm>> -> memref<64xf32, #tpu.memory_space<hbm>>
        %dma_start3A_2206 = tpu.memref_slice %arg11[%add3A_2198] : memref<12288xf32, #tpu.memory_space<vmem>> -> memref<64xf32, #tpu.memory_space<vmem>>
        tpu.enqueue_dma source(%dma_start3A_2206 : memref<64xf32, #tpu.memory_space<vmem>>) target(%dma_start3A_2205 : memref<64xf32, #tpu.memory_space<hbm>>) target_semaphore(%arg13 : memref<!tpu.dma_semaphore, #tpu.memory_space<semaphore_mem>>)
        %add3A_2207 = arith.constant 2816 : i32
        %add3A_2208 = arith.addi %mul3A_258, %add3A_2207 : i32
        %slice3A_2209 = vector.extract_strided_slice %select_n3A_1301 {offsets = [12], sizes = [1], strides = [1]} : vector<16xi32> to vector<1xi32>
        %squeeze3A_2210 = vector.extract %slice3A_2209[0] : i32 from vector<1xi32>
        %mul3A_2211 = arith.constant 64 : i32
        %mul3A_2212 = arith.muli %squeeze3A_2210, %mul3A_2211 : i32
        %dma_start3A_2213 = tpu.memref_slice %arg11[%add3A_2208] : memref<12288xf32, #tpu.memory_space<vmem>> -> memref<64xf32, #tpu.memory_space<vmem>>
        %dma_start3A_2214 = tpu.memref_slice %arg4[%mul3A_2212] : memref<1146880xf32, #tpu.memory_space<hbm>> -> memref<64xf32, #tpu.memory_space<hbm>>
        %dma_start3A_2215 = tpu.memref_slice %arg4[%mul3A_2212] : memref<1146880xf32, #tpu.memory_space<hbm>> -> memref<64xf32, #tpu.memory_space<hbm>>
        %dma_start3A_2216 = tpu.memref_slice %arg11[%add3A_2208] : memref<12288xf32, #tpu.memory_space<vmem>> -> memref<64xf32, #tpu.memory_space<vmem>>
        tpu.enqueue_dma source(%dma_start3A_2216 : memref<64xf32, #tpu.memory_space<vmem>>) target(%dma_start3A_2215 : memref<64xf32, #tpu.memory_space<hbm>>) target_semaphore(%arg13 : memref<!tpu.dma_semaphore, #tpu.memory_space<semaphore_mem>>)
        %add3A_2217 = arith.constant 2880 : i32
        %add3A_2218 = arith.addi %mul3A_258, %add3A_2217 : i32
        %slice3A_2219 = vector.extract_strided_slice %select_n3A_1301 {offsets = [13], sizes = [1], strides = [1]} : vector<16xi32> to vector<1xi32>
        %squeeze3A_2220 = vector.extract %slice3A_2219[0] : i32 from vector<1xi32>
        %mul3A_2221 = arith.constant 64 : i32
        %mul3A_2222 = arith.muli %squeeze3A_2220, %mul3A_2221 : i32
        %dma_start3A_2223 = tpu.memref_slice %arg11[%add3A_2218] : memref<12288xf32, #tpu.memory_space<vmem>> -> memref<64xf32, #tpu.memory_space<vmem>>
        %dma_start3A_2224 = tpu.memref_slice %arg4[%mul3A_2222] : memref<1146880xf32, #tpu.memory_space<hbm>> -> memref<64xf32, #tpu.memory_space<hbm>>
        %dma_start3A_2225 = tpu.memref_slice %arg4[%mul3A_2222] : memref<1146880xf32, #tpu.memory_space<hbm>> -> memref<64xf32, #tpu.memory_space<hbm>>
        %dma_start3A_2226 = tpu.memref_slice %arg11[%add3A_2218] : memref<12288xf32, #tpu.memory_space<vmem>> -> memref<64xf32, #tpu.memory_space<vmem>>
        tpu.enqueue_dma source(%dma_start3A_2226 : memref<64xf32, #tpu.memory_space<vmem>>) target(%dma_start3A_2225 : memref<64xf32, #tpu.memory_space<hbm>>) target_semaphore(%arg13 : memref<!tpu.dma_semaphore, #tpu.memory_space<semaphore_mem>>)
        %add3A_2227 = arith.constant 2944 : i32
        %add3A_2228 = arith.addi %mul3A_258, %add3A_2227 : i32
        %slice3A_2229 = vector.extract_strided_slice %select_n3A_1301 {offsets = [14], sizes = [1], strides = [1]} : vector<16xi32> to vector<1xi32>
        %squeeze3A_2230 = vector.extract %slice3A_2229[0] : i32 from vector<1xi32>
        %mul3A_2231 = arith.constant 64 : i32
        %mul3A_2232 = arith.muli %squeeze3A_2230, %mul3A_2231 : i32
        %dma_start3A_2233 = tpu.memref_slice %arg11[%add3A_2228] : memref<12288xf32, #tpu.memory_space<vmem>> -> memref<64xf32, #tpu.memory_space<vmem>>
        %dma_start3A_2234 = tpu.memref_slice %arg4[%mul3A_2232] : memref<1146880xf32, #tpu.memory_space<hbm>> -> memref<64xf32, #tpu.memory_space<hbm>>
        %dma_start3A_2235 = tpu.memref_slice %arg4[%mul3A_2232] : memref<1146880xf32, #tpu.memory_space<hbm>> -> memref<64xf32, #tpu.memory_space<hbm>>
        %dma_start3A_2236 = tpu.memref_slice %arg11[%add3A_2228] : memref<12288xf32, #tpu.memory_space<vmem>> -> memref<64xf32, #tpu.memory_space<vmem>>
        tpu.enqueue_dma source(%dma_start3A_2236 : memref<64xf32, #tpu.memory_space<vmem>>) target(%dma_start3A_2235 : memref<64xf32, #tpu.memory_space<hbm>>) target_semaphore(%arg13 : memref<!tpu.dma_semaphore, #tpu.memory_space<semaphore_mem>>)
        %add3A_2237 = arith.constant 3008 : i32
        %add3A_2238 = arith.addi %mul3A_258, %add3A_2237 : i32
        %slice3A_2239 = vector.extract_strided_slice %select_n3A_1301 {offsets = [15], sizes = [1], strides = [1]} : vector<16xi32> to vector<1xi32>
        %squeeze3A_2240 = vector.extract %slice3A_2239[0] : i32 from vector<1xi32>
        %mul3A_2241 = arith.constant 64 : i32
        %mul3A_2242 = arith.muli %squeeze3A_2240, %mul3A_2241 : i32
        %dma_start3A_2243 = tpu.memref_slice %arg11[%add3A_2238] : memref<12288xf32, #tpu.memory_space<vmem>> -> memref<64xf32, #tpu.memory_space<vmem>>
        %dma_start3A_2244 = tpu.memref_slice %arg4[%mul3A_2242] : memref<1146880xf32, #tpu.memory_space<hbm>> -> memref<64xf32, #tpu.memory_space<hbm>>
        %dma_start3A_2245 = tpu.memref_slice %arg4[%mul3A_2242] : memref<1146880xf32, #tpu.memory_space<hbm>> -> memref<64xf32, #tpu.memory_space<hbm>>
        %dma_start3A_2246 = tpu.memref_slice %arg11[%add3A_2238] : memref<12288xf32, #tpu.memory_space<vmem>> -> memref<64xf32, #tpu.memory_space<vmem>>
        tpu.enqueue_dma source(%dma_start3A_2246 : memref<64xf32, #tpu.memory_space<vmem>>) target(%dma_start3A_2245 : memref<64xf32, #tpu.memory_space<hbm>>) target_semaphore(%arg13 : memref<!tpu.dma_semaphore, #tpu.memory_space<semaphore_mem>>)
      } else {
      }
      %le3A_1307 = arith.constant 32 : i32
      %le3A_1308 = arith.cmpi sle, %while3A_239, %le3A_1307 : i32
      %convert_element_type3A_1309 = arith.extui %le3A_1308 : i1 to i32
      %cond3A_1310 = arith.constant 0 : i32
      %cond3A_1311 = arith.cmpi ne, %convert_element_type3A_1309, %cond3A_1310 : i32
      scf.if %cond3A_1311 {
        %add3A_1319 = arith.constant 2048 : i32
        %add3A_1320 = arith.addi %mul3A_258, %add3A_1319 : i32
        %add3A_1321 = arith.constant 32 : i32
        %add3A_1322 = arith.addi %add3A_16, %add3A_1321 : i32
        %mul3A_1323 = arith.constant 64 : i32
        %mul3A_1324 = arith.muli %add3A_1322, %mul3A_1323 : i32
        %dma_start3A_1325 = tpu.memref_slice %arg11[%add3A_1320] : memref<12288xf32, #tpu.memory_space<vmem>> -> memref<1024xf32, #tpu.memory_space<vmem>>
        %dma_start3A_1326 = tpu.memref_slice %arg4[%mul3A_1324] : memref<1146880xf32, #tpu.memory_space<hbm>> -> memref<1024xf32, #tpu.memory_space<hbm>>
        %dma_start3A_1327 = tpu.memref_slice %arg4[%mul3A_1324] : memref<1146880xf32, #tpu.memory_space<hbm>> -> memref<1024xf32, #tpu.memory_space<hbm>>
        %dma_start3A_1328 = tpu.memref_slice %arg11[%add3A_1320] : memref<12288xf32, #tpu.memory_space<vmem>> -> memref<1024xf32, #tpu.memory_space<vmem>>
        tpu.enqueue_dma source(%dma_start3A_1328 : memref<1024xf32, #tpu.memory_space<vmem>>) target(%dma_start3A_1327 : memref<1024xf32, #tpu.memory_space<hbm>>) target_semaphore(%arg13 : memref<!tpu.dma_semaphore, #tpu.memory_space<semaphore_mem>>)
      } else {
      }
      %add3A_1312 = arith.constant 2 : i32
      %add3A_1313 = arith.addi %add3A_111, %add3A_1312 : i32
      %lt3A_1314 = arith.constant 41 : i32
      %lt3A_1315 = arith.cmpi slt, %add3A_1313, %lt3A_1314 : i32
      %convert_element_type3A_1316 = arith.extui %lt3A_1315 : i1 to i32
      %cond3A_1317 = arith.constant 0 : i32
      %cond3A_1318 = arith.cmpi ne, %convert_element_type3A_1316, %cond3A_1317 : i32
      scf.if %cond3A_1318 {
        %add3A_1319 = arith.constant 2 : i32
        %add3A_1320 = arith.addi %add3A_111, %add3A_1319 : i32
        %mul3A_1321 = arith.constant 6 : i32
        %mul3A_1322 = arith.muli %add3A_1320, %mul3A_1321 : i32
        %add3A_1323 = arith.addi %add3A_4, %mul3A_1322 : i32
        %add3A_1324 = arith.addi %add3A_4, %add3A_7 : i32
        %sub3A_1325 = arith.constant 6 : i32
        %sub3A_1326 = arith.subi %add3A_1324, %sub3A_1325 : i32
        %min3A_1327 = arith.minsi %add3A_1323, %sub3A_1326 : i32
        %mul3A_1328 = arith.constant 128 : i32
        %mul3A_1329 = arith.muli %min3A_1327, %mul3A_1328 : i32
        %multiple_of3A_1330 = tpu.assume_multiple %mul3A_1329, 128 : i32
        %rem3A_1331 = arith.constant 2 : i32
        %rem3A_1332 = arith.remsi %add3A_1320, %rem3A_1331 : i32
        %dma_start3A_1333 = arith.constant 0 : i32
        %dma_start3A_1334 = arith.constant 0 : i32
        %dma_start3A_1335 = tpu.memref_slice %arg10[%rem3A_1332, %dma_start3A_1333, %dma_start3A_1334] : memref<2x64x768xf32, #tpu.memory_space<vmem>> -> memref<1x64x768xf32, #tpu.memory_space<vmem>>
        %dma_start3A_1336 = tpu.memref_squeeze %dma_start3A_1335 : memref<1x64x768xf32, #tpu.memory_space<vmem>> -> memref<64x768xf32, #tpu.memory_space<vmem>>
        %dma_start3A_1337 = arith.constant 0 : i32
        %dma_start3A_1338 = tpu.memref_slice %arg3[%dma_start3A_1337, %multiple_of3A_1330] : memref<64x1000000xf32, #tpu.memory_space<hbm>> -> memref<64x768xf32, #tpu.memory_space<hbm>>
        %dma_start3A_1339 = arith.constant 0 : i32
        %dma_start3A_1340 = arith.constant 0 : i32
        %dma_start3A_1341 = tpu.memref_slice %arg10[%rem3A_1332, %dma_start3A_1339, %dma_start3A_1340] : memref<2x64x768xf32, #tpu.memory_space<vmem>> -> memref<1x64x768xf32, #tpu.memory_space<vmem>>
        %dma_start3A_1342 = tpu.memref_squeeze %dma_start3A_1341 : memref<1x64x768xf32, #tpu.memory_space<vmem>> -> memref<64x768xf32, #tpu.memory_space<vmem>>
        %dma_start3A_1343 = arith.constant 0 : i32
        %dma_start3A_1344 = tpu.memref_slice %arg3[%dma_start3A_1343, %multiple_of3A_1330] : memref<64x1000000xf32, #tpu.memory_space<hbm>> -> memref<64x768xf32, #tpu.memory_space<hbm>>
        tpu.enqueue_dma source(%dma_start3A_1344 : memref<64x768xf32, #tpu.memory_space<hbm>>) target(%dma_start3A_1342 : memref<64x768xf32, #tpu.memory_space<vmem>>) target_semaphore(%arg12 : memref<!tpu.dma_semaphore, #tpu.memory_space<semaphore_mem>>)
      } else {
      }
    }
    %scan3A_75 = arith.constant 41 : i32
    %dma_wait3A = arith.constant 0 : i32
    %dma_wait3A_76 = tpu.memref_slice %arg11[%dma_wait3A] : memref<12288xf32, #tpu.memory_space<vmem>> -> memref<3072xf32, #tpu.memory_space<vmem>>
    %dma_wait3A_77 = arith.constant 0 : i32
    %dma_wait3A_78 = tpu.memref_slice %arg4[%dma_wait3A_77] : memref<1146880xf32, #tpu.memory_space<hbm>> -> memref<3072xf32, #tpu.memory_space<hbm>>
    %dma_wait3A_79 = arith.constant 0 : i32
    %dma_wait3A_80 = tpu.memref_slice %arg11[%dma_wait3A_79] : memref<12288xf32, #tpu.memory_space<vmem>> -> memref<3072xf32, #tpu.memory_space<vmem>>
    %dma_wait3A_81 = arith.constant 0 : i32
    %dma_wait3A_82 = tpu.memref_slice %arg4[%dma_wait3A_81] : memref<1146880xf32, #tpu.memory_space<hbm>> -> memref<3072xf32, #tpu.memory_space<hbm>>
    tpu.wait_dma2 semaphore(%arg13 : memref<!tpu.dma_semaphore, #tpu.memory_space<semaphore_mem>>) src(%dma_wait3A_82 : memref<3072xf32, #tpu.memory_space<hbm>>) dst(%dma_wait3A_80 : memref<3072xf32, #tpu.memory_space<vmem>>)
    %dma_wait3A_83 = arith.constant 0 : i32
    %dma_wait3A_84 = tpu.memref_slice %arg11[%dma_wait3A_83] : memref<12288xf32, #tpu.memory_space<vmem>> -> memref<3072xf32, #tpu.memory_space<vmem>>
    %dma_wait3A_85 = arith.constant 0 : i32
    %dma_wait3A_86 = tpu.memref_slice %arg4[%dma_wait3A_85] : memref<1146880xf32, #tpu.memory_space<hbm>> -> memref<3072xf32, #tpu.memory_space<hbm>>
    %dma_wait3A_87 = arith.constant 0 : i32
    %dma_wait3A_88 = tpu.memref_slice %arg11[%dma_wait3A_87] : memref<12288xf32, #tpu.memory_space<vmem>> -> memref<3072xf32, #tpu.memory_space<vmem>>
    %dma_wait3A_89 = arith.constant 0 : i32
    %dma_wait3A_90 = tpu.memref_slice %arg4[%dma_wait3A_89] : memref<1146880xf32, #tpu.memory_space<hbm>> -> memref<3072xf32, #tpu.memory_space<hbm>>
    tpu.wait_dma2 semaphore(%arg13 : memref<!tpu.dma_semaphore, #tpu.memory_space<semaphore_mem>>) src(%dma_wait3A_90 : memref<3072xf32, #tpu.memory_space<hbm>>) dst(%dma_wait3A_88 : memref<3072xf32, #tpu.memory_space<vmem>>)
    %dma_wait3A_91 = arith.constant 0 : i32
    %dma_wait3A_92 = tpu.memref_slice %arg11[%dma_wait3A_91] : memref<12288xf32, #tpu.memory_space<vmem>> -> memref<3072xf32, #tpu.memory_space<vmem>>
    %dma_wait3A_93 = arith.constant 0 : i32
    %dma_wait3A_94 = tpu.memref_slice %arg4[%dma_wait3A_93] : memref<1146880xf32, #tpu.memory_space<hbm>> -> memref<3072xf32, #tpu.memory_space<hbm>>
    %dma_wait3A_95 = arith.constant 0 : i32
    %dma_wait3A_96 = tpu.memref_slice %arg11[%dma_wait3A_95] : memref<12288xf32, #tpu.memory_space<vmem>> -> memref<3072xf32, #tpu.memory_space<vmem>>
    %dma_wait3A_97 = arith.constant 0 : i32
    %dma_wait3A_98 = tpu.memref_slice %arg4[%dma_wait3A_97] : memref<1146880xf32, #tpu.memory_space<hbm>> -> memref<3072xf32, #tpu.memory_space<hbm>>
    tpu.wait_dma2 semaphore(%arg13 : memref<!tpu.dma_semaphore, #tpu.memory_space<semaphore_mem>>) src(%dma_wait3A_98 : memref<3072xf32, #tpu.memory_space<hbm>>) dst(%dma_wait3A_96 : memref<3072xf32, #tpu.memory_space<vmem>>)
    %dma_wait3A_99 = arith.constant 0 : i32
    %dma_wait3A_100 = tpu.memref_slice %arg11[%dma_wait3A_99] : memref<12288xf32, #tpu.memory_space<vmem>> -> memref<3072xf32, #tpu.memory_space<vmem>>
    %dma_wait3A_101 = arith.constant 0 : i32
    %dma_wait3A_102 = tpu.memref_slice %arg4[%dma_wait3A_101] : memref<1146880xf32, #tpu.memory_space<hbm>> -> memref<3072xf32, #tpu.memory_space<hbm>>
    %dma_wait3A_103 = arith.constant 0 : i32
    %dma_wait3A_104 = tpu.memref_slice %arg11[%dma_wait3A_103] : memref<12288xf32, #tpu.memory_space<vmem>> -> memref<3072xf32, #tpu.memory_space<vmem>>
    %dma_wait3A_105 = arith.constant 0 : i32
    %dma_wait3A_106 = tpu.memref_slice %arg4[%dma_wait3A_105] : memref<1146880xf32, #tpu.memory_space<hbm>> -> memref<3072xf32, #tpu.memory_space<hbm>>
    tpu.wait_dma2 semaphore(%arg13 : memref<!tpu.dma_semaphore, #tpu.memory_space<semaphore_mem>>) src(%dma_wait3A_106 : memref<3072xf32, #tpu.memory_space<hbm>>) dst(%dma_wait3A_104 : memref<3072xf32, #tpu.memory_space<vmem>>)
    return
  }
}

module attributes {stable_mosaic.version = 14 : i64} {
  func.func @_tc_transpose_body(%arg0: memref<8960x128xf32, #tpu.memory_space<vmem>>, %arg1: memref<64x16384xf32, #tpu.memory_space<vmem>>) attributes {dimension_semantics = [], scalar_prefetch = 0 : i64, scratch_operands = 0 : i64, tpu.core_type = #tpu.core_type<tc>} {
    %get3A = arith.constant 0 : index
    %get3A_0 = arith.constant 0 : index
    %get3A_1 = vector.load %arg0[%get3A, %get3A_0] : memref<8960x128xf32, #tpu.memory_space<vmem>>, vector<8192x64xf32>
    %transpose3A = tpu.transpose %get3A_1, [1, 0] : vector<8192x64xf32> -> vector<64x8192xf32>
    %swap3A = arith.constant 0 : index
    %swap3A_2 = arith.constant 0 : index
    %swap3A_3 = vector.load %arg1[%swap3A, %swap3A_2] : memref<64x16384xf32, #tpu.memory_space<vmem>>, vector<64x8192xf32>
    tpu.vector_store %arg1[%swap3A, %swap3A_2], %transpose3A {strides = array<i32>} : memref<64x16384xf32, #tpu.memory_space<vmem>>, vector<64x8192xf32>,
    %get3A_4 = arith.constant 0 : index
    %get3A_5 = arith.constant 64 : index
    %get3A_6 = vector.load %arg0[%get3A_4, %get3A_5] : memref<8960x128xf32, #tpu.memory_space<vmem>>, vector<8192x64xf32>
    %transpose3A_7 = tpu.transpose %get3A_6, [1, 0] : vector<8192x64xf32> -> vector<64x8192xf32>
    %swap3A_8 = arith.constant 0 : index
    %swap3A_9 = arith.constant 8192 : index
    %swap3A_10 = vector.load %arg1[%swap3A_8, %swap3A_9] : memref<64x16384xf32, #tpu.memory_space<vmem>>, vector<64x8192xf32>
    tpu.vector_store %arg1[%swap3A_8, %swap3A_9], %transpose3A_7 {strides = array<i32>} : memref<64x16384xf32, #tpu.memory_space<vmem>>, vector<64x8192xf32>,
    return
  }
}

</mosaic_0001>

<sc_bundles>
// kernel: kernel.4.cloned.1.call-start
scs
__scs_entry_jumppad:
0x0: {  	(pc) =	sbr.rel $0x88, $3  }
0x1: {  	(tag) =	ssettag $0x0;
	lr =	simm.s32 $0x1  }
0x2: {  	[smem:$0x3F9F] =	sst lr;
	_ =	strace $0xD0000000  }
0x3: {  	_ = 	snop  }
0x4: {  	_ = 	snop  }
0x5: {  	_ = 	snop  }
0x6: {  	_ = 	snop  }
0x7: {  	_ = 	snop  }
__scs_overlays_trampoline_lowered:
0x8: {  	[smem:$0x3FAE] =	sst s0  }
0x9: {  	[smem:$0x3FAF] =	sst s1  }
0xa: {  	[smem:$0x3FB0] =	sst s2  }
0xb: {  	[smem:$0x3FB1] =	sst s3  }
0xc: {  	[smem:$0x3FB2] =	sst s4  }
0xd: {  	[smem:$0x3FB3] =	sst s5  }
0xe: {  	[smem:$0x3FB4] =	sst s6  }
0xf: {  	[smem:$0x3FB5] =	sst s7  }
0x10: {  	[smem:$0x3FB6] =	sst s8  }
0x11: {  	[smem:$0x3FB7] =	sst s9;
	s0 =	simm.s32 @!p0 $0x0  }
0x12: {  	s1 =	sld [smem:$0x3F9D];
	s0 =	simm.s32 @p0 $0x1  }
0x13: {  	[smem:$0x3FB8] =	sst s0;
	s0 =	simm.s32 @!p1 $0x0  }
0x14: {  	s2 =	sld [smem:$0x3F9C];
	s0 =	simm.s32 @p1 $0x1  }
0x15: {  	[smem:$0x3FB9] =	sst s0;
	s0 =	simm.s32 @!p2 $0x0  }
0x16: {  	s3 =	sld [smem:$0x3FDB];
	s0 =	simm.s32 @p2 $0x1  }
0x17: {  	s4 =	simm.s32 $0x1BF5;
	[smem:$0x3FBB] =	sst s0  }
0x18: {  	s0 =	sld [smem:$0x3F9E];
	_ =	swait.ge [sflag:s4], $0x0  }
0x19: {  	s7 =	sld [smem:$0x3F9F]  }
0x1a: {  	s8 =	sadd.s32 $0xFFFFE003, lr  }
0x1b: {  	s9 =	sadd.s32 $0xFFFFFEF7, lr;
	s5 =	simm.s32 $0xFFFFFFFF;
	p2 =	slt.u32 s8, $0xFFFFF086  }
0x1c: {  	p1 =	slt.u32 s9, $0xF7A;
	s5 =	simm.s32 @!p2 $0x0  }
0x1d: {  	s5 =	simm.s32 @p1 $0x1;
	p0 =	seq.s32 s7, s2  }
0x1e: {  	s7 =	smul.u32 @!p0 $0xF7A, s2;
	p2 =	seq.s32 @!p0 s5, $0x0  }
0x1f: {  	s9 =	smul.u32 $0xF7A, s1;
	s8 =	simm.s32 @!p0 $0x1BF5;
	p2 =	por !p2, p0  }
0x20: {  	[sflag:s8] =	ssyncset.s32 @!p0 $0xFFFFF086;
	s6 =	sadd.s32 @!p0 s3, s7;
	s7 =	simm.s32 @!p0 $0x108  }
0x21: {  	s3 =	sadd.s32 s3, s9;
	s6 =	sadd.s32 @!p0 $0x88, s6;
	s7 =	simm.s32 @p2 $0x1082  }
0x22: {  	[simem:s7], [sflag:s8] =	dma.local @!p0 [hbm:s6], $0xF7A  }
0x23: {  	s9 =	sor.u32 $0xD0000000, s2;
	s6 =	simm.s32 $0x108;
	_ =	swait.ge @!p0 [sflag:s8], $0x0  }
0x24: {  	s3 =	sadd.s32 $0x88, s3;
	s6 =	simm.s32 @!p1 $0x1082;
	[sflag:s4] =	ssyncset.s32 $0xFFFFF086  }
0x25: {  	[simem:s6], [sflag:s4] =	dma.local [hbm:s3], $0xF7A  }
0x26: {  	[smem:$0x3F9F] =	sst s1;
	(tag) =	ssettag s2;
	_ =	strace s9  }
0x27: {  	s1 =	sld [smem:$0x3FAF]  }
0x28: {  	s2 =	sld [smem:$0x3FB0]  }
0x29: {  	s4 =	sld [smem:$0x3FB2]  }
0x2a: {  	p0 =	seq.s32 s5, $0x0;
	s5 =	sld [smem:$0x3FB3]  }
0x2b: {  	s6 =	sld [smem:$0x3FB4]  }
0x2c: {  	s7 =	sld [smem:$0x3FB5]  }
0x2d: {  	s3 =	simm.s32 $0x108;
	s8 =	sld [smem:$0x3FB6]  }
0x2e: {  	s3 =	simm.s32 @!p0 $0x1082;
	s9 =	sld [smem:$0x3FB7]  }
0x2f: {  	lr =	sadd.s32 s0, s3;
	s0 =	sld [smem:$0x3FAE]  }
0x30: {  	s3 =	sld [smem:$0x3FB1]  }
0x31: {  	[smem:$0x3FBA] =	sst s10  }
0x32: {  	s10 =	sld [smem:$0x3FB8];
	_ =	sdelay $0x3  }
0x33: {  	p0 =	seq.s32 s10, $0x1;
	s10 =	sld [smem:$0x3FBA];
	_ =	sdelay $0x3  }
0x34: {  	[smem:$0x3FBA] =	sst s10  }
0x35: {  	s10 =	sld [smem:$0x3FB9];
	_ =	sdelay $0x3  }
0x36: {  	p1 =	seq.s32 s10, $0x1;
	s10 =	sld [smem:$0x3FBA];
	_ =	sdelay $0x3  }
0x37: {  	[smem:$0x3FBA] =	sst s10  }
0x38: {  	s10 =	sld [smem:$0x3FBB]  }
0x39: {  	_ = 	snop;
	(pc) =	sbr.ind lr, $3  }
0x3a: {  	_ = 	snop  }
0x3b: {  	_ = 	snop  }
0x3c: {  	p2 =	seq.s32 s10, $0x1;
	s10 =	sld [smem:$0x3FBA]  }
0x3d: {  	_ =	shalt  }
0x3e: {  	_ =	shalt  }
0x3f: {  	_ =	shalt  }
0x40: {  	_ =	shalt  }
0x41: {  	_ =	shalt  }
0x42: {  	_ =	shalt  }
0x43: {  	_ =	shalt  }
0x44: {  	_ =	shalt  }
0x45: {  	_ =	shalt  }
0x46: {  	_ =	shalt  }
0x47: {  	_ =	shalt  }
0x48: {  	_ =	shalt  }
0x49: {  	_ =	shalt  }
0x4a: {  	_ =	shalt  }
0x4b: {  	_ =	shalt  }
0x4c: {  	_ =	shalt  }
0x4d: {  	_ =	shalt  }
0x4e: {  	_ =	shalt  }
0x4f: {  	_ =	shalt  }
0x50: {  	_ =	shalt  }
0x51: {  	_ =	shalt  }
0x52: {  	_ =	shalt  }
0x53: {  	_ =	shalt  }
0x54: {  	_ =	shalt  }
0x55: {  	_ =	shalt  }
0x56: {  	_ =	shalt  }
0x57: {  	_ =	shalt  }
0x58: {  	_ =	shalt  }
0x59: {  	_ =	shalt  }
0x5a: {  	_ =	shalt  }
0x5b: {  	_ =	shalt  }
0x5c: {  	_ =	shalt  }
0x5d: {  	_ =	shalt  }
0x5e: {  	_ =	shalt  }
0x5f: {  	_ =	shalt  }
0x60: {  	_ =	shalt  }
0x61: {  	_ =	shalt  }
0x62: {  	_ =	shalt  }
0x63: {  	_ =	shalt  }
0x64: {  	_ =	shalt  }
0x65: {  	_ =	shalt  }
0x66: {  	_ =	shalt  }
0x67: {  	_ =	shalt  }
0x68: {  	_ =	shalt  }
0x69: {  	_ =	shalt  }
0x6a: {  	_ =	shalt  }
0x6b: {  	_ =	shalt  }
0x6c: {  	_ =	shalt  }
0x6d: {  	_ =	shalt  }
0x6e: {  	_ =	shalt  }
0x6f: {  	_ =	shalt  }
0x70: {  	_ =	shalt  }
0x71: {  	_ =	shalt  }
0x72: {  	_ =	shalt  }
0x73: {  	_ =	shalt  }
0x74: {  	_ =	shalt  }
0x75: {  	_ =	shalt  }
0x76: {  	_ =	shalt  }
0x77: {  	_ =	shalt  }
0x78: {  	_ =	shalt  }
0x79: {  	_ =	shalt  }
0x7a: {  	_ =	shalt  }
0x7b: {  	_ =	shalt  }
0x7c: {  	_ =	shalt  }
0x7d: {  	_ =	shalt  }
0x7e: {  	_ =	shalt  }
0x7f: {  	_ =	shalt  }
0x80: {  	_ =	shalt  }
0x81: {  	_ =	shalt  }
0x82: {  	_ =	shalt  }
0x83: {  	_ =	shalt  }
0x84: {  	_ =	shalt  }
0x85: {  	_ =	shalt  }
0x86: {  	_ =	shalt  }
0x87: {  	_ =	shalt  }
.Lfunc_end0:
.L_simem_size_0:
called_computation_lowered:
.L_overlay_start_0:
0x88: {  	s2 =	sld [smem:$0x3FD9]  }
0x89: {  	s3 =	sld [smem:$0x3FFE];
	_ =	sdelay $0x1  }
0x8a: {  	s1 =	srdreg.scid  }
0x8b: {  	s0 =	sand.u32 $0x1, s1  }
0x8c: {  	s17 =	sshll.u32 s0, $0xA;
	s2 =	sadd.s32 s3, s2  }
0x8d: {  	s2 =	sadd.s32 s2, s17  }
0x8e: {  	[smem:$0x3FC6] =	sst s2  }
0x8f: {  	_ = 	snop  }
0x90: {  	s2 =	sld [smem:$0x3FC9]  }
0x91: {  	s18 =	sld [smem:$0x3FC8];
	(tm) =	ssettm $0x1  }
0x92: {  	s4 =	sld [smem:$0x3FFB];
	_ =	sdelay $0x3  }
0x93: {  	_ =	strace s4  }
0x94: {  	s4 =	sld [smem:$0x3FFC];
	_ =	sdelay $0x3  }
0x95: {  	_ =	strace s4  }
0x96: {  	s4 =	sld [smem:$0x3FFD];
	_ =	sdelay $0x3  }
0x97: {  	_ =	strace s4  }
0x98: {  	_ =	strace $0x8FFFFFFF  }
0x99: {  	s19 =	sld [smem:$0x3FDB];
	_ =	sdelay $0x1  }
0x9a: {  	s5 =	simm.s32 $_scs_section_size  }
0x9b: {  	s6 =	simm.s32 $_size__tile_overlayer_lowered;
	s7 =	simm.s32 $_tile_overlayer_lowered  }
0x9c: {  	s22 =	simm.s32 $0x1BFF;
	s21 =	sshll.u32 s7, $0x1;
	s4 =	sadd.s32 s5, s19  }
0x9d: {  	s8 =	simm.s32 $0x0;
	s20 =	sshll.u32 s6, $0x1;
	s6 =	sadd.s32 s21, s4  }
0x9e: {  	[timem:s8], [sflag:s22] =	dma.local [hbm:s6], s20  }
0x9f: {  	_ =	swait.ge [sflag:s22], s20  }
0xa0: {  	s5 =	ssub.s32 $0x0, s20;
	[sflag:s22] =	ssyncset.done $0x0  }
0xa1: {  	[sflag:s22] =	ssyncadd.s32 s5;
	_ =	sdelay $0x1  }
0xa2: {  	s23 =	simm.s32 $0x1B8B  }
0xa3: {  	_ =	swait.ge [sflag:s23], $0x1  }
0xa4: {  	[sflag:s23] =	ssyncset.done $0x0  }
0xa5: {  	s25 =	simm.s32 $0x1B8E;
	s24 =	sld [smem:$0x3FFE];
	[sflag:s23] =	ssyncadd.s32 $0xFFFFFFFF  }
0xa6: {  	s26 =	simm.s32 $execute0_lowered;
	[smem:$0x3FD2] =	sst s25  }
0xa7: {  	s6 =	sshll.u32 s26, $0x1;
	_ =	strace $0x80000046;
	[dreg:$0x1] =	wrdreg $0xFFFFFFFF  }
0xa8: {  	s28 =	simm.s32 $_size_execute0_lowered;
	s4 =	sadd.s32 s4, s6;
	[dreg:$0x0] =	wrdreg $0x0  }
0xa9: {  	s6 =	sshll.u32 s28, $0x1;
	[dreg:$0x2] =	wrdreg s4  }
0xaa: {  	[dreg:$0x3] =	wrdreg s6  }
0xab: {  	[dreg:$0x4] =	wrdreg $0xC0  }
0xac: {  	_ =	task [dreg:s8], $0x5FFFF  }
0xad: {  	[dreg:$0x1] =	wrdreg $0xFFFFFFFF  }
0xae: {  	[dreg:$0x0] =	wrdreg $0x60  }
0xaf: {  	[dreg:$0x2] =	wrdreg s2  }
0xb0: {  	[dreg:$0x3] =	wrdreg s18  }
0xb1: {  	[dreg:$0x4] =	wrdreg s24  }
0xb2: {  	[dreg:$0x5] =	wrdreg $0x9  }
0xb3: {  	_ =	task.clear_ibuf [dreg:s8], $0x6FFFF;
	_ =	strace $0x90000046  }
0xb4: {  	s29 =	simm.s32 $0x9;
	_ =	strace $0x80000048  }
0xb5: {  	_ =	swait.ge [sflag:s29], $0x1  }
0xb6: {  	[sflag:s29] =	ssyncadd.s32 $0xFFFFFFFF  }
0xb7: {  	_ =	strace $0x90000048  }
0xb8: {  	_ =	sfence  }
0xb9: {  	s30 =	sld [smem:$0x0];
	_ =	sdelay $0x2  }
0xba: {  	s31 =	sshll.u32 s1, $0xD;
	s1 =	sshrl.u32 s1, $0x2  }
0xbb: {  	s3 =	sand.u32 $0x4000, s31;
	s1 =	sadd.s32 s1, s30  }
0xbc: {  	s0 =	sor.u32 s3, s0;
	s1 =	sshll.u32 s1, $0x11  }
0xbd: {  	s0 =	sor.u32 s1, s0  }
0xbe: {  	s0 =	sadd.s32 $0x8F2B, s0  }
0xbf: {  	[sflag:s0] =	ssyncadd.remote.s32 $0x1  }
0xc0: {  	_ =	sfence.sel $0xFFFF  }
0xc1: {  	[dreg:$0x0] =	wrdreg $0xFFFFFFFF;
	(pc) =	sbr.abs _section_cstart, $3  }
0xc2: {  	[dreg:$0x1] =	wrdreg $0xFFFFFFFF  }
0xc3: {  	_ =	task.clear_ibuf [dreg:s8], $0x2FFFF;
	_ =	strace $0x9FFFFFFF  }
0xc4: {  	(tm) =	ssettm $0x7FFFFFFF  }
0xc5: {  	_ =	shalt  }
tec
execute0_lowered:
.L_overlay_start_1:
0x0: {  	(tag) =	ssettag $0x1  }
0x1: {  	s0 =	srdreg.scid  }
0x2: {  	s0 =	sand.u32 $0x1, s0  }
0x3: {  	s2 =	stileid.u32;
	s1 =	sshll.u32 s0, $0x4  }
0x4: {  	s1 =	sor.u32 s2, s1  }
0x5: {  	s5 =	simm.s32 $0xF5;
	s3 =	smul.u32 $0xF4, s1  }
0x6: {  	s4 =	smin.u32 s1, $0x5;
	p0 =	slt.u32 s1, $0x5;
	s1 =	smul.u32 $0x30, s1  }
0x7: {  	s11 =	rddreg [dreg:$0x1];
	v0 =	vlaneseq.u32;
	s5 =	simm.s32 @!p0 $0xF4;
	s4 =	sadd.s32 s4, s3  }
0x8: {  	v3 =	vand.u32 $0x1, v0;
	s28 =	sadd.s32 $0x4010, s1;
	s7 =	sadd.s32 s5, s4;
	s5 =	simm.s32 $0x0  }
0x9: {  	v4 =	vmul.u32 $0x40, v3;
	s8 =	sor.u32 $0x4000, s1;
	s1 =	sadd.s32 $0x4020, s1;
	v3 =	vor.u32 s28, v0;
	[smem:$0x7FF] =	sst s5  }
0xa: {  	s26 =	rddreg [dreg:$0x2];
	v7 =	vmul.u32 $0x40, v0;
	_ =	strace $0x80000047;
	[tilespmem:$0x1FDF0] =	vst v3;
	v3 =	vor.u32 s1, v0  }
0xb: {  	[tilespmem:$0x1FE00] =	vst v3;
	v3 =	vor.u32 $0xFFFFFF80, v4  }
0xc: {  	[tilespmem:$0x1FE10] =	vst v3;
	v3 =	vor.u32 $0x1, v7  }
0xd: {  	[tilespmem:$0x1FE20] =	vst v3;
	v3 =	vor.u32 $0x2, v7  }
0xe: {  	[tilespmem:$0x1FE30] =	vst v3;
	v3 =	vor.u32 $0x3, v7  }
0xf: {  	[tilespmem:$0x1FE40] =	vst v3;
	v3 =	vor.u32 $0x4, v7  }
0x10: {  	[tilespmem:$0x1FE50] =	vst v3;
	v3 =	vor.u32 $0x5, v7  }
0x11: {  	[tilespmem:$0x1FE60] =	vst v3;
	v3 =	vor.u32 $0x6, v7  }
0x12: {  	[tilespmem:$0x1FE70] =	vst v3;
	v3 =	vor.u32 $0x7, v7  }
0x13: {  	[tilespmem:$0x1FE80] =	vst v3;
	v3 =	vor.u32 $0x8, v7  }
0x14: {  	[tilespmem:$0x1FE90] =	vst v3;
	v3 =	vor.u32 $0x9, v7  }
0x15: {  	[tilespmem:$0x1FEA0] =	vst v3;
	v3 =	vor.u32 $0xA, v7  }
0x16: {  	[tilespmem:$0x1FEB0] =	vst v3;
	v3 =	vor.u32 $0xB, v7  }
0x17: {  	[tilespmem:$0x1FEC0] =	vst v3;
	v3 =	vor.u32 $0xC, v7  }
0x18: {  	[tilespmem:$0x1FED0] =	vst v3;
	v3 =	vor.u32 $0xD, v7  }
0x19: {  	[tilespmem:$0x1FEE0] =	vst v3;
	v3 =	vor.u32 $0xE, v7  }
0x1a: {  	[tilespmem:$0x1FEF0] =	vst v3;
	v3 =	vor.u32 $0xF, v7  }
0x1b: {  	[tilespmem:$0x1FF00] =	vst v3;
	v3 =	vor.u32 $0x10, v7  }
0x1c: {  	[tilespmem:$0x1FF10] =	vst v3;
	v3 =	vor.u32 $0x11, v7  }
0x1d: {  	[tilespmem:$0x1FF20] =	vst v3;
	v3 =	vor.u32 $0x12, v7  }
0x1e: {  	[tilespmem:$0x1FF30] =	vst v3;
	v3 =	vor.u32 $0x13, v7  }
0x1f: {  	s0 =	ssub.s32 $0x2, s0;
	[tilespmem:$0x1FF40] =	vst v3;
	v3 =	vor.u32 $0x14, v7  }
0x20: {  	s20 =	simm.s32 $0x4000;
	s21 =	simm.s32 $0x4300;
	s10 =	sshrl.u32 s0, $0x1;
	[tilespmem:$0x1FF50] =	vst v3;
	v3 =	vor.u32 $0x15, v7  }
0x21: {  	s22 =	simm.s32 $0x1;
	s23 =	simm.s32 $0x1C700;
	s0 =	ssub.s32 s0, s10;
	[tilespmem:$0x1FF60] =	vst v3;
	v3 =	vor.u32 $0x16, v7  }
0x22: {  	s25 =	simm.s32 $0x4600;
	s0 =	smax.u32 s0, $0x1;
	s3 =	sshll.u32 s4, $0x7;
	[tilespmem:$0x1FF70] =	vst v3;
	v3 =	vor.u32 $0x17, v7  }
0x23: {  	v63 =	vor.u32 s8, v0;
	s8 =	sadd.s32 $0x600, s26;
	s6 =	sshll.u32 s7, $0x7;
	s7 =	sadd.s32 $0xFFFFFFFA, s7;
	[tilespmem:$0x1FF80] =	vst v3;
	v3 =	vor.u32 $0x18, v7  }
0x24: {  	s9 =	sadd.s32 $0x6, s4;
	s13 =	sadd.s32 $0xC, s4;
	s29 =	smin.u32 s4, s7;
	[tilespmem:$0x1FF90] =	vst v3;
	v3 =	vor.u32 $0x19, v7  }
0x25: {  	s26 =	simm.s32 $0x4680;
	v1 =	vmov s3;
	s3 =	sshll.u32 s28, $0x3;
	s2 =	sshll.u32 s29, $0x7;
	[tilespmem:$0x1FFA0] =	vst v3;
	v3 =	vor.u32 $0x1A, v7  }
.Ltmp0:
0x26: {  	s9 =	smin.u32 s9, s7;
	s2 =	sand.u32 $0x1FFFFF80, s2;
	[tilespmem:$0x1FFB0] =	vst v3;
	v3 =	vor.u32 $0x1B, v7;
	(pc) =	sbr.rel .LBB2_1-.Ltmp0, $4  }
0x27: {  	[dreg:$0x7] =	wrdreg s0;
	s30 =	sshll.u32 s9, $0x7;
	s2 =	sadd.s32 s11, s2;
	[tilespmem:$0x1FFC0] =	vst v3;
	v3 =	vor.u32 $0x1C, v7  }
0x28: {  	s31 =	sadd.s32 s8, s3;
	[dreg:$0x4] =	wrdreg s2;
	s2 =	sand.u32 $0x1FFFFF80, s30;
	[tilespmem:$0x1FFD0] =	vst v3;
	v3 =	vor.u32 $0x1D, v7  }
0x29: {  	s1 =	sshll.u32 s1, $0x3;
	[dreg:$0x6] =	wrdreg s31;
	s2 =	sadd.s32 s11, s2;
	[tilespmem:$0x1FFE0] =	vst v3;
	v3 =	vor.u32 $0x1E, v7  }
0x2a: {  	v8 =	vimm.s32 $0x0;
	v2 =	vmov s6;
	s12 =	sadd.s32 s8, s1;
	[dreg:$0x5] =	wrdreg s2;
	s2 =	simm.s32 $0x0;
	[tilespmem:$0x1FFF0] =	vst v3  }
.LBB2_38:
0x2b: {  	s1 =	simm.s32 $0x2  }
0x2c: {  	_ =	swait.ge [sflag:s1], $0xC00  }
0x2d: {  	[sflag:s1] =	ssyncset.done $0x0  }
0x2e: {  	[sflag:s1] =	ssyncadd.s32 $0xFFFFF400  }
0x2f: {  	_ =	swait.ge [sflag:s1], $0xC00  }
0x30: {  	[sflag:s1] =	ssyncset.done $0x0  }
0x31: {  	[sflag:s1] =	ssyncadd.s32 $0xFFFFF400  }
0x32: {  	_ =	swait.ge [sflag:s1], $0xC00  }
0x33: {  	[sflag:s1] =	ssyncset.done $0x0  }
0x34: {  	[sflag:s1] =	ssyncadd.s32 $0xFFFFF400  }
0x35: {  	_ =	swait.ge [sflag:s1], $0xC00  }
0x36: {  	s2 =	rddreg [dreg:$0x8]  }
0x37: {  	s0 =	rddreg [dreg:$0x7];
	s2 =	sadd.s32 $0x1, s2  }
0x38: {  	p0 =	sne.s32 s2, s0  }
.Ltmp1:
0x39: {  	_ = 	snop;
	(pc) =	sbr.rel @!p0 .LBB2_39-.Ltmp1, $3  }
0x3a: {  	_ =	sdelay $0x1  }
0x3b: {  	[sflag:s1] =	ssyncset.done $0x0  }
0x3c: {  	[sflag:s1] =	ssyncadd.s32 $0xFFFFF400  }
.LBB2_1:
0x3d: {  	[dreg:$0x8] =	wrdreg s2  }
0x3e: {  	s0 =	rddreg [dreg:$0x4]  }
0x3f: {  	s1 =	simm.s32 $0x7A1400;
	s31 =	simm.s32 $0x1800;
	s3 =	simm.s32 $0x4700  }
0x40: {  	[tilespmem:s3], [sflag:$0x1] =	stream.strided.gather [hbm4b:s0+s31], $0xC000, s1, s31, $0x38;
	[tilespmem:$0x1F700] =	vst v63  }
0x41: {  	s9 =	rddreg [dreg:$0x5];
	s10 =	simm.s32 $0x10700  }
0x42: {  	[tilespmem:s10], [sflag:$0x1] =	stream.strided.gather [hbm4b:s9+s31], $0xC000, s1, s31, $0x38;
	[tilespmem:$0x1F700] =	vst v63  }
0x43: {  	s11 =	rddreg [dreg:$0x0];
	s14 =	simm.s32 $0x3  }
0x44: {  	[tilespmem:s5], [sflag:$0x3] =	stream.linear.gather [hbm4b:s11+s5], $0x4000, $0x38;
	[tilespmem:$0x1F700] =	vst v63  }
0x45: {  	_ =	swait.ge [sflag:s14], $0x4000  }
0x46: {  	[sflag:s14] =	ssyncset.done $0x0  }
0x47: {  	[sflag:s14] =	ssyncadd.s32 $0xFFFFC000  }
0x48: {  	v3 =	vld [tilespmem:s5+$0x0];
	_ =	sdelay $0x4  }
0x49: {  	vm0 =	vge.s32 v3, v1;
	vm1 =	vlt.s32 v3, v2  }
0x4a: {  	vm0 =	vmand vm0, vm1  }
0x4b: {  	v5 =	vsel vm0, $0x1, v8  }
0x4c: {  	(xrf0) =	vadd.scan.msk.s32 $0xffff, v5;
	_ =	sdelay $0x2  }
0x4d: {  	v5 =	vmov s5  }
0x4e: {  	v5 =	vadd.s32 $0xFFFFFFFF, v5  }
0x4f: {  	v5 =	vbroadcast v5, $0x0  }
0x50: {  	v6, _, _ =	vpop (xrf0)  }
0x51: {  	v9 =	vadd.s32 v6, v5  }
0x52: {  	vm1 =	vlt.s32 v9, $0xBF  }
0x53: {  	v9 =	vnsel vm1, $0xBF, v9;
	_ =	sdelay $0x3  }
0x54: {  	s15 =	simm.s32 $0x1000  }
0x55: {  	s17 =	sand.u32 $0x70, s5;
	s16 =	sand.u32 $0x1F80, s15;
	[tilespmem:v9+s20+$0x0] =	vst.idx.msk vm0, v3;
	v3 =	vor.u32 s5, v0  }
0x56: {  	s1 =	sor.u32 s17, s16;
	[tilespmem:v9+s21+$0x0] =	vst.idx.msk vm0, v3  }
0x57: {  	v3 =	vld [tilespmem:s1+$0x0];
	_ =	sdelay $0x4  }
0x58: {  	vm0 =	vge.s32 v3, v1;
	vm1 =	vlt.s32 v3, v2  }
0x59: {  	vm0 =	vmand vm0, vm1  }
0x5a: {  	v9 =	vsel vm0, $0x1, v8  }
0x5b: {  	(xrf0) =	vadd.scan.msk.s32 $0xffff, v9;
	_ =	sdelay $0x5  }
0x5c: {  	v9, _, _ =	vpop (xrf0)  }
0x5d: {  	v10 =	vadd.s32 v9, v5  }
0x5e: {  	vm1 =	vlt.s32 v10, $0xBF  }
0x5f: {  	v10 =	vnsel vm1, $0xBF, v10  }
0x60: {  	v10 =	vadd.s32 $0xC0, v10;
	_ =	sdelay $0x3  }
0x61: {  	s18 =	simm.s32 $0x2000  }
0x62: {  	s19 =	sand.u32 $0x2F80, s18;
	[tilespmem:v10+s20+$0x0] =	vst.idx.msk vm0, v3;
	v3 =	vor.u32 s15, v0  }
0x63: {  	s0 =	sor.u32 s17, s19;
	[tilespmem:v10+s21+$0x0] =	vst.idx.msk vm0, v3  }
0x64: {  	v3 =	vld [tilespmem:s0+$0x0];
	_ =	sdelay $0x4  }
0x65: {  	vm0 =	vge.s32 v3, v1;
	vm1 =	vlt.s32 v3, v2  }
0x66: {  	vm0 =	vmand vm0, vm1  }
0x67: {  	v10 =	vsel vm0, $0x1, v8  }
0x68: {  	(xrf0) =	vadd.scan.msk.s32 $0xffff, v10;
	_ =	sdelay $0x5  }
0x69: {  	v10, _, _ =	vpop (xrf0)  }
0x6a: {  	v11 =	vadd.s32 v10, v5  }
0x6b: {  	vm1 =	vlt.s32 v11, $0xBF  }
0x6c: {  	v11 =	vnsel vm1, $0xBF, v11  }
0x6d: {  	v11 =	vadd.s32 $0x180, v11;
	_ =	sdelay $0x3  }
0x6e: {  	s24 =	simm.s32 $0x3000  }
0x6f: {  	s28 =	sand.u32 $0x3F80, s24;
	[tilespmem:v11+s20+$0x0] =	vst.idx.msk vm0, v3;
	v3 =	vor.u32 s18, v0  }
0x70: {  	s1 =	sor.u32 s17, s28;
	[tilespmem:v11+s21+$0x0] =	vst.idx.msk vm0, v3  }
0x71: {  	v3 =	vld [tilespmem:s1+$0x0];
	_ =	sdelay $0x4  }
0x72: {  	vm0 =	vge.s32 v3, v1;
	vm1 =	vlt.s32 v3, v2  }
0x73: {  	vm0 =	vmand vm0, vm1  }
0x74: {  	v11 =	vsel vm0, $0x1, v8  }
0x75: {  	(xrf0) =	vadd.scan.msk.s32 $0xffff, v11;
	_ =	sdelay $0x1  }
0x76: {  	(v2sf) =	vpush v6, $0xF  }
0x77: {  	(v2sf) =	vpush v9, $0xF  }
0x78: {  	(v2sf) =	vpush v10, $0xF;
	_ =	sdelay $0x1  }
0x79: {  	v6, _, _ =	vpop (xrf0)  }
0x7a: {  	v5 =	vadd.s32 v6, v5;
	(v2sf) =	vpush v6, $0xF  }
0x7b: {  	vm1 =	vlt.s32 v5, $0xBF  }
0x7c: {  	v5 =	vnsel vm1, $0xBF, v5  }
0x7d: {  	v5 =	vadd.s32 $0x240, v5;
	_ =	sdelay $0x4  }
0x7e: {  	[tilespmem:v5+s20+$0x0] =	vst.idx.msk vm0, v3;
	v3 =	vor.u32 s24, v0  }
0x7f: {  	s15 =	simm.s32 $0x10;
	[tilespmem:v5+s21+$0x0] =	vst.idx.msk vm0, v3  }
0x80: {  	s29 =	spop (v2sf);
	v10 =	vld [tilespmem:s15+$0x0]  }
0x81: {  	s30 =	spop (v2sf)  }
0x82: {  	s3 =	sadd.s32 $0x0, s29;
	s0 =	sadd.s32 $0x0, s30;
	s31 =	spop (v2sf)  }
0x83: {  	s1 =	sadd.s32 $0x0, s31;
	v3 =	vmov s3;
	v5 =	vmov s0  }
0x84: {  	s16 =	simm.s32 $0x0;
	v6 =	vadd.s32 $0xFFFFFFFF, v3;
	v5 =	vadd.s32 $0xFFFFFFFF, v5;
	v3 =	vmov s1  }
0x85: {  	s17 =	simm.s32 $0x20;
	s18 =	simm.s32 $0x10;
	v3 =	vadd.s32 $0xFFFFFFFF, v3;
	vm0 =	vge.s32 v10, v1;
	vm1 =	vlt.s32 v10, v2;
	s9 =	spop (v2sf)  }
.LBB2_2:
0x86: {  	p0 =	seq.s32 s17, $0xFF0  }
0x87: {  	vm0 =	vmand vm0, vm1;
	s16 =	sadd.s32 s16, s9;
	s9 =	smov.u32 s17;
	s17 =	sadd.s32 $0x10, s17  }
0x88: {  	v11 =	vsel vm0, $0x1, v8;
	v9 =	vmov s16  }
0x89: {  	v9 =	vadd.s32 $0xFFFFFFFF, v9;
	(xrf0) =	vadd.scan.msk.s32 $0xffff, v11;
	_ =	sdelay $0x4  }
0x8a: {  	v6 =	vbroadcast v6, $0x0  }
0x8b: {  	v11, _, _ =	vpop (xrf0)  }
0x8c: {  	v6 =	vadd.s32 v11, v6;
	(v2sf) =	vpush v11, $0xF  }
0x8d: {  	vm1 =	vlt.s32 v6, $0xBF  }
0x8e: {  	v6 =	vnsel vm1, $0xBF, v6;
	_ =	sdelay $0x3  }
0x8f: {  	s2 =	sadd.s32 $0x1000, s15  }
0x90: {  	s10 =	sand.u32 $0x70, s15;
	s14 =	sand.u32 $0x1F80, s2;
	[tilespmem:v6+s20+$0x0] =	vst.idx.msk vm0, v10;
	v10 =	vor.u32 s15, v0  }
0x91: {  	s14 =	sor.u32 s10, s14;
	[tilespmem:v6+s21+$0x0] =	vst.idx.msk vm0, v10  }
0x92: {  	v10 =	vld [tilespmem:s14+$0x0];
	_ =	sdelay $0x4  }
0x93: {  	vm0 =	vge.s32 v10, v1;
	vm1 =	vlt.s32 v10, v2  }
0x94: {  	vm0 =	vmand vm0, vm1;
	s14 =	spop (v2sf)  }
0x95: {  	s3 =	sadd.s32 s3, s14;
	v6 =	vsel vm0, $0x1, v8  }
0x96: {  	v11 =	vmov s3;
	(xrf0) =	vadd.scan.msk.s32 $0xffff, v6  }
0x97: {  	v6 =	vadd.s32 $0xFFFFFFFF, v11;
	_ =	sdelay $0x3  }
0x98: {  	v5 =	vbroadcast v5, $0x0  }
0x99: {  	v11, _, _ =	vpop (xrf0)  }
0x9a: {  	v5 =	vadd.s32 v11, v5;
	(v2sf) =	vpush v11, $0xF  }
0x9b: {  	vm1 =	vlt.s32 v5, $0xBF  }
0x9c: {  	v5 =	vnsel vm1, $0xBF, v5  }
0x9d: {  	v5 =	vadd.s32 $0xC0, v5;
	_ =	sdelay $0x3  }
0x9e: {  	s14 =	sadd.s32 $0x2000, s15  }
0x9f: {  	[tilespmem:v5+s20+$0x0] =	vst.idx.msk vm0, v10;
	v10 =	vor.u32 s2, v0;
	s2 =	sand.u32 $0x2F80, s14  }
0xa0: {  	[tilespmem:v5+s21+$0x0] =	vst.idx.msk vm0, v10;
	s2 =	sor.u32 s10, s2  }
0xa1: {  	v10 =	vld [tilespmem:s2+$0x0];
	_ =	sdelay $0x4  }
0xa2: {  	vm0 =	vge.s32 v10, v1;
	vm1 =	vlt.s32 v10, v2;
	s2 =	spop (v2sf)  }
0xa3: {  	s0 =	sadd.s32 s0, s2;
	vm0 =	vmand vm0, vm1  }
0xa4: {  	v5 =	vmov s0;
	v11 =	vsel vm0, $0x1, v8  }
0xa5: {  	v5 =	vadd.s32 $0xFFFFFFFF, v5;
	(xrf0) =	vadd.scan.msk.s32 $0xffff, v11;
	_ =	sdelay $0x4  }
0xa6: {  	v3 =	vbroadcast v3, $0x0  }
0xa7: {  	v11, _, _ =	vpop (xrf0)  }
0xa8: {  	v3 =	vadd.s32 v11, v3;
	(v2sf) =	vpush v11, $0xF  }
0xa9: {  	vm1 =	vlt.s32 v3, $0xBF  }
0xaa: {  	v3 =	vnsel vm1, $0xBF, v3  }
0xab: {  	v3 =	vadd.s32 $0x180, v3;
	_ =	sdelay $0x3  }
0xac: {  	s2 =	sadd.s32 $0x3000, s15;
	s15 =	smov.u32 s9  }
0xad: {  	s9 =	sand.u32 $0x3F80, s2;
	[tilespmem:v3+s20+$0x0] =	vst.idx.msk vm0, v10;
	v10 =	vor.u32 s14, v0  }
0xae: {  	s9 =	sor.u32 s10, s9;
	[tilespmem:v3+s21+$0x0] =	vst.idx.msk vm0, v10  }
0xaf: {  	v10 =	vld [tilespmem:s9+$0x0];
	_ =	sdelay $0x4  }
0xb0: {  	vm0 =	vge.s32 v10, v1;
	vm1 =	vlt.s32 v10, v2;
	s9 =	spop (v2sf)  }
0xb1: {  	s1 =	sadd.s32 s1, s9;
	vm0 =	vmand vm0, vm1  }
0xb2: {  	v3 =	vmov s1;
	v11 =	vsel vm0, $0x1, v8  }
0xb3: {  	v3 =	vadd.s32 $0xFFFFFFFF, v3;
	(xrf0) =	vadd.scan.msk.s32 $0xffff, v11;
	_ =	sdelay $0x4  }
0xb4: {  	v9 =	vbroadcast v9, $0x0  }
0xb5: {  	v11, _, _ =	vpop (xrf0)  }
0xb6: {  	v9 =	vadd.s32 v11, v9;
	(v2sf) =	vpush v11, $0xF  }
0xb7: {  	vm1 =	vlt.s32 v9, $0xBF  }
0xb8: {  	v9 =	vnsel vm1, $0xBF, v9  }
0xb9: {  	v9 =	vadd.s32 $0x240, v9;
	_ =	sdelay $0x4  }
0xba: {  	[tilespmem:v9+s20+$0x0] =	vst.idx.msk vm0, v10;
	v10 =	vor.u32 s2, v0  }
0xbb: {  	s18 =	sadd.s32 $0x10, s18;
	[tilespmem:v9+s21+$0x0] =	vst.idx.msk vm0, v10  }
0xbc: {  	v10 =	vld [tilespmem:s18+$0x0]  }
.Ltmp2:
0xbd: {  	(pc) =	sbr.rel @!p0 .LBB2_2-.Ltmp2, $2  }
0xbe: {  	_ =	sdelay $0x2  }
0xbf: {  	vm0 =	vge.s32 v10, v1;
	vm1 =	vlt.s32 v10, v2;
	s9 =	spop (v2sf)  }
0xc0: {  	vm0 =	vmand vm0, vm1  }
0xc1: {  	v9 =	vsel vm0, $0x1, v8  }
0xc2: {  	(xrf0) =	vadd.scan.msk.s32 $0xffff, v9;
	_ =	sdelay $0x4  }
0xc3: {  	v6 =	vbroadcast v6, $0x0  }
0xc4: {  	v9, _, _ =	vpop (xrf0)  }
0xc5: {  	v6 =	vadd.s32 v9, v6  }
0xc6: {  	vm6 =	vlt.s32 v6, $0xBF  }
0xc7: {  	v6 =	vnsel vm6, $0xBF, v6;
	_ =	sdelay $0x3  }
0xc8: {  	s2 =	sadd.s32 $0x1000, s15  }
0xc9: {  	s14 =	sand.u32 $0x70, s15;
	s10 =	sand.u32 $0x1F80, s2;
	[tilespmem:v6+s20+$0x0] =	vst.idx.msk vm0, v10;
	v10 =	vor.u32 s15, v0  }
0xca: {  	s10 =	sor.u32 s14, s10;
	[tilespmem:v6+s21+$0x0] =	vst.idx.msk vm0, v10  }
0xcb: {  	v6 =	vld [tilespmem:s10+$0x0];
	_ =	sdelay $0x4  }
0xcc: {  	vm7 =	vge.s32 v6, v1;
	vm8 =	vlt.s32 v6, v2  }
0xcd: {  	vm0 =	vmand vm7, vm8  }
0xce: {  	v10 =	vsel vm0, $0x1, v8  }
0xcf: {  	(xrf0) =	vadd.scan.msk.s32 $0xffff, v10;
	_ =	sdelay $0x4  }
0xd0: {  	v5 =	vbroadcast v5, $0x0  }
0xd1: {  	v10, _, _ =	vpop (xrf0)  }
0xd2: {  	v5 =	vadd.s32 v10, v5  }
0xd3: {  	vm9 =	vlt.s32 v5, $0xBF  }
0xd4: {  	v5 =	vnsel vm9, $0xBF, v5  }
0xd5: {  	v5 =	vadd.s32 $0xC0, v5;
	_ =	sdelay $0x3  }
0xd6: {  	s17 =	sadd.s32 $0x2000, s15  }
0xd7: {  	s18 =	sand.u32 $0x2F80, s17;
	[tilespmem:v5+s20+$0x0] =	vst.idx.msk vm0, v6;
	v6 =	vor.u32 s2, v0  }
0xd8: {  	s2 =	sor.u32 s14, s18;
	[tilespmem:v5+s21+$0x0] =	vst.idx.msk vm0, v6  }
0xd9: {  	v5 =	vld [tilespmem:s2+$0x0];
	_ =	sdelay $0x4  }
0xda: {  	vm10 =	vge.s32 v5, v1;
	vm11 =	vlt.s32 v5, v2  }
0xdb: {  	vm0 =	vmand vm10, vm11  }
0xdc: {  	v6 =	vsel vm0, $0x1, v8  }
0xdd: {  	(xrf0) =	vadd.scan.msk.s32 $0xffff, v6;
	_ =	sdelay $0x4  }
0xde: {  	v3 =	vbroadcast v3, $0x0  }
0xdf: {  	v6, _, _ =	vpop (xrf0)  }
0xe0: {  	v3 =	vadd.s32 v6, v3  }
0xe1: {  	vm12 =	vlt.s32 v3, $0xBF  }
0xe2: {  	v3 =	vnsel vm12, $0xBF, v3  }
0xe3: {  	v3 =	vadd.s32 $0x180, v3;
	_ =	sdelay $0x3  }
0xe4: {  	s19 =	sadd.s32 $0x3000, s15  }
0xe5: {  	s24 =	sand.u32 $0x3F80, s19;
	[tilespmem:v3+s20+$0x0] =	vst.idx.msk vm0, v5;
	v5 =	vor.u32 s17, v0  }
0xe6: {  	s2 =	sor.u32 s14, s24;
	[tilespmem:v3+s21+$0x0] =	vst.idx.msk vm0, v5  }
0xe7: {  	v3 =	vld [tilespmem:s2+$0x0];
	_ =	sdelay $0x4  }
0xe8: {  	vm13 =	vge.s32 v3, v1;
	vm14 =	vlt.s32 v3, v2  }
0xe9: {  	vm0 =	vmand vm13, vm14  }
0xea: {  	v5 =	vsel vm0, $0x1, v8  }
0xeb: {  	(xrf0) =	vadd.scan.msk.s32 $0xffff, v5;
	_ =	sdelay $0x2  }
0xec: {  	(v2sf) =	vpush v9, $0xF  }
0xed: {  	(v2sf) =	vpush v10, $0xF;
	_ =	sdelay $0x1  }
0xee: {  	(v2sf) =	vpush v6, $0xF;
	v5, _, _ =	vpop (xrf0)  }
0xef: {  	(v2sf) =	vpush v5, $0xF;
	_ =	sdelay $0x3  }
0xf0: {  	s28 =	sadd.s32 s16, s9  }
0xf1: {  	v6 =	vmov s28  }
0xf2: {  	v6 =	vadd.s32 $0xFFFFFFFF, v6  }
0xf3: {  	v6 =	vbroadcast v6, $0x0;
	_ =	sdelay $0x1  }
0xf4: {  	v5 =	vadd.s32 v5, v6  }
0xf5: {  	vm15 =	vlt.s32 v5, $0xBF  }
0xf6: {  	s11 =	spop (v2sf);
	v5 =	vnsel vm15, $0xBF, v5  }
0xf7: {  	s14 =	spop (v2sf);
	v5 =	vadd.s32 $0x240, v5  }
0xf8: {  	s9 =	sadd.s32 s0, s14;
	s2 =	sadd.s32 s3, s11  }
0xf9: {  	s0 =	simm.s32 $0x0;
	s18 =	sadd.s32 $0xF, s2;
	s16 =	spop (v2sf)  }
.Ltmp3:
0xfa: {  	s29 =	sshrl.u32 s18, $0x4;
	s17 =	spop (v2sf);
	(pc) =	sbr.rel .LBB2_4-.Ltmp3, $4  }
0xfb: {  	p0 =	seq.s32 s29, $0x0;
	s1 =	sadd.s32 s1, s16;
	s10 =	sadd.s32 s28, s17  }
0xfc: {  	s24 =	sadd.s32 $0xF, s1;
	[tilespmem:v5+s20+$0x0] =	vst.idx.msk vm0, v3;
	v3 =	vor.u32 s19, v0;
	s19 =	sadd.s32 $0xF, s9;
	s28 =	sadd.s32 $0xF, s10  }
0xfd: {  	v42 =	vmov s9;
	s31 =	sshrl.u32 s24, $0x4;
	s30 =	sshrl.u32 s19, $0x4;
	s3 =	sshrl.u32 s28, $0x4  }
0xfe: {  	v41 =	vmov s2;
	v43 =	vmov s1;
	p2 =	seq.s32 s31, $0x0;
	[tilespmem:v5+s21+$0x0] =	vst.idx.msk vm0, v3;
	p1 =	seq.s32 s30, $0x0;
	v44 =	vmov s10;
	p3 =	seq.s32 s3, $0x0  }
.LBB2_33:
0xff: {  	s2 =	sadd.s32 $0x1CB00, s18;
	s9 =	rddreg [dreg:$0x6]  }
0x100: {  	[hbm4b:s9+s5] =	stream.linear.scatter [tilespmem:s2], [sflag:$0x2], $0x400, $0x38;
	[tilespmem:$0x1F700] =	vst v63  }
.LBB2_34:
0x101: {  	s2 =	sadd.s32 $0x1CF00, s18  }
0x102: {  	[hbm4b:s12+s5] =	stream.linear.scatter [tilespmem:s2], [sflag:$0x2], $0x400, $0x38;
	[tilespmem:$0x1F700] =	vst v63  }
.LBB2_37:
0x103: {  	p4 =	sgt.u32 s0, $0x26  }
0x104: {  	s1 =	sadd.s32 @!p4 s1, s13  }
0x105: {  	p5 =	slt.s32 @!p4 s1, s7  }
0x106: {  	p5 =	por !p5, p4  }
0x107: {  	s1 =	smov.u32 @p5 s7  }
0x108: {  	s1 =	sshll.u32 @!p4 s1, $0x7  }
0x109: {  	s2 =	rddreg [dreg:$0x1];
	s0 =	sadd.s32 $0x1, s0;
	s1 =	sand.u32 @!p4 $0x1FFFFF80, s1  }
0x10a: {  	s9 =	simm.s32 @!p4 $0x7A1400;
	s1 =	sadd.s32 @!p4 s2, s1;
	s2 =	simm.s32 @!p4 $0x1800  }
0x10b: {  	[tilespmem:s17], [sflag:$0x1] =	stream.strided.gather @!p4 [hbm4b:s1+s2], $0xC000, s9, s2, $0x38;
	[tilespmem:$0x1F700] =	vst v63  }
0x10c: {  	p4 =	sne.s32 s0, $0x29  }
.Ltmp4:
0x10d: {  	_ = 	snop;
	(pc) =	sbr.rel @!p4 .LBB2_38-.Ltmp4, $1  }
0x10e: {  	_ =	sdelay $0x3  }
.LBB2_4:
0x10f: {  	s1 =	smul.u32 $0x6, s0  }
.Ltmp5:
0x110: {  	_ = 	snop;
	(pc) =	sbr.rel @p0 .LBB2_11-.Ltmp5, $4  }
0x111: {  	v3 =	vimm.s32 $0x7FFFFFF0;
	s17 =	sadd.s32 s4, s1  }
0x112: {  	[tilespmem:$0x4600] =	vst v3;
	s18 =	sshll.u32 s17, $0x7  }
0x113: {  	[tilespmem:$0x4610] =	vst v3;
	s2 =	sadd.s32 $0x300, s18  }
0x114: {  	s19 =	simm.s32 $0x0;
	[tilespmem:$0x4620] =	vst v3;
	s15 =	smin.u32 s2, s6  }
0x115: {  	p5 =	sne.s32 s29, $0x1  }
.Ltmp6:
0x116: {  	_ = 	snop;
	(pc) =	sbr.rel @!p5 .LBB2_6-.Ltmp6, $3  }
0x117: {  	_ =	sdelay $0x1  }
0x118: {  	s2 =	simm.s32 $0x4000;
	s9 =	simm.s32 $0x4300  }
0x119: {  	v5 =	vmov s18;
	v6 =	vmov s15;
	s16 =	simm.s32 $0x0;
	p4 =	por $0x0, $0x0;
	v3 =	vld [tilespmem:s2+$0x0];
	s2 =	sadd.s32 $0xFFFFFFFF, s29  }
0x11a: {  	_ =	sdelay $0x2  }
0x11b: {  	v9 =	vor.u32 s16, v0  }
0x11c: {  	vm0 =	vlt.s32 v9, v41;
	vm1 =	vlt.s32 v3, v6  }
0x11d: {  	vm2 =	vge.s32 v3, v5;
	vm0 =	vmand vm0, vm1  }
0x11e: {  	vm0 =	vmand vm0, vm2  }
0x11f: {  	v9 =	vsel vm0, $0x1, v8  }
0x120: {  	(xrf0) =	vadd.scan.msk.s32 $0xffff, v9;
	_ =	sdelay $0x2  }
0x121: {  	v9 =	vmov s16  }
0x122: {  	v9 =	vadd.s32 $0xFFFFFFFF, v9  }
0x123: {  	v9 =	vbroadcast v9, $0x0  }
0x124: {  	v10, _, _ =	vpop (xrf0)  }
0x125: {  	v9 =	vadd.s32 v10, v9;
	(v2sf) =	vpush v10, $0xF  }
0x126: {  	vm15 =	vlt.s32 v9, $0x2F  }
0x127: {  	v9 =	vnsel vm15, $0x2F, v9  }
0x128: {  	v11 =	vld [tilespmem:s9+$0x0]  }
0x129: {  	p5 =	sne.s32 s2, $0x1  }
.Ltmp7:
0x12a: {  	_ = 	snop;
	(pc) =	sbr.rel @!p5 .LBB2_8-.Ltmp7, $4  }
0x12b: {  	_ = 	snop  }
0x12c: {  	[tilespmem:v9+s25+$0x0] =	vst.idx.msk vm0, v3  }
0x12d: {  	s24 =	simm.s32 $0x4010;
	s28 =	sadd.s32 $0xFFFFFFFF, s2;
	p4 =	por $0x1, $0x1;
	[tilespmem:v9+s26+$0x0] =	vst.idx.msk vm0, v11  }
0x12e: {  	s19 =	simm.s32 $0x0;
	s14 =	simm.s32 $0x0;
	s10 =	simm.s32 $0x4300;
	v3 =	vld [tilespmem:s24+$0x0]  }
.LBB2_9:
0x12f: {  	p5 =	sne.s32 s28, $0x1;
	_ =	sdelay $0x1  }
0x130: {  	s19 =	sadd.s32 $0x10, s19  }
0x131: {  	v9 =	vor.u32 s19, v0  }
0x132: {  	vm0 =	vlt.s32 v9, v41;
	vm1 =	vlt.s32 v3, v6  }
0x133: {  	vm2 =	vge.s32 v3, v5;
	vm0 =	vmand vm0, vm1;
	s2 =	spop (v2sf)  }
0x134: {  	vm0 =	vmand vm0, vm2;
	s14 =	sadd.s32 s14, s2  }
0x135: {  	v9 =	vsel vm0, $0x1, v8;
	v10 =	vmov s14  }
0x136: {  	v10 =	vadd.s32 $0xFFFFFFFF, v10;
	(xrf0) =	vadd.scan.msk.s32 $0xffff, v9  }
0x137: {  	v9 =	vbroadcast v10, $0x0;
	_ =	sdelay $0x4  }
0x138: {  	v10, _, _ =	vpop (xrf0)  }
0x139: {  	v9 =	vadd.s32 v10, v9;
	(v2sf) =	vpush v10, $0xF  }
0x13a: {  	vm1 =	vlt.s32 v9, $0x2F  }
0x13b: {  	s10 =	sadd.s32 $0x10, s10;
	v9 =	vnsel vm1, $0x2F, v9  }
0x13c: {  	v10 =	vld [tilespmem:s10+$0x0];
	_ =	sdelay $0x1  }
.Ltmp8:
0x13d: {  	(pc) =	sbr.rel @p5 .LBB2_9-.Ltmp8, $4  }
0x13e: {  	_ = 	snop  }
0x13f: {  	[tilespmem:v9+s25+$0x0] =	vst.idx.msk vm0, v3  }
0x140: {  	s24 =	sadd.s32 $0x10, s24;
	[tilespmem:v9+s26+$0x0] =	vst.idx.msk vm0, v10  }
0x141: {  	s28 =	sadd.s32 $0xFFFFFFFF, s28;
	v3 =	vld [tilespmem:s24+$0x0]  }
.LBB2_10:
0x142: {  	_ = 	snop  }
0x143: {  	s2 =	sadd.s32 @p4 $0x10, s19;
	s19 =	simm.s32 $0x0  }
0x144: {  	s19 =	smov.u32 @p4 s2  }
0x145: {  	v9 =	vor.u32 s19, v0  }
0x146: {  	vm0 =	vlt.s32 v9, v41;
	vm1 =	vlt.s32 v3, v6  }
0x147: {  	vm2 =	vge.s32 v3, v5;
	vm0 =	vmand vm0, vm1  }
0x148: {  	vm0 =	vmand vm0, vm2  }
0x149: {  	v5 =	vsel vm0, $0x1, v8  }
0x14a: {  	(xrf0) =	vadd.scan.msk.s32 $0xffff, v5;
	_ =	sdelay $0x5  }
0x14b: {  	v5, _, _ =	vpop (xrf0)  }
0x14c: {  	(v2sf) =	vpush v5, $0xF  }
0x14d: {  	s2 =	spop @p4 (v2sf)  }
0x14e: {  	s2 =	sadd.s32 @p4 s14, s2  }
0x14f: {  	s16 =	smov.u32 @p4 s2  }
0x150: {  	v6 =	vmov s16  }
0x151: {  	v6 =	vadd.s32 $0xFFFFFFFF, v6  }
0x152: {  	v6 =	vbroadcast v6, $0x0;
	_ =	sdelay $0x1  }
0x153: {  	v5 =	vadd.s32 v5, v6  }
0x154: {  	s2 =	sadd.s32 @p4 $0x10, s10;
	vm15 =	vlt.s32 v5, $0x2F  }
0x155: {  	s9 =	smov.u32 @p4 s2;
	v5 =	vnsel vm15, $0x2F, v5  }
0x156: {  	v6 =	vld [tilespmem:s9+$0x0];
	_ =	sdelay $0x3  }
0x157: {  	[tilespmem:v5+s25+$0x0] =	vst.idx.msk vm0, v3;
	s28 =	spop (v2sf)  }
0x158: {  	[tilespmem:v5+s26+$0x0] =	vst.idx.msk vm0, v6;
	s19 =	sadd.s32 s16, s28  }
.LBB2_11:
.Ltmp9:
0x159: {  	(pc) =	sbr.rel @p1 .LBB2_18-.Ltmp9, $1  }
0x15a: {  	_ =	sdelay $0x3  }
0x15b: {  	p5 =	sne.s32 s30, $0x1  }
.Ltmp10:
0x15c: {  	_ = 	snop;
	(pc) =	sbr.rel @!p5 .LBB2_13-.Ltmp10, $3  }
0x15d: {  	_ =	sdelay $0x1  }
0x15e: {  	s2 =	simm.s32 $0x40C0;
	s9 =	simm.s32 $0x43C0  }
0x15f: {  	v5 =	vmov s18;
	v6 =	vmov s15;
	s10 =	simm.s32 $0x0;
	p4 =	por $0x0, $0x0;
	v3 =	vld [tilespmem:s2+$0x0];
	s2 =	sadd.s32 $0xFFFFFFFF, s30  }
0x160: {  	_ =	sdelay $0x2  }
0x161: {  	v9 =	vor.u32 s10, v0  }
0x162: {  	vm0 =	vlt.s32 v9, v42;
	vm1 =	vlt.s32 v3, v6  }
0x163: {  	vm2 =	vge.s32 v3, v5;
	vm0 =	vmand vm0, vm1  }
0x164: {  	vm0 =	vmand vm0, vm2  }
0x165: {  	v9 =	vsel vm0, $0x1, v8  }
0x166: {  	(xrf0) =	vadd.scan.msk.s32 $0xffff, v9;
	_ =	sdelay $0x2  }
0x167: {  	v9 =	vmov s19  }
0x168: {  	v9 =	vadd.s32 $0xFFFFFFFF, v9  }
0x169: {  	v9 =	vbroadcast v9, $0x0  }
0x16a: {  	v10, _, _ =	vpop (xrf0)  }
0x16b: {  	v9 =	vadd.s32 v10, v9;
	(v2sf) =	vpush v10, $0xF  }
0x16c: {  	vm15 =	vlt.s32 v9, $0x2F  }
0x16d: {  	v9 =	vnsel vm15, $0x2F, v9  }
0x16e: {  	v11 =	vld [tilespmem:s9+$0x0]  }
0x16f: {  	p5 =	sne.s32 s2, $0x1  }
.Ltmp11:
0x170: {  	_ = 	snop;
	(pc) =	sbr.rel @!p5 .LBB2_15-.Ltmp11, $4  }
0x171: {  	_ = 	snop  }
0x172: {  	[tilespmem:v9+s25+$0x0] =	vst.idx.msk vm0, v3  }
0x173: {  	s28 =	simm.s32 $0x40D0;
	s2 =	sadd.s32 $0xFFFFFFFF, s2;
	p4 =	por $0x1, $0x1;
	[tilespmem:v9+s26+$0x0] =	vst.idx.msk vm0, v11  }
0x174: {  	s24 =	simm.s32 $0x0;
	s16 =	smov.u32 s19;
	s14 =	simm.s32 $0x43C0;
	v3 =	vld [tilespmem:s28+$0x0]  }
.LBB2_16:
0x175: {  	p5 =	sne.s32 s2, $0x1;
	_ =	sdelay $0x1  }
0x176: {  	s24 =	sadd.s32 $0x10, s24  }
0x177: {  	v9 =	vor.u32 s24, v0  }
0x178: {  	vm0 =	vlt.s32 v9, v42;
	vm1 =	vlt.s32 v3, v6  }
0x179: {  	vm2 =	vge.s32 v3, v5;
	vm0 =	vmand vm0, vm1;
	s11 =	spop (v2sf)  }
0x17a: {  	vm0 =	vmand vm0, vm2;
	s16 =	sadd.s32 s16, s11  }
0x17b: {  	v9 =	vsel vm0, $0x1, v8;
	v10 =	vmov s16  }
0x17c: {  	v10 =	vadd.s32 $0xFFFFFFFF, v10;
	(xrf0) =	vadd.scan.msk.s32 $0xffff, v9  }
0x17d: {  	v9 =	vbroadcast v10, $0x0;
	_ =	sdelay $0x4  }
0x17e: {  	v10, _, _ =	vpop (xrf0)  }
0x17f: {  	v9 =	vadd.s32 v10, v9;
	(v2sf) =	vpush v10, $0xF  }
0x180: {  	vm1 =	vlt.s32 v9, $0x2F  }
0x181: {  	s14 =	sadd.s32 $0x10, s14;
	v9 =	vnsel vm1, $0x2F, v9  }
0x182: {  	v10 =	vld [tilespmem:s14+$0x0];
	_ =	sdelay $0x1  }
.Ltmp12:
0x183: {  	(pc) =	sbr.rel @p5 .LBB2_16-.Ltmp12, $4  }
0x184: {  	_ = 	snop  }
0x185: {  	[tilespmem:v9+s25+$0x0] =	vst.idx.msk vm0, v3  }
0x186: {  	s28 =	sadd.s32 $0x10, s28;
	[tilespmem:v9+s26+$0x0] =	vst.idx.msk vm0, v10  }
0x187: {  	s2 =	sadd.s32 $0xFFFFFFFF, s2;
	v3 =	vld [tilespmem:s28+$0x0]  }
.LBB2_17:
0x188: {  	_ = 	snop  }
0x189: {  	s2 =	sadd.s32 @p4 $0x10, s24  }
0x18a: {  	s10 =	smov.u32 @p4 s2  }
0x18b: {  	v9 =	vor.u32 s10, v0  }
0x18c: {  	vm0 =	vlt.s32 v9, v42;
	vm1 =	vlt.s32 v3, v6  }
0x18d: {  	vm2 =	vge.s32 v3, v5;
	vm0 =	vmand vm0, vm1  }
0x18e: {  	vm0 =	vmand vm0, vm2  }
0x18f: {  	v5 =	vsel vm0, $0x1, v8  }
0x190: {  	(xrf0) =	vadd.scan.msk.s32 $0xffff, v5;
	_ =	sdelay $0x5  }
0x191: {  	v5, _, _ =	vpop (xrf0)  }
0x192: {  	(v2sf) =	vpush v5, $0xF  }
0x193: {  	s2 =	spop @p4 (v2sf)  }
0x194: {  	s2 =	sadd.s32 @p4 s16, s2  }
0x195: {  	s19 =	smov.u32 @p4 s2  }
0x196: {  	v6 =	vmov s19  }
0x197: {  	v6 =	vadd.s32 $0xFFFFFFFF, v6  }
0x198: {  	v6 =	vbroadcast v6, $0x0;
	_ =	sdelay $0x1  }
0x199: {  	v5 =	vadd.s32 v5, v6  }
0x19a: {  	s2 =	sadd.s32 @p4 $0x10, s14;
	vm15 =	vlt.s32 v5, $0x2F  }
0x19b: {  	s9 =	smov.u32 @p4 s2;
	v5 =	vnsel vm15, $0x2F, v5  }
0x19c: {  	v6 =	vld [tilespmem:s9+$0x0];
	_ =	sdelay $0x3  }
0x19d: {  	[tilespmem:v5+s25+$0x0] =	vst.idx.msk vm0, v3;
	s28 =	spop (v2sf)  }
0x19e: {  	[tilespmem:v5+s26+$0x0] =	vst.idx.msk vm0, v6;
	s19 =	sadd.s32 s19, s28  }
.LBB2_18:
.Ltmp13:
0x19f: {  	(pc) =	sbr.rel @p2 .LBB2_25-.Ltmp13, $1  }
0x1a0: {  	_ =	sdelay $0x3  }
0x1a1: {  	p5 =	sne.s32 s31, $0x1  }
.Ltmp14:
0x1a2: {  	_ = 	snop;
	(pc) =	sbr.rel @!p5 .LBB2_20-.Ltmp14, $3  }
0x1a3: {  	_ =	sdelay $0x1  }
0x1a4: {  	s10 =	simm.s32 $0x0  }
0x1a5: {  	v3 =	vmov s18;
	v5 =	vmov s15;
	s2 =	sadd.s32 $0xFFFFFFFF, s31;
	p4 =	por $0x0, $0x0;
	s9 =	sand.u32 $0xFFFFFFF0, s10  }
0x1a6: {  	v6 =	vld [tilespmem:s9+$0x4180];
	_ =	sdelay $0x3  }
0x1a7: {  	v9 =	vor.u32 s10, v0  }
0x1a8: {  	vm0 =	vlt.s32 v9, v43;
	vm1 =	vlt.s32 v6, v5  }
0x1a9: {  	vm2 =	vge.s32 v6, v3;
	vm0 =	vmand vm0, vm1  }
0x1aa: {  	vm0 =	vmand vm0, vm2  }
0x1ab: {  	v9 =	vsel vm0, $0x1, v8  }
0x1ac: {  	(xrf0) =	vadd.scan.msk.s32 $0xffff, v9;
	_ =	sdelay $0x2  }
0x1ad: {  	v9 =	vmov s19  }
0x1ae: {  	v9 =	vadd.s32 $0xFFFFFFFF, v9  }
0x1af: {  	v9 =	vbroadcast v9, $0x0  }
0x1b0: {  	v10, _, _ =	vpop (xrf0)  }
0x1b1: {  	v9 =	vadd.s32 v10, v9;
	(v2sf) =	vpush v10, $0xF  }
0x1b2: {  	vm15 =	vlt.s32 v9, $0x2F  }
0x1b3: {  	v9 =	vnsel vm15, $0x2F, v9  }
0x1b4: {  	v11 =	vld [tilespmem:s9+$0x4480];
	p5 =	sne.s32 s2, $0x1  }
.Ltmp15:
0x1b5: {  	_ = 	snop;
	(pc) =	sbr.rel @!p5 .LBB2_22-.Ltmp15, $3  }
0x1b6: {  	_ =	sdelay $0x1  }
0x1b7: {  	s10 =	simm.s32 $0x10;
	s2 =	sadd.s32 $0xFFFFFFFF, s2;
	[tilespmem:v9+s25+$0x0] =	vst.idx.msk vm0, v6  }
0x1b8: {  	p4 =	por $0x1, $0x1;
	s14 =	smov.u32 s19;
	s9 =	sand.u32 $0xFFFFFFF0, s10;
	[tilespmem:v9+s26+$0x0] =	vst.idx.msk vm0, v11  }
.LBB2_23:
0x1b9: {  	p5 =	sne.s32 s2, $0x1;
	v6 =	vld [tilespmem:s9+$0x4180];
	_ =	sdelay $0x3  }
0x1ba: {  	v9 =	vor.u32 s10, v0  }
0x1bb: {  	vm0 =	vlt.s32 v9, v43;
	vm1 =	vlt.s32 v6, v5  }
0x1bc: {  	vm2 =	vge.s32 v6, v3;
	vm0 =	vmand vm0, vm1;
	s11 =	spop (v2sf)  }
0x1bd: {  	vm0 =	vmand vm0, vm2;
	s14 =	sadd.s32 s14, s11  }
0x1be: {  	v9 =	vsel vm0, $0x1, v8;
	v10 =	vmov s14  }
0x1bf: {  	v10 =	vadd.s32 $0xFFFFFFFF, v10;
	(xrf0) =	vadd.scan.msk.s32 $0xffff, v9  }
0x1c0: {  	v9 =	vbroadcast v10, $0x0;
	_ =	sdelay $0x4  }
0x1c1: {  	v10, _, _ =	vpop (xrf0)  }
0x1c2: {  	v9 =	vadd.s32 v10, v9;
	(v2sf) =	vpush v10, $0xF  }
0x1c3: {  	vm1 =	vlt.s32 v9, $0x2F  }
0x1c4: {  	v9 =	vnsel vm1, $0x2F, v9  }
0x1c5: {  	v10 =	vld [tilespmem:s9+$0x4480]  }
.Ltmp16:
0x1c6: {  	(pc) =	sbr.rel @p5 .LBB2_23-.Ltmp16, $3  }
0x1c7: {  	_ =	sdelay $0x1  }
0x1c8: {  	s10 =	sadd.s32 $0x10, s10;
	[tilespmem:v9+s25+$0x0] =	vst.idx.msk vm0, v6  }
0x1c9: {  	s2 =	sadd.s32 $0xFFFFFFFF, s2;
	s9 =	sand.u32 $0xFFFFFFF0, s10;
	[tilespmem:v9+s26+$0x0] =	vst.idx.msk vm0, v10  }
.LBB2_24:
0x1ca: {  	v6 =	vld [tilespmem:s9+$0x4180];
	_ =	sdelay $0x3  }
0x1cb: {  	v9 =	vor.u32 s10, v0  }
0x1cc: {  	vm0 =	vlt.s32 v9, v43;
	vm1 =	vlt.s32 v6, v5  }
0x1cd: {  	vm2 =	vge.s32 v6, v3;
	vm0 =	vmand vm0, vm1  }
0x1ce: {  	vm0 =	vmand vm0, vm2  }
0x1cf: {  	v3 =	vsel vm0, $0x1, v8  }
0x1d0: {  	(xrf0) =	vadd.scan.msk.s32 $0xffff, v3;
	_ =	sdelay $0x5  }
0x1d1: {  	v3, _, _ =	vpop (xrf0)  }
0x1d2: {  	(v2sf) =	vpush v3, $0xF  }
0x1d3: {  	s2 =	spop @p4 (v2sf)  }
0x1d4: {  	s2 =	sadd.s32 @p4 s14, s2  }
0x1d5: {  	s19 =	smov.u32 @p4 s2  }
0x1d6: {  	v5 =	vmov s19  }
0x1d7: {  	v5 =	vadd.s32 $0xFFFFFFFF, v5  }
0x1d8: {  	v5 =	vbroadcast v5, $0x0;
	_ =	sdelay $0x1  }
0x1d9: {  	v3 =	vadd.s32 v3, v5  }
0x1da: {  	vm15 =	vlt.s32 v3, $0x2F  }
0x1db: {  	v3 =	vnsel vm15, $0x2F, v3  }
0x1dc: {  	v5 =	vld [tilespmem:s9+$0x4480];
	_ =	sdelay $0x3  }
0x1dd: {  	[tilespmem:v3+s25+$0x0] =	vst.idx.msk vm0, v6;
	s28 =	spop (v2sf)  }
0x1de: {  	[tilespmem:v3+s26+$0x0] =	vst.idx.msk vm0, v5;
	s19 =	sadd.s32 s19, s28  }
.LBB2_25:
.Ltmp17:
0x1df: {  	(pc) =	sbr.rel @p3 .LBB2_32-.Ltmp17, $1  }
0x1e0: {  	_ =	sdelay $0x3  }
0x1e1: {  	p5 =	sne.s32 s3, $0x1  }
.Ltmp18:
0x1e2: {  	_ = 	snop;
	(pc) =	sbr.rel @!p5 .LBB2_27-.Ltmp18, $3  }
0x1e3: {  	_ =	sdelay $0x1  }
0x1e4: {  	s2 =	simm.s32 $0x4240;
	s9 =	simm.s32 $0x4540  }
0x1e5: {  	v5 =	vmov s18;
	v6 =	vmov s15;
	s10 =	simm.s32 $0x0;
	p4 =	por $0x0, $0x0;
	v3 =	vld [tilespmem:s2+$0x0];
	s2 =	sadd.s32 $0xFFFFFFFF, s3  }
0x1e6: {  	_ =	sdelay $0x2  }
0x1e7: {  	v9 =	vor.u32 s10, v0  }
0x1e8: {  	vm0 =	vlt.s32 v9, v44;
	vm1 =	vlt.s32 v3, v6  }
0x1e9: {  	vm2 =	vge.s32 v3, v5;
	vm0 =	vmand vm0, vm1  }
0x1ea: {  	vm0 =	vmand vm0, vm2  }
0x1eb: {  	v9 =	vsel vm0, $0x1, v8  }
0x1ec: {  	(xrf0) =	vadd.scan.msk.s32 $0xffff, v9;
	_ =	sdelay $0x2  }
0x1ed: {  	v9 =	vmov s19  }
0x1ee: {  	v9 =	vadd.s32 $0xFFFFFFFF, v9  }
0x1ef: {  	v9 =	vbroadcast v9, $0x0  }
0x1f0: {  	v10, _, _ =	vpop (xrf0)  }
0x1f1: {  	v9 =	vadd.s32 v10, v9;
	(v2sf) =	vpush v10, $0xF  }
0x1f2: {  	vm15 =	vlt.s32 v9, $0x2F  }
0x1f3: {  	v9 =	vnsel vm15, $0x2F, v9  }
0x1f4: {  	v11 =	vld [tilespmem:s9+$0x0]  }
0x1f5: {  	p5 =	sne.s32 s2, $0x1  }
.Ltmp19:
0x1f6: {  	_ = 	snop;
	(pc) =	sbr.rel @!p5 .LBB2_29-.Ltmp19, $4  }
0x1f7: {  	_ = 	snop  }
0x1f8: {  	[tilespmem:v9+s25+$0x0] =	vst.idx.msk vm0, v3  }
0x1f9: {  	s24 =	simm.s32 $0x4250;
	s2 =	sadd.s32 $0xFFFFFFFF, s2;
	p4 =	por $0x1, $0x1;
	[tilespmem:v9+s26+$0x0] =	vst.idx.msk vm0, v11  }
0x1fa: {  	s18 =	simm.s32 $0x0;
	s16 =	smov.u32 s19;
	s14 =	simm.s32 $0x4540;
	v3 =	vld [tilespmem:s24+$0x0]  }
.LBB2_30:
0x1fb: {  	p5 =	sne.s32 s2, $0x1;
	_ =	sdelay $0x1  }
0x1fc: {  	s18 =	sadd.s32 $0x10, s18  }
0x1fd: {  	v9 =	vor.u32 s18, v0  }
0x1fe: {  	vm0 =	vlt.s32 v9, v44;
	vm1 =	vlt.s32 v3, v6  }
0x1ff: {  	vm2 =	vge.s32 v3, v5;
	vm0 =	vmand vm0, vm1;
	s11 =	spop (v2sf)  }
0x200: {  	vm0 =	vmand vm0, vm2;
	s16 =	sadd.s32 s16, s11  }
0x201: {  	v9 =	vsel vm0, $0x1, v8;
	v10 =	vmov s16  }
0x202: {  	v10 =	vadd.s32 $0xFFFFFFFF, v10;
	(xrf0) =	vadd.scan.msk.s32 $0xffff, v9  }
0x203: {  	v9 =	vbroadcast v10, $0x0;
	_ =	sdelay $0x4  }
0x204: {  	v10, _, _ =	vpop (xrf0)  }
0x205: {  	v9 =	vadd.s32 v10, v9;
	(v2sf) =	vpush v10, $0xF  }
0x206: {  	vm1 =	vlt.s32 v9, $0x2F  }
0x207: {  	s14 =	sadd.s32 $0x10, s14;
	v9 =	vnsel vm1, $0x2F, v9  }
0x208: {  	v10 =	vld [tilespmem:s14+$0x0];
	_ =	sdelay $0x1  }
.Ltmp20:
0x209: {  	(pc) =	sbr.rel @p5 .LBB2_30-.Ltmp20, $4  }
0x20a: {  	_ = 	snop  }
0x20b: {  	[tilespmem:v9+s25+$0x0] =	vst.idx.msk vm0, v3  }
0x20c: {  	s24 =	sadd.s32 $0x10, s24;
	[tilespmem:v9+s26+$0x0] =	vst.idx.msk vm0, v10  }
0x20d: {  	s2 =	sadd.s32 $0xFFFFFFFF, s2;
	v3 =	vld [tilespmem:s24+$0x0]  }
.LBB2_31:
0x20e: {  	_ = 	snop  }
0x20f: {  	s2 =	sadd.s32 @p4 $0x10, s18  }
0x210: {  	s10 =	smov.u32 @p4 s2  }
0x211: {  	v9 =	vor.u32 s10, v0  }
0x212: {  	vm0 =	vlt.s32 v9, v44;
	vm1 =	vlt.s32 v3, v6  }
0x213: {  	vm2 =	vge.s32 v3, v5;
	vm0 =	vmand vm0, vm1  }
0x214: {  	vm0 =	vmand vm0, vm2  }
0x215: {  	v5 =	vsel vm0, $0x1, v8  }
0x216: {  	(xrf0) =	vadd.scan.msk.s32 $0xffff, v5;
	_ =	sdelay $0x5  }
0x217: {  	v5, _, _ =	vpop (xrf0)  }
0x218: {  	(v2sf) =	vpush v5, $0xF  }
0x219: {  	s2 =	spop @p4 (v2sf)  }
0x21a: {  	s2 =	sadd.s32 @p4 s16, s2  }
0x21b: {  	s19 =	smov.u32 @p4 s2  }
0x21c: {  	v6 =	vmov s19  }
0x21d: {  	v6 =	vadd.s32 $0xFFFFFFFF, v6  }
0x21e: {  	v6 =	vbroadcast v6, $0x0;
	_ =	sdelay $0x1  }
0x21f: {  	v5 =	vadd.s32 v5, v6  }
0x220: {  	s2 =	sadd.s32 @p4 $0x10, s14;
	vm15 =	vlt.s32 v5, $0x2F  }
0x221: {  	s9 =	smov.u32 @p4 s2;
	v5 =	vnsel vm15, $0x2F, v5  }
0x222: {  	v6 =	vld [tilespmem:s9+$0x0];
	_ =	sdelay $0x3  }
0x223: {  	[tilespmem:v5+s25+$0x0] =	vst.idx.msk vm0, v3;
	s28 =	spop (v2sf)  }
0x224: {  	[tilespmem:v5+s26+$0x0] =	vst.idx.msk vm0, v6;
	s19 =	sadd.s32 s19, s28  }
.LBB2_32:
0x225: {  	_ =	swait.ge [sflag:s22], $0xC000  }
0x226: {  	p4 =	slt.u32 s0, $0x4;
	[sflag:s22] =	ssyncset.done $0x0  }
0x227: {  	s2 =	simm.s32 @!p4 $0x2;
	[sflag:s22] =	ssyncadd.s32 $0xFFFF4000  }
0x228: {  	_ =	swait.ge @!p4 [sflag:s2], $0xC00  }
0x229: {  	[sflag:s2] =	ssyncset.done @!p4 $0x0  }
0x22a: {  	[sflag:s2] =	ssyncadd.s32 @!p4 $0xFFFFF400  }
0x22b: {  	v5 =	vld [tilespmem:$0x4600]  }
0x22c: {  	p4 =	slt.s32 s17, s7;
	s2 =	smov.u32 s7  }
0x22d: {  	s2 =	smov.u32 @p4 s17  }
0x22e: {  	s2 =	sshll.u32 s2, $0x7  }
0x22f: {  	v46 =	vmov s2  }
0x230: {  	v3 =	vsub.s32 v5, v46  }
0x231: {  	vm0 =	vgt.s32 v3, $0x0  }
0x232: {  	v3 =	vnsel vm0, $0x0, v3  }
0x233: {  	v9 =	vmin.u32 v3, $0x2FF  }
0x234: {  	v3 =	vshll.u32 v9, $0x3  }
0x235: {  	v6 =	vand.u32 $0x7F, v9;
	v10 =	vand.u32 $0x1C00, v3  }
0x236: {  	v12 =	vld [tilespmem:$0x1FE10];
	v3 =	vor.u32 v6, v10  }
0x237: {  	s18 =	sand.u32 $0x3, s0  }
0x238: {  	s9 =	sand.u32 $0x1, s0;
	s18 =	smul.u32 $0xC00, s18  }
0x239: {  	p4 =	seq.s32 s9, $0x1;
	s17 =	simm.s32 $0x10700  }
0x23a: {  	s17 =	simm.s32 @!p4 $0x4700;
	v6 =	vor.u32 s18, v7  }
0x23b: {  	v12 =	vand.u32 v12, v6;
	v11 =	vld.idx.msk [tilespmem:v3+s17+$0x0], $0xffff  }
0x23c: {  	v62 =	vld [tilespmem:$0x1FE20];
	v13 =	vor.u32 $0x80, v3;
	_ =	sdelay $0x3  }
0x23d: {  	v6 =	vld [tilespmem:$0x4680];
	[tilespmem:v12+s23+$0x0] =	vst.idx.msk $0xffff, v11  }
0x23e: {  	v12 =	vor.u32 s18, v62;
	v11 =	vld.idx.msk [tilespmem:v13+s17+$0x0], $0xffff  }
0x23f: {  	v17 =	vld [tilespmem:$0x1FE30];
	v16 =	vor.u32 $0x100, v3;
	_ =	sdelay $0x3  }
0x240: {  	[tilespmem:v12+s23+$0x0] =	vst.idx.msk $0xffff, v11  }
0x241: {  	v12 =	vor.u32 s18, v17;
	v11 =	vld.idx.msk [tilespmem:v16+s17+$0x0], $0xffff  }
0x242: {  	v19 =	vld [tilespmem:$0x1FE40];
	v18 =	vor.u32 $0x180, v3;
	_ =	sdelay $0x3  }
0x243: {  	[tilespmem:v12+s23+$0x0] =	vst.idx.msk $0xffff, v11  }
0x244: {  	v12 =	vor.u32 s18, v19;
	v11 =	vld.idx.msk [tilespmem:v18+s17+$0x0], $0xffff  }
0x245: {  	v21 =	vld [tilespmem:$0x1FE50];
	v20 =	vor.u32 $0x200, v3;
	_ =	sdelay $0x3  }
0x246: {  	[tilespmem:v12+s23+$0x0] =	vst.idx.msk $0xffff, v11  }
0x247: {  	v12 =	vor.u32 s18, v21;
	v11 =	vld.idx.msk [tilespmem:v20+s17+$0x0], $0xffff  }
0x248: {  	v23 =	vld [tilespmem:$0x1FE60];
	v22 =	vor.u32 $0x280, v3;
	_ =	sdelay $0x3  }
0x249: {  	[tilespmem:v12+s23+$0x0] =	vst.idx.msk $0xffff, v11  }
0x24a: {  	v12 =	vor.u32 s18, v23;
	v11 =	vld.idx.msk [tilespmem:v22+s17+$0x0], $0xffff  }
0x24b: {  	v25 =	vld [tilespmem:$0x1FE70];
	v24 =	vor.u32 $0x300, v3;
	_ =	sdelay $0x3  }
0x24c: {  	[tilespmem:v12+s23+$0x0] =	vst.idx.msk $0xffff, v11  }
0x24d: {  	v12 =	vor.u32 s18, v25;
	v11 =	vld.idx.msk [tilespmem:v24+s17+$0x0], $0xffff;
	_ =	sdelay $0x3  }
0x24e: {  	v9 =	vor.u32 v9, v10  }
0x24f: {  	v10 =	vor.u32 $0x380, v9;
	[tilespmem:v12+s23+$0x0] =	vst.idx.msk $0xffff, v11;
	v11 =	vld [tilespmem:$0x1FE80];
	_ =	sdelay $0x4  }
0x250: {  	v10 =	vld.idx.msk [tilespmem:v10+s17+$0x0], $0xffff;
	v11 =	vor.u32 s18, v11;
	_ =	sdelay $0x4  }
0x251: {  	v26 =	vadd.s32 $0x1800, v3;
	[tilespmem:v11+s23+$0x0] =	vst.idx.msk $0xffff, v10;
	v11 =	vld [tilespmem:$0x1FE90];
	_ =	sdelay $0x4  }
0x252: {  	v10 =	vld.idx.msk [tilespmem:v26+s17+$0x0], $0xffff;
	v11 =	vor.u32 s18, v11;
	_ =	sdelay $0x4  }
0x253: {  	v27 =	vadd.s32 $0x1880, v3;
	[tilespmem:v11+s23+$0x0] =	vst.idx.msk $0xffff, v10;
	v11 =	vld [tilespmem:$0x1FEA0];
	_ =	sdelay $0x4  }
0x254: {  	v10 =	vld.idx.msk [tilespmem:v27+s17+$0x0], $0xffff;
	v11 =	vor.u32 s18, v11;
	_ =	sdelay $0x4  }
0x255: {  	v28 =	vadd.s32 $0x1900, v3;
	[tilespmem:v11+s23+$0x0] =	vst.idx.msk $0xffff, v10;
	v11 =	vld [tilespmem:$0x1FEB0];
	_ =	sdelay $0x4  }
0x256: {  	v10 =	vld.idx.msk [tilespmem:v28+s17+$0x0], $0xffff;
	v11 =	vor.u32 s18, v11;
	_ =	sdelay $0x4  }
0x257: {  	v29 =	vadd.s32 $0x1980, v3;
	[tilespmem:v11+s23+$0x0] =	vst.idx.msk $0xffff, v10;
	v11 =	vld [tilespmem:$0x1FEC0];
	_ =	sdelay $0x4  }
0x258: {  	v10 =	vld.idx.msk [tilespmem:v29+s17+$0x0], $0xffff;
	v11 =	vor.u32 s18, v11;
	_ =	sdelay $0x4  }
0x259: {  	v30 =	vadd.s32 $0x1A00, v3;
	[tilespmem:v11+s23+$0x0] =	vst.idx.msk $0xffff, v10;
	v11 =	vld [tilespmem:$0x1FED0];
	_ =	sdelay $0x4  }
0x25a: {  	v10 =	vld.idx.msk [tilespmem:v30+s17+$0x0], $0xffff;
	v11 =	vor.u32 s18, v11;
	_ =	sdelay $0x4  }
0x25b: {  	v31 =	vadd.s32 $0x1A80, v3;
	[tilespmem:v11+s23+$0x0] =	vst.idx.msk $0xffff, v10;
	v11 =	vld [tilespmem:$0x1FEE0];
	_ =	sdelay $0x4  }
0x25c: {  	v10 =	vld.idx.msk [tilespmem:v31+s17+$0x0], $0xffff;
	v11 =	vor.u32 s18, v11;
	_ =	sdelay $0x4  }
0x25d: {  	v32 =	vadd.s32 $0x1B00, v3;
	[tilespmem:v11+s23+$0x0] =	vst.idx.msk $0xffff, v10;
	v11 =	vld [tilespmem:$0x1FEF0];
	_ =	sdelay $0x4  }
0x25e: {  	v10 =	vld.idx.msk [tilespmem:v32+s17+$0x0], $0xffff;
	v11 =	vor.u32 s18, v11;
	_ =	sdelay $0x4  }
0x25f: {  	v33 =	vadd.s32 $0x1B80, v3;
	[tilespmem:v11+s23+$0x0] =	vst.idx.msk $0xffff, v10;
	v11 =	vld [tilespmem:$0x1FF00];
	_ =	sdelay $0x4  }
0x260: {  	v10 =	vld.idx.msk [tilespmem:v33+s17+$0x0], $0xffff;
	v11 =	vor.u32 s18, v11;
	_ =	sdelay $0x4  }
0x261: {  	v34 =	vadd.s32 $0x3000, v3;
	[tilespmem:v11+s23+$0x0] =	vst.idx.msk $0xffff, v10;
	v11 =	vld [tilespmem:$0x1FF10];
	_ =	sdelay $0x4  }
0x262: {  	v10 =	vld.idx.msk [tilespmem:v34+s17+$0x0], $0xffff;
	v11 =	vor.u32 s18, v11;
	_ =	sdelay $0x4  }
0x263: {  	v35 =	vadd.s32 $0x3080, v3;
	[tilespmem:v11+s23+$0x0] =	vst.idx.msk $0xffff, v10;
	v11 =	vld [tilespmem:$0x1FF20];
	_ =	sdelay $0x4  }
0x264: {  	v10 =	vld.idx.msk [tilespmem:v35+s17+$0x0], $0xffff;
	v11 =	vor.u32 s18, v11;
	_ =	sdelay $0x4  }
0x265: {  	v36 =	vadd.s32 $0x3100, v3;
	[tilespmem:v11+s23+$0x0] =	vst.idx.msk $0xffff, v10;
	v11 =	vld [tilespmem:$0x1FF30];
	_ =	sdelay $0x4  }
0x266: {  	v10 =	vld.idx.msk [tilespmem:v36+s17+$0x0], $0xffff;
	v11 =	vor.u32 s18, v11;
	_ =	sdelay $0x4  }
0x267: {  	v37 =	vadd.s32 $0x3180, v3;
	[tilespmem:v11+s23+$0x0] =	vst.idx.msk $0xffff, v10;
	v11 =	vld [tilespmem:$0x1FF40];
	_ =	sdelay $0x4  }
0x268: {  	v10 =	vld.idx.msk [tilespmem:v37+s17+$0x0], $0xffff;
	v11 =	vor.u32 s18, v11;
	_ =	sdelay $0x4  }
0x269: {  	v38 =	vadd.s32 $0x3200, v3;
	[tilespmem:v11+s23+$0x0] =	vst.idx.msk $0xffff, v10;
	v11 =	vld [tilespmem:$0x1FF50];
	_ =	sdelay $0x4  }
0x26a: {  	v10 =	vld.idx.msk [tilespmem:v38+s17+$0x0], $0xffff;
	v11 =	vor.u32 s18, v11;
	_ =	sdelay $0x4  }
0x26b: {  	v39 =	vadd.s32 $0x3280, v3;
	[tilespmem:v11+s23+$0x0] =	vst.idx.msk $0xffff, v10;
	v11 =	vld [tilespmem:$0x1FF60];
	_ =	sdelay $0x4  }
0x26c: {  	v10 =	vld.idx.msk [tilespmem:v39+s17+$0x0], $0xffff;
	v11 =	vor.u32 s18, v11;
	_ =	sdelay $0x4  }
0x26d: {  	v40 =	vadd.s32 $0x3300, v3;
	[tilespmem:v11+s23+$0x0] =	vst.idx.msk $0xffff, v10;
	v11 =	vld [tilespmem:$0x1FF70];
	_ =	sdelay $0x4  }
0x26e: {  	v10 =	vld.idx.msk [tilespmem:v40+s17+$0x0], $0xffff;
	v11 =	vor.u32 s18, v11;
	_ =	sdelay $0x4  }
0x26f: {  	v45 =	vadd.s32 $0x3380, v3;
	[tilespmem:v11+s23+$0x0] =	vst.idx.msk $0xffff, v10;
	v11 =	vld [tilespmem:$0x1FF80];
	_ =	sdelay $0x4  }
0x270: {  	v10 =	vld.idx.msk [tilespmem:v45+s17+$0x0], $0xffff;
	v11 =	vor.u32 s18, v11;
	_ =	sdelay $0x4  }
0x271: {  	v47 =	vadd.s32 $0x4800, v3;
	[tilespmem:v11+s23+$0x0] =	vst.idx.msk $0xffff, v10;
	v11 =	vld [tilespmem:$0x1FF90];
	_ =	sdelay $0x4  }
0x272: {  	v10 =	vld.idx.msk [tilespmem:v47+s17+$0x0], $0xffff;
	v11 =	vor.u32 s18, v11;
	_ =	sdelay $0x4  }
0x273: {  	v48 =	vadd.s32 $0x4880, v3;
	[tilespmem:v11+s23+$0x0] =	vst.idx.msk $0xffff, v10;
	v11 =	vld [tilespmem:$0x1FFA0];
	_ =	sdelay $0x4  }
0x274: {  	v10 =	vld.idx.msk [tilespmem:v48+s17+$0x0], $0xffff;
	v11 =	vor.u32 s18, v11;
	_ =	sdelay $0x4  }
0x275: {  	v49 =	vadd.s32 $0x4900, v3;
	[tilespmem:v11+s23+$0x0] =	vst.idx.msk $0xffff, v10;
	v11 =	vld [tilespmem:$0x1FFB0];
	_ =	sdelay $0x4  }
0x276: {  	v10 =	vld.idx.msk [tilespmem:v49+s17+$0x0], $0xffff;
	v11 =	vor.u32 s18, v11;
	_ =	sdelay $0x4  }
0x277: {  	v50 =	vadd.s32 $0x4980, v3;
	[tilespmem:v11+s23+$0x0] =	vst.idx.msk $0xffff, v10;
	v11 =	vld [tilespmem:$0x1FFC0];
	_ =	sdelay $0x4  }
0x278: {  	v10 =	vld.idx.msk [tilespmem:v50+s17+$0x0], $0xffff;
	v11 =	vor.u32 s18, v11;
	_ =	sdelay $0x4  }
0x279: {  	v51 =	vadd.s32 $0x4A00, v3;
	[tilespmem:v11+s23+$0x0] =	vst.idx.msk $0xffff, v10;
	v11 =	vld [tilespmem:$0x1FFD0];
	_ =	sdelay $0x4  }
0x27a: {  	v10 =	vld.idx.msk [tilespmem:v51+s17+$0x0], $0xffff;
	v11 =	vor.u32 s18, v11;
	_ =	sdelay $0x4  }
0x27b: {  	v52 =	vadd.s32 $0x4A80, v3;
	[tilespmem:v11+s23+$0x0] =	vst.idx.msk $0xffff, v10;
	v11 =	vld [tilespmem:$0x1FFE0];
	_ =	sdelay $0x4  }
0x27c: {  	v10 =	vld.idx.msk [tilespmem:v52+s17+$0x0], $0xffff;
	v11 =	vor.u32 s18, v11;
	_ =	sdelay $0x4  }
0x27d: {  	v53 =	vadd.s32 $0x4B00, v3;
	[tilespmem:v11+s23+$0x0] =	vst.idx.msk $0xffff, v10;
	v11 =	vld [tilespmem:$0x1FFF0];
	_ =	sdelay $0x4  }
0x27e: {  	v10 =	vld.idx.msk [tilespmem:v53+s17+$0x0], $0xffff;
	v11 =	vor.u32 s18, v11  }
0x27f: {  	v54 =	vadd.s32 $0x4B80, v3;
	_ =	sdelay $0x3  }
0x280: {  	[tilespmem:v11+s23+$0x0] =	vst.idx.msk $0xffff, v10;
	v10 =	vor.u32 $0x1F, v7  }
0x281: {  	v11 =	vld.idx.msk [tilespmem:v54+s17+$0x0], $0xffff;
	v10 =	vor.u32 s18, v10  }
0x282: {  	v55 =	vor.u32 $0x6000, v3;
	_ =	sdelay $0x3  }
0x283: {  	[tilespmem:v10+s23+$0x0] =	vst.idx.msk $0xffff, v11;
	v10 =	vor.u32 $0x20, v7  }
0x284: {  	v11 =	vld.idx.msk [tilespmem:v55+s17+$0x0], $0xffff;
	v10 =	vor.u32 s18, v10  }
0x285: {  	v56 =	vor.u32 $0x6080, v3;
	_ =	sdelay $0x3  }
0x286: {  	[tilespmem:v10+s23+$0x0] =	vst.idx.msk $0xffff, v11;
	v10 =	vor.u32 $0x21, v7  }
0x287: {  	v11 =	vld.idx.msk [tilespmem:v56+s17+$0x0], $0xffff;
	v10 =	vor.u32 s18, v10  }
0x288: {  	v57 =	vor.u32 $0x6100, v3;
	_ =	sdelay $0x3  }
0x289: {  	[tilespmem:v10+s23+$0x0] =	vst.idx.msk $0xffff, v11;
	v10 =	vor.u32 $0x22, v7  }
0x28a: {  	v11 =	vld.idx.msk [tilespmem:v57+s17+$0x0], $0xffff;
	v10 =	vor.u32 s18, v10  }
0x28b: {  	v58 =	vor.u32 $0x6180, v3;
	_ =	sdelay $0x3  }
0x28c: {  	[tilespmem:v10+s23+$0x0] =	vst.idx.msk $0xffff, v11;
	v10 =	vor.u32 $0x23, v7  }
0x28d: {  	v11 =	vld.idx.msk [tilespmem:v58+s17+$0x0], $0xffff;
	v10 =	vor.u32 s18, v10  }
0x28e: {  	v59 =	vor.u32 $0x6200, v3;
	_ =	sdelay $0x3  }
0x28f: {  	[tilespmem:v10+s23+$0x0] =	vst.idx.msk $0xffff, v11;
	v10 =	vor.u32 $0x24, v7  }
0x290: {  	v11 =	vld.idx.msk [tilespmem:v59+s17+$0x0], $0xffff;
	v10 =	vor.u32 s18, v10  }
0x291: {  	v60 =	vor.u32 $0x6280, v3;
	_ =	sdelay $0x3  }
0x292: {  	[tilespmem:v10+s23+$0x0] =	vst.idx.msk $0xffff, v11;
	v10 =	vor.u32 $0x25, v7  }
0x293: {  	v11 =	vld.idx.msk [tilespmem:v60+s17+$0x0], $0xffff;
	v10 =	vor.u32 s18, v10  }
0x294: {  	v61 =	vor.u32 $0x6300, v3;
	_ =	sdelay $0x3  }
0x295: {  	[tilespmem:v10+s23+$0x0] =	vst.idx.msk $0xffff, v11;
	v10 =	vor.u32 $0x26, v7  }
0x296: {  	v11 =	vld.idx.msk [tilespmem:v61+s17+$0x0], $0xffff;
	v10 =	vor.u32 s18, v10  }
0x297: {  	v9 =	vor.u32 $0x6380, v9;
	_ =	sdelay $0x3  }
0x298: {  	[tilespmem:v10+s23+$0x0] =	vst.idx.msk $0xffff, v11;
	v10 =	vor.u32 $0x27, v7  }
0x299: {  	v9 =	vld.idx.msk [tilespmem:v9+s17+$0x0], $0xffff;
	v10 =	vor.u32 s18, v10  }
0x29a: {  	v11 =	vadd.s32 $0x7800, v3;
	_ =	sdelay $0x3  }
0x29b: {  	[tilespmem:v10+s23+$0x0] =	vst.idx.msk $0xffff, v9;
	v9 =	vor.u32 $0x28, v7  }
0x29c: {  	v10 =	vld.idx.msk [tilespmem:v11+s17+$0x0], $0xffff;
	v9 =	vor.u32 s18, v9  }
0x29d: {  	v11 =	vadd.s32 $0x7880, v3;
	_ =	sdelay $0x3  }
0x29e: {  	[tilespmem:v9+s23+$0x0] =	vst.idx.msk $0xffff, v10;
	v9 =	vor.u32 $0x29, v7  }
0x29f: {  	v10 =	vld.idx.msk [tilespmem:v11+s17+$0x0], $0xffff;
	v9 =	vor.u32 s18, v9  }
0x2a0: {  	v11 =	vadd.s32 $0x7900, v3;
	_ =	sdelay $0x3  }
0x2a1: {  	[tilespmem:v9+s23+$0x0] =	vst.idx.msk $0xffff, v10;
	v9 =	vor.u32 $0x2A, v7  }
0x2a2: {  	v10 =	vld.idx.msk [tilespmem:v11+s17+$0x0], $0xffff;
	v9 =	vor.u32 s18, v9  }
0x2a3: {  	v11 =	vadd.s32 $0x7980, v3;
	_ =	sdelay $0x3  }
0x2a4: {  	[tilespmem:v9+s23+$0x0] =	vst.idx.msk $0xffff, v10;
	v9 =	vor.u32 $0x2B, v7  }
0x2a5: {  	v10 =	vld.idx.msk [tilespmem:v11+s17+$0x0], $0xffff;
	v9 =	vor.u32 s18, v9  }
0x2a6: {  	v11 =	vadd.s32 $0x7A00, v3;
	_ =	sdelay $0x3  }
0x2a7: {  	[tilespmem:v9+s23+$0x0] =	vst.idx.msk $0xffff, v10;
	v9 =	vor.u32 $0x2C, v7  }
0x2a8: {  	v10 =	vld.idx.msk [tilespmem:v11+s17+$0x0], $0xffff;
	v9 =	vor.u32 s18, v9  }
0x2a9: {  	v11 =	vadd.s32 $0x7A80, v3;
	_ =	sdelay $0x3  }
0x2aa: {  	[tilespmem:v9+s23+$0x0] =	vst.idx.msk $0xffff, v10;
	v9 =	vor.u32 $0x2D, v7  }
0x2ab: {  	v10 =	vld.idx.msk [tilespmem:v11+s17+$0x0], $0xffff;
	v9 =	vor.u32 s18, v9  }
0x2ac: {  	v11 =	vadd.s32 $0x7B00, v3;
	_ =	sdelay $0x3  }
0x2ad: {  	[tilespmem:v9+s23+$0x0] =	vst.idx.msk $0xffff, v10;
	v9 =	vor.u32 $0x2E, v7  }
0x2ae: {  	v10 =	vld.idx.msk [tilespmem:v11+s17+$0x0], $0xffff;
	v9 =	vor.u32 s18, v9  }
0x2af: {  	v11 =	vadd.s32 $0x7B80, v3;
	_ =	sdelay $0x3  }
0x2b0: {  	[tilespmem:v9+s23+$0x0] =	vst.idx.msk $0xffff, v10;
	v9 =	vor.u32 $0x2F, v7  }
0x2b1: {  	v10 =	vld.idx.msk [tilespmem:v11+s17+$0x0], $0xffff;
	v9 =	vor.u32 s18, v9  }
0x2b2: {  	v11 =	vadd.s32 $0x9000, v3;
	_ =	sdelay $0x3  }
0x2b3: {  	[tilespmem:v9+s23+$0x0] =	vst.idx.msk $0xffff, v10;
	v9 =	vor.u32 $0x30, v7  }
0x2b4: {  	v10 =	vld.idx.msk [tilespmem:v11+s17+$0x0], $0xffff;
	v9 =	vor.u32 s18, v9  }
0x2b5: {  	v11 =	vadd.s32 $0x9080, v3;
	_ =	sdelay $0x3  }
0x2b6: {  	[tilespmem:v9+s23+$0x0] =	vst.idx.msk $0xffff, v10;
	v9 =	vor.u32 $0x31, v7  }
0x2b7: {  	v10 =	vld.idx.msk [tilespmem:v11+s17+$0x0], $0xffff;
	v9 =	vor.u32 s18, v9  }
0x2b8: {  	v11 =	vadd.s32 $0x9100, v3;
	_ =	sdelay $0x3  }
0x2b9: {  	[tilespmem:v9+s23+$0x0] =	vst.idx.msk $0xffff, v10;
	v9 =	vor.u32 $0x32, v7  }
0x2ba: {  	v10 =	vld.idx.msk [tilespmem:v11+s17+$0x0], $0xffff;
	v9 =	vor.u32 s18, v9  }
0x2bb: {  	v11 =	vadd.s32 $0x9180, v3;
	_ =	sdelay $0x3  }
0x2bc: {  	[tilespmem:v9+s23+$0x0] =	vst.idx.msk $0xffff, v10;
	v9 =	vor.u32 $0x33, v7  }
0x2bd: {  	v10 =	vld.idx.msk [tilespmem:v11+s17+$0x0], $0xffff;
	v9 =	vor.u32 s18, v9  }
0x2be: {  	v11 =	vadd.s32 $0x9200, v3;
	_ =	sdelay $0x3  }
0x2bf: {  	[tilespmem:v9+s23+$0x0] =	vst.idx.msk $0xffff, v10;
	v9 =	vor.u32 $0x34, v7  }
0x2c0: {  	v10 =	vld.idx.msk [tilespmem:v11+s17+$0x0], $0xffff;
	v9 =	vor.u32 s18, v9  }
0x2c1: {  	v11 =	vadd.s32 $0x9280, v3;
	_ =	sdelay $0x3  }
0x2c2: {  	[tilespmem:v9+s23+$0x0] =	vst.idx.msk $0xffff, v10;
	v9 =	vor.u32 $0x35, v7  }
0x2c3: {  	v10 =	vld.idx.msk [tilespmem:v11+s17+$0x0], $0xffff;
	v9 =	vor.u32 s18, v9  }
0x2c4: {  	v11 =	vadd.s32 $0x9300, v3;
	_ =	sdelay $0x3  }
0x2c5: {  	[tilespmem:v9+s23+$0x0] =	vst.idx.msk $0xffff, v10;
	v9 =	vor.u32 $0x36, v7  }
0x2c6: {  	v10 =	vld.idx.msk [tilespmem:v11+s17+$0x0], $0xffff;
	v9 =	vor.u32 s18, v9  }
0x2c7: {  	v11 =	vadd.s32 $0x9380, v3;
	_ =	sdelay $0x3  }
0x2c8: {  	[tilespmem:v9+s23+$0x0] =	vst.idx.msk $0xffff, v10;
	v9 =	vor.u32 $0x37, v7  }
0x2c9: {  	v10 =	vld.idx.msk [tilespmem:v11+s17+$0x0], $0xffff;
	v9 =	vor.u32 s18, v9  }
0x2ca: {  	v11 =	vadd.s32 $0xA800, v3;
	_ =	sdelay $0x3  }
0x2cb: {  	[tilespmem:v9+s23+$0x0] =	vst.idx.msk $0xffff, v10;
	v9 =	vor.u32 $0x38, v7  }
0x2cc: {  	v10 =	vld.idx.msk [tilespmem:v11+s17+$0x0], $0xffff;
	v9 =	vor.u32 s18, v9  }
0x2cd: {  	v11 =	vadd.s32 $0xA880, v3;
	_ =	sdelay $0x3  }
0x2ce: {  	[tilespmem:v9+s23+$0x0] =	vst.idx.msk $0xffff, v10;
	v9 =	vor.u32 $0x39, v7  }
0x2cf: {  	v10 =	vld.idx.msk [tilespmem:v11+s17+$0x0], $0xffff;
	v9 =	vor.u32 s18, v9  }
0x2d0: {  	v11 =	vadd.s32 $0xA900, v3;
	_ =	sdelay $0x3  }
0x2d1: {  	[tilespmem:v9+s23+$0x0] =	vst.idx.msk $0xffff, v10;
	v9 =	vor.u32 $0x3A, v7  }
0x2d2: {  	v10 =	vld.idx.msk [tilespmem:v11+s17+$0x0], $0xffff;
	v9 =	vor.u32 s18, v9  }
0x2d3: {  	v11 =	vadd.s32 $0xA980, v3;
	_ =	sdelay $0x3  }
0x2d4: {  	[tilespmem:v9+s23+$0x0] =	vst.idx.msk $0xffff, v10;
	v9 =	vor.u32 $0x3B, v7  }
0x2d5: {  	v10 =	vld.idx.msk [tilespmem:v11+s17+$0x0], $0xffff;
	v9 =	vor.u32 s18, v9  }
0x2d6: {  	v11 =	vadd.s32 $0xAA00, v3;
	_ =	sdelay $0x3  }
0x2d7: {  	[tilespmem:v9+s23+$0x0] =	vst.idx.msk $0xffff, v10  }
0x2d8: {  	v10 =	vld.idx.msk [tilespmem:v11+s17+$0x0], $0xffff;
	v11 =	vshll.u32 v6, $0x1  }
0x2d9: {  	vm14 =	vgt.s32 v6, $0x1FFF;
	v6 =	vadd.s32 $0xFFFFC001, v11  }
0x2da: {  	vm15 =	vlt.s32 v5, s15;
	v6 =	vsel vm14, v6, v11  }
0x2db: {  	v9 =	vor.u32 $0x3C, v7;
	v5 =	vsel vm15, v6, v63  }
0x2dc: {  	v9 =	vor.u32 s18, v9;
	v5 =	vshll.u32 v5, $0x3  }
0x2dd: {  	v62 =	vadd.s32 $0xAA80, v3;
	(v2sf) =	vpush v5, $0x0;
	_ =	sdelay $0x1  }
0x2de: {  	(v2sf) =	vpush v5, $0x1;
	_ =	sdelay $0x1  }
0x2df: {  	v6 =	vor.u32 $0x3D, v7;
	[tilespmem:v9+s23+$0x0] =	vst.idx.msk $0xffff, v10;
	(v2sf) =	vpush v5, $0x2  }
0x2e0: {  	v6 =	vor.u32 s18, v6;
	v9 =	vld.idx.msk [tilespmem:v62+s17+$0x0], $0xffff  }
0x2e1: {  	v10 =	vadd.s32 $0xAB00, v3  }
0x2e2: {  	(v2sf) =	vpush v5, $0x3;
	_ =	sdelay $0x2  }
0x2e3: {  	[tilespmem:v6+s23+$0x0] =	vst.idx.msk $0xffff, v9;
	v6 =	vor.u32 $0x3E, v7  }
0x2e4: {  	v9 =	vld.idx.msk [tilespmem:v10+s17+$0x0], $0xffff;
	v6 =	vor.u32 s18, v6  }
0x2e5: {  	v3 =	vadd.s32 $0xAB80, v3;
	_ =	sdelay $0x2  }
0x2e6: {  	s24 =	spop (v2sf);
	(v2sf) =	vpush v5, $0x4  }
0x2e7: {  	[tilespmem:v6+s23+$0x0] =	vst.idx.msk $0xffff, v9;
	v6 =	vor.u32 $0x3F, v7  }
0x2e8: {  	v3 =	vld.idx.msk [tilespmem:v3+s17+$0x0], $0xffff;
	v6 =	vor.u32 s18, v6;
	s10 =	spop (v2sf);
	(v2sf) =	vpush v5, $0x5;
	_ =	sdelay $0x1  }
0x2e9: {  	s14 =	spop (v2sf);
	(v2sf) =	vpush v5, $0x6;
	_ =	sdelay $0x1  }
0x2ea: {  	s2 =	sand.u32 $0x1FFFFFF8, s24  }
0x2eb: {  	s28 =	sadd.s32 $0x1C700, s18;
	s2 =	sadd.s32 s8, s2;
	[tilespmem:v6+s23+$0x0] =	vst.idx.msk $0xffff, v3;
	s24 =	spop (v2sf);
	(v2sf) =	vpush v5, $0x7  }
0x2ec: {  	[hbm4b:s2+s5] =	stream.linear.scatter [tilespmem:s28], [sflag:$0x2], $0x40, $0x38;
	[tilespmem:$0x1F700] =	vst v63  }
0x2ed: {  	s2 =	sand.u32 $0x1FFFFFF8, s10  }
0x2ee: {  	s11 =	sadd.s32 $0x1C740, s18;
	s2 =	sadd.s32 s8, s2  }
0x2ef: {  	[hbm4b:s2+s5] =	stream.linear.scatter [tilespmem:s11], [sflag:$0x2], $0x40, $0x38;
	[tilespmem:$0x1F700] =	vst v63  }
0x2f0: {  	s2 =	sand.u32 $0x1FFFFFF8, s14  }
0x2f1: {  	s16 =	sadd.s32 $0x1C780, s18;
	s2 =	sadd.s32 s8, s2  }
0x2f2: {  	[hbm4b:s2+s5] =	stream.linear.scatter [tilespmem:s16], [sflag:$0x2], $0x40, $0x38;
	[tilespmem:$0x1F700] =	vst v63  }
0x2f3: {  	s10 =	spop (v2sf);
	(v2sf) =	vpush v5, $0x8  }
0x2f4: {  	s2 =	sand.u32 $0x1FFFFFF8, s24  }
0x2f5: {  	s28 =	sadd.s32 $0x1C7C0, s18;
	s2 =	sadd.s32 s8, s2;
	s14 =	spop (v2sf);
	(v2sf) =	vpush v5, $0x9  }
0x2f6: {  	[hbm4b:s2+s5] =	stream.linear.scatter [tilespmem:s28], [sflag:$0x2], $0x40, $0x38;
	[tilespmem:$0x1F700] =	vst v63  }
0x2f7: {  	s2 =	sand.u32 $0x1FFFFFF8, s10;
	s24 =	spop (v2sf);
	(v2sf) =	vpush v5, $0xA  }
0x2f8: {  	s11 =	sadd.s32 $0x1C800, s18;
	s2 =	sadd.s32 s8, s2  }
0x2f9: {  	[hbm4b:s2+s5] =	stream.linear.scatter [tilespmem:s11], [sflag:$0x2], $0x40, $0x38;
	[tilespmem:$0x1F700] =	vst v63  }
0x2fa: {  	s10 =	spop (v2sf);
	(v2sf) =	vpush v5, $0xB  }
0x2fb: {  	s2 =	sand.u32 $0x1FFFFFF8, s14  }
0x2fc: {  	s16 =	sadd.s32 $0x1C840, s18;
	s2 =	sadd.s32 s8, s2  }
0x2fd: {  	[hbm4b:s2+s5] =	stream.linear.scatter [tilespmem:s16], [sflag:$0x2], $0x40, $0x38;
	[tilespmem:$0x1F700] =	vst v63  }
0x2fe: {  	s2 =	sand.u32 $0x1FFFFFF8, s24  }
0x2ff: {  	s28 =	sadd.s32 $0x1C880, s18;
	s2 =	sadd.s32 s8, s2  }
0x300: {  	[hbm4b:s2+s5] =	stream.linear.scatter [tilespmem:s28], [sflag:$0x2], $0x40, $0x38;
	[tilespmem:$0x1F700] =	vst v63  }
0x301: {  	s2 =	sand.u32 $0x1FFFFFF8, s10  }
0x302: {  	s11 =	sadd.s32 $0x1C8C0, s18;
	s2 =	sadd.s32 s8, s2;
	s14 =	spop (v2sf);
	(v2sf) =	vpush v5, $0xC  }
0x303: {  	[hbm4b:s2+s5] =	stream.linear.scatter [tilespmem:s11], [sflag:$0x2], $0x40, $0x38;
	[tilespmem:$0x1F700] =	vst v63  }
0x304: {  	s24 =	spop (v2sf);
	(v2sf) =	vpush v5, $0xD  }
0x305: {  	s2 =	sand.u32 $0x1FFFFFF8, s14  }
0x306: {  	s16 =	sadd.s32 $0x1C900, s18;
	s2 =	sadd.s32 s8, s2;
	s10 =	spop (v2sf)  }
0x307: {  	(v2sf) =	vpush v5, $0xE;
	[hbm4b:s2+s5] =	stream.linear.scatter [tilespmem:s16], [sflag:$0x2], $0x40, $0x38;
	[tilespmem:$0x1F700] =	vst v63  }
0x308: {  	s2 =	sand.u32 $0x1FFFFFF8, s24  }
0x309: {  	s28 =	sadd.s32 $0x1C940, s18;
	s14 =	spop (v2sf);
	s2 =	sadd.s32 s8, s2  }
0x30a: {  	(v2sf) =	vpush v5, $0xF;
	[hbm4b:s2+s5] =	stream.linear.scatter [tilespmem:s28], [sflag:$0x2], $0x40, $0x38;
	[tilespmem:$0x1F700] =	vst v63  }
0x30b: {  	s2 =	sand.u32 $0x1FFFFFF8, s10  }
0x30c: {  	s11 =	sadd.s32 $0x1C980, s18;
	s2 =	sadd.s32 s8, s2  }
0x30d: {  	[hbm4b:s2+s5] =	stream.linear.scatter [tilespmem:s11], [sflag:$0x2], $0x40, $0x38;
	[tilespmem:$0x1F700] =	vst v63  }
0x30e: {  	s2 =	sand.u32 $0x1FFFFFF8, s14  }
0x30f: {  	s16 =	sadd.s32 $0x1C9C0, s18;
	s2 =	sadd.s32 s8, s2  }
0x310: {  	[hbm4b:s2+s5] =	stream.linear.scatter [tilespmem:s16], [sflag:$0x2], $0x40, $0x38;
	[tilespmem:$0x1F700] =	vst v63  }
0x311: {  	s24 =	spop (v2sf)  }
0x312: {  	s2 =	sand.u32 $0x1FFFFFF8, s24  }
0x313: {  	s28 =	sadd.s32 $0x1CA00, s18;
	s10 =	spop (v2sf);
	s2 =	sadd.s32 s8, s2  }
0x314: {  	[hbm4b:s2+s5] =	stream.linear.scatter [tilespmem:s28], [sflag:$0x2], $0x40, $0x38;
	[tilespmem:$0x1F700] =	vst v63  }
0x315: {  	s2 =	sand.u32 $0x1FFFFFF8, s10  }
0x316: {  	s11 =	sadd.s32 $0x1CA40, s18;
	s14 =	spop (v2sf);
	s2 =	sadd.s32 s8, s2  }
0x317: {  	[hbm4b:s2+s5] =	stream.linear.scatter [tilespmem:s11], [sflag:$0x2], $0x40, $0x38;
	[tilespmem:$0x1F700] =	vst v63  }
0x318: {  	p4 =	sgt.s32 s19, $0x10;
	s16 =	sadd.s32 $0x1CA80, s18;
	s2 =	sand.u32 $0x1FFFFFF8, s14  }
.Ltmp21:
0x319: {  	s24 =	spop (v2sf);
	s2 =	sadd.s32 s8, s2;
	(pc) =	sbr.rel @!p4 .LBB2_33-.Ltmp21, $4  }
0x31a: {  	[hbm4b:s2+s5] =	stream.linear.scatter [tilespmem:s16], [sflag:$0x2], $0x40, $0x38;
	[tilespmem:$0x1F700] =	vst v63  }
0x31b: {  	s2 =	sand.u32 $0x1FFFFFF8, s24  }
0x31c: {  	s28 =	sadd.s32 $0x1CAC0, s18;
	s2 =	sadd.s32 s8, s2  }
0x31d: {  	[hbm4b:s2+s5] =	stream.linear.scatter [tilespmem:s28], [sflag:$0x2], $0x40, $0x38;
	[tilespmem:$0x1F700] =	vst v63  }
0x31e: {  	v56 =	vld [tilespmem:$0x4610];
	_ =	sdelay $0x4  }
0x31f: {  	v3 =	vsub.s32 v56, v46  }
0x320: {  	vm0 =	vgt.s32 v3, $0x0  }
0x321: {  	v3 =	vnsel vm0, $0x0, v3  }
0x322: {  	v3 =	vmin.u32 v3, $0x2FF  }
0x323: {  	v5 =	vshll.u32 v3, $0x3  }
0x324: {  	v6 =	vand.u32 $0x7F, v3;
	v5 =	vand.u32 $0x1C00, v5  }
0x325: {  	v58 =	vor.u32 v6, v5;
	_ =	sdelay $0x1  }
0x326: {  	v45 =	vmov s18;
	v6 =	vor.u32 $0x400, v7  }
0x327: {  	v6 =	vadd.s32 v6, v45  }
0x328: {  	v6 =	vand.u32 $0x7F80, v6  }
0x329: {  	v6 =	vor.u32 v4, v6;
	v9 =	vld.idx.msk [tilespmem:v58+s17+$0x0], $0xffff  }
0x32a: {  	v10 =	vor.u32 $0x80, v58;
	_ =	sdelay $0x1  }
0x32b: {  	v11 =	vor.u32 $0x401, v7  }
0x32c: {  	v11 =	vadd.s32 v11, v45  }
0x32d: {  	v55 =	vld [tilespmem:$0x4690];
	[tilespmem:v6+s23+$0x0] =	vst.idx.msk $0xffff, v9;
	v6 =	vand.u32 $0x7F80, v11;
	v11 =	vor.u32 $0x1, v4  }
0x32e: {  	v9 =	vld.idx.msk [tilespmem:v10+s17+$0x0], $0xffff;
	v6 =	vor.u32 v11, v6  }
0x32f: {  	v10 =	vor.u32 $0x100, v58;
	_ =	sdelay $0x1  }
0x330: {  	[tilespmem:$0x1FCD0] =	vst v11;
	v11 =	vor.u32 $0x402, v7  }
0x331: {  	v11 =	vadd.s32 v11, v45  }
0x332: {  	[tilespmem:v6+s23+$0x0] =	vst.idx.msk $0xffff, v9;
	v6 =	vand.u32 $0x7F80, v11;
	v11 =	vor.u32 $0x2, v4  }
0x333: {  	v9 =	vld.idx.msk [tilespmem:v10+s17+$0x0], $0xffff;
	v6 =	vor.u32 v11, v6  }
0x334: {  	v10 =	vor.u32 $0x180, v58;
	_ =	sdelay $0x1  }
0x335: {  	[tilespmem:$0x1FCE0] =	vst v11;
	v11 =	vor.u32 $0x403, v7  }
0x336: {  	v11 =	vadd.s32 v11, v45  }
0x337: {  	[tilespmem:v6+s23+$0x0] =	vst.idx.msk $0xffff, v9;
	v6 =	vand.u32 $0x7F80, v11;
	v11 =	vor.u32 $0x3, v4  }
0x338: {  	v9 =	vld.idx.msk [tilespmem:v10+s17+$0x0], $0xffff;
	v6 =	vor.u32 v11, v6  }
0x339: {  	v10 =	vor.u32 $0x200, v58;
	_ =	sdelay $0x1  }
0x33a: {  	[tilespmem:$0x1FCF0] =	vst v11;
	v11 =	vor.u32 $0x404, v7  }
0x33b: {  	v11 =	vadd.s32 v11, v45  }
0x33c: {  	[tilespmem:v6+s23+$0x0] =	vst.idx.msk $0xffff, v9;
	v6 =	vand.u32 $0x7F80, v11;
	v11 =	vor.u32 $0x4, v4  }
0x33d: {  	v9 =	vld.idx.msk [tilespmem:v10+s17+$0x0], $0xffff;
	v6 =	vor.u32 v11, v6  }
0x33e: {  	v10 =	vor.u32 $0x280, v58;
	_ =	sdelay $0x1  }
0x33f: {  	[tilespmem:$0x1FD00] =	vst v11;
	v11 =	vor.u32 $0x405, v7  }
0x340: {  	v11 =	vadd.s32 v11, v45  }
0x341: {  	[tilespmem:v6+s23+$0x0] =	vst.idx.msk $0xffff, v9;
	v6 =	vand.u32 $0x7F80, v11;
	v11 =	vor.u32 $0x5, v4  }
0x342: {  	v9 =	vld.idx.msk [tilespmem:v10+s17+$0x0], $0xffff;
	v6 =	vor.u32 v11, v6  }
0x343: {  	v10 =	vor.u32 $0x300, v58;
	_ =	sdelay $0x1  }
0x344: {  	[tilespmem:$0x1FD10] =	vst v11;
	v11 =	vor.u32 $0x406, v7  }
0x345: {  	v11 =	vadd.s32 v11, v45  }
0x346: {  	[tilespmem:v6+s23+$0x0] =	vst.idx.msk $0xffff, v9;
	v6 =	vand.u32 $0x7F80, v11;
	v9 =	vor.u32 $0x6, v4  }
0x347: {  	v10 =	vld.idx.msk [tilespmem:v10+s17+$0x0], $0xffff;
	[tilespmem:$0x1FD20] =	vst v9;
	v6 =	vor.u32 v9, v6;
	v9 =	vor.u32 v3, v5  }
0x348: {  	v3 =	vor.u32 $0x380, v9;
	_ =	sdelay $0x1  }
0x349: {  	v5 =	vor.u32 $0x407, v7  }
0x34a: {  	v5 =	vadd.s32 v5, v45  }
0x34b: {  	v5 =	vand.u32 $0x7F80, v5;
	[tilespmem:v6+s23+$0x0] =	vst.idx.msk $0xffff, v10;
	v6 =	vor.u32 $0x7, v4  }
0x34c: {  	v3 =	vld.idx.msk [tilespmem:v3+s17+$0x0], $0xffff;
	v5 =	vor.u32 v6, v5  }
0x34d: {  	[tilespmem:$0x1FD30] =	vst v6;
	v6 =	vadd.s32 $0x1800, v58;
	_ =	sdelay $0x1  }
0x34e: {  	v10 =	vor.u32 $0x408, v7  }
0x34f: {  	v10 =	vadd.s32 v10, v45  }
0x350: {  	[tilespmem:v5+s23+$0x0] =	vst.idx.msk $0xffff, v3;
	v3 =	vand.u32 $0x7F80, v10;
	v10 =	vor.u32 $0x8, v4  }
0x351: {  	v5 =	vld.idx.msk [tilespmem:v6+s17+$0x0], $0xffff;
	v3 =	vor.u32 v10, v3  }
0x352: {  	v6 =	vadd.s32 $0x1880, v58;
	_ =	sdelay $0x1  }
0x353: {  	[tilespmem:$0x1FD40] =	vst v10;
	v10 =	vor.u32 $0x409, v7  }
0x354: {  	v10 =	vadd.s32 v10, v45  }
0x355: {  	[tilespmem:v3+s23+$0x0] =	vst.idx.msk $0xffff, v5;
	v3 =	vand.u32 $0x7F80, v10;
	v10 =	vor.u32 $0x9, v4  }
0x356: {  	v5 =	vld.idx.msk [tilespmem:v6+s17+$0x0], $0xffff;
	v3 =	vor.u32 v10, v3  }
0x357: {  	v6 =	vadd.s32 $0x1900, v58;
	_ =	sdelay $0x1  }
0x358: {  	[tilespmem:$0x1FD50] =	vst v10;
	v10 =	vor.u32 $0x40A, v7  }
0x359: {  	v10 =	vadd.s32 v10, v45  }
0x35a: {  	[tilespmem:v3+s23+$0x0] =	vst.idx.msk $0xffff, v5;
	v3 =	vand.u32 $0x7F80, v10;
	v10 =	vor.u32 $0xA, v4  }
0x35b: {  	v5 =	vld.idx.msk [tilespmem:v6+s17+$0x0], $0xffff;
	v3 =	vor.u32 v10, v3  }
0x35c: {  	v6 =	vadd.s32 $0x1980, v58;
	_ =	sdelay $0x1  }
0x35d: {  	[tilespmem:$0x1FD60] =	vst v10;
	v10 =	vor.u32 $0x40B, v7  }
0x35e: {  	v10 =	vadd.s32 v10, v45  }
0x35f: {  	[tilespmem:v3+s23+$0x0] =	vst.idx.msk $0xffff, v5;
	v3 =	vand.u32 $0x7F80, v10;
	v10 =	vor.u32 $0xB, v4  }
0x360: {  	v5 =	vld.idx.msk [tilespmem:v6+s17+$0x0], $0xffff;
	v3 =	vor.u32 v10, v3  }
0x361: {  	v6 =	vadd.s32 $0x1A00, v58;
	_ =	sdelay $0x1  }
0x362: {  	[tilespmem:$0x1FD70] =	vst v10;
	v10 =	vor.u32 $0x40C, v7  }
0x363: {  	v10 =	vadd.s32 v10, v45  }
0x364: {  	[tilespmem:v3+s23+$0x0] =	vst.idx.msk $0xffff, v5;
	v3 =	vand.u32 $0x7F80, v10;
	v10 =	vor.u32 $0xC, v4  }
0x365: {  	v5 =	vld.idx.msk [tilespmem:v6+s17+$0x0], $0xffff;
	v3 =	vor.u32 v10, v3  }
0x366: {  	v6 =	vadd.s32 $0x1A80, v58;
	_ =	sdelay $0x1  }
0x367: {  	[tilespmem:$0x1FD80] =	vst v10;
	v10 =	vor.u32 $0x40D, v7  }
0x368: {  	v10 =	vadd.s32 v10, v45  }
0x369: {  	[tilespmem:v3+s23+$0x0] =	vst.idx.msk $0xffff, v5;
	v3 =	vand.u32 $0x7F80, v10;
	v10 =	vor.u32 $0xD, v4  }
0x36a: {  	v5 =	vld.idx.msk [tilespmem:v6+s17+$0x0], $0xffff;
	v3 =	vor.u32 v10, v3  }
0x36b: {  	v6 =	vadd.s32 $0x1B00, v58;
	_ =	sdelay $0x1  }
0x36c: {  	[tilespmem:$0x1FD90] =	vst v10;
	v10 =	vor.u32 $0x40E, v7  }
0x36d: {  	v10 =	vadd.s32 v10, v45  }
0x36e: {  	[tilespmem:v3+s23+$0x0] =	vst.idx.msk $0xffff, v5;
	v3 =	vand.u32 $0x7F80, v10;
	v10 =	vor.u32 $0xE, v4  }
0x36f: {  	v5 =	vld.idx.msk [tilespmem:v6+s17+$0x0], $0xffff;
	v3 =	vor.u32 v10, v3  }
0x370: {  	v6 =	vadd.s32 $0x1B80, v58;
	_ =	sdelay $0x1  }
0x371: {  	[tilespmem:$0x1FDA0] =	vst v10;
	v10 =	vor.u32 $0x40F, v7  }
0x372: {  	v10 =	vadd.s32 v10, v45  }
0x373: {  	[tilespmem:v3+s23+$0x0] =	vst.idx.msk $0xffff, v5;
	v3 =	vand.u32 $0x7F80, v10;
	v10 =	vor.u32 $0xF, v4  }
0x374: {  	v5 =	vld.idx.msk [tilespmem:v6+s17+$0x0], $0xffff;
	v3 =	vor.u32 v10, v3  }
0x375: {  	v6 =	vadd.s32 $0x3000, v58;
	_ =	sdelay $0x1  }
0x376: {  	[tilespmem:$0x1FDB0] =	vst v10;
	v10 =	vor.u32 $0x410, v7  }
0x377: {  	v10 =	vadd.s32 v10, v45  }
0x378: {  	[tilespmem:v3+s23+$0x0] =	vst.idx.msk $0xffff, v5;
	v3 =	vand.u32 $0x7F80, v10;
	v10 =	vor.u32 $0x10, v4  }
0x379: {  	v5 =	vld.idx.msk [tilespmem:v6+s17+$0x0], $0xffff;
	v3 =	vor.u32 v10, v3  }
0x37a: {  	v6 =	vadd.s32 $0x3080, v58;
	_ =	sdelay $0x1  }
0x37b: {  	[tilespmem:$0x1FDC0] =	vst v10;
	v10 =	vor.u32 $0x411, v7  }
0x37c: {  	v10 =	vadd.s32 v10, v45  }
0x37d: {  	[tilespmem:v3+s23+$0x0] =	vst.idx.msk $0xffff, v5;
	v3 =	vand.u32 $0x7F80, v10;
	v10 =	vor.u32 $0x11, v4  }
0x37e: {  	v5 =	vld.idx.msk [tilespmem:v6+s17+$0x0], $0xffff;
	v3 =	vor.u32 v10, v3  }
0x37f: {  	[tilespmem:$0x1FDD0] =	vst v10;
	v10 =	vadd.s32 $0x3100, v58;
	_ =	sdelay $0x1  }
0x380: {  	v6 =	vor.u32 $0x412, v7  }
0x381: {  	v6 =	vadd.s32 v6, v45  }
0x382: {  	[tilespmem:v3+s23+$0x0] =	vst.idx.msk $0xffff, v5;
	v3 =	vand.u32 $0x7F80, v6;
	v6 =	vor.u32 $0x12, v4  }
0x383: {  	v5 =	vld.idx.msk [tilespmem:v10+s17+$0x0], $0xffff;
	v3 =	vor.u32 v6, v3  }
0x384: {  	v10 =	vadd.s32 $0x3180, v58;
	_ =	sdelay $0x1  }
0x385: {  	v11 =	vor.u32 $0x413, v7  }
0x386: {  	v11 =	vadd.s32 v11, v45  }
0x387: {  	[tilespmem:v3+s23+$0x0] =	vst.idx.msk $0xffff, v5;
	v3 =	vand.u32 $0x7F80, v11;
	v5 =	vor.u32 $0x13, v4  }
0x388: {  	v10 =	vld.idx.msk [tilespmem:v10+s17+$0x0], $0xffff;
	v3 =	vor.u32 v5, v3  }
0x389: {  	v11 =	vadd.s32 $0x3200, v58;
	_ =	sdelay $0x1  }
0x38a: {  	v12 =	vor.u32 $0x414, v7  }
0x38b: {  	v12 =	vadd.s32 v12, v45  }
0x38c: {  	[tilespmem:v3+s23+$0x0] =	vst.idx.msk $0xffff, v10;
	v10 =	vand.u32 $0x7F80, v12;
	v3 =	vor.u32 $0x14, v4  }
0x38d: {  	v11 =	vld.idx.msk [tilespmem:v11+s17+$0x0], $0xffff;
	v10 =	vor.u32 v3, v10  }
0x38e: {  	v12 =	vadd.s32 $0x3280, v58;
	_ =	sdelay $0x1  }
0x38f: {  	v13 =	vor.u32 $0x415, v7  }
0x390: {  	v13 =	vadd.s32 v13, v45  }
0x391: {  	[tilespmem:v10+s23+$0x0] =	vst.idx.msk $0xffff, v11;
	v11 =	vand.u32 $0x7F80, v13;
	v10 =	vor.u32 $0x15, v4  }
0x392: {  	v12 =	vld.idx.msk [tilespmem:v12+s17+$0x0], $0xffff;
	v11 =	vor.u32 v10, v11  }
0x393: {  	v13 =	vadd.s32 $0x3300, v58;
	_ =	sdelay $0x1  }
0x394: {  	v14 =	vor.u32 $0x416, v7  }
0x395: {  	v14 =	vadd.s32 v14, v45  }
0x396: {  	[tilespmem:v11+s23+$0x0] =	vst.idx.msk $0xffff, v12;
	v12 =	vand.u32 $0x7F80, v14;
	v11 =	vor.u32 $0x16, v4  }
0x397: {  	v13 =	vld.idx.msk [tilespmem:v13+s17+$0x0], $0xffff;
	v12 =	vor.u32 v11, v12  }
0x398: {  	v14 =	vadd.s32 $0x3380, v58;
	_ =	sdelay $0x1  }
0x399: {  	v15 =	vor.u32 $0x417, v7  }
0x39a: {  	v15 =	vadd.s32 v15, v45  }
0x39b: {  	[tilespmem:v12+s23+$0x0] =	vst.idx.msk $0xffff, v13;
	v13 =	vand.u32 $0x7F80, v15;
	v12 =	vor.u32 $0x17, v4  }
0x39c: {  	v14 =	vld.idx.msk [tilespmem:v14+s17+$0x0], $0xffff;
	v13 =	vor.u32 v12, v13  }
0x39d: {  	v15 =	vadd.s32 $0x4800, v58;
	_ =	sdelay $0x1  }
0x39e: {  	v16 =	vor.u32 $0x418, v7  }
0x39f: {  	v16 =	vadd.s32 v16, v45  }
0x3a0: {  	[tilespmem:v13+s23+$0x0] =	vst.idx.msk $0xffff, v14;
	v14 =	vand.u32 $0x7F80, v16;
	v13 =	vor.u32 $0x18, v4  }
0x3a1: {  	v15 =	vld.idx.msk [tilespmem:v15+s17+$0x0], $0xffff;
	v14 =	vor.u32 v13, v14  }
0x3a2: {  	v16 =	vadd.s32 $0x4880, v58;
	_ =	sdelay $0x1  }
0x3a3: {  	v17 =	vor.u32 $0x419, v7  }
0x3a4: {  	v17 =	vadd.s32 v17, v45  }
0x3a5: {  	[tilespmem:v14+s23+$0x0] =	vst.idx.msk $0xffff, v15;
	v15 =	vand.u32 $0x7F80, v17;
	v14 =	vor.u32 $0x19, v4  }
0x3a6: {  	v16 =	vld.idx.msk [tilespmem:v16+s17+$0x0], $0xffff;
	v15 =	vor.u32 v14, v15  }
0x3a7: {  	v17 =	vadd.s32 $0x4900, v58;
	_ =	sdelay $0x1  }
0x3a8: {  	v18 =	vor.u32 $0x41A, v7  }
0x3a9: {  	v18 =	vadd.s32 v18, v45  }
0x3aa: {  	[tilespmem:v15+s23+$0x0] =	vst.idx.msk $0xffff, v16;
	v16 =	vand.u32 $0x7F80, v18;
	v15 =	vor.u32 $0x1A, v4  }
0x3ab: {  	v17 =	vld.idx.msk [tilespmem:v17+s17+$0x0], $0xffff;
	v16 =	vor.u32 v15, v16  }
0x3ac: {  	v18 =	vadd.s32 $0x4980, v58;
	_ =	sdelay $0x1  }
0x3ad: {  	v19 =	vor.u32 $0x41B, v7  }
0x3ae: {  	v19 =	vadd.s32 v19, v45  }
0x3af: {  	[tilespmem:v16+s23+$0x0] =	vst.idx.msk $0xffff, v17;
	v17 =	vand.u32 $0x7F80, v19;
	v16 =	vor.u32 $0x1B, v4  }
0x3b0: {  	v18 =	vld.idx.msk [tilespmem:v18+s17+$0x0], $0xffff;
	v17 =	vor.u32 v16, v17  }
0x3b1: {  	v19 =	vadd.s32 $0x4A00, v58;
	_ =	sdelay $0x1  }
0x3b2: {  	v20 =	vor.u32 $0x41C, v7  }
0x3b3: {  	v20 =	vadd.s32 v20, v45  }
0x3b4: {  	[tilespmem:v17+s23+$0x0] =	vst.idx.msk $0xffff, v18;
	v18 =	vand.u32 $0x7F80, v20;
	v17 =	vor.u32 $0x1C, v4  }
0x3b5: {  	v19 =	vld.idx.msk [tilespmem:v19+s17+$0x0], $0xffff;
	v18 =	vor.u32 v17, v18  }
0x3b6: {  	v20 =	vadd.s32 $0x4A80, v58;
	_ =	sdelay $0x1  }
0x3b7: {  	v21 =	vor.u32 $0x41D, v7  }
0x3b8: {  	v21 =	vadd.s32 v21, v45  }
0x3b9: {  	[tilespmem:v18+s23+$0x0] =	vst.idx.msk $0xffff, v19;
	v19 =	vand.u32 $0x7F80, v21;
	v18 =	vor.u32 $0x1D, v4  }
0x3ba: {  	v20 =	vld.idx.msk [tilespmem:v20+s17+$0x0], $0xffff;
	v19 =	vor.u32 v18, v19  }
0x3bb: {  	v21 =	vadd.s32 $0x4B00, v58;
	_ =	sdelay $0x1  }
0x3bc: {  	v22 =	vor.u32 $0x41E, v7  }
0x3bd: {  	v22 =	vadd.s32 v22, v45  }
0x3be: {  	[tilespmem:v19+s23+$0x0] =	vst.idx.msk $0xffff, v20;
	v20 =	vand.u32 $0x7F80, v22;
	v19 =	vor.u32 $0x1E, v4  }
0x3bf: {  	v21 =	vld.idx.msk [tilespmem:v21+s17+$0x0], $0xffff;
	v20 =	vor.u32 v19, v20  }
0x3c0: {  	v22 =	vadd.s32 $0x4B80, v58;
	_ =	sdelay $0x1  }
0x3c1: {  	v23 =	vor.u32 $0x41F, v7  }
0x3c2: {  	v23 =	vadd.s32 v23, v45  }
0x3c3: {  	[tilespmem:v20+s23+$0x0] =	vst.idx.msk $0xffff, v21;
	v21 =	vand.u32 $0x7F80, v23;
	v20 =	vor.u32 $0x1F, v4  }
0x3c4: {  	v22 =	vld.idx.msk [tilespmem:v22+s17+$0x0], $0xffff;
	v21 =	vor.u32 v20, v21  }
0x3c5: {  	v23 =	vor.u32 $0x6000, v58;
	_ =	sdelay $0x1  }
0x3c6: {  	v24 =	vor.u32 $0x420, v7  }
0x3c7: {  	v24 =	vadd.s32 v24, v45  }
0x3c8: {  	[tilespmem:v21+s23+$0x0] =	vst.idx.msk $0xffff, v22;
	v22 =	vand.u32 $0x7F80, v24;
	v21 =	vor.u32 $0x20, v4  }
0x3c9: {  	v23 =	vld.idx.msk [tilespmem:v23+s17+$0x0], $0xffff;
	v22 =	vor.u32 v21, v22  }
0x3ca: {  	v24 =	vor.u32 $0x6080, v58;
	_ =	sdelay $0x1  }
0x3cb: {  	v25 =	vor.u32 $0x421, v7  }
0x3cc: {  	v25 =	vadd.s32 v25, v45  }
0x3cd: {  	[tilespmem:v22+s23+$0x0] =	vst.idx.msk $0xffff, v23;
	v23 =	vand.u32 $0x7F80, v25;
	v22 =	vor.u32 $0x21, v4  }
0x3ce: {  	v24 =	vld.idx.msk [tilespmem:v24+s17+$0x0], $0xffff;
	v23 =	vor.u32 v22, v23  }
0x3cf: {  	v25 =	vor.u32 $0x6100, v58;
	_ =	sdelay $0x1  }
0x3d0: {  	v26 =	vor.u32 $0x422, v7  }
0x3d1: {  	v26 =	vadd.s32 v26, v45  }
0x3d2: {  	[tilespmem:v23+s23+$0x0] =	vst.idx.msk $0xffff, v24;
	v24 =	vand.u32 $0x7F80, v26;
	v23 =	vor.u32 $0x22, v4  }
0x3d3: {  	v25 =	vld.idx.msk [tilespmem:v25+s17+$0x0], $0xffff;
	v24 =	vor.u32 v23, v24  }
0x3d4: {  	v26 =	vor.u32 $0x6180, v58;
	_ =	sdelay $0x1  }
0x3d5: {  	v27 =	vor.u32 $0x423, v7  }
0x3d6: {  	v27 =	vadd.s32 v27, v45  }
0x3d7: {  	[tilespmem:v24+s23+$0x0] =	vst.idx.msk $0xffff, v25;
	v25 =	vand.u32 $0x7F80, v27;
	v24 =	vor.u32 $0x23, v4  }
0x3d8: {  	v26 =	vld.idx.msk [tilespmem:v26+s17+$0x0], $0xffff;
	v25 =	vor.u32 v24, v25  }
0x3d9: {  	v27 =	vor.u32 $0x6200, v58;
	_ =	sdelay $0x1  }
0x3da: {  	v28 =	vor.u32 $0x424, v7  }
0x3db: {  	v28 =	vadd.s32 v28, v45  }
0x3dc: {  	[tilespmem:v25+s23+$0x0] =	vst.idx.msk $0xffff, v26;
	v26 =	vand.u32 $0x7F80, v28;
	v25 =	vor.u32 $0x24, v4  }
0x3dd: {  	v27 =	vld.idx.msk [tilespmem:v27+s17+$0x0], $0xffff;
	v26 =	vor.u32 v25, v26  }
0x3de: {  	v28 =	vor.u32 $0x6280, v58;
	_ =	sdelay $0x1  }
0x3df: {  	v29 =	vor.u32 $0x425, v7  }
0x3e0: {  	v29 =	vadd.s32 v29, v45  }
0x3e1: {  	[tilespmem:v26+s23+$0x0] =	vst.idx.msk $0xffff, v27;
	v27 =	vand.u32 $0x7F80, v29;
	v26 =	vor.u32 $0x25, v4  }
0x3e2: {  	v28 =	vld.idx.msk [tilespmem:v28+s17+$0x0], $0xffff;
	v27 =	vor.u32 v26, v27  }
0x3e3: {  	v29 =	vor.u32 $0x6300, v58;
	_ =	sdelay $0x1  }
0x3e4: {  	v30 =	vor.u32 $0x426, v7  }
0x3e5: {  	v30 =	vadd.s32 v30, v45  }
0x3e6: {  	[tilespmem:v27+s23+$0x0] =	vst.idx.msk $0xffff, v28;
	v28 =	vand.u32 $0x7F80, v30;
	v27 =	vor.u32 $0x26, v4  }
0x3e7: {  	v29 =	vld.idx.msk [tilespmem:v29+s17+$0x0], $0xffff;
	v28 =	vor.u32 v27, v28  }
0x3e8: {  	v9 =	vor.u32 $0x6380, v9;
	_ =	sdelay $0x1  }
0x3e9: {  	v30 =	vor.u32 $0x427, v7  }
0x3ea: {  	v30 =	vadd.s32 v30, v45  }
0x3eb: {  	[tilespmem:v28+s23+$0x0] =	vst.idx.msk $0xffff, v29;
	v29 =	vand.u32 $0x7F80, v30;
	v28 =	vor.u32 $0x27, v4  }
0x3ec: {  	v9 =	vld.idx.msk [tilespmem:v9+s17+$0x0], $0xffff;
	v29 =	vor.u32 v28, v29  }
0x3ed: {  	v30 =	vadd.s32 $0x7800, v58;
	_ =	sdelay $0x1  }
0x3ee: {  	v31 =	vor.u32 $0x428, v7  }
0x3ef: {  	v31 =	vadd.s32 v31, v45  }
0x3f0: {  	[tilespmem:v29+s23+$0x0] =	vst.idx.msk $0xffff, v9;
	v9 =	vand.u32 $0x7F80, v31;
	v29 =	vor.u32 $0x28, v4  }
0x3f1: {  	v30 =	vld.idx.msk [tilespmem:v30+s17+$0x0], $0xffff;
	v9 =	vor.u32 v29, v9  }
0x3f2: {  	v31 =	vadd.s32 $0x7880, v58;
	_ =	sdelay $0x1  }
0x3f3: {  	v32 =	vor.u32 $0x429, v7  }
0x3f4: {  	v32 =	vadd.s32 v32, v45  }
0x3f5: {  	[tilespmem:v9+s23+$0x0] =	vst.idx.msk $0xffff, v30;
	v9 =	vand.u32 $0x7F80, v32;
	v30 =	vor.u32 $0x29, v4  }
0x3f6: {  	v31 =	vld.idx.msk [tilespmem:v31+s17+$0x0], $0xffff;
	v9 =	vor.u32 v30, v9  }
0x3f7: {  	v37 =	vadd.s32 $0x7900, v58;
	_ =	sdelay $0x1  }
0x3f8: {  	v33 =	vor.u32 $0x42A, v7  }
0x3f9: {  	v33 =	vadd.s32 v33, v45  }
0x3fa: {  	[tilespmem:v9+s23+$0x0] =	vst.idx.msk $0xffff, v31;
	v9 =	vand.u32 $0x7F80, v33;
	v31 =	vor.u32 $0x2A, v4  }
0x3fb: {  	v32 =	vld.idx.msk [tilespmem:v37+s17+$0x0], $0xffff;
	v9 =	vor.u32 v31, v9  }
0x3fc: {  	v38 =	vadd.s32 $0x7980, v58;
	_ =	sdelay $0x1  }
0x3fd: {  	v34 =	vor.u32 $0x42B, v7  }
0x3fe: {  	v34 =	vadd.s32 v34, v45  }
0x3ff: {  	[tilespmem:v9+s23+$0x0] =	vst.idx.msk $0xffff, v32;
	v9 =	vand.u32 $0x7F80, v34;
	v32 =	vor.u32 $0x2B, v4  }
0x400: {  	v33 =	vld.idx.msk [tilespmem:v38+s17+$0x0], $0xffff;
	v9 =	vor.u32 v32, v9  }
0x401: {  	v39 =	vadd.s32 $0x7A00, v58;
	_ =	sdelay $0x1  }
0x402: {  	v35 =	vor.u32 $0x42C, v7  }
0x403: {  	v35 =	vadd.s32 v35, v45  }
0x404: {  	[tilespmem:v9+s23+$0x0] =	vst.idx.msk $0xffff, v33;
	v9 =	vand.u32 $0x7F80, v35;
	v33 =	vor.u32 $0x2C, v4  }
0x405: {  	v34 =	vld.idx.msk [tilespmem:v39+s17+$0x0], $0xffff;
	v9 =	vor.u32 v33, v9  }
0x406: {  	v40 =	vadd.s32 $0x7A80, v58;
	_ =	sdelay $0x1  }
0x407: {  	v36 =	vor.u32 $0x42D, v7  }
0x408: {  	v36 =	vadd.s32 v36, v45  }
0x409: {  	[tilespmem:v9+s23+$0x0] =	vst.idx.msk $0xffff, v34;
	v9 =	vand.u32 $0x7F80, v36;
	v34 =	vor.u32 $0x2D, v4  }
0x40a: {  	v35 =	vld.idx.msk [tilespmem:v40+s17+$0x0], $0xffff;
	v9 =	vor.u32 v34, v9  }
0x40b: {  	v47 =	vadd.s32 $0x7B00, v58;
	_ =	sdelay $0x1  }
0x40c: {  	v37 =	vor.u32 $0x42E, v7  }
0x40d: {  	v37 =	vadd.s32 v37, v45  }
0x40e: {  	[tilespmem:v9+s23+$0x0] =	vst.idx.msk $0xffff, v35;
	v9 =	vand.u32 $0x7F80, v37;
	v35 =	vor.u32 $0x2E, v4  }
0x40f: {  	v36 =	vld.idx.msk [tilespmem:v47+s17+$0x0], $0xffff;
	v9 =	vor.u32 v35, v9  }
0x410: {  	v48 =	vadd.s32 $0x7B80, v58;
	_ =	sdelay $0x1  }
0x411: {  	v38 =	vor.u32 $0x42F, v7  }
0x412: {  	v38 =	vadd.s32 v38, v45  }
0x413: {  	[tilespmem:v9+s23+$0x0] =	vst.idx.msk $0xffff, v36;
	v9 =	vand.u32 $0x7F80, v38;
	v36 =	vor.u32 $0x2F, v4  }
0x414: {  	v37 =	vld.idx.msk [tilespmem:v48+s17+$0x0], $0xffff;
	v9 =	vor.u32 v36, v9  }
0x415: {  	v49 =	vadd.s32 $0x9000, v58;
	_ =	sdelay $0x1  }
0x416: {  	v39 =	vor.u32 $0x430, v7  }
0x417: {  	v39 =	vadd.s32 v39, v45  }
0x418: {  	[tilespmem:v9+s23+$0x0] =	vst.idx.msk $0xffff, v37;
	v9 =	vand.u32 $0x7F80, v39;
	v37 =	vor.u32 $0x30, v4  }
0x419: {  	v38 =	vld.idx.msk [tilespmem:v49+s17+$0x0], $0xffff;
	v9 =	vor.u32 v37, v9  }
0x41a: {  	v50 =	vadd.s32 $0x9080, v58;
	_ =	sdelay $0x1  }
0x41b: {  	v40 =	vor.u32 $0x431, v7  }
0x41c: {  	v40 =	vadd.s32 v40, v45  }
0x41d: {  	[tilespmem:v9+s23+$0x0] =	vst.idx.msk $0xffff, v38;
	v9 =	vand.u32 $0x7F80, v40;
	v38 =	vor.u32 $0x31, v4  }
0x41e: {  	v39 =	vld.idx.msk [tilespmem:v50+s17+$0x0], $0xffff;
	v9 =	vor.u32 v38, v9  }
0x41f: {  	v51 =	vadd.s32 $0x9100, v58;
	_ =	sdelay $0x1  }
0x420: {  	v47 =	vor.u32 $0x432, v7  }
0x421: {  	v47 =	vadd.s32 v47, v45  }
0x422: {  	[tilespmem:v9+s23+$0x0] =	vst.idx.msk $0xffff, v39;
	v9 =	vand.u32 $0x7F80, v47;
	v39 =	vor.u32 $0x32, v4  }
0x423: {  	v40 =	vld.idx.msk [tilespmem:v51+s17+$0x0], $0xffff;
	v9 =	vor.u32 v39, v9  }
0x424: {  	v52 =	vadd.s32 $0x9180, v58;
	_ =	sdelay $0x1  }
0x425: {  	v48 =	vor.u32 $0x433, v7  }
0x426: {  	v48 =	vadd.s32 v48, v45  }
0x427: {  	[tilespmem:v9+s23+$0x0] =	vst.idx.msk $0xffff, v40;
	v9 =	vand.u32 $0x7F80, v48;
	v40 =	vor.u32 $0x33, v4  }
0x428: {  	v47 =	vld.idx.msk [tilespmem:v52+s17+$0x0], $0xffff;
	v9 =	vor.u32 v40, v9  }
0x429: {  	v53 =	vadd.s32 $0x9200, v58;
	_ =	sdelay $0x1  }
0x42a: {  	v49 =	vor.u32 $0x434, v7  }
0x42b: {  	v49 =	vadd.s32 v49, v45  }
0x42c: {  	v54 =	vand.u32 $0x7F80, v49;
	[tilespmem:v9+s23+$0x0] =	vst.idx.msk $0xffff, v47;
	v9 =	vor.u32 $0x34, v4  }
0x42d: {  	v48 =	vld.idx.msk [tilespmem:v53+s17+$0x0], $0xffff;
	v47 =	vor.u32 v9, v54  }
0x42e: {  	v57 =	vadd.s32 $0x9280, v58;
	_ =	sdelay $0x1  }
0x42f: {  	v50 =	vor.u32 $0x435, v7  }
0x430: {  	v50 =	vadd.s32 v50, v45  }
0x431: {  	v59 =	vand.u32 $0x7F80, v50;
	[tilespmem:v47+s23+$0x0] =	vst.idx.msk $0xffff, v48;
	v47 =	vor.u32 $0x35, v4  }
0x432: {  	v49 =	vld.idx.msk [tilespmem:v57+s17+$0x0], $0xffff;
	v48 =	vor.u32 v47, v59  }
0x433: {  	v60 =	vadd.s32 $0x9300, v58;
	_ =	sdelay $0x1  }
0x434: {  	v51 =	vor.u32 $0x436, v7  }
0x435: {  	v51 =	vadd.s32 v51, v45  }
0x436: {  	v61 =	vand.u32 $0x7F80, v51;
	[tilespmem:v48+s23+$0x0] =	vst.idx.msk $0xffff, v49;
	v48 =	vor.u32 $0x36, v4  }
0x437: {  	v50 =	vld.idx.msk [tilespmem:v60+s17+$0x0], $0xffff;
	v49 =	vor.u32 v48, v61  }
0x438: {  	v62 =	vadd.s32 $0x9380, v58;
	_ =	sdelay $0x1  }
0x439: {  	v52 =	vor.u32 $0x437, v7  }
0x43a: {  	v52 =	vadd.s32 v52, v45  }
0x43b: {  	v54 =	vand.u32 $0x7F80, v52;
	[tilespmem:v49+s23+$0x0] =	vst.idx.msk $0xffff, v50;
	v49 =	vor.u32 $0x37, v4  }
0x43c: {  	v51 =	vld.idx.msk [tilespmem:v62+s17+$0x0], $0xffff;
	v50 =	vor.u32 v49, v54  }
0x43d: {  	v57 =	vadd.s32 $0xA800, v58;
	_ =	sdelay $0x1  }
0x43e: {  	v53 =	vor.u32 $0x438, v7  }
0x43f: {  	v53 =	vadd.s32 v53, v45  }
0x440: {  	v59 =	vand.u32 $0x7F80, v53;
	[tilespmem:v50+s23+$0x0] =	vst.idx.msk $0xffff, v51;
	v50 =	vor.u32 $0x38, v4  }
0x441: {  	v52 =	vld.idx.msk [tilespmem:v57+s17+$0x0], $0xffff;
	v51 =	vor.u32 v50, v59  }
0x442: {  	v60 =	vadd.s32 $0xA880, v58;
	_ =	sdelay $0x1  }
0x443: {  	v54 =	vor.u32 $0x439, v7  }
0x444: {  	v54 =	vadd.s32 v54, v45  }
0x445: {  	v61 =	vand.u32 $0x7F80, v54;
	[tilespmem:v51+s23+$0x0] =	vst.idx.msk $0xffff, v52;
	v51 =	vor.u32 $0x39, v4  }
0x446: {  	v53 =	vld.idx.msk [tilespmem:v60+s17+$0x0], $0xffff;
	v52 =	vor.u32 v51, v61  }
0x447: {  	v62 =	vadd.s32 $0xA900, v58;
	_ =	sdelay $0x1  }
0x448: {  	v57 =	vor.u32 $0x43A, v7  }
0x449: {  	v57 =	vadd.s32 v57, v45  }
0x44a: {  	v59 =	vand.u32 $0x7F80, v57;
	[tilespmem:v52+s23+$0x0] =	vst.idx.msk $0xffff, v53;
	v52 =	vor.u32 $0x3A, v4  }
0x44b: {  	v54 =	vld.idx.msk [tilespmem:v62+s17+$0x0], $0xffff;
	v53 =	vor.u32 v52, v59  }
0x44c: {  	v60 =	vadd.s32 $0xA980, v58;
	_ =	sdelay $0x1  }
0x44d: {  	v59 =	vor.u32 $0x43B, v7  }
0x44e: {  	v59 =	vadd.s32 v59, v45  }
0x44f: {  	v61 =	vand.u32 $0x7F80, v59;
	[tilespmem:v53+s23+$0x0] =	vst.idx.msk $0xffff, v54;
	v53 =	vor.u32 $0x3B, v4  }
0x450: {  	v57 =	vld.idx.msk [tilespmem:v60+s17+$0x0], $0xffff;
	v54 =	vor.u32 v53, v61  }
0x451: {  	v59 =	vadd.s32 $0xAA00, v58;
	_ =	sdelay $0x1  }
0x452: {  	v60 =	vor.u32 $0x43C, v7  }
0x453: {  	[tilespmem:$0x1FDE0] =	vst v5;
	v60 =	vadd.s32 v60, v45  }
0x454: {  	v5 =	vld [tilespmem:$0x1FDF0];
	v62 =	vand.u32 $0x7F80, v60;
	[tilespmem:v54+s23+$0x0] =	vst.idx.msk $0xffff, v57;
	v54 =	vor.u32 $0x3C, v4  }
0x455: {  	v59 =	vld.idx.msk [tilespmem:v59+s17+$0x0], $0xffff;
	v57 =	vor.u32 v54, v62  }
0x456: {  	v60 =	vshll.u32 v55, $0x1  }
0x457: {  	vm14 =	vgt.s32 v55, $0x1FFF;
	v55 =	vmov s15;
	v62 =	vadd.s32 $0xFFFFC001, v60  }
0x458: {  	vm15 =	vlt.s32 v56, v55;
	v60 =	vsel vm14, v62, v60  }
0x459: {  	v60 =	vsel vm15, v60, v5  }
0x45a: {  	[tilespmem:v57+s23+$0x0] =	vst.idx.msk $0xffff, v59;
	v59 =	vshll.u32 v60, $0x3  }
0x45b: {  	v61 =	vadd.s32 $0xAA80, v58;
	(v2sf) =	vpush v59, $0x0;
	_ =	sdelay $0x1  }
0x45c: {  	v56 =	vor.u32 $0x43D, v7;
	(v2sf) =	vpush v59, $0x1  }
0x45d: {  	v56 =	vadd.s32 v56, v45  }
0x45e: {  	v57 =	vand.u32 $0x7F80, v56;
	v56 =	vor.u32 $0x3D, v4;
	(v2sf) =	vpush v59, $0x2  }
0x45f: {  	v60 =	vld.idx.msk [tilespmem:v61+s17+$0x0], $0xffff;
	v57 =	vor.u32 v56, v57  }
0x460: {  	v61 =	vadd.s32 $0xAB00, v58  }
0x461: {  	(v2sf) =	vpush v59, $0x3  }
0x462: {  	v62 =	vor.u32 $0x43E, v7  }
0x463: {  	v62 =	vadd.s32 v62, v45  }
0x464: {  	[tilespmem:v57+s23+$0x0] =	vst.idx.msk $0xffff, v60;
	v60 =	vand.u32 $0x7F80, v62;
	v57 =	vor.u32 $0x3E, v4  }
0x465: {  	v61 =	vld.idx.msk [tilespmem:v61+s17+$0x0], $0xffff;
	v60 =	vor.u32 v57, v60  }
0x466: {  	v62 =	vadd.s32 $0xAB80, v58;
	_ =	sdelay $0x1  }
0x467: {  	v58 =	vor.u32 $0x43F, v7  }
0x468: {  	v58 =	vadd.s32 v58, v45;
	s2 =	spop (v2sf);
	(v2sf) =	vpush v59, $0x4  }
0x469: {  	[tilespmem:v60+s23+$0x0] =	vst.idx.msk $0xffff, v61;
	v60 =	vand.u32 $0x7F80, v58;
	v58 =	vor.u32 $0x3F, v4  }
0x46a: {  	v61 =	vld.idx.msk [tilespmem:v62+s17+$0x0], $0xffff;
	v60 =	vor.u32 v58, v60;
	s11 =	spop (v2sf);
	(v2sf) =	vpush v59, $0x5;
	_ =	sdelay $0x1  }
0x46b: {  	s15 =	spop (v2sf);
	(v2sf) =	vpush v59, $0x6;
	_ =	sdelay $0x1  }
0x46c: {  	s2 =	sand.u32 $0x1FFFFFF8, s2  }
0x46d: {  	s9 =	sadd.s32 $0x1CB00, s18;
	[tilespmem:v60+s23+$0x0] =	vst.idx.msk $0xffff, v61;
	s2 =	sadd.s32 s8, s2;
	s24 =	spop (v2sf);
	(v2sf) =	vpush v59, $0x7  }
0x46e: {  	[hbm4b:s2+s5] =	stream.linear.scatter [tilespmem:s9], [sflag:$0x2], $0x40, $0x38;
	[tilespmem:$0x1F700] =	vst v63  }
0x46f: {  	s2 =	sand.u32 $0x1FFFFFF8, s11  }
0x470: {  	s14 =	sadd.s32 $0x1CB40, s18;
	s2 =	sadd.s32 s8, s2  }
0x471: {  	[hbm4b:s2+s5] =	stream.linear.scatter [tilespmem:s14], [sflag:$0x2], $0x40, $0x38;
	[tilespmem:$0x1F700] =	vst v63  }
0x472: {  	s2 =	sand.u32 $0x1FFFFFF8, s15  }
0x473: {  	s16 =	sadd.s32 $0x1CB80, s18;
	s2 =	sadd.s32 s8, s2  }
0x474: {  	[hbm4b:s2+s5] =	stream.linear.scatter [tilespmem:s16], [sflag:$0x2], $0x40, $0x38;
	[tilespmem:$0x1F700] =	vst v63  }
0x475: {  	s9 =	spop (v2sf);
	(v2sf) =	vpush v59, $0x8  }
0x476: {  	s2 =	sand.u32 $0x1FFFFFF8, s24  }
0x477: {  	s28 =	sadd.s32 $0x1CBC0, s18;
	s2 =	sadd.s32 s8, s2;
	s11 =	spop (v2sf);
	(v2sf) =	vpush v59, $0x9  }
0x478: {  	[hbm4b:s2+s5] =	stream.linear.scatter [tilespmem:s28], [sflag:$0x2], $0x40, $0x38;
	[tilespmem:$0x1F700] =	vst v63  }
0x479: {  	s2 =	sand.u32 $0x1FFFFFF8, s9;
	s15 =	spop (v2sf);
	(v2sf) =	vpush v59, $0xA  }
0x47a: {  	s10 =	sadd.s32 $0x1CC00, s18;
	s2 =	sadd.s32 s8, s2  }
0x47b: {  	[hbm4b:s2+s5] =	stream.linear.scatter [tilespmem:s10], [sflag:$0x2], $0x40, $0x38;
	[tilespmem:$0x1F700] =	vst v63  }
0x47c: {  	s24 =	spop (v2sf);
	(v2sf) =	vpush v59, $0xB  }
0x47d: {  	s2 =	sand.u32 $0x1FFFFFF8, s11  }
0x47e: {  	s14 =	sadd.s32 $0x1CC40, s18;
	s2 =	sadd.s32 s8, s2  }
0x47f: {  	[hbm4b:s2+s5] =	stream.linear.scatter [tilespmem:s14], [sflag:$0x2], $0x40, $0x38;
	[tilespmem:$0x1F700] =	vst v63  }
0x480: {  	s2 =	sand.u32 $0x1FFFFFF8, s15  }
0x481: {  	s16 =	sadd.s32 $0x1CC80, s18;
	s2 =	sadd.s32 s8, s2  }
0x482: {  	[hbm4b:s2+s5] =	stream.linear.scatter [tilespmem:s16], [sflag:$0x2], $0x40, $0x38;
	[tilespmem:$0x1F700] =	vst v63  }
0x483: {  	s2 =	sand.u32 $0x1FFFFFF8, s24  }
0x484: {  	s28 =	sadd.s32 $0x1CCC0, s18;
	s2 =	sadd.s32 s8, s2;
	s9 =	spop (v2sf);
	(v2sf) =	vpush v59, $0xC  }
0x485: {  	[hbm4b:s2+s5] =	stream.linear.scatter [tilespmem:s28], [sflag:$0x2], $0x40, $0x38;
	[tilespmem:$0x1F700] =	vst v63  }
0x486: {  	s11 =	spop (v2sf);
	(v2sf) =	vpush v59, $0xD  }
0x487: {  	s2 =	sand.u32 $0x1FFFFFF8, s9  }
0x488: {  	s10 =	sadd.s32 $0x1CD00, s18;
	s2 =	sadd.s32 s8, s2;
	s15 =	spop (v2sf)  }
0x489: {  	(v2sf) =	vpush v59, $0xE;
	[hbm4b:s2+s5] =	stream.linear.scatter [tilespmem:s10], [sflag:$0x2], $0x40, $0x38;
	[tilespmem:$0x1F700] =	vst v63  }
0x48a: {  	s2 =	sand.u32 $0x1FFFFFF8, s11  }
0x48b: {  	s14 =	sadd.s32 $0x1CD40, s18;
	s24 =	spop (v2sf);
	s2 =	sadd.s32 s8, s2  }
0x48c: {  	(v2sf) =	vpush v59, $0xF;
	[hbm4b:s2+s5] =	stream.linear.scatter [tilespmem:s14], [sflag:$0x2], $0x40, $0x38;
	[tilespmem:$0x1F700] =	vst v63  }
0x48d: {  	s2 =	sand.u32 $0x1FFFFFF8, s15  }
0x48e: {  	s16 =	sadd.s32 $0x1CD80, s18;
	s2 =	sadd.s32 s8, s2  }
0x48f: {  	[hbm4b:s2+s5] =	stream.linear.scatter [tilespmem:s16], [sflag:$0x2], $0x40, $0x38;
	[tilespmem:$0x1F700] =	vst v63  }
0x490: {  	s2 =	sand.u32 $0x1FFFFFF8, s24  }
0x491: {  	s28 =	sadd.s32 $0x1CDC0, s18;
	s2 =	sadd.s32 s8, s2  }
0x492: {  	[hbm4b:s2+s5] =	stream.linear.scatter [tilespmem:s28], [sflag:$0x2], $0x40, $0x38;
	[tilespmem:$0x1F700] =	vst v63  }
0x493: {  	s9 =	spop (v2sf)  }
0x494: {  	s2 =	sand.u32 $0x1FFFFFF8, s9  }
0x495: {  	s10 =	sadd.s32 $0x1CE00, s18;
	s11 =	spop (v2sf);
	s2 =	sadd.s32 s8, s2  }
0x496: {  	[hbm4b:s2+s5] =	stream.linear.scatter [tilespmem:s10], [sflag:$0x2], $0x40, $0x38;
	[tilespmem:$0x1F700] =	vst v63  }
0x497: {  	s2 =	sand.u32 $0x1FFFFFF8, s11  }
0x498: {  	s14 =	sadd.s32 $0x1CE40, s18;
	s15 =	spop (v2sf);
	s2 =	sadd.s32 s8, s2  }
0x499: {  	[hbm4b:s2+s5] =	stream.linear.scatter [tilespmem:s14], [sflag:$0x2], $0x40, $0x38;
	[tilespmem:$0x1F700] =	vst v63  }
0x49a: {  	p4 =	slt.u32 s19, $0x21;
	s16 =	sadd.s32 $0x1CE80, s18;
	s2 =	sand.u32 $0x1FFFFFF8, s15  }
.Ltmp22:
0x49b: {  	s24 =	spop (v2sf);
	s2 =	sadd.s32 s8, s2;
	(pc) =	sbr.rel @p4 .LBB2_34-.Ltmp22, $4  }
0x49c: {  	[hbm4b:s2+s5] =	stream.linear.scatter [tilespmem:s16], [sflag:$0x2], $0x40, $0x38;
	[tilespmem:$0x1F700] =	vst v63  }
0x49d: {  	s2 =	sand.u32 $0x1FFFFFF8, s24  }
0x49e: {  	s28 =	sadd.s32 $0x1CEC0, s18;
	s2 =	sadd.s32 s8, s2  }
0x49f: {  	[hbm4b:s2+s5] =	stream.linear.scatter [tilespmem:s28], [sflag:$0x2], $0x40, $0x38;
	[tilespmem:$0x1F700] =	vst v63  }
0x4a0: {  	v5 =	vld [tilespmem:$0x4620];
	_ =	sdelay $0x4  }
0x4a1: {  	v46 =	vsub.s32 v5, v46  }
0x4a2: {  	vm0 =	vgt.s32 v46, $0x0  }
0x4a3: {  	v46 =	vnsel vm0, $0x0, v46  }
0x4a4: {  	v59 =	vmin.u32 v46, $0x2FF  }
0x4a5: {  	v46 =	vshll.u32 v59, $0x3  }
0x4a6: {  	v62 =	vand.u32 $0x7F, v59;
	v60 =	vand.u32 $0x1C00, v46  }
0x4a7: {  	v46 =	vor.u32 v62, v60  }
0x4a8: {  	[tilespmem:$0x1FCA0] =	vst v23;
	v23 =	vld [tilespmem:$0x46A0]  }
0x4a9: {  	v61 =	vor.u32 $0x800, v7  }
0x4aa: {  	v61 =	vadd.s32 v61, v45  }
0x4ab: {  	[tilespmem:$0x1FC90] =	vst v22;
	v61 =	vand.u32 $0x7F80, v61  }
0x4ac: {  	v22 =	vmov v21;
	v21 =	vmov v20;
	v61 =	vor.u32 v4, v61;
	[tilespmem:$0x1FCC0] =	vst v5;
	v62 =	vld.idx.msk [tilespmem:v46+s17+$0x0], $0xffff  }
0x4ad: {  	v20 =	vmovc v19;
	v19 =	vmovc v18;
	v18 =	vmov v17;
	v5 =	vmov v63;
	[tilespmem:$0x1FCB0] =	vst v23;
	v23 =	vld [tilespmem:$0x1FCD0];
	v63 =	vor.u32 $0x80, v46  }
0x4ae: {  	v17 =	vmovc v16;
	v16 =	vmovc v15;
	v15 =	vmov v14;
	v14 =	vmov v13;
	v13 =	vmov v12  }
0x4af: {  	v12 =	vmovc v11;
	v11 =	vmovc v10;
	v10 =	vmov v3;
	v3 =	vmov v6;
	v6 =	vor.u32 $0x801, v7  }
0x4b0: {  	v6 =	vadd.s32 v6, v45  }
0x4b1: {  	v6 =	vand.u32 $0x7F80, v6;
	[tilespmem:v61+s23+$0x0] =	vst.idx.msk $0xffff, v62  }
0x4b2: {  	v6 =	vor.u32 v23, v6;
	v23 =	vor.u32 $0x802, v7;
	v61 =	vld.idx.msk [tilespmem:v63+s17+$0x0], $0xffff  }
0x4b3: {  	v62 =	vor.u32 $0x100, v46;
	v63 =	vadd.s32 v23, v45;
	v23 =	vld [tilespmem:$0x1FCE0];
	_ =	sdelay $0x3  }
0x4b4: {  	[tilespmem:v6+s23+$0x0] =	vst.idx.msk $0xffff, v61;
	v6 =	vand.u32 $0x7F80, v63  }
0x4b5: {  	v6 =	vor.u32 v23, v6;
	v61 =	vld.idx.msk [tilespmem:v62+s17+$0x0], $0xffff;
	v23 =	vor.u32 $0x803, v7  }
0x4b6: {  	v62 =	vor.u32 $0x180, v46;
	v63 =	vadd.s32 v23, v45;
	v23 =	vld [tilespmem:$0x1FCF0];
	_ =	sdelay $0x3  }
0x4b7: {  	[tilespmem:v6+s23+$0x0] =	vst.idx.msk $0xffff, v61;
	v6 =	vand.u32 $0x7F80, v63  }
0x4b8: {  	v6 =	vor.u32 v23, v6;
	v61 =	vld.idx.msk [tilespmem:v62+s17+$0x0], $0xffff;
	v23 =	vor.u32 $0x804, v7  }
0x4b9: {  	v62 =	vor.u32 $0x200, v46;
	v63 =	vadd.s32 v23, v45;
	v23 =	vld [tilespmem:$0x1FD00];
	_ =	sdelay $0x3  }
0x4ba: {  	[tilespmem:v6+s23+$0x0] =	vst.idx.msk $0xffff, v61;
	v6 =	vand.u32 $0x7F80, v63  }
0x4bb: {  	v6 =	vor.u32 v23, v6;
	v61 =	vld.idx.msk [tilespmem:v62+s17+$0x0], $0xffff;
	v23 =	vor.u32 $0x805, v7  }
0x4bc: {  	v62 =	vor.u32 $0x280, v46;
	v63 =	vadd.s32 v23, v45;
	v23 =	vld [tilespmem:$0x1FD10];
	_ =	sdelay $0x3  }
0x4bd: {  	[tilespmem:v6+s23+$0x0] =	vst.idx.msk $0xffff, v61;
	v6 =	vand.u32 $0x7F80, v63  }
0x4be: {  	v6 =	vor.u32 v23, v6;
	v61 =	vld.idx.msk [tilespmem:v62+s17+$0x0], $0xffff  }
0x4bf: {  	v23 =	vor.u32 $0x806, v7  }
0x4c0: {  	v63 =	vadd.s32 v23, v45;
	_ =	sdelay $0x2  }
0x4c1: {  	v62 =	vor.u32 $0x300, v46;
	[tilespmem:v6+s23+$0x0] =	vst.idx.msk $0xffff, v61;
	v6 =	vand.u32 $0x7F80, v63;
	v63 =	vmov v5;
	v5 =	vld [tilespmem:$0x1FD20];
	_ =	sdelay $0x4  }
0x4c2: {  	v59 =	vor.u32 v59, v60;
	v60 =	vld.idx.msk [tilespmem:v62+s17+$0x0], $0xffff;
	v6 =	vor.u32 v5, v6  }
0x4c3: {  	v61 =	vor.u32 $0x380, v59;
	v5 =	vld [tilespmem:$0x1FD30];
	_ =	sdelay $0x1  }
0x4c4: {  	v23 =	vor.u32 $0x807, v7  }
0x4c5: {  	v62 =	vadd.s32 v23, v45  }
0x4c6: {  	[tilespmem:v6+s23+$0x0] =	vst.idx.msk $0xffff, v60;
	v6 =	vand.u32 $0x7F80, v62  }
0x4c7: {  	v6 =	vor.u32 v5, v6;
	v60 =	vld.idx.msk [tilespmem:v61+s17+$0x0], $0xffff  }
0x4c8: {  	v61 =	vadd.s32 $0x1800, v46;
	v5 =	vld [tilespmem:$0x1FD40];
	_ =	sdelay $0x1  }
0x4c9: {  	v23 =	vor.u32 $0x808, v7  }
0x4ca: {  	v62 =	vadd.s32 v23, v45  }
0x4cb: {  	[tilespmem:v6+s23+$0x0] =	vst.idx.msk $0xffff, v60;
	v6 =	vand.u32 $0x7F80, v62  }
0x4cc: {  	v60 =	vld.idx.msk [tilespmem:v61+s17+$0x0], $0xffff;
	v6 =	vor.u32 v5, v6  }
0x4cd: {  	v61 =	vadd.s32 $0x1880, v46;
	v5 =	vld [tilespmem:$0x1FD50];
	_ =	sdelay $0x1  }
0x4ce: {  	v23 =	vor.u32 $0x809, v7  }
0x4cf: {  	v62 =	vadd.s32 v23, v45  }
0x4d0: {  	[tilespmem:v6+s23+$0x0] =	vst.idx.msk $0xffff, v60;
	v6 =	vand.u32 $0x7F80, v62  }
0x4d1: {  	v60 =	vld.idx.msk [tilespmem:v61+s17+$0x0], $0xffff;
	v6 =	vor.u32 v5, v6  }
0x4d2: {  	v61 =	vadd.s32 $0x1900, v46;
	v5 =	vld [tilespmem:$0x1FD60];
	_ =	sdelay $0x1  }
0x4d3: {  	v23 =	vor.u32 $0x80A, v7  }
0x4d4: {  	v62 =	vadd.s32 v23, v45  }
0x4d5: {  	[tilespmem:v6+s23+$0x0] =	vst.idx.msk $0xffff, v60;
	v6 =	vand.u32 $0x7F80, v62  }
0x4d6: {  	v60 =	vld.idx.msk [tilespmem:v61+s17+$0x0], $0xffff;
	v6 =	vor.u32 v5, v6  }
0x4d7: {  	v61 =	vadd.s32 $0x1980, v46;
	v5 =	vld [tilespmem:$0x1FD70];
	_ =	sdelay $0x1  }
0x4d8: {  	v23 =	vor.u32 $0x80B, v7  }
0x4d9: {  	v62 =	vadd.s32 v23, v45  }
0x4da: {  	[tilespmem:v6+s23+$0x0] =	vst.idx.msk $0xffff, v60;
	v6 =	vand.u32 $0x7F80, v62  }
0x4db: {  	v60 =	vld.idx.msk [tilespmem:v61+s17+$0x0], $0xffff;
	v6 =	vor.u32 v5, v6  }
0x4dc: {  	v61 =	vadd.s32 $0x1A00, v46;
	v5 =	vld [tilespmem:$0x1FD80];
	_ =	sdelay $0x1  }
0x4dd: {  	v23 =	vor.u32 $0x80C, v7  }
0x4de: {  	v62 =	vadd.s32 v23, v45  }
0x4df: {  	[tilespmem:v6+s23+$0x0] =	vst.idx.msk $0xffff, v60;
	v6 =	vand.u32 $0x7F80, v62  }
0x4e0: {  	v60 =	vld.idx.msk [tilespmem:v61+s17+$0x0], $0xffff;
	v6 =	vor.u32 v5, v6  }
0x4e1: {  	v61 =	vadd.s32 $0x1A80, v46;
	v5 =	vld [tilespmem:$0x1FD90];
	_ =	sdelay $0x1  }
0x4e2: {  	v23 =	vor.u32 $0x80D, v7  }
0x4e3: {  	v62 =	vadd.s32 v23, v45  }
0x4e4: {  	[tilespmem:v6+s23+$0x0] =	vst.idx.msk $0xffff, v60;
	v6 =	vand.u32 $0x7F80, v62  }
0x4e5: {  	v60 =	vld.idx.msk [tilespmem:v61+s17+$0x0], $0xffff;
	v6 =	vor.u32 v5, v6  }
0x4e6: {  	v61 =	vadd.s32 $0x1B00, v46;
	v5 =	vld [tilespmem:$0x1FDA0];
	_ =	sdelay $0x1  }
0x4e7: {  	v23 =	vor.u32 $0x80E, v7  }
0x4e8: {  	v62 =	vadd.s32 v23, v45  }
0x4e9: {  	[tilespmem:v6+s23+$0x0] =	vst.idx.msk $0xffff, v60;
	v6 =	vand.u32 $0x7F80, v62  }
0x4ea: {  	v60 =	vld.idx.msk [tilespmem:v61+s17+$0x0], $0xffff;
	v6 =	vor.u32 v5, v6  }
0x4eb: {  	v61 =	vadd.s32 $0x1B80, v46;
	v5 =	vld [tilespmem:$0x1FDB0];
	_ =	sdelay $0x1  }
0x4ec: {  	v23 =	vor.u32 $0x80F, v7  }
0x4ed: {  	v62 =	vadd.s32 v23, v45  }
0x4ee: {  	[tilespmem:v6+s23+$0x0] =	vst.idx.msk $0xffff, v60;
	v6 =	vand.u32 $0x7F80, v62  }
0x4ef: {  	v60 =	vld.idx.msk [tilespmem:v61+s17+$0x0], $0xffff;
	v6 =	vor.u32 v5, v6  }
0x4f0: {  	v61 =	vadd.s32 $0x3000, v46;
	v5 =	vld [tilespmem:$0x1FDC0];
	_ =	sdelay $0x1  }
0x4f1: {  	v23 =	vor.u32 $0x810, v7  }
0x4f2: {  	v62 =	vadd.s32 v23, v45  }
0x4f3: {  	[tilespmem:v6+s23+$0x0] =	vst.idx.msk $0xffff, v60;
	v6 =	vand.u32 $0x7F80, v62  }
0x4f4: {  	v60 =	vld.idx.msk [tilespmem:v61+s17+$0x0], $0xffff;
	v6 =	vor.u32 v5, v6  }
0x4f5: {  	v61 =	vadd.s32 $0x3080, v46;
	v5 =	vld [tilespmem:$0x1FDD0];
	_ =	sdelay $0x1  }
0x4f6: {  	v23 =	vor.u32 $0x811, v7  }
0x4f7: {  	v62 =	vadd.s32 v23, v45  }
0x4f8: {  	[tilespmem:v6+s23+$0x0] =	vst.idx.msk $0xffff, v60;
	v6 =	vand.u32 $0x7F80, v62  }
0x4f9: {  	v60 =	vld.idx.msk [tilespmem:v61+s17+$0x0], $0xffff;
	v6 =	vor.u32 v5, v6  }
0x4fa: {  	v61 =	vadd.s32 $0x3100, v46;
	_ =	sdelay $0x1  }
0x4fb: {  	v23 =	vor.u32 $0x812, v7  }
0x4fc: {  	v62 =	vadd.s32 v23, v45  }
0x4fd: {  	[tilespmem:v6+s23+$0x0] =	vst.idx.msk $0xffff, v60;
	v6 =	vand.u32 $0x7F80, v62  }
0x4fe: {  	v60 =	vld.idx.msk [tilespmem:v61+s17+$0x0], $0xffff;
	v6 =	vor.u32 v3, v6  }
0x4ff: {  	v61 =	vadd.s32 $0x3180, v46;
	v3 =	vld [tilespmem:$0x1FDE0];
	_ =	sdelay $0x1  }
0x500: {  	v23 =	vor.u32 $0x813, v7  }
0x501: {  	v62 =	vadd.s32 v23, v45  }
0x502: {  	[tilespmem:v6+s23+$0x0] =	vst.idx.msk $0xffff, v60;
	v6 =	vand.u32 $0x7F80, v62  }
0x503: {  	v60 =	vld.idx.msk [tilespmem:v61+s17+$0x0], $0xffff;
	v5 =	vor.u32 v3, v6  }
0x504: {  	v6 =	vadd.s32 $0x3200, v46;
	_ =	sdelay $0x1  }
0x505: {  	v23 =	vor.u32 $0x814, v7  }
0x506: {  	v61 =	vadd.s32 v23, v45  }
0x507: {  	[tilespmem:v5+s23+$0x0] =	vst.idx.msk $0xffff, v60;
	v5 =	vand.u32 $0x7F80, v61  }
0x508: {  	v6 =	vld.idx.msk [tilespmem:v6+s17+$0x0], $0xffff;
	v3 =	vor.u32 v10, v5  }
0x509: {  	v5 =	vadd.s32 $0x3280, v46;
	_ =	sdelay $0x1  }
0x50a: {  	v23 =	vor.u32 $0x815, v7  }
0x50b: {  	v60 =	vadd.s32 v23, v45  }
0x50c: {  	[tilespmem:v3+s23+$0x0] =	vst.idx.msk $0xffff, v6;
	v3 =	vand.u32 $0x7F80, v60  }
0x50d: {  	v5 =	vld.idx.msk [tilespmem:v5+s17+$0x0], $0xffff;
	v3 =	vor.u32 v11, v3  }
0x50e: {  	v6 =	vadd.s32 $0x3300, v46;
	_ =	sdelay $0x1  }
0x50f: {  	v10 =	vor.u32 $0x816, v7  }
0x510: {  	v10 =	vadd.s32 v10, v45  }
0x511: {  	[tilespmem:v3+s23+$0x0] =	vst.idx.msk $0xffff, v5;
	v3 =	vand.u32 $0x7F80, v10  }
0x512: {  	v5 =	vld.idx.msk [tilespmem:v6+s17+$0x0], $0xffff;
	v3 =	vor.u32 v12, v3  }
0x513: {  	v6 =	vadd.s32 $0x3380, v46;
	_ =	sdelay $0x1  }
0x514: {  	v10 =	vor.u32 $0x817, v7  }
0x515: {  	v10 =	vadd.s32 v10, v45  }
0x516: {  	[tilespmem:v3+s23+$0x0] =	vst.idx.msk $0xffff, v5;
	v3 =	vand.u32 $0x7F80, v10  }
0x517: {  	v5 =	vld.idx.msk [tilespmem:v6+s17+$0x0], $0xffff;
	v3 =	vor.u32 v13, v3  }
0x518: {  	v6 =	vadd.s32 $0x4800, v46;
	_ =	sdelay $0x1  }
0x519: {  	v10 =	vor.u32 $0x818, v7  }
0x51a: {  	v10 =	vadd.s32 v10, v45  }
0x51b: {  	[tilespmem:v3+s23+$0x0] =	vst.idx.msk $0xffff, v5;
	v3 =	vand.u32 $0x7F80, v10  }
0x51c: {  	v5 =	vld.idx.msk [tilespmem:v6+s17+$0x0], $0xffff;
	v3 =	vor.u32 v14, v3  }
0x51d: {  	v6 =	vadd.s32 $0x4880, v46;
	_ =	sdelay $0x1  }
0x51e: {  	v10 =	vor.u32 $0x819, v7  }
0x51f: {  	v10 =	vadd.s32 v10, v45  }
0x520: {  	[tilespmem:v3+s23+$0x0] =	vst.idx.msk $0xffff, v5;
	v3 =	vand.u32 $0x7F80, v10  }
0x521: {  	v5 =	vld.idx.msk [tilespmem:v6+s17+$0x0], $0xffff;
	v3 =	vor.u32 v15, v3  }
0x522: {  	v6 =	vadd.s32 $0x4900, v46;
	_ =	sdelay $0x1  }
0x523: {  	v10 =	vor.u32 $0x81A, v7  }
0x524: {  	v10 =	vadd.s32 v10, v45  }
0x525: {  	[tilespmem:v3+s23+$0x0] =	vst.idx.msk $0xffff, v5;
	v3 =	vand.u32 $0x7F80, v10  }
0x526: {  	v5 =	vld.idx.msk [tilespmem:v6+s17+$0x0], $0xffff;
	v3 =	vor.u32 v16, v3  }
0x527: {  	v6 =	vadd.s32 $0x4980, v46;
	_ =	sdelay $0x1  }
0x528: {  	v10 =	vor.u32 $0x81B, v7  }
0x529: {  	v10 =	vadd.s32 v10, v45  }
0x52a: {  	[tilespmem:v3+s23+$0x0] =	vst.idx.msk $0xffff, v5;
	v3 =	vand.u32 $0x7F80, v10  }
0x52b: {  	v5 =	vld.idx.msk [tilespmem:v6+s17+$0x0], $0xffff;
	v3 =	vor.u32 v17, v3  }
0x52c: {  	v6 =	vadd.s32 $0x4A00, v46;
	_ =	sdelay $0x1  }
0x52d: {  	v10 =	vor.u32 $0x81C, v7  }
0x52e: {  	v10 =	vadd.s32 v10, v45  }
0x52f: {  	[tilespmem:v3+s23+$0x0] =	vst.idx.msk $0xffff, v5;
	v3 =	vand.u32 $0x7F80, v10  }
0x530: {  	v5 =	vld.idx.msk [tilespmem:v6+s17+$0x0], $0xffff;
	v3 =	vor.u32 v18, v3  }
0x531: {  	v6 =	vadd.s32 $0x4A80, v46;
	_ =	sdelay $0x1  }
0x532: {  	v10 =	vor.u32 $0x81D, v7  }
0x533: {  	v10 =	vadd.s32 v10, v45  }
0x534: {  	[tilespmem:v3+s23+$0x0] =	vst.idx.msk $0xffff, v5;
	v3 =	vand.u32 $0x7F80, v10  }
0x535: {  	v5 =	vld.idx.msk [tilespmem:v6+s17+$0x0], $0xffff;
	v3 =	vor.u32 v19, v3  }
0x536: {  	v6 =	vadd.s32 $0x4B00, v46;
	_ =	sdelay $0x1  }
0x537: {  	v10 =	vor.u32 $0x81E, v7  }
0x538: {  	v10 =	vadd.s32 v10, v45  }
0x539: {  	[tilespmem:v3+s23+$0x0] =	vst.idx.msk $0xffff, v5;
	v3 =	vand.u32 $0x7F80, v10  }
0x53a: {  	v5 =	vld.idx.msk [tilespmem:v6+s17+$0x0], $0xffff;
	v3 =	vor.u32 v20, v3  }
0x53b: {  	v6 =	vadd.s32 $0x4B80, v46;
	_ =	sdelay $0x1  }
0x53c: {  	v10 =	vor.u32 $0x81F, v7  }
0x53d: {  	v10 =	vadd.s32 v10, v45  }
0x53e: {  	[tilespmem:v3+s23+$0x0] =	vst.idx.msk $0xffff, v5;
	v3 =	vand.u32 $0x7F80, v10  }
0x53f: {  	v5 =	vld.idx.msk [tilespmem:v6+s17+$0x0], $0xffff;
	v3 =	vor.u32 v21, v3  }
0x540: {  	v6 =	vor.u32 $0x6000, v46;
	_ =	sdelay $0x1  }
0x541: {  	v10 =	vor.u32 $0x820, v7  }
0x542: {  	v10 =	vadd.s32 v10, v45  }
0x543: {  	[tilespmem:v3+s23+$0x0] =	vst.idx.msk $0xffff, v5;
	v3 =	vand.u32 $0x7F80, v10  }
0x544: {  	v5 =	vld.idx.msk [tilespmem:v6+s17+$0x0], $0xffff;
	v3 =	vor.u32 v22, v3  }
0x545: {  	v6 =	vor.u32 $0x6080, v46;
	_ =	sdelay $0x3  }
0x546: {  	[tilespmem:v3+s23+$0x0] =	vst.idx.msk $0xffff, v5  }
0x547: {  	v5 =	vld.idx.msk [tilespmem:v6+s17+$0x0], $0xffff  }
0x548: {  	v6 =	vld [tilespmem:$0x1FC90];
	_ =	sdelay $0x1  }
0x549: {  	v10 =	vor.u32 $0x821, v7  }
0x54a: {  	v10 =	vadd.s32 v10, v45  }
0x54b: {  	v3 =	vand.u32 $0x7F80, v10  }
0x54c: {  	v3 =	vor.u32 v6, v3  }
0x54d: {  	v6 =	vor.u32 $0x6100, v46;
	_ =	sdelay $0x3  }
0x54e: {  	[tilespmem:v3+s23+$0x0] =	vst.idx.msk $0xffff, v5  }
0x54f: {  	v5 =	vld.idx.msk [tilespmem:v6+s17+$0x0], $0xffff  }
0x550: {  	v6 =	vld [tilespmem:$0x1FCA0];
	_ =	sdelay $0x1  }
0x551: {  	v10 =	vor.u32 $0x822, v7  }
0x552: {  	v10 =	vadd.s32 v10, v45  }
0x553: {  	v3 =	vand.u32 $0x7F80, v10  }
0x554: {  	v3 =	vor.u32 v6, v3  }
0x555: {  	v6 =	vor.u32 $0x6180, v46;
	_ =	sdelay $0x1  }
0x556: {  	v10 =	vor.u32 $0x823, v7  }
0x557: {  	v10 =	vadd.s32 v10, v45  }
0x558: {  	[tilespmem:v3+s23+$0x0] =	vst.idx.msk $0xffff, v5;
	v3 =	vand.u32 $0x7F80, v10  }
0x559: {  	v5 =	vld.idx.msk [tilespmem:v6+s17+$0x0], $0xffff;
	v3 =	vor.u32 v24, v3  }
0x55a: {  	v6 =	vor.u32 $0x6200, v46;
	_ =	sdelay $0x1  }
0x55b: {  	v10 =	vor.u32 $0x824, v7  }
0x55c: {  	v10 =	vadd.s32 v10, v45  }
0x55d: {  	[tilespmem:v3+s23+$0x0] =	vst.idx.msk $0xffff, v5;
	v3 =	vand.u32 $0x7F80, v10  }
0x55e: {  	v5 =	vld.idx.msk [tilespmem:v6+s17+$0x0], $0xffff;
	v3 =	vor.u32 v25, v3  }
0x55f: {  	v6 =	vor.u32 $0x6280, v46;
	_ =	sdelay $0x1  }
0x560: {  	v10 =	vor.u32 $0x825, v7  }
0x561: {  	v10 =	vadd.s32 v10, v45  }
0x562: {  	[tilespmem:v3+s23+$0x0] =	vst.idx.msk $0xffff, v5;
	v3 =	vand.u32 $0x7F80, v10  }
0x563: {  	v5 =	vld.idx.msk [tilespmem:v6+s17+$0x0], $0xffff;
	v3 =	vor.u32 v26, v3  }
0x564: {  	v6 =	vor.u32 $0x6300, v46;
	_ =	sdelay $0x1  }
0x565: {  	v10 =	vor.u32 $0x826, v7  }
0x566: {  	v10 =	vadd.s32 v10, v45  }
0x567: {  	[tilespmem:v3+s23+$0x0] =	vst.idx.msk $0xffff, v5;
	v3 =	vand.u32 $0x7F80, v10  }
0x568: {  	v5 =	vld.idx.msk [tilespmem:v6+s17+$0x0], $0xffff;
	v3 =	vor.u32 v27, v3  }
0x569: {  	v6 =	vor.u32 $0x6380, v59;
	_ =	sdelay $0x1  }
0x56a: {  	v10 =	vor.u32 $0x827, v7  }
0x56b: {  	v10 =	vadd.s32 v10, v45  }
0x56c: {  	[tilespmem:v3+s23+$0x0] =	vst.idx.msk $0xffff, v5;
	v3 =	vand.u32 $0x7F80, v10  }
0x56d: {  	v5 =	vld.idx.msk [tilespmem:v6+s17+$0x0], $0xffff;
	v3 =	vor.u32 v28, v3  }
0x56e: {  	v6 =	vadd.s32 $0x7800, v46;
	_ =	sdelay $0x1  }
0x56f: {  	v10 =	vor.u32 $0x828, v7  }
0x570: {  	v10 =	vadd.s32 v10, v45  }
0x571: {  	[tilespmem:v3+s23+$0x0] =	vst.idx.msk $0xffff, v5;
	v3 =	vand.u32 $0x7F80, v10  }
0x572: {  	v5 =	vld.idx.msk [tilespmem:v6+s17+$0x0], $0xffff;
	v3 =	vor.u32 v29, v3  }
0x573: {  	v6 =	vadd.s32 $0x7880, v46;
	_ =	sdelay $0x1  }
0x574: {  	v10 =	vor.u32 $0x829, v7  }
0x575: {  	v10 =	vadd.s32 v10, v45  }
0x576: {  	[tilespmem:v3+s23+$0x0] =	vst.idx.msk $0xffff, v5;
	v3 =	vand.u32 $0x7F80, v10  }
0x577: {  	v5 =	vld.idx.msk [tilespmem:v6+s17+$0x0], $0xffff;
	v3 =	vor.u32 v30, v3  }
0x578: {  	v6 =	vadd.s32 $0x7900, v46;
	_ =	sdelay $0x1  }
0x579: {  	v10 =	vor.u32 $0x82A, v7  }
0x57a: {  	v10 =	vadd.s32 v10, v45  }
0x57b: {  	[tilespmem:v3+s23+$0x0] =	vst.idx.msk $0xffff, v5;
	v3 =	vand.u32 $0x7F80, v10  }
0x57c: {  	v5 =	vld.idx.msk [tilespmem:v6+s17+$0x0], $0xffff;
	v3 =	vor.u32 v31, v3  }
0x57d: {  	v6 =	vadd.s32 $0x7980, v46;
	_ =	sdelay $0x1  }
0x57e: {  	v10 =	vor.u32 $0x82B, v7  }
0x57f: {  	v10 =	vadd.s32 v10, v45  }
0x580: {  	[tilespmem:v3+s23+$0x0] =	vst.idx.msk $0xffff, v5;
	v3 =	vand.u32 $0x7F80, v10  }
0x581: {  	v5 =	vld.idx.msk [tilespmem:v6+s17+$0x0], $0xffff;
	v3 =	vor.u32 v32, v3  }
0x582: {  	v6 =	vadd.s32 $0x7A00, v46;
	_ =	sdelay $0x1  }
0x583: {  	v10 =	vor.u32 $0x82C, v7  }
0x584: {  	v10 =	vadd.s32 v10, v45  }
0x585: {  	[tilespmem:v3+s23+$0x0] =	vst.idx.msk $0xffff, v5;
	v3 =	vand.u32 $0x7F80, v10  }
0x586: {  	v5 =	vld.idx.msk [tilespmem:v6+s17+$0x0], $0xffff;
	v3 =	vor.u32 v33, v3  }
0x587: {  	v6 =	vadd.s32 $0x7A80, v46;
	_ =	sdelay $0x1  }
0x588: {  	v10 =	vor.u32 $0x82D, v7  }
0x589: {  	v10 =	vadd.s32 v10, v45  }
0x58a: {  	[tilespmem:v3+s23+$0x0] =	vst.idx.msk $0xffff, v5;
	v3 =	vand.u32 $0x7F80, v10  }
0x58b: {  	v5 =	vld.idx.msk [tilespmem:v6+s17+$0x0], $0xffff;
	v3 =	vor.u32 v34, v3  }
0x58c: {  	v6 =	vadd.s32 $0x7B00, v46;
	_ =	sdelay $0x1  }
0x58d: {  	v10 =	vor.u32 $0x82E, v7  }
0x58e: {  	v10 =	vadd.s32 v10, v45  }
0x58f: {  	[tilespmem:v3+s23+$0x0] =	vst.idx.msk $0xffff, v5;
	v3 =	vand.u32 $0x7F80, v10  }
0x590: {  	v5 =	vld.idx.msk [tilespmem:v6+s17+$0x0], $0xffff;
	v3 =	vor.u32 v35, v3  }
0x591: {  	v6 =	vadd.s32 $0x7B80, v46;
	_ =	sdelay $0x1  }
0x592: {  	v10 =	vor.u32 $0x82F, v7  }
0x593: {  	v10 =	vadd.s32 v10, v45  }
0x594: {  	[tilespmem:v3+s23+$0x0] =	vst.idx.msk $0xffff, v5;
	v3 =	vand.u32 $0x7F80, v10  }
0x595: {  	v5 =	vld.idx.msk [tilespmem:v6+s17+$0x0], $0xffff;
	v3 =	vor.u32 v36, v3  }
0x596: {  	v6 =	vadd.s32 $0x9000, v46;
	_ =	sdelay $0x1  }
0x597: {  	v10 =	vor.u32 $0x830, v7  }
0x598: {  	v10 =	vadd.s32 v10, v45  }
0x599: {  	[tilespmem:v3+s23+$0x0] =	vst.idx.msk $0xffff, v5;
	v3 =	vand.u32 $0x7F80, v10  }
0x59a: {  	v5 =	vld.idx.msk [tilespmem:v6+s17+$0x0], $0xffff;
	v3 =	vor.u32 v37, v3  }
0x59b: {  	v6 =	vadd.s32 $0x9080, v46;
	_ =	sdelay $0x1  }
0x59c: {  	v10 =	vor.u32 $0x831, v7  }
0x59d: {  	v10 =	vadd.s32 v10, v45  }
0x59e: {  	[tilespmem:v3+s23+$0x0] =	vst.idx.msk $0xffff, v5;
	v3 =	vand.u32 $0x7F80, v10  }
0x59f: {  	v5 =	vld.idx.msk [tilespmem:v6+s17+$0x0], $0xffff;
	v3 =	vor.u32 v38, v3  }
0x5a0: {  	v6 =	vadd.s32 $0x9100, v46;
	_ =	sdelay $0x1  }
0x5a1: {  	v10 =	vor.u32 $0x832, v7  }
0x5a2: {  	v10 =	vadd.s32 v10, v45  }
0x5a3: {  	[tilespmem:v3+s23+$0x0] =	vst.idx.msk $0xffff, v5;
	v3 =	vand.u32 $0x7F80, v10  }
0x5a4: {  	v5 =	vld.idx.msk [tilespmem:v6+s17+$0x0], $0xffff;
	v3 =	vor.u32 v39, v3  }
0x5a5: {  	v6 =	vadd.s32 $0x9180, v46;
	_ =	sdelay $0x1  }
0x5a6: {  	v10 =	vor.u32 $0x833, v7  }
0x5a7: {  	v10 =	vadd.s32 v10, v45  }
0x5a8: {  	[tilespmem:v3+s23+$0x0] =	vst.idx.msk $0xffff, v5;
	v3 =	vand.u32 $0x7F80, v10  }
0x5a9: {  	v5 =	vld.idx.msk [tilespmem:v6+s17+$0x0], $0xffff;
	v3 =	vor.u32 v40, v3  }
0x5aa: {  	v6 =	vadd.s32 $0x9200, v46;
	_ =	sdelay $0x1  }
0x5ab: {  	v10 =	vor.u32 $0x834, v7  }
0x5ac: {  	v10 =	vadd.s32 v10, v45  }
0x5ad: {  	[tilespmem:v3+s23+$0x0] =	vst.idx.msk $0xffff, v5;
	v3 =	vand.u32 $0x7F80, v10  }
0x5ae: {  	v5 =	vld.idx.msk [tilespmem:v6+s17+$0x0], $0xffff;
	v3 =	vor.u32 v9, v3  }
0x5af: {  	v6 =	vadd.s32 $0x9280, v46;
	_ =	sdelay $0x1  }
0x5b0: {  	v9 =	vor.u32 $0x835, v7  }
0x5b1: {  	v9 =	vadd.s32 v9, v45  }
0x5b2: {  	[tilespmem:v3+s23+$0x0] =	vst.idx.msk $0xffff, v5;
	v3 =	vand.u32 $0x7F80, v9  }
0x5b3: {  	v5 =	vld.idx.msk [tilespmem:v6+s17+$0x0], $0xffff;
	v3 =	vor.u32 v47, v3  }
0x5b4: {  	v6 =	vadd.s32 $0x9300, v46;
	_ =	sdelay $0x1  }
0x5b5: {  	v9 =	vor.u32 $0x836, v7  }
0x5b6: {  	v9 =	vadd.s32 v9, v45  }
0x5b7: {  	[tilespmem:v3+s23+$0x0] =	vst.idx.msk $0xffff, v5;
	v3 =	vand.u32 $0x7F80, v9  }
0x5b8: {  	v5 =	vld.idx.msk [tilespmem:v6+s17+$0x0], $0xffff;
	v3 =	vor.u32 v48, v3  }
0x5b9: {  	v6 =	vadd.s32 $0x9380, v46;
	_ =	sdelay $0x1  }
0x5ba: {  	v9 =	vor.u32 $0x837, v7  }
0x5bb: {  	v9 =	vadd.s32 v9, v45  }
0x5bc: {  	[tilespmem:v3+s23+$0x0] =	vst.idx.msk $0xffff, v5;
	v3 =	vand.u32 $0x7F80, v9  }
0x5bd: {  	v5 =	vld.idx.msk [tilespmem:v6+s17+$0x0], $0xffff;
	v3 =	vor.u32 v49, v3  }
0x5be: {  	v6 =	vadd.s32 $0xA800, v46;
	_ =	sdelay $0x1  }
0x5bf: {  	v9 =	vor.u32 $0x838, v7  }
0x5c0: {  	v9 =	vadd.s32 v9, v45  }
0x5c1: {  	[tilespmem:v3+s23+$0x0] =	vst.idx.msk $0xffff, v5;
	v3 =	vand.u32 $0x7F80, v9  }
0x5c2: {  	v5 =	vld.idx.msk [tilespmem:v6+s17+$0x0], $0xffff;
	v3 =	vor.u32 v50, v3  }
0x5c3: {  	v6 =	vadd.s32 $0xA880, v46;
	_ =	sdelay $0x1  }
0x5c4: {  	v9 =	vor.u32 $0x839, v7  }
0x5c5: {  	v9 =	vadd.s32 v9, v45  }
0x5c6: {  	[tilespmem:v3+s23+$0x0] =	vst.idx.msk $0xffff, v5;
	v3 =	vand.u32 $0x7F80, v9  }
0x5c7: {  	v5 =	vld.idx.msk [tilespmem:v6+s17+$0x0], $0xffff;
	v3 =	vor.u32 v51, v3  }
0x5c8: {  	v6 =	vadd.s32 $0xA900, v46;
	_ =	sdelay $0x1  }
0x5c9: {  	v9 =	vor.u32 $0x83A, v7  }
0x5ca: {  	v9 =	vadd.s32 v9, v45  }
0x5cb: {  	[tilespmem:v3+s23+$0x0] =	vst.idx.msk $0xffff, v5;
	v3 =	vand.u32 $0x7F80, v9  }
0x5cc: {  	v5 =	vld.idx.msk [tilespmem:v6+s17+$0x0], $0xffff;
	v3 =	vor.u32 v52, v3  }
0x5cd: {  	v6 =	vadd.s32 $0xA980, v46;
	_ =	sdelay $0x1  }
0x5ce: {  	v9 =	vor.u32 $0x83B, v7  }
0x5cf: {  	v9 =	vadd.s32 v9, v45  }
0x5d0: {  	v11 =	vld [tilespmem:$0x1FCC0];
	[tilespmem:v3+s23+$0x0] =	vst.idx.msk $0xffff, v5;
	v3 =	vand.u32 $0x7F80, v9  }
0x5d1: {  	v5 =	vld.idx.msk [tilespmem:v6+s17+$0x0], $0xffff;
	v3 =	vor.u32 v53, v3  }
0x5d2: {  	v6 =	vadd.s32 $0xAA00, v46  }
0x5d3: {  	v10 =	vld [tilespmem:$0x1FCB0]  }
0x5d4: {  	v9 =	vor.u32 $0x83C, v7  }
0x5d5: {  	v9 =	vadd.s32 v9, v45  }
0x5d6: {  	vm1 =	vlt.s32 v11, v55;
	v11 =	vld [tilespmem:$0x1FE00];
	[tilespmem:v3+s23+$0x0] =	vst.idx.msk $0xffff, v5;
	v3 =	vand.u32 $0x7F80, v9  }
0x5d7: {  	v5 =	vld.idx.msk [tilespmem:v6+s17+$0x0], $0xffff;
	v3 =	vor.u32 v54, v3  }
0x5d8: {  	v6 =	vshll.u32 v10, $0x1  }
0x5d9: {  	vm15 =	vgt.s32 v10, $0x1FFF;
	v10 =	vadd.s32 $0xFFFFC001, v6  }
0x5da: {  	v6 =	vsel vm15, v10, v6  }
0x5db: {  	v6 =	vsel vm1, v6, v11  }
0x5dc: {  	[tilespmem:v3+s23+$0x0] =	vst.idx.msk $0xffff, v5;
	v5 =	vshll.u32 v6, $0x3  }
0x5dd: {  	v9 =	vadd.s32 $0xAA80, v46;
	(v2sf) =	vpush v5, $0x0;
	_ =	sdelay $0x1  }
0x5de: {  	v10 =	vor.u32 $0x83D, v7;
	(v2sf) =	vpush v5, $0x1  }
0x5df: {  	v10 =	vadd.s32 v10, v45  }
0x5e0: {  	v3 =	vand.u32 $0x7F80, v10;
	(v2sf) =	vpush v5, $0x2  }
0x5e1: {  	v6 =	vld.idx.msk [tilespmem:v9+s17+$0x0], $0xffff;
	v3 =	vor.u32 v56, v3  }
0x5e2: {  	v9 =	vadd.s32 $0xAB00, v46  }
0x5e3: {  	(v2sf) =	vpush v5, $0x3  }
0x5e4: {  	v10 =	vor.u32 $0x83E, v7  }
0x5e5: {  	v10 =	vadd.s32 v10, v45  }
0x5e6: {  	[tilespmem:v3+s23+$0x0] =	vst.idx.msk $0xffff, v6;
	v3 =	vand.u32 $0x7F80, v10  }
0x5e7: {  	v6 =	vld.idx.msk [tilespmem:v9+s17+$0x0], $0xffff;
	v3 =	vor.u32 v57, v3  }
0x5e8: {  	v9 =	vadd.s32 $0xAB80, v46;
	_ =	sdelay $0x1  }
0x5e9: {  	v10 =	vor.u32 $0x83F, v7  }
0x5ea: {  	v10 =	vadd.s32 v10, v45;
	s2 =	spop (v2sf);
	(v2sf) =	vpush v5, $0x4  }
0x5eb: {  	[tilespmem:v3+s23+$0x0] =	vst.idx.msk $0xffff, v6;
	v3 =	vand.u32 $0x7F80, v10  }
0x5ec: {  	v3 =	vor.u32 v58, v3;
	v6 =	vld.idx.msk [tilespmem:v9+s17+$0x0], $0xffff;
	s14 =	spop (v2sf);
	(v2sf) =	vpush v5, $0x5;
	_ =	sdelay $0x1  }
0x5ed: {  	s16 =	spop (v2sf);
	(v2sf) =	vpush v5, $0x6;
	_ =	sdelay $0x1  }
0x5ee: {  	s2 =	sand.u32 $0x1FFFFFF8, s2  }
0x5ef: {  	s9 =	sadd.s32 $0x1CF00, s18;
	[tilespmem:v3+s23+$0x0] =	vst.idx.msk $0xffff, v6;
	s2 =	sadd.s32 s8, s2;
	s24 =	spop (v2sf);
	(v2sf) =	vpush v5, $0x7  }
0x5f0: {  	[hbm4b:s2+s5] =	stream.linear.scatter [tilespmem:s9], [sflag:$0x2], $0x40, $0x38;
	[tilespmem:$0x1F700] =	vst v63  }
0x5f1: {  	s2 =	sand.u32 $0x1FFFFFF8, s14  }
0x5f2: {  	s15 =	sadd.s32 $0x1CF40, s18;
	s2 =	sadd.s32 s8, s2  }
0x5f3: {  	[hbm4b:s2+s5] =	stream.linear.scatter [tilespmem:s15], [sflag:$0x2], $0x40, $0x38;
	[tilespmem:$0x1F700] =	vst v63  }
0x5f4: {  	s2 =	sand.u32 $0x1FFFFFF8, s16  }
0x5f5: {  	s19 =	sadd.s32 $0x1CF80, s18;
	s2 =	sadd.s32 s8, s2  }
0x5f6: {  	[hbm4b:s2+s5] =	stream.linear.scatter [tilespmem:s19], [sflag:$0x2], $0x40, $0x38;
	[tilespmem:$0x1F700] =	vst v63  }
0x5f7: {  	s10 =	spop (v2sf);
	(v2sf) =	vpush v5, $0x8  }
0x5f8: {  	s2 =	sand.u32 $0x1FFFFFF8, s24  }
0x5f9: {  	s28 =	sadd.s32 $0x1CFC0, s18;
	s2 =	sadd.s32 s8, s2;
	s14 =	spop (v2sf);
	(v2sf) =	vpush v5, $0x9  }
0x5fa: {  	[hbm4b:s2+s5] =	stream.linear.scatter [tilespmem:s28], [sflag:$0x2], $0x40, $0x38;
	[tilespmem:$0x1F700] =	vst v63  }
0x5fb: {  	s2 =	sand.u32 $0x1FFFFFF8, s10;
	s16 =	spop (v2sf);
	(v2sf) =	vpush v5, $0xA  }
0x5fc: {  	s11 =	sadd.s32 $0x1D000, s18;
	s2 =	sadd.s32 s8, s2  }
0x5fd: {  	[hbm4b:s2+s5] =	stream.linear.scatter [tilespmem:s11], [sflag:$0x2], $0x40, $0x38;
	[tilespmem:$0x1F700] =	vst v63  }
0x5fe: {  	s24 =	spop (v2sf);
	(v2sf) =	vpush v5, $0xB  }
0x5ff: {  	s2 =	sand.u32 $0x1FFFFFF8, s14  }
0x600: {  	s15 =	sadd.s32 $0x1D040, s18;
	s2 =	sadd.s32 s8, s2  }
0x601: {  	[hbm4b:s2+s5] =	stream.linear.scatter [tilespmem:s15], [sflag:$0x2], $0x40, $0x38;
	[tilespmem:$0x1F700] =	vst v63  }
0x602: {  	s2 =	sand.u32 $0x1FFFFFF8, s16  }
0x603: {  	s19 =	sadd.s32 $0x1D080, s18;
	s2 =	sadd.s32 s8, s2  }
0x604: {  	[hbm4b:s2+s5] =	stream.linear.scatter [tilespmem:s19], [sflag:$0x2], $0x40, $0x38;
	[tilespmem:$0x1F700] =	vst v63  }
0x605: {  	s2 =	sand.u32 $0x1FFFFFF8, s24  }
0x606: {  	s28 =	sadd.s32 $0x1D0C0, s18;
	s2 =	sadd.s32 s8, s2;
	s10 =	spop (v2sf);
	(v2sf) =	vpush v5, $0xC  }
0x607: {  	[hbm4b:s2+s5] =	stream.linear.scatter [tilespmem:s28], [sflag:$0x2], $0x40, $0x38;
	[tilespmem:$0x1F700] =	vst v63  }
0x608: {  	s14 =	spop (v2sf);
	(v2sf) =	vpush v5, $0xD  }
0x609: {  	s2 =	sand.u32 $0x1FFFFFF8, s10  }
0x60a: {  	s11 =	sadd.s32 $0x1D100, s18;
	s2 =	sadd.s32 s8, s2;
	s16 =	spop (v2sf)  }
0x60b: {  	(v2sf) =	vpush v5, $0xE;
	[hbm4b:s2+s5] =	stream.linear.scatter [tilespmem:s11], [sflag:$0x2], $0x40, $0x38;
	[tilespmem:$0x1F700] =	vst v63  }
0x60c: {  	s2 =	sand.u32 $0x1FFFFFF8, s14  }
0x60d: {  	s15 =	sadd.s32 $0x1D140, s18;
	s24 =	spop (v2sf);
	s2 =	sadd.s32 s8, s2  }
0x60e: {  	(v2sf) =	vpush v5, $0xF;
	[hbm4b:s2+s5] =	stream.linear.scatter [tilespmem:s15], [sflag:$0x2], $0x40, $0x38;
	[tilespmem:$0x1F700] =	vst v63  }
0x60f: {  	s2 =	sand.u32 $0x1FFFFFF8, s16  }
0x610: {  	s19 =	sadd.s32 $0x1D180, s18;
	s2 =	sadd.s32 s8, s2  }
0x611: {  	[hbm4b:s2+s5] =	stream.linear.scatter [tilespmem:s19], [sflag:$0x2], $0x40, $0x38;
	[tilespmem:$0x1F700] =	vst v63  }
0x612: {  	s2 =	sand.u32 $0x1FFFFFF8, s24  }
0x613: {  	s28 =	sadd.s32 $0x1D1C0, s18;
	s2 =	sadd.s32 s8, s2  }
0x614: {  	[hbm4b:s2+s5] =	stream.linear.scatter [tilespmem:s28], [sflag:$0x2], $0x40, $0x38;
	[tilespmem:$0x1F700] =	vst v63  }
0x615: {  	s10 =	spop (v2sf)  }
0x616: {  	s2 =	sand.u32 $0x1FFFFFF8, s10  }
0x617: {  	s11 =	sadd.s32 $0x1D200, s18;
	s14 =	spop (v2sf);
	s2 =	sadd.s32 s8, s2  }
0x618: {  	[hbm4b:s2+s5] =	stream.linear.scatter [tilespmem:s11], [sflag:$0x2], $0x40, $0x38;
	[tilespmem:$0x1F700] =	vst v63  }
0x619: {  	s2 =	sand.u32 $0x1FFFFFF8, s14  }
0x61a: {  	s15 =	sadd.s32 $0x1D240, s18;
	s16 =	spop (v2sf);
	s2 =	sadd.s32 s8, s2  }
0x61b: {  	[hbm4b:s2+s5] =	stream.linear.scatter [tilespmem:s15], [sflag:$0x2], $0x40, $0x38;
	[tilespmem:$0x1F700] =	vst v63  }
0x61c: {  	s19 =	sadd.s32 $0x1D280, s18;
	s2 =	sand.u32 $0x1FFFFFF8, s16  }
.Ltmp23:
0x61d: {  	s24 =	spop (v2sf);
	s2 =	sadd.s32 s8, s2;
	(pc) =	sbr.rel .LBB2_37-.Ltmp23, $4  }
0x61e: {  	[hbm4b:s2+s5] =	stream.linear.scatter [tilespmem:s19], [sflag:$0x2], $0x40, $0x38;
	[tilespmem:$0x1F700] =	vst v63  }
0x61f: {  	s2 =	sand.u32 $0x1FFFFFF8, s24  }
0x620: {  	s28 =	sadd.s32 $0x1D2C0, s18;
	s2 =	sadd.s32 s8, s2  }
0x621: {  	[hbm4b:s2+s5] =	stream.linear.scatter [tilespmem:s28], [sflag:$0x2], $0x40, $0x38;
	[tilespmem:$0x1F700] =	vst v63  }
.LBB2_6:
.Ltmp24:
0x622: {  	(pc) =	sbr.rel .LBB2_10-.Ltmp24, $2  }
0x623: {  	_ =	sdelay $0x2  }
0x624: {  	s19 =	simm.s32 $0x0;
	s14 =	simm.s32 $0x0;
	s10 =	simm.s32 $0x4300  }
.LBB2_13:
.Ltmp25:
0x625: {  	(pc) =	sbr.rel .LBB2_17-.Ltmp25, $2  }
0x626: {  	_ =	sdelay $0x2  }
0x627: {  	s24 =	simm.s32 $0x0;
	s16 =	smov.u32 s19;
	s14 =	simm.s32 $0x43C0  }
.LBB2_20:
.Ltmp26:
0x628: {  	(pc) =	sbr.rel .LBB2_24-.Ltmp26, $2  }
0x629: {  	_ =	sdelay $0x2  }
0x62a: {  	s14 =	smov.u32 s19  }
.LBB2_27:
.Ltmp27:
0x62b: {  	(pc) =	sbr.rel .LBB2_31-.Ltmp27, $2  }
0x62c: {  	_ =	sdelay $0x2  }
0x62d: {  	s18 =	simm.s32 $0x0;
	s16 =	smov.u32 s19;
	s14 =	simm.s32 $0x4540  }
.LBB2_8:
.Ltmp28:
0x62e: {  	(pc) =	sbr.rel .LBB2_10-.Ltmp28, $2  }
0x62f: {  	_ =	sdelay $0x2  }
0x630: {  	s19 =	simm.s32 $0x0;
	s14 =	simm.s32 $0x0;
	s10 =	simm.s32 $0x4300  }
.LBB2_15:
.Ltmp29:
0x631: {  	(pc) =	sbr.rel .LBB2_17-.Ltmp29, $2  }
0x632: {  	_ =	sdelay $0x2  }
0x633: {  	s24 =	simm.s32 $0x0;
	s16 =	smov.u32 s19;
	s14 =	simm.s32 $0x43C0  }
.LBB2_22:
.Ltmp30:
0x634: {  	(pc) =	sbr.rel .LBB2_24-.Ltmp30, $2  }
0x635: {  	_ =	sdelay $0x2  }
0x636: {  	s14 =	smov.u32 s19  }
.LBB2_29:
.Ltmp31:
0x637: {  	(pc) =	sbr.rel .LBB2_31-.Ltmp31, $2  }
0x638: {  	_ =	sdelay $0x2  }
0x639: {  	s18 =	simm.s32 $0x0;
	s16 =	smov.u32 s19;
	s14 =	simm.s32 $0x4540  }
.LBB2_39:
0x63a: {  	_ =	sfence.sel $0x180000  }
0x63b: {  	[bflag:$0x0] =	sbarrier.arrive $0xFFFF  }
0x63c: {  	_ =	strace $0x90000047  }
0x63d: {  	s0 =	stileid.u32;
	[bflag:$0x2] =	sbarrier.arrive $0xFFFF  }
0x63e: {  	p0 =	sne.s32 s0, $0x0;
	s0 =	rddreg [dreg:$0x3]  }
0x63f: {  	s0 =	sadd.s32 @!p0 $0x100000, s0  }
0x640: {  	[sflag:s0] =	ssyncadd.tile.s32 @!p0 $0x1;
	_ =	shalt  }
.Lfunc_end2:
_tile_overlayer_lowered:
.L_overlay_start_2:
0x641: {  	(tag) =	ssettag $0x2  }
0x642: {  	s0 =	rddreg [dreg:$0x0];
	s2 =	stileid.u32  }
0x643: {  	s1 =	rddreg [dreg:$0x1];
	p0 =	sne.s32 s2, $0x0  }
0x644: {  	s3 =	rddreg [dreg:$0x2];
	[bflag:$0x3] =	sbarrier.arrive $0xFFFF;
	s2 =	simm.s32 @!p0 $0x1C03  }
0x645: {  	[timem:s3], [sflag:s2] =	dma.local @!p0 [hbm:s0], s1  }
0x646: {  	s0 =	simm.s32 @!p0 $0x3  }
0x647: {  	_ =	swait.ge @!p0 [sflag:s0], s1  }
0x648: {  	s1 =	ssub.s32 @!p0 $0x0, s1;
	[sflag:s0] =	ssyncset.done @!p0 $0x0  }
0x649: {  	[sflag:s0] =	ssyncadd.s32 @!p0 s1  }
0x64a: {  	[bflag:$0x3] =	sbarrier.arrive $0xFFFF  }
0x64b: {  	_ =	shalt  }

</sc_bundles>
